<compile_context>
chip_gen: v7x
topology: tpu7x:2x2x1
jax: 0.10.2.dev20260603
libtpu: 0.0.44.dev20260713+nightly
codegen_flags: <defaults>
</compile_context>

<pallas_src>
import jax
import jax.numpy as jnp
import numpy as np
from jax import lax
from jax.experimental import pallas as pl
from jax.experimental.pallas import tpu as pltpu
from jax.experimental.pallas import tpu_sc as plsc

_NC = 2
_NS = 16
_CHUNK = 64
_SCH = 8
_NBUF = 4
_LANES = 16


def _make_sc_agg(n_rows_pad, cw, real_chunks, dst_base, feat, with_deg):
    mesh = plsc.VectorSubcoreMesh(core_axis_name="c", subcore_axis_name="s")
    outs = [jax.ShapeDtypeStruct((_NC, n_rows_pad, feat), jnp.float32)]
    if with_deg:
        outs.append(jax.ShapeDtypeStruct((_NC, _NS, n_rows_pad), jnp.float32))
    scratch = (
        [pltpu.VMEM((_SCH, _CHUNK), jnp.int32) for _ in range(4)]
        + [pltpu.VMEM((_CHUNK, feat), jnp.float32) for _ in range(_NBUF)]
        + [pltpu.VMEM_SHARED((n_rows_pad, feat), jnp.float32)]
        + [pltpu.SemaphoreType.DMA for _ in range(2 * _NBUF + 2)]
    )
    if with_deg:
        scratch.append(pltpu.VMEM((n_rows_pad,), jnp.float32))

    nsc = cw // _SCH
    stripe = n_rows_pad // _NS
    blocks = []
    r = 0
    while r < stripe:
        b = min(_CHUNK, stripe - r)
        blocks.append((r, b))
        r += b

    def body(tab_hbm, idx_hbm, psrc_hbm, pdst_hbm, *refs):
        if with_deg:
            agg_out, deg_out = refs[0], refs[1]
            rs = refs[2:]
            deg_v = rs[4 + _NBUF + 1 + 2 * _NBUF + 2]
        else:
            agg_out = refs[0]
            deg_out = deg_v = None
            rs = refs[1:]
        srcs = [rs[0], rs[1]]
        dsts = [rs[2], rs[3]]
        bufs = list(rs[4:4 + _NBUF])
        agg_s = rs[4 + _NBUF]
        gsems = list(rs[5 + _NBUF:5 + 2 * _NBUF])
        ssems = list(rs[5 + 2 * _NBUF:5 + 3 * _NBUF])
        isems = list(rs[5 + 3 * _NBUF:7 + 3 * _NBUF])

        cid = lax.axis_index("c")
        sid = lax.axis_index("s")
        wid = sid * _NC + cid
        base = sid * stripe

        zv = jnp.zeros((_LANES,), jnp.float32)
        ov = jnp.ones((_LANES,), jnp.float32)

        def _zero_row(i, c):
            for k2 in range(feat // _LANES):
                bufs[0][i, pl.ds(k2 * _LANES, _LANES)] = zv
            return c

        lax.fori_loop(0, _CHUNK, _zero_row, 0)
        for off, b in blocks:
            pltpu.sync_copy(bufs[0].at[pl.ds(0, b)],
                            agg_s.at[pl.ds(base + off, b)])
        if with_deg:
            def _zero_deg(i, c):
                deg_v[pl.ds(i * _LANES, _LANES)] = zv
                return c

            lax.fori_loop(0, n_rows_pad // _LANES, _zero_deg, 0)

        plsc.subcore_barrier()

        off0 = wid * cw

        @pl.when(off0 < real_chunks)
        def _():
            pltpu.sync_copy(idx_hbm.at[pl.ds(off0, _SCH)], srcs[0])
            pltpu.sync_copy(idx_hbm.at[pl.ds(dst_base + off0, _SCH)],
                            dsts[0])

        @pl.when(off0 >= real_chunks)
        def _():
            pltpu.sync_copy(psrc_hbm, srcs[0])
            pltpu.sync_copy(pdst_hbm, dsts[0])
        pltpu.async_copy(tab_hbm.at[srcs[0].at[0]], bufs[0], gsems[0])
        pltpu.async_copy(tab_hbm.at[srcs[0].at[1]], bufs[1], gsems[1])

        def _outer(i, c):
            for s2 in range(2):
                sc_i = 2 * i + s2
                tb = sc_i * _SCH
                sv, dv = srcs[s2], dsts[s2]
                nsv, ndv = srcs[1 - s2], dsts[1 - s2]
                for j in range(_SCH):
                    t = tb + j
                    b = j % _NBUF
                    b2 = (j + 2) % _NBUF
                    pltpu.make_async_copy(
                        tab_hbm.at[sv.at[0]], bufs[b], gsems[b]).wait()
                    pltpu.async_copy(bufs[b], agg_s.at[dv.at[j]],
                                     ssems[b], add=True)
                    if with_deg:
                        for k2 in range(_CHUNK // _LANES):
                            idx16 = dv[j, pl.ds(k2 * _LANES, _LANES)]
                            plsc.addupdate_scatter(deg_v, [idx16], ov)

                    @pl.when(t + 2 < cw)
                    def _():
                        @pl.when(t >= 2)
                        def _():
                            pltpu.make_async_copy(
                                bufs[b2], agg_s.at[dv.at[0]],
                                ssems[b2]).wait()
                        if j < _SCH - 2:
                            pltpu.async_copy(tab_hbm.at[sv.at[j + 2]],
                                             bufs[b2], gsems[b2])
                        else:
                            if j == _SCH - 2:
                                pltpu.make_async_copy(
                                    psrc_hbm, nsv, isems[1 - s2]).wait()
                                pltpu.make_async_copy(
                                    pdst_hbm, ndv, isems[1 - s2]).wait()
                            pltpu.async_copy(
                                tab_hbm.at[nsv.at[j + 2 - _SCH]],
                                bufs[b2], gsems[b2])

                    if j == 1:
                        @pl.when(sc_i + 1 < nsc)
                        def _():
                            offc = wid * cw + (sc_i + 1) * _SCH

                            @pl.when(offc < real_chunks)
                            def _():
                                pltpu.async_copy(
                                    idx_hbm.at[pl.ds(offc, _SCH)],
                                    nsv, isems[1 - s2])
                                pltpu.async_copy(
                                    idx_hbm.at[pl.ds(dst_base + offc, _SCH)],
                                    ndv, isems[1 - s2])

                            @pl.when(offc >= real_chunks)
                            def _():
                                pltpu.async_copy(psrc_hbm, nsv,
                                                 isems[1 - s2])
                                pltpu.async_copy(pdst_hbm, ndv,
                                                 isems[1 - s2])
            return c

        lax.fori_loop(0, nsc // 2, _outer, 0)

        for b in range(_NBUF):
            pltpu.make_async_copy(bufs[b], agg_s.at[dsts[0].at[0]],
                                  ssems[b]).wait()

        plsc.subcore_barrier()

        pltpu.sync_copy(agg_s.at[pl.ds(base, stripe)],
                        agg_out.at[cid, pl.ds(base, stripe)])
        if with_deg:
            pltpu.sync_copy(deg_v, deg_out.at[cid, sid])

    return pl.kernel(body, out_type=tuple(outs) if with_deg else outs[0],
                     mesh=mesh, scratch_types=scratch,
                     compiler_params=pltpu.CompilerParams(
                         needs_layout_passes=False))


def _lrelu(t):
    return jnp.where(t > 0, t, 0.1 * t)


def _mlp(za, zb, w1T, b1, g, be, w2T, b2, w3T, b3):
    d = za.shape[-1]
    t = (jnp.dot(za, w1T[:d], preferred_element_type=jnp.float32)
         + jnp.dot(zb, w1T[d:], preferred_element_type=jnp.float32) + b1)
    mu = jnp.mean(t, axis=-1, keepdims=True)
    var = jnp.mean((t - mu) ** 2, axis=-1, keepdims=True)
    t = (t - mu) / jnp.sqrt(var + 1e-5) * g + be
    t = _lrelu(t)
    u = _lrelu(jnp.dot(t, w2T, preferred_element_type=jnp.float32) + b2)
    return jnp.dot(u, w3T, preferred_element_type=jnp.float32) + b3


def _tc_layer1_body(x_ref, p_ref, degp_ref, inWT_ref, inb_ref,
                    w1T_ref, b1_ref, g_ref, be_ref, w2T_ref, b2_ref,
                    w3T_ref, b3_ref, h0_ref, h1_ref):
    x = x_ref[...]
    d = x.shape[-1]
    aggx = p_ref[0] + p_ref[1]
    deg = jnp.sum(degp_ref[...], axis=(0, 1))[:, None]
    inWT = inWT_ref[...]
    inb = inb_ref[...]
    h0 = jnp.dot(x, inWT, preferred_element_type=jnp.float32) + inb
    aggh0 = jnp.dot(aggx, inWT, preferred_element_type=jnp.float32) + deg * inb
    h1 = _mlp(x + aggx, h0 + aggh0, w1T_ref[...], b1_ref[...], g_ref[...],
              be_ref[...], w2T_ref[...], b2_ref[...], w3T_ref[...], b3_ref[...])
    h0_ref[...] = h0
    h1_ref[...] = h1


def _tc_layer2_body(x_ref, h0_ref, h1_ref, p_ref, q_ref,
                    w1T_ref, b1_ref, g_ref, be_ref, w2T_ref, b2_ref,
                    w3T_ref, b3_ref, outWT_ref, outb_ref, o_ref):
    x = x_ref[...]
    d = x.shape[-1]
    h0 = h0_ref[...]
    h1 = h1_ref[...]
    aggx = p_ref[0] + p_ref[1]
    aggh1 = q_ref[0] + q_ref[1]
    h2 = _mlp(x + aggx, h1 + aggh1, w1T_ref[...], b1_ref[...], g_ref[...],
              be_ref[...], w2T_ref[...], b2_ref[...], w3T_ref[...], b3_ref[...])
    outWT = outWT_ref[...]
    o_ref[...] = (jnp.dot(h0, outWT[:d], preferred_element_type=jnp.float32)
                  + jnp.dot(h1, outWT[d:2 * d], preferred_element_type=jnp.float32)
                  + jnp.dot(h2, outWT[2 * d:], preferred_element_type=jnp.float32)
                  + outb_ref[...])


def _full(shape):
    return pl.BlockSpec(shape, lambda i: (0,) * len(shape))


def _ceil_to(v, m):
    return -(-v // m) * m


def kernel(x, edge_index, params):
    n, d = x.shape
    e = edge_index.shape[1]
    nw = _NC * _NS

    cw = _ceil_to(-(-e // (_CHUNK * nw)), 2 * _SCH)
    n_rows_pad = _ceil_to(n + 1, _NS * 8)
    sce = _CHUNK * _SCH

    pad_i = np.arange(sce, dtype=np.int32)
    psrc = jnp.asarray((pad_i % n).reshape(_SCH, _CHUNK))
    pdst = jnp.asarray((n + pad_i % (n_rows_pad - n)).reshape(_SCH, _CHUNK))

    if e % sce == 0:
        idx2 = edge_index.reshape(2 * e // _CHUNK, _CHUNK)
        real_chunks = e // _CHUNK
    else:
        e_pad = _ceil_to(e, sce)
        fill = jnp.arange(e_pad - e, dtype=jnp.int32)
        idx2 = jnp.concatenate(
            [edge_index[0], fill % n,
             edge_index[1], n + fill % (n_rows_pad - n)]).reshape(
                 2 * e_pad // _CHUNK, _CHUNK)
        real_chunks = e_pad // _CHUNK
    dst_base = real_chunks

    p, degp = _make_sc_agg(n_rows_pad, cw, real_chunks, dst_base, d, True)(
        x, idx2, psrc, pdst)

    pr = params
    c0, c1 = pr["convs"]
    inWT = pr["in_W"].T
    inb = pr["in_b"].reshape(1, -1)
    hid = inWT.shape[1]

    def wset(c):
        return (c["W1"].T, c["b1"].reshape(1, -1), c["g"].reshape(1, -1),
                c["be"].reshape(1, -1), c["W2"].T, c["b2"].reshape(1, -1),
                c["W3"].T, c["b3"].reshape(1, -1))

    w1 = wset(c0)
    w2 = wset(c1)
    outWT = pr["out_W"].T
    outb = pr["out_b"].reshape(1, -1)

    rb = 2048
    grid = -(-n // rb)
    mid = w1[0].shape[1]
    h1d = w1[6].shape[1]

    row = lambda s: pl.BlockSpec(s, lambda i: (i, 0))
    row3 = lambda s: pl.BlockSpec(s, lambda i: (0, i, 0))

    h0, h1 = pl.pallas_call(
        _tc_layer1_body,
        grid=(grid,),
        in_specs=[
            row((rb, d)), row3((_NC, rb, d)),
            pl.BlockSpec((_NC, _NS, rb), lambda i: (0, 0, i)),
            _full((d, hid)), _full((1, hid)),
            _full((d + hid, mid)), _full((1, mid)), _full((1, mid)),
            _full((1, mid)), _full((mid, mid)), _full((1, mid)),
            _full((mid, h1d)), _full((1, h1d)),
        ],
        out_specs=[row((rb, hid)), row((rb, h1d))],
        out_shape=[jax.ShapeDtypeStruct((n, hid), jnp.float32),
                   jax.ShapeDtypeStruct((n, h1d), jnp.float32)],
    )(x, p, degp, inWT, inb, *w1)

    q = _make_sc_agg(n_rows_pad, cw, real_chunks, dst_base, h1d, False)(
        h1, idx2, psrc, pdst)

    mid2 = w2[0].shape[1]
    out = pl.pallas_call(
        _tc_layer2_body,
        grid=(grid,),
        in_specs=[
            row((rb, d)), row((rb, hid)), row((rb, h1d)),
            row3((_NC, rb, d)), row3((_NC, rb, h1d)),
            _full((d + h1d, mid2)), _full((1, mid2)), _full((1, mid2)),
            _full((1, mid2)), _full((mid2, mid2)), _full((1, mid2)),
            _full((mid2, w2[6].shape[1])), _full((1, w2[6].shape[1])),
            _full((outWT.shape[0], outWT.shape[1])),
            _full((1, outWT.shape[1])),
        ],
        out_specs=[row((rb, outWT.shape[1]))],
        out_shape=[jax.ShapeDtypeStruct((n, outWT.shape[1]), jnp.float32)],
    )(x, h0, h1, p, q, *w2, outWT, outb)[0]

    return out

# --- scband reference (transcript-rebuilt; emitter-appended) ---
"""Pipeline reference for scband-tgae-encoder-3066606649575 (READ-ONLY COPY).

The authoritative reference and input builder live on the scoring server;
editing this copy changes nothing except your own understanding.
"""

import jax, jax.numpy as jnp
import numpy as np

N = 10000
E = 320000
D = 128
HID = [128, 128, 128]
OUT = 128


def _lin_init(key, out_dim, in_dim):
    kw, kb = jax.random.split(key)
    scale = 1.0 / np.sqrt(in_dim)
    W = jax.random.uniform(kw, (out_dim, in_dim), jnp.float32, -scale, scale)
    b = jax.random.uniform(kb, (out_dim,), jnp.float32, -scale, scale)
    return W, b


def setup_inputs(seed: int = 0) -> dict:
    key = jax.random.key(seed)
    ks = jax.random.split(key, 16)
    x = jax.random.normal(ks[0], (N, D), jnp.float32)
    edge_index = jax.random.randint(ks[1], (2, E), 0, N, dtype=jnp.int32)

    in_W, in_b = _lin_init(ks[2], HID[0], D)
    convs = []
    for i in range(2):  # n_layers - 2 hidden GIN convs
        base = jax.random.fold_in(ks[3], i)
        k1, k2, k3 = jax.random.split(base, 3)
        in_dim = D + HID[i]
        mid = 2 * HID[i + 1]
        W1, b1 = _lin_init(k1, mid, in_dim)
        g = jnp.ones((mid,), jnp.float32)
        be = jnp.zeros((mid,), jnp.float32)
        W2, b2 = _lin_init(k2, mid, mid)
        W3, b3 = _lin_init(k3, HID[i + 1], mid)
        convs.append({"W1": W1, "b1": b1, "g": g, "be": be,
                      "W2": W2, "b2": b2, "W3": W3, "b3": b3})
    out_W, out_b = _lin_init(ks[4], OUT, sum(HID))
    params = {"in_W": in_W, "in_b": in_b, "convs": convs,
              "out_W": out_W, "out_b": out_b}
    return {"x": x, "edge_index": edge_index, "params": params}


def _linear(h, W, b):
    return h @ W.T + b


def _layernorm(h, g, b, eps=1e-5):
    mu = jnp.mean(h, axis=-1, keepdims=True)
    var = jnp.mean((h - mu) ** 2, axis=-1, keepdims=True)
    return (h - mu) / jnp.sqrt(var + eps) * g + b


def _lrelu(h):
    return jnp.where(h > 0, h, 0.1 * h)


def _gin_conv(h, edge_index, p):
    src = edge_index[0]
    dst = edge_index[1]
    msgs = jnp.take(h, src, axis=0)
    agg = jax.ops.segment_sum(msgs, dst, num_segments=h.shape[0])
    z = h + agg  # (1 + eps) * x + aggr, eps = 0
    z = _linear(z, p["W1"], p["b1"])
    z = _layernorm(z, p["g"], p["be"])
    z = _lrelu(z)
    z = _linear(z, p["W2"], p["b2"])
    z = _lrelu(z)
    z = _linear(z, p["W3"], p["b3"])
    return z


def reference(x, edge_index, params):
    initial_x = x
    h = _linear(x, params["in_W"], params["in_b"])
    hidden_states = [h]
    for p in params["convs"]:
        h_cat = jnp.concatenate([initial_x, h], axis=1)
        h = _gin_conv(h_cat, edge_index, p)
        hidden_states.append(h)
    h = jnp.concatenate(hidden_states, axis=1)
    return _linear(h, params["out_W"], params["out_b"])

if __name__ == "__main__":
    import jax
    _d = setup_inputs()
    print(jax.jit(kernel)(*tuple(_d.values())))

</pallas_src>

<mosaic_0001>
#map = affine_map<(d0, d1) -> (0, 0)>
#map1 = affine_map<(d0, d1) -> (0, 0, 0)>
module attributes {stable_mosaic.version = 14 : i64} {
  func.func @body(%arg0: i32, %arg1: i32, %arg2: memref<10000x128xf32, #tpu.memory_space<hbm>>, %arg3: memref<10000x64xi32, #tpu.memory_space<hbm>>, %arg4: memref<8x64xi32, #tpu.memory_space<hbm>>, %arg5: memref<8x64xi32, #tpu.memory_space<hbm>>, %arg6: memref<2x10112x128xf32, #tpu.memory_space<hbm>>, %arg7: memref<8x64xi32, #tpu.memory_space<vmem>>, %arg8: memref<8x64xi32, #tpu.memory_space<vmem>>, %arg9: memref<8x64xi32, #tpu.memory_space<vmem>>, %arg10: memref<8x64xi32, #tpu.memory_space<vmem>>, %arg11: memref<64x128xf32, #tpu.memory_space<vmem>>, %arg12: memref<64x128xf32, #tpu.memory_space<vmem>>, %arg13: memref<64x128xf32, #tpu.memory_space<vmem>>, %arg14: memref<64x128xf32, #tpu.memory_space<vmem>>, %arg15: memref<10112x128xf32, #tpu.memory_space<vmem_shared>>, %arg16: memref<!tpu.dma_semaphore, #tpu.memory_space<semaphore_mem>>, %arg17: memref<!tpu.dma_semaphore, #tpu.memory_space<semaphore_mem>>, %arg18: memref<!tpu.dma_semaphore, #tpu.memory_space<semaphore_mem>>, %arg19: memref<!tpu.dma_semaphore, #tpu.memory_space<semaphore_mem>>, %arg20: memref<!tpu.dma_semaphore, #tpu.memory_space<semaphore_mem>>, %arg21: memref<!tpu.dma_semaphore, #tpu.memory_space<semaphore_mem>>, %arg22: memref<!tpu.dma_semaphore, #tpu.memory_space<semaphore_mem>>, %arg23: memref<!tpu.dma_semaphore, #tpu.memory_space<semaphore_mem>>, %arg24: memref<!tpu.dma_semaphore, #tpu.memory_space<semaphore_mem>>, %arg25: memref<!tpu.dma_semaphore, #tpu.memory_space<semaphore_mem>>) attributes {dimension_semantics = [#tpu.dimension_semantics<core_parallel>, #tpu.dimension_semantics<subcore_parallel>], iteration_bounds = array<i64: 2, 16>, scalar_prefetch = 0 : i64, scratch_operands = 19 : i64, tpu.core_type = #tpu.core_type<sc_vector_subcore>, window_params = [{transform_indices = #map}, {transform_indices = #map}, {transform_indices = #map}, {transform_indices = #map}, {transform_indices = #map1}]} {
    %mul3A = arith.constant 2 : i32
    %mul3A_0 = arith.muli %arg1, %mul3A : i32
    %add3A = arith.addi %mul3A_0, %arg0 : i32
    %mul3A_1 = arith.constant 632 : i32
    %mul3A_2 = arith.muli %arg1, %mul3A_1 : i32
    %broadcast_in_dim3A = arith.constant 0.000000e+00 : f32
    %broadcast_in_dim3A_3 = vector.broadcast %broadcast_in_dim3A : f32 to vector<16xf32>
    %broadcast_in_dim3A_4 = arith.constant 1.000000e+00 : f32
    %broadcast_in_dim3A_5 = vector.broadcast %broadcast_in_dim3A_4 : f32 to vector<16xf32>
    %scan3A = arith.constant 0 : i32
    %scan3A_6 = arith.constant 0 : i32
    %scan3A_7 = arith.constant 64 : i32
    %scan3A_8 = arith.addi %scan3A_6, %scan3A_7 : i32
    %scan3A_9 = arith.constant 1 : i32
    scf.for %scan3A_86 = %scan3A_6 to %scan3A_8 step %scan3A_9  : i32 {
      %swap3A = arith.index_cast %scan3A_86 : i32 to index
      %swap3A_87 = arith.constant 0 : index
      %swap3A_88 = tpu.vector_load %arg11[%swap3A, %swap3A_87] {strides = array<i32>} : memref<64x128xf32, #tpu.memory_space<vmem>>, vector<16xf32>,
      tpu.vector_store %arg11[%swap3A, %swap3A_87], %broadcast_in_dim3A_3 {strides = array<i32>} : memref<64x128xf32, #tpu.memory_space<vmem>>, vector<16xf32>,
      %swap3A_89 = arith.index_cast %scan3A_86 : i32 to index
      %swap3A_90 = arith.constant 16 : index
      %swap3A_91 = tpu.vector_load %arg11[%swap3A_89, %swap3A_90] {strides = array<i32>} : memref<64x128xf32, #tpu.memory_space<vmem>>, vector<16xf32>,
      tpu.vector_store %arg11[%swap3A_89, %swap3A_90], %broadcast_in_dim3A_3 {strides = array<i32>} : memref<64x128xf32, #tpu.memory_space<vmem>>, vector<16xf32>,
      %swap3A_92 = arith.index_cast %scan3A_86 : i32 to index
      %swap3A_93 = arith.constant 32 : index
      %swap3A_94 = tpu.vector_load %arg11[%swap3A_92, %swap3A_93] {strides = array<i32>} : memref<64x128xf32, #tpu.memory_space<vmem>>, vector<16xf32>,
      tpu.vector_store %arg11[%swap3A_92, %swap3A_93], %broadcast_in_dim3A_3 {strides = array<i32>} : memref<64x128xf32, #tpu.memory_space<vmem>>, vector<16xf32>,
      %swap3A_95 = arith.index_cast %scan3A_86 : i32 to index
      %swap3A_96 = arith.constant 48 : index
      %swap3A_97 = tpu.vector_load %arg11[%swap3A_95, %swap3A_96] {strides = array<i32>} : memref<64x128xf32, #tpu.memory_space<vmem>>, vector<16xf32>,
      tpu.vector_store %arg11[%swap3A_95, %swap3A_96], %broadcast_in_dim3A_3 {strides = array<i32>} : memref<64x128xf32, #tpu.memory_space<vmem>>, vector<16xf32>,
      %swap3A_98 = arith.index_cast %scan3A_86 : i32 to index
      %swap3A_99 = arith.constant 64 : index
      %swap3A_100 = tpu.vector_load %arg11[%swap3A_98, %swap3A_99] {strides = array<i32>} : memref<64x128xf32, #tpu.memory_space<vmem>>, vector<16xf32>,
      tpu.vector_store %arg11[%swap3A_98, %swap3A_99], %broadcast_in_dim3A_3 {strides = array<i32>} : memref<64x128xf32, #tpu.memory_space<vmem>>, vector<16xf32>,
      %swap3A_101 = arith.index_cast %scan3A_86 : i32 to index
      %swap3A_102 = arith.constant 80 : index
      %swap3A_103 = tpu.vector_load %arg11[%swap3A_101, %swap3A_102] {strides = array<i32>} : memref<64x128xf32, #tpu.memory_space<vmem>>, vector<16xf32>,
      tpu.vector_store %arg11[%swap3A_101, %swap3A_102], %broadcast_in_dim3A_3 {strides = array<i32>} : memref<64x128xf32, #tpu.memory_space<vmem>>, vector<16xf32>,
      %swap3A_104 = arith.index_cast %scan3A_86 : i32 to index
      %swap3A_105 = arith.constant 96 : index
      %swap3A_106 = tpu.vector_load %arg11[%swap3A_104, %swap3A_105] {strides = array<i32>} : memref<64x128xf32, #tpu.memory_space<vmem>>, vector<16xf32>,
      tpu.vector_store %arg11[%swap3A_104, %swap3A_105], %broadcast_in_dim3A_3 {strides = array<i32>} : memref<64x128xf32, #tpu.memory_space<vmem>>, vector<16xf32>,
      %swap3A_107 = arith.index_cast %scan3A_86 : i32 to index
      %swap3A_108 = arith.constant 112 : index
      %swap3A_109 = tpu.vector_load %arg11[%swap3A_107, %swap3A_108] {strides = array<i32>} : memref<64x128xf32, #tpu.memory_space<vmem>>, vector<16xf32>,
      tpu.vector_store %arg11[%swap3A_107, %swap3A_108], %broadcast_in_dim3A_3 {strides = array<i32>} : memref<64x128xf32, #tpu.memory_space<vmem>>, vector<16xf32>,
    }
    %scan3A_10 = arith.constant 64 : i32
    %add3A_11 = arith.constant 0 : i32
    %add3A_12 = arith.addi %mul3A_2, %add3A_11 : i32
    "tpu.region"() ({
      %run_scoped3A = tpu.sem_alloc : memref<!tpu.dma_semaphore, #tpu.memory_space<semaphore_mem>>
      %dma_start3A_86 = arith.constant 0 : i32
      %dma_start3A_87 = arith.constant 0 : i32
      %dma_start3A_88 = tpu.memref_slice %arg11[%dma_start3A_86, %dma_start3A_87] : memref<64x128xf32, #tpu.memory_space<vmem>> -> memref<64x128xf32, #tpu.memory_space<vmem>>
      %dma_start3A_89 = arith.constant 0 : i32
      %dma_start3A_90 = tpu.memref_slice %arg15[%add3A_12, %dma_start3A_89] : memref<10112x128xf32, #tpu.memory_space<vmem_shared>> -> memref<64x128xf32, #tpu.memory_space<vmem_shared>>
      %dma_start3A_91 = arith.constant 0 : i32
      %dma_start3A_92 = tpu.memref_slice %arg15[%add3A_12, %dma_start3A_91] : memref<10112x128xf32, #tpu.memory_space<vmem_shared>> -> memref<64x128xf32, #tpu.memory_space<vmem_shared>>
      %dma_start3A_93 = arith.constant 0 : i32
      %dma_start3A_94 = arith.constant 0 : i32
      %dma_start3A_95 = tpu.memref_slice %arg11[%dma_start3A_93, %dma_start3A_94] : memref<64x128xf32, #tpu.memory_space<vmem>> -> memref<64x128xf32, #tpu.memory_space<vmem>>
      tpu.enqueue_dma source(%dma_start3A_95 : memref<64x128xf32, #tpu.memory_space<vmem>>) target(%dma_start3A_92 : memref<64x128xf32, #tpu.memory_space<vmem_shared>>) target_semaphore(%run_scoped3A : memref<!tpu.dma_semaphore, #tpu.memory_space<semaphore_mem>>)
      %dma_wait3A_96 = arith.constant 0 : i32
      %dma_wait3A_97 = arith.constant 0 : i32
      %dma_wait3A_98 = tpu.memref_slice %arg11[%dma_wait3A_96, %dma_wait3A_97] : memref<64x128xf32, #tpu.memory_space<vmem>> -> memref<64x128xf32, #tpu.memory_space<vmem>>
      %dma_wait3A_99 = arith.constant 0 : i32
      %dma_wait3A_100 = tpu.memref_slice %arg15[%add3A_12, %dma_wait3A_99] : memref<10112x128xf32, #tpu.memory_space<vmem_shared>> -> memref<64x128xf32, #tpu.memory_space<vmem_shared>>
      %dma_wait3A_101 = arith.constant 0 : i32
      %dma_wait3A_102 = tpu.memref_slice %arg15[%add3A_12, %dma_wait3A_101] : memref<10112x128xf32, #tpu.memory_space<vmem_shared>> -> memref<64x128xf32, #tpu.memory_space<vmem_shared>>
      %dma_wait3A_103 = arith.constant 0 : i32
      %dma_wait3A_104 = arith.constant 0 : i32
      %dma_wait3A_105 = tpu.memref_slice %arg11[%dma_wait3A_103, %dma_wait3A_104] : memref<64x128xf32, #tpu.memory_space<vmem>> -> memref<64x128xf32, #tpu.memory_space<vmem>>
      tpu.wait_dma2 semaphore(%run_scoped3A : memref<!tpu.dma_semaphore, #tpu.memory_space<semaphore_mem>>) src(%dma_wait3A_105 : memref<64x128xf32, #tpu.memory_space<vmem>>) dst(%dma_wait3A_102 : memref<64x128xf32, #tpu.memory_space<vmem_shared>>)
      tpu.yield
    }) : () -> ()
    %add3A_13 = arith.constant 64 : i32
    %add3A_14 = arith.addi %mul3A_2, %add3A_13 : i32
    "tpu.region"() ({
      %run_scoped3A = tpu.sem_alloc : memref<!tpu.dma_semaphore, #tpu.memory_space<semaphore_mem>>
      %dma_start3A_86 = arith.constant 0 : i32
      %dma_start3A_87 = arith.constant 0 : i32
      %dma_start3A_88 = tpu.memref_slice %arg11[%dma_start3A_86, %dma_start3A_87] : memref<64x128xf32, #tpu.memory_space<vmem>> -> memref<64x128xf32, #tpu.memory_space<vmem>>
      %dma_start3A_89 = arith.constant 0 : i32
      %dma_start3A_90 = tpu.memref_slice %arg15[%add3A_14, %dma_start3A_89] : memref<10112x128xf32, #tpu.memory_space<vmem_shared>> -> memref<64x128xf32, #tpu.memory_space<vmem_shared>>
      %dma_start3A_91 = arith.constant 0 : i32
      %dma_start3A_92 = tpu.memref_slice %arg15[%add3A_14, %dma_start3A_91] : memref<10112x128xf32, #tpu.memory_space<vmem_shared>> -> memref<64x128xf32, #tpu.memory_space<vmem_shared>>
      %dma_start3A_93 = arith.constant 0 : i32
      %dma_start3A_94 = arith.constant 0 : i32
      %dma_start3A_95 = tpu.memref_slice %arg11[%dma_start3A_93, %dma_start3A_94] : memref<64x128xf32, #tpu.memory_space<vmem>> -> memref<64x128xf32, #tpu.memory_space<vmem>>
      tpu.enqueue_dma source(%dma_start3A_95 : memref<64x128xf32, #tpu.memory_space<vmem>>) target(%dma_start3A_92 : memref<64x128xf32, #tpu.memory_space<vmem_shared>>) target_semaphore(%run_scoped3A : memref<!tpu.dma_semaphore, #tpu.memory_space<semaphore_mem>>)
      %dma_wait3A_96 = arith.constant 0 : i32
      %dma_wait3A_97 = arith.constant 0 : i32
      %dma_wait3A_98 = tpu.memref_slice %arg11[%dma_wait3A_96, %dma_wait3A_97] : memref<64x128xf32, #tpu.memory_space<vmem>> -> memref<64x128xf32, #tpu.memory_space<vmem>>
      %dma_wait3A_99 = arith.constant 0 : i32
      %dma_wait3A_100 = tpu.memref_slice %arg15[%add3A_14, %dma_wait3A_99] : memref<10112x128xf32, #tpu.memory_space<vmem_shared>> -> memref<64x128xf32, #tpu.memory_space<vmem_shared>>
      %dma_wait3A_101 = arith.constant 0 : i32
      %dma_wait3A_102 = tpu.memref_slice %arg15[%add3A_14, %dma_wait3A_101] : memref<10112x128xf32, #tpu.memory_space<vmem_shared>> -> memref<64x128xf32, #tpu.memory_space<vmem_shared>>
      %dma_wait3A_103 = arith.constant 0 : i32
      %dma_wait3A_104 = arith.constant 0 : i32
      %dma_wait3A_105 = tpu.memref_slice %arg11[%dma_wait3A_103, %dma_wait3A_104] : memref<64x128xf32, #tpu.memory_space<vmem>> -> memref<64x128xf32, #tpu.memory_space<vmem>>
      tpu.wait_dma2 semaphore(%run_scoped3A : memref<!tpu.dma_semaphore, #tpu.memory_space<semaphore_mem>>) src(%dma_wait3A_105 : memref<64x128xf32, #tpu.memory_space<vmem>>) dst(%dma_wait3A_102 : memref<64x128xf32, #tpu.memory_space<vmem_shared>>)
      tpu.yield
    }) : () -> ()
    %add3A_15 = arith.constant 128 : i32
    %add3A_16 = arith.addi %mul3A_2, %add3A_15 : i32
    "tpu.region"() ({
      %run_scoped3A = tpu.sem_alloc : memref<!tpu.dma_semaphore, #tpu.memory_space<semaphore_mem>>
      %dma_start3A_86 = arith.constant 0 : i32
      %dma_start3A_87 = arith.constant 0 : i32
      %dma_start3A_88 = tpu.memref_slice %arg11[%dma_start3A_86, %dma_start3A_87] : memref<64x128xf32, #tpu.memory_space<vmem>> -> memref<64x128xf32, #tpu.memory_space<vmem>>
      %dma_start3A_89 = arith.constant 0 : i32
      %dma_start3A_90 = tpu.memref_slice %arg15[%add3A_16, %dma_start3A_89] : memref<10112x128xf32, #tpu.memory_space<vmem_shared>> -> memref<64x128xf32, #tpu.memory_space<vmem_shared>>
      %dma_start3A_91 = arith.constant 0 : i32
      %dma_start3A_92 = tpu.memref_slice %arg15[%add3A_16, %dma_start3A_91] : memref<10112x128xf32, #tpu.memory_space<vmem_shared>> -> memref<64x128xf32, #tpu.memory_space<vmem_shared>>
      %dma_start3A_93 = arith.constant 0 : i32
      %dma_start3A_94 = arith.constant 0 : i32
      %dma_start3A_95 = tpu.memref_slice %arg11[%dma_start3A_93, %dma_start3A_94] : memref<64x128xf32, #tpu.memory_space<vmem>> -> memref<64x128xf32, #tpu.memory_space<vmem>>
      tpu.enqueue_dma source(%dma_start3A_95 : memref<64x128xf32, #tpu.memory_space<vmem>>) target(%dma_start3A_92 : memref<64x128xf32, #tpu.memory_space<vmem_shared>>) target_semaphore(%run_scoped3A : memref<!tpu.dma_semaphore, #tpu.memory_space<semaphore_mem>>)
      %dma_wait3A_96 = arith.constant 0 : i32
      %dma_wait3A_97 = arith.constant 0 : i32
      %dma_wait3A_98 = tpu.memref_slice %arg11[%dma_wait3A_96, %dma_wait3A_97] : memref<64x128xf32, #tpu.memory_space<vmem>> -> memref<64x128xf32, #tpu.memory_space<vmem>>
      %dma_wait3A_99 = arith.constant 0 : i32
      %dma_wait3A_100 = tpu.memref_slice %arg15[%add3A_16, %dma_wait3A_99] : memref<10112x128xf32, #tpu.memory_space<vmem_shared>> -> memref<64x128xf32, #tpu.memory_space<vmem_shared>>
      %dma_wait3A_101 = arith.constant 0 : i32
      %dma_wait3A_102 = tpu.memref_slice %arg15[%add3A_16, %dma_wait3A_101] : memref<10112x128xf32, #tpu.memory_space<vmem_shared>> -> memref<64x128xf32, #tpu.memory_space<vmem_shared>>
      %dma_wait3A_103 = arith.constant 0 : i32
      %dma_wait3A_104 = arith.constant 0 : i32
      %dma_wait3A_105 = tpu.memref_slice %arg11[%dma_wait3A_103, %dma_wait3A_104] : memref<64x128xf32, #tpu.memory_space<vmem>> -> memref<64x128xf32, #tpu.memory_space<vmem>>
      tpu.wait_dma2 semaphore(%run_scoped3A : memref<!tpu.dma_semaphore, #tpu.memory_space<semaphore_mem>>) src(%dma_wait3A_105 : memref<64x128xf32, #tpu.memory_space<vmem>>) dst(%dma_wait3A_102 : memref<64x128xf32, #tpu.memory_space<vmem_shared>>)
      tpu.yield
    }) : () -> ()
    %add3A_17 = arith.constant 192 : i32
    %add3A_18 = arith.addi %mul3A_2, %add3A_17 : i32
    "tpu.region"() ({
      %run_scoped3A = tpu.sem_alloc : memref<!tpu.dma_semaphore, #tpu.memory_space<semaphore_mem>>
      %dma_start3A_86 = arith.constant 0 : i32
      %dma_start3A_87 = arith.constant 0 : i32
      %dma_start3A_88 = tpu.memref_slice %arg11[%dma_start3A_86, %dma_start3A_87] : memref<64x128xf32, #tpu.memory_space<vmem>> -> memref<64x128xf32, #tpu.memory_space<vmem>>
      %dma_start3A_89 = arith.constant 0 : i32
      %dma_start3A_90 = tpu.memref_slice %arg15[%add3A_18, %dma_start3A_89] : memref<10112x128xf32, #tpu.memory_space<vmem_shared>> -> memref<64x128xf32, #tpu.memory_space<vmem_shared>>
      %dma_start3A_91 = arith.constant 0 : i32
      %dma_start3A_92 = tpu.memref_slice %arg15[%add3A_18, %dma_start3A_91] : memref<10112x128xf32, #tpu.memory_space<vmem_shared>> -> memref<64x128xf32, #tpu.memory_space<vmem_shared>>
      %dma_start3A_93 = arith.constant 0 : i32
      %dma_start3A_94 = arith.constant 0 : i32
      %dma_start3A_95 = tpu.memref_slice %arg11[%dma_start3A_93, %dma_start3A_94] : memref<64x128xf32, #tpu.memory_space<vmem>> -> memref<64x128xf32, #tpu.memory_space<vmem>>
      tpu.enqueue_dma source(%dma_start3A_95 : memref<64x128xf32, #tpu.memory_space<vmem>>) target(%dma_start3A_92 : memref<64x128xf32, #tpu.memory_space<vmem_shared>>) target_semaphore(%run_scoped3A : memref<!tpu.dma_semaphore, #tpu.memory_space<semaphore_mem>>)
      %dma_wait3A_96 = arith.constant 0 : i32
      %dma_wait3A_97 = arith.constant 0 : i32
      %dma_wait3A_98 = tpu.memref_slice %arg11[%dma_wait3A_96, %dma_wait3A_97] : memref<64x128xf32, #tpu.memory_space<vmem>> -> memref<64x128xf32, #tpu.memory_space<vmem>>
      %dma_wait3A_99 = arith.constant 0 : i32
      %dma_wait3A_100 = tpu.memref_slice %arg15[%add3A_18, %dma_wait3A_99] : memref<10112x128xf32, #tpu.memory_space<vmem_shared>> -> memref<64x128xf32, #tpu.memory_space<vmem_shared>>
      %dma_wait3A_101 = arith.constant 0 : i32
      %dma_wait3A_102 = tpu.memref_slice %arg15[%add3A_18, %dma_wait3A_101] : memref<10112x128xf32, #tpu.memory_space<vmem_shared>> -> memref<64x128xf32, #tpu.memory_space<vmem_shared>>
      %dma_wait3A_103 = arith.constant 0 : i32
      %dma_wait3A_104 = arith.constant 0 : i32
      %dma_wait3A_105 = tpu.memref_slice %arg11[%dma_wait3A_103, %dma_wait3A_104] : memref<64x128xf32, #tpu.memory_space<vmem>> -> memref<64x128xf32, #tpu.memory_space<vmem>>
      tpu.wait_dma2 semaphore(%run_scoped3A : memref<!tpu.dma_semaphore, #tpu.memory_space<semaphore_mem>>) src(%dma_wait3A_105 : memref<64x128xf32, #tpu.memory_space<vmem>>) dst(%dma_wait3A_102 : memref<64x128xf32, #tpu.memory_space<vmem_shared>>)
      tpu.yield
    }) : () -> ()
    %add3A_19 = arith.constant 256 : i32
    %add3A_20 = arith.addi %mul3A_2, %add3A_19 : i32
    "tpu.region"() ({
      %run_scoped3A = tpu.sem_alloc : memref<!tpu.dma_semaphore, #tpu.memory_space<semaphore_mem>>
      %dma_start3A_86 = arith.constant 0 : i32
      %dma_start3A_87 = arith.constant 0 : i32
      %dma_start3A_88 = tpu.memref_slice %arg11[%dma_start3A_86, %dma_start3A_87] : memref<64x128xf32, #tpu.memory_space<vmem>> -> memref<64x128xf32, #tpu.memory_space<vmem>>
      %dma_start3A_89 = arith.constant 0 : i32
      %dma_start3A_90 = tpu.memref_slice %arg15[%add3A_20, %dma_start3A_89] : memref<10112x128xf32, #tpu.memory_space<vmem_shared>> -> memref<64x128xf32, #tpu.memory_space<vmem_shared>>
      %dma_start3A_91 = arith.constant 0 : i32
      %dma_start3A_92 = tpu.memref_slice %arg15[%add3A_20, %dma_start3A_91] : memref<10112x128xf32, #tpu.memory_space<vmem_shared>> -> memref<64x128xf32, #tpu.memory_space<vmem_shared>>
      %dma_start3A_93 = arith.constant 0 : i32
      %dma_start3A_94 = arith.constant 0 : i32
      %dma_start3A_95 = tpu.memref_slice %arg11[%dma_start3A_93, %dma_start3A_94] : memref<64x128xf32, #tpu.memory_space<vmem>> -> memref<64x128xf32, #tpu.memory_space<vmem>>
      tpu.enqueue_dma source(%dma_start3A_95 : memref<64x128xf32, #tpu.memory_space<vmem>>) target(%dma_start3A_92 : memref<64x128xf32, #tpu.memory_space<vmem_shared>>) target_semaphore(%run_scoped3A : memref<!tpu.dma_semaphore, #tpu.memory_space<semaphore_mem>>)
      %dma_wait3A_96 = arith.constant 0 : i32
      %dma_wait3A_97 = arith.constant 0 : i32
      %dma_wait3A_98 = tpu.memref_slice %arg11[%dma_wait3A_96, %dma_wait3A_97] : memref<64x128xf32, #tpu.memory_space<vmem>> -> memref<64x128xf32, #tpu.memory_space<vmem>>
      %dma_wait3A_99 = arith.constant 0 : i32
      %dma_wait3A_100 = tpu.memref_slice %arg15[%add3A_20, %dma_wait3A_99] : memref<10112x128xf32, #tpu.memory_space<vmem_shared>> -> memref<64x128xf32, #tpu.memory_space<vmem_shared>>
      %dma_wait3A_101 = arith.constant 0 : i32
      %dma_wait3A_102 = tpu.memref_slice %arg15[%add3A_20, %dma_wait3A_101] : memref<10112x128xf32, #tpu.memory_space<vmem_shared>> -> memref<64x128xf32, #tpu.memory_space<vmem_shared>>
      %dma_wait3A_103 = arith.constant 0 : i32
      %dma_wait3A_104 = arith.constant 0 : i32
      %dma_wait3A_105 = tpu.memref_slice %arg11[%dma_wait3A_103, %dma_wait3A_104] : memref<64x128xf32, #tpu.memory_space<vmem>> -> memref<64x128xf32, #tpu.memory_space<vmem>>
      tpu.wait_dma2 semaphore(%run_scoped3A : memref<!tpu.dma_semaphore, #tpu.memory_space<semaphore_mem>>) src(%dma_wait3A_105 : memref<64x128xf32, #tpu.memory_space<vmem>>) dst(%dma_wait3A_102 : memref<64x128xf32, #tpu.memory_space<vmem_shared>>)
      tpu.yield
    }) : () -> ()
    %add3A_21 = arith.constant 320 : i32
    %add3A_22 = arith.addi %mul3A_2, %add3A_21 : i32
    "tpu.region"() ({
      %run_scoped3A = tpu.sem_alloc : memref<!tpu.dma_semaphore, #tpu.memory_space<semaphore_mem>>
      %dma_start3A_86 = arith.constant 0 : i32
      %dma_start3A_87 = arith.constant 0 : i32
      %dma_start3A_88 = tpu.memref_slice %arg11[%dma_start3A_86, %dma_start3A_87] : memref<64x128xf32, #tpu.memory_space<vmem>> -> memref<64x128xf32, #tpu.memory_space<vmem>>
      %dma_start3A_89 = arith.constant 0 : i32
      %dma_start3A_90 = tpu.memref_slice %arg15[%add3A_22, %dma_start3A_89] : memref<10112x128xf32, #tpu.memory_space<vmem_shared>> -> memref<64x128xf32, #tpu.memory_space<vmem_shared>>
      %dma_start3A_91 = arith.constant 0 : i32
      %dma_start3A_92 = tpu.memref_slice %arg15[%add3A_22, %dma_start3A_91] : memref<10112x128xf32, #tpu.memory_space<vmem_shared>> -> memref<64x128xf32, #tpu.memory_space<vmem_shared>>
      %dma_start3A_93 = arith.constant 0 : i32
      %dma_start3A_94 = arith.constant 0 : i32
      %dma_start3A_95 = tpu.memref_slice %arg11[%dma_start3A_93, %dma_start3A_94] : memref<64x128xf32, #tpu.memory_space<vmem>> -> memref<64x128xf32, #tpu.memory_space<vmem>>
      tpu.enqueue_dma source(%dma_start3A_95 : memref<64x128xf32, #tpu.memory_space<vmem>>) target(%dma_start3A_92 : memref<64x128xf32, #tpu.memory_space<vmem_shared>>) target_semaphore(%run_scoped3A : memref<!tpu.dma_semaphore, #tpu.memory_space<semaphore_mem>>)
      %dma_wait3A_96 = arith.constant 0 : i32
      %dma_wait3A_97 = arith.constant 0 : i32
      %dma_wait3A_98 = tpu.memref_slice %arg11[%dma_wait3A_96, %dma_wait3A_97] : memref<64x128xf32, #tpu.memory_space<vmem>> -> memref<64x128xf32, #tpu.memory_space<vmem>>
      %dma_wait3A_99 = arith.constant 0 : i32
      %dma_wait3A_100 = tpu.memref_slice %arg15[%add3A_22, %dma_wait3A_99] : memref<10112x128xf32, #tpu.memory_space<vmem_shared>> -> memref<64x128xf32, #tpu.memory_space<vmem_shared>>
      %dma_wait3A_101 = arith.constant 0 : i32
      %dma_wait3A_102 = tpu.memref_slice %arg15[%add3A_22, %dma_wait3A_101] : memref<10112x128xf32, #tpu.memory_space<vmem_shared>> -> memref<64x128xf32, #tpu.memory_space<vmem_shared>>
      %dma_wait3A_103 = arith.constant 0 : i32
      %dma_wait3A_104 = arith.constant 0 : i32
      %dma_wait3A_105 = tpu.memref_slice %arg11[%dma_wait3A_103, %dma_wait3A_104] : memref<64x128xf32, #tpu.memory_space<vmem>> -> memref<64x128xf32, #tpu.memory_space<vmem>>
      tpu.wait_dma2 semaphore(%run_scoped3A : memref<!tpu.dma_semaphore, #tpu.memory_space<semaphore_mem>>) src(%dma_wait3A_105 : memref<64x128xf32, #tpu.memory_space<vmem>>) dst(%dma_wait3A_102 : memref<64x128xf32, #tpu.memory_space<vmem_shared>>)
      tpu.yield
    }) : () -> ()
    %add3A_23 = arith.constant 384 : i32
    %add3A_24 = arith.addi %mul3A_2, %add3A_23 : i32
    "tpu.region"() ({
      %run_scoped3A = tpu.sem_alloc : memref<!tpu.dma_semaphore, #tpu.memory_space<semaphore_mem>>
      %dma_start3A_86 = arith.constant 0 : i32
      %dma_start3A_87 = arith.constant 0 : i32
      %dma_start3A_88 = tpu.memref_slice %arg11[%dma_start3A_86, %dma_start3A_87] : memref<64x128xf32, #tpu.memory_space<vmem>> -> memref<64x128xf32, #tpu.memory_space<vmem>>
      %dma_start3A_89 = arith.constant 0 : i32
      %dma_start3A_90 = tpu.memref_slice %arg15[%add3A_24, %dma_start3A_89] : memref<10112x128xf32, #tpu.memory_space<vmem_shared>> -> memref<64x128xf32, #tpu.memory_space<vmem_shared>>
      %dma_start3A_91 = arith.constant 0 : i32
      %dma_start3A_92 = tpu.memref_slice %arg15[%add3A_24, %dma_start3A_91] : memref<10112x128xf32, #tpu.memory_space<vmem_shared>> -> memref<64x128xf32, #tpu.memory_space<vmem_shared>>
      %dma_start3A_93 = arith.constant 0 : i32
      %dma_start3A_94 = arith.constant 0 : i32
      %dma_start3A_95 = tpu.memref_slice %arg11[%dma_start3A_93, %dma_start3A_94] : memref<64x128xf32, #tpu.memory_space<vmem>> -> memref<64x128xf32, #tpu.memory_space<vmem>>
      tpu.enqueue_dma source(%dma_start3A_95 : memref<64x128xf32, #tpu.memory_space<vmem>>) target(%dma_start3A_92 : memref<64x128xf32, #tpu.memory_space<vmem_shared>>) target_semaphore(%run_scoped3A : memref<!tpu.dma_semaphore, #tpu.memory_space<semaphore_mem>>)
      %dma_wait3A_96 = arith.constant 0 : i32
      %dma_wait3A_97 = arith.constant 0 : i32
      %dma_wait3A_98 = tpu.memref_slice %arg11[%dma_wait3A_96, %dma_wait3A_97] : memref<64x128xf32, #tpu.memory_space<vmem>> -> memref<64x128xf32, #tpu.memory_space<vmem>>
      %dma_wait3A_99 = arith.constant 0 : i32
      %dma_wait3A_100 = tpu.memref_slice %arg15[%add3A_24, %dma_wait3A_99] : memref<10112x128xf32, #tpu.memory_space<vmem_shared>> -> memref<64x128xf32, #tpu.memory_space<vmem_shared>>
      %dma_wait3A_101 = arith.constant 0 : i32
      %dma_wait3A_102 = tpu.memref_slice %arg15[%add3A_24, %dma_wait3A_101] : memref<10112x128xf32, #tpu.memory_space<vmem_shared>> -> memref<64x128xf32, #tpu.memory_space<vmem_shared>>
      %dma_wait3A_103 = arith.constant 0 : i32
      %dma_wait3A_104 = arith.constant 0 : i32
      %dma_wait3A_105 = tpu.memref_slice %arg11[%dma_wait3A_103, %dma_wait3A_104] : memref<64x128xf32, #tpu.memory_space<vmem>> -> memref<64x128xf32, #tpu.memory_space<vmem>>
      tpu.wait_dma2 semaphore(%run_scoped3A : memref<!tpu.dma_semaphore, #tpu.memory_space<semaphore_mem>>) src(%dma_wait3A_105 : memref<64x128xf32, #tpu.memory_space<vmem>>) dst(%dma_wait3A_102 : memref<64x128xf32, #tpu.memory_space<vmem_shared>>)
      tpu.yield
    }) : () -> ()
    %add3A_25 = arith.constant 448 : i32
    %add3A_26 = arith.addi %mul3A_2, %add3A_25 : i32
    "tpu.region"() ({
      %run_scoped3A = tpu.sem_alloc : memref<!tpu.dma_semaphore, #tpu.memory_space<semaphore_mem>>
      %dma_start3A_86 = arith.constant 0 : i32
      %dma_start3A_87 = arith.constant 0 : i32
      %dma_start3A_88 = tpu.memref_slice %arg11[%dma_start3A_86, %dma_start3A_87] : memref<64x128xf32, #tpu.memory_space<vmem>> -> memref<64x128xf32, #tpu.memory_space<vmem>>
      %dma_start3A_89 = arith.constant 0 : i32
      %dma_start3A_90 = tpu.memref_slice %arg15[%add3A_26, %dma_start3A_89] : memref<10112x128xf32, #tpu.memory_space<vmem_shared>> -> memref<64x128xf32, #tpu.memory_space<vmem_shared>>
      %dma_start3A_91 = arith.constant 0 : i32
      %dma_start3A_92 = tpu.memref_slice %arg15[%add3A_26, %dma_start3A_91] : memref<10112x128xf32, #tpu.memory_space<vmem_shared>> -> memref<64x128xf32, #tpu.memory_space<vmem_shared>>
      %dma_start3A_93 = arith.constant 0 : i32
      %dma_start3A_94 = arith.constant 0 : i32
      %dma_start3A_95 = tpu.memref_slice %arg11[%dma_start3A_93, %dma_start3A_94] : memref<64x128xf32, #tpu.memory_space<vmem>> -> memref<64x128xf32, #tpu.memory_space<vmem>>
      tpu.enqueue_dma source(%dma_start3A_95 : memref<64x128xf32, #tpu.memory_space<vmem>>) target(%dma_start3A_92 : memref<64x128xf32, #tpu.memory_space<vmem_shared>>) target_semaphore(%run_scoped3A : memref<!tpu.dma_semaphore, #tpu.memory_space<semaphore_mem>>)
      %dma_wait3A_96 = arith.constant 0 : i32
      %dma_wait3A_97 = arith.constant 0 : i32
      %dma_wait3A_98 = tpu.memref_slice %arg11[%dma_wait3A_96, %dma_wait3A_97] : memref<64x128xf32, #tpu.memory_space<vmem>> -> memref<64x128xf32, #tpu.memory_space<vmem>>
      %dma_wait3A_99 = arith.constant 0 : i32
      %dma_wait3A_100 = tpu.memref_slice %arg15[%add3A_26, %dma_wait3A_99] : memref<10112x128xf32, #tpu.memory_space<vmem_shared>> -> memref<64x128xf32, #tpu.memory_space<vmem_shared>>
      %dma_wait3A_101 = arith.constant 0 : i32
      %dma_wait3A_102 = tpu.memref_slice %arg15[%add3A_26, %dma_wait3A_101] : memref<10112x128xf32, #tpu.memory_space<vmem_shared>> -> memref<64x128xf32, #tpu.memory_space<vmem_shared>>
      %dma_wait3A_103 = arith.constant 0 : i32
      %dma_wait3A_104 = arith.constant 0 : i32
      %dma_wait3A_105 = tpu.memref_slice %arg11[%dma_wait3A_103, %dma_wait3A_104] : memref<64x128xf32, #tpu.memory_space<vmem>> -> memref<64x128xf32, #tpu.memory_space<vmem>>
      tpu.wait_dma2 semaphore(%run_scoped3A : memref<!tpu.dma_semaphore, #tpu.memory_space<semaphore_mem>>) src(%dma_wait3A_105 : memref<64x128xf32, #tpu.memory_space<vmem>>) dst(%dma_wait3A_102 : memref<64x128xf32, #tpu.memory_space<vmem_shared>>)
      tpu.yield
    }) : () -> ()
    %add3A_27 = arith.constant 512 : i32
    %add3A_28 = arith.addi %mul3A_2, %add3A_27 : i32
    "tpu.region"() ({
      %run_scoped3A = tpu.sem_alloc : memref<!tpu.dma_semaphore, #tpu.memory_space<semaphore_mem>>
      %dma_start3A_86 = arith.constant 0 : i32
      %dma_start3A_87 = arith.constant 0 : i32
      %dma_start3A_88 = tpu.memref_slice %arg11[%dma_start3A_86, %dma_start3A_87] : memref<64x128xf32, #tpu.memory_space<vmem>> -> memref<64x128xf32, #tpu.memory_space<vmem>>
      %dma_start3A_89 = arith.constant 0 : i32
      %dma_start3A_90 = tpu.memref_slice %arg15[%add3A_28, %dma_start3A_89] : memref<10112x128xf32, #tpu.memory_space<vmem_shared>> -> memref<64x128xf32, #tpu.memory_space<vmem_shared>>
      %dma_start3A_91 = arith.constant 0 : i32
      %dma_start3A_92 = tpu.memref_slice %arg15[%add3A_28, %dma_start3A_91] : memref<10112x128xf32, #tpu.memory_space<vmem_shared>> -> memref<64x128xf32, #tpu.memory_space<vmem_shared>>
      %dma_start3A_93 = arith.constant 0 : i32
      %dma_start3A_94 = arith.constant 0 : i32
      %dma_start3A_95 = tpu.memref_slice %arg11[%dma_start3A_93, %dma_start3A_94] : memref<64x128xf32, #tpu.memory_space<vmem>> -> memref<64x128xf32, #tpu.memory_space<vmem>>
      tpu.enqueue_dma source(%dma_start3A_95 : memref<64x128xf32, #tpu.memory_space<vmem>>) target(%dma_start3A_92 : memref<64x128xf32, #tpu.memory_space<vmem_shared>>) target_semaphore(%run_scoped3A : memref<!tpu.dma_semaphore, #tpu.memory_space<semaphore_mem>>)
      %dma_wait3A_96 = arith.constant 0 : i32
      %dma_wait3A_97 = arith.constant 0 : i32
      %dma_wait3A_98 = tpu.memref_slice %arg11[%dma_wait3A_96, %dma_wait3A_97] : memref<64x128xf32, #tpu.memory_space<vmem>> -> memref<64x128xf32, #tpu.memory_space<vmem>>
      %dma_wait3A_99 = arith.constant 0 : i32
      %dma_wait3A_100 = tpu.memref_slice %arg15[%add3A_28, %dma_wait3A_99] : memref<10112x128xf32, #tpu.memory_space<vmem_shared>> -> memref<64x128xf32, #tpu.memory_space<vmem_shared>>
      %dma_wait3A_101 = arith.constant 0 : i32
      %dma_wait3A_102 = tpu.memref_slice %arg15[%add3A_28, %dma_wait3A_101] : memref<10112x128xf32, #tpu.memory_space<vmem_shared>> -> memref<64x128xf32, #tpu.memory_space<vmem_shared>>
      %dma_wait3A_103 = arith.constant 0 : i32
      %dma_wait3A_104 = arith.constant 0 : i32
      %dma_wait3A_105 = tpu.memref_slice %arg11[%dma_wait3A_103, %dma_wait3A_104] : memref<64x128xf32, #tpu.memory_space<vmem>> -> memref<64x128xf32, #tpu.memory_space<vmem>>
      tpu.wait_dma2 semaphore(%run_scoped3A : memref<!tpu.dma_semaphore, #tpu.memory_space<semaphore_mem>>) src(%dma_wait3A_105 : memref<64x128xf32, #tpu.memory_space<vmem>>) dst(%dma_wait3A_102 : memref<64x128xf32, #tpu.memory_space<vmem_shared>>)
      tpu.yield
    }) : () -> ()
    %add3A_29 = arith.constant 576 : i32
    %add3A_30 = arith.addi %mul3A_2, %add3A_29 : i32
    "tpu.region"() ({
      %run_scoped3A = tpu.sem_alloc : memref<!tpu.dma_semaphore, #tpu.memory_space<semaphore_mem>>
      %dma_start3A_86 = arith.constant 0 : i32
      %dma_start3A_87 = arith.constant 0 : i32
      %dma_start3A_88 = tpu.memref_slice %arg11[%dma_start3A_86, %dma_start3A_87] : memref<64x128xf32, #tpu.memory_space<vmem>> -> memref<56x128xf32, #tpu.memory_space<vmem>>
      %dma_start3A_89 = arith.constant 0 : i32
      %dma_start3A_90 = tpu.memref_slice %arg15[%add3A_30, %dma_start3A_89] : memref<10112x128xf32, #tpu.memory_space<vmem_shared>> -> memref<56x128xf32, #tpu.memory_space<vmem_shared>>
      %dma_start3A_91 = arith.constant 0 : i32
      %dma_start3A_92 = tpu.memref_slice %arg15[%add3A_30, %dma_start3A_91] : memref<10112x128xf32, #tpu.memory_space<vmem_shared>> -> memref<56x128xf32, #tpu.memory_space<vmem_shared>>
      %dma_start3A_93 = arith.constant 0 : i32
      %dma_start3A_94 = arith.constant 0 : i32
      %dma_start3A_95 = tpu.memref_slice %arg11[%dma_start3A_93, %dma_start3A_94] : memref<64x128xf32, #tpu.memory_space<vmem>> -> memref<56x128xf32, #tpu.memory_space<vmem>>
      tpu.enqueue_dma source(%dma_start3A_95 : memref<56x128xf32, #tpu.memory_space<vmem>>) target(%dma_start3A_92 : memref<56x128xf32, #tpu.memory_space<vmem_shared>>) target_semaphore(%run_scoped3A : memref<!tpu.dma_semaphore, #tpu.memory_space<semaphore_mem>>)
      %dma_wait3A_96 = arith.constant 0 : i32
      %dma_wait3A_97 = arith.constant 0 : i32
      %dma_wait3A_98 = tpu.memref_slice %arg11[%dma_wait3A_96, %dma_wait3A_97] : memref<64x128xf32, #tpu.memory_space<vmem>> -> memref<56x128xf32, #tpu.memory_space<vmem>>
      %dma_wait3A_99 = arith.constant 0 : i32
      %dma_wait3A_100 = tpu.memref_slice %arg15[%add3A_30, %dma_wait3A_99] : memref<10112x128xf32, #tpu.memory_space<vmem_shared>> -> memref<56x128xf32, #tpu.memory_space<vmem_shared>>
      %dma_wait3A_101 = arith.constant 0 : i32
      %dma_wait3A_102 = tpu.memref_slice %arg15[%add3A_30, %dma_wait3A_101] : memref<10112x128xf32, #tpu.memory_space<vmem_shared>> -> memref<56x128xf32, #tpu.memory_space<vmem_shared>>
      %dma_wait3A_103 = arith.constant 0 : i32
      %dma_wait3A_104 = arith.constant 0 : i32
      %dma_wait3A_105 = tpu.memref_slice %arg11[%dma_wait3A_103, %dma_wait3A_104] : memref<64x128xf32, #tpu.memory_space<vmem>> -> memref<56x128xf32, #tpu.memory_space<vmem>>
      tpu.wait_dma2 semaphore(%run_scoped3A : memref<!tpu.dma_semaphore, #tpu.memory_space<semaphore_mem>>) src(%dma_wait3A_105 : memref<56x128xf32, #tpu.memory_space<vmem>>) dst(%dma_wait3A_102 : memref<56x128xf32, #tpu.memory_space<vmem_shared>>)
      tpu.yield
    }) : () -> ()
    %barrier3A = arith.constant 0 : index
    tpu.barrier barrier_id(%barrier3A)
    %mul3A_31 = arith.constant 160 : i32
    %mul3A_32 = arith.muli %add3A, %mul3A_31 : i32
    %lt3A = arith.constant 5000 : i32
    %lt3A_33 = arith.cmpi slt, %mul3A_32, %lt3A : i32
    %convert_element_type3A = arith.extui %lt3A_33 : i1 to i32
    %cond3A = arith.constant 0 : i32
    %cond3A_34 = arith.cmpi ne, %convert_element_type3A, %cond3A : i32
    scf.if %cond3A_34 {
      "tpu.region"() ({
        %run_scoped3A = tpu.sem_alloc : memref<!tpu.dma_semaphore, #tpu.memory_space<semaphore_mem>>
        %dma_start3A_88 = arith.constant 0 : i32
        %dma_start3A_89 = tpu.memref_slice %arg3[%mul3A_32, %dma_start3A_88] : memref<10000x64xi32, #tpu.memory_space<hbm>> -> memref<8x64xi32, #tpu.memory_space<hbm>>
        %dma_start3A_90 = arith.constant 0 : i32
        %dma_start3A_91 = tpu.memref_slice %arg3[%mul3A_32, %dma_start3A_90] : memref<10000x64xi32, #tpu.memory_space<hbm>> -> memref<8x64xi32, #tpu.memory_space<hbm>>
        tpu.enqueue_dma source(%dma_start3A_91 : memref<8x64xi32, #tpu.memory_space<hbm>>) target(%arg7 : memref<8x64xi32, #tpu.memory_space<vmem>>) target_semaphore(%run_scoped3A : memref<!tpu.dma_semaphore, #tpu.memory_space<semaphore_mem>>)
        %dma_wait3A_92 = arith.constant 0 : i32
        %dma_wait3A_93 = tpu.memref_slice %arg3[%mul3A_32, %dma_wait3A_92] : memref<10000x64xi32, #tpu.memory_space<hbm>> -> memref<8x64xi32, #tpu.memory_space<hbm>>
        %dma_wait3A_94 = arith.constant 0 : i32
        %dma_wait3A_95 = tpu.memref_slice %arg3[%mul3A_32, %dma_wait3A_94] : memref<10000x64xi32, #tpu.memory_space<hbm>> -> memref<8x64xi32, #tpu.memory_space<hbm>>
        tpu.wait_dma2 semaphore(%run_scoped3A : memref<!tpu.dma_semaphore, #tpu.memory_space<semaphore_mem>>) src(%dma_wait3A_95 : memref<8x64xi32, #tpu.memory_space<hbm>>) dst(%arg7 : memref<8x64xi32, #tpu.memory_space<vmem>>)
        tpu.yield
      }) : () -> ()
      %add3A_86 = arith.constant 5000 : i32
      %add3A_87 = arith.addi %add3A_86, %mul3A_32 : i32
      "tpu.region"() ({
        %run_scoped3A = tpu.sem_alloc : memref<!tpu.dma_semaphore, #tpu.memory_space<semaphore_mem>>
        %dma_start3A_88 = arith.constant 0 : i32
        %dma_start3A_89 = tpu.memref_slice %arg3[%add3A_87, %dma_start3A_88] : memref<10000x64xi32, #tpu.memory_space<hbm>> -> memref<8x64xi32, #tpu.memory_space<hbm>>
        %dma_start3A_90 = arith.constant 0 : i32
        %dma_start3A_91 = tpu.memref_slice %arg3[%add3A_87, %dma_start3A_90] : memref<10000x64xi32, #tpu.memory_space<hbm>> -> memref<8x64xi32, #tpu.memory_space<hbm>>
        tpu.enqueue_dma source(%dma_start3A_91 : memref<8x64xi32, #tpu.memory_space<hbm>>) target(%arg9 : memref<8x64xi32, #tpu.memory_space<vmem>>) target_semaphore(%run_scoped3A : memref<!tpu.dma_semaphore, #tpu.memory_space<semaphore_mem>>)
        %dma_wait3A_92 = arith.constant 0 : i32
        %dma_wait3A_93 = tpu.memref_slice %arg3[%add3A_87, %dma_wait3A_92] : memref<10000x64xi32, #tpu.memory_space<hbm>> -> memref<8x64xi32, #tpu.memory_space<hbm>>
        %dma_wait3A_94 = arith.constant 0 : i32
        %dma_wait3A_95 = tpu.memref_slice %arg3[%add3A_87, %dma_wait3A_94] : memref<10000x64xi32, #tpu.memory_space<hbm>> -> memref<8x64xi32, #tpu.memory_space<hbm>>
        tpu.wait_dma2 semaphore(%run_scoped3A : memref<!tpu.dma_semaphore, #tpu.memory_space<semaphore_mem>>) src(%dma_wait3A_95 : memref<8x64xi32, #tpu.memory_space<hbm>>) dst(%arg9 : memref<8x64xi32, #tpu.memory_space<vmem>>)
        tpu.yield
      }) : () -> ()
    } else {
    }
    %ge3A = arith.constant 5000 : i32
    %ge3A_35 = arith.cmpi sge, %mul3A_32, %ge3A : i32
    %convert_element_type3A_36 = arith.extui %ge3A_35 : i1 to i32
    %cond3A_37 = arith.constant 0 : i32
    %cond3A_38 = arith.cmpi ne, %convert_element_type3A_36, %cond3A_37 : i32
    scf.if %cond3A_38 {
      "tpu.region"() ({
        %run_scoped3A = tpu.sem_alloc : memref<!tpu.dma_semaphore, #tpu.memory_space<semaphore_mem>>
        tpu.enqueue_dma source(%arg4 : memref<8x64xi32, #tpu.memory_space<hbm>>) target(%arg7 : memref<8x64xi32, #tpu.memory_space<vmem>>) target_semaphore(%run_scoped3A : memref<!tpu.dma_semaphore, #tpu.memory_space<semaphore_mem>>)
        tpu.wait_dma2 semaphore(%run_scoped3A : memref<!tpu.dma_semaphore, #tpu.memory_space<semaphore_mem>>) src(%arg4 : memref<8x64xi32, #tpu.memory_space<hbm>>) dst(%arg7 : memref<8x64xi32, #tpu.memory_space<vmem>>)
        tpu.yield
      }) : () -> ()
      "tpu.region"() ({
        %run_scoped3A = tpu.sem_alloc : memref<!tpu.dma_semaphore, #tpu.memory_space<semaphore_mem>>
        tpu.enqueue_dma source(%arg5 : memref<8x64xi32, #tpu.memory_space<hbm>>) target(%arg9 : memref<8x64xi32, #tpu.memory_space<vmem>>) target_semaphore(%run_scoped3A : memref<!tpu.dma_semaphore, #tpu.memory_space<semaphore_mem>>)
        tpu.wait_dma2 semaphore(%run_scoped3A : memref<!tpu.dma_semaphore, #tpu.memory_space<semaphore_mem>>) src(%arg5 : memref<8x64xi32, #tpu.memory_space<hbm>>) dst(%arg9 : memref<8x64xi32, #tpu.memory_space<vmem>>)
        tpu.yield
      }) : () -> ()
    } else {
    }
    %dma_start3A = arith.constant 0 : i32
    %dma_start3A_39 = arith.constant 0 : i32
    %dma_start3A_40 = tpu.memref_slice %arg7[%dma_start3A, %dma_start3A_39] : memref<8x64xi32, #tpu.memory_space<vmem>> -> memref<1x64xi32, #tpu.memory_space<vmem>>
    %dma_start3A_41 = tpu.memref_squeeze %dma_start3A_40 : memref<1x64xi32, #tpu.memory_space<vmem>> -> memref<64xi32, #tpu.memory_space<vmem>>
    %dma_start3A_42 = arith.constant 0 : i32
    %dma_start3A_43 = arith.constant 0 : i32
    %dma_start3A_44 = tpu.memref_slice %arg2[%dma_start3A_42, %dma_start3A_43] : memref<10000x128xf32, #tpu.memory_space<hbm>> -> memref<10000x128xf32, #tpu.memory_space<hbm>>
    tpu.enqueue_indirect_dma source(%dma_start3A_44 : memref<10000x128xf32, #tpu.memory_space<hbm>>) target(%arg11 : memref<64x128xf32, #tpu.memory_space<vmem>>) offsets(%dma_start3A_41 : memref<64xi32, #tpu.memory_space<vmem>>) semaphore(%arg16 : memref<!tpu.dma_semaphore, #tpu.memory_space<semaphore_mem>>)
    %dma_start3A_45 = arith.constant 1 : i32
    %dma_start3A_46 = arith.constant 0 : i32
    %dma_start3A_47 = tpu.memref_slice %arg7[%dma_start3A_45, %dma_start3A_46] : memref<8x64xi32, #tpu.memory_space<vmem>> -> memref<1x64xi32, #tpu.memory_space<vmem>>
    %dma_start3A_48 = tpu.memref_squeeze %dma_start3A_47 : memref<1x64xi32, #tpu.memory_space<vmem>> -> memref<64xi32, #tpu.memory_space<vmem>>
    %dma_start3A_49 = arith.constant 0 : i32
    %dma_start3A_50 = arith.constant 0 : i32
    %dma_start3A_51 = tpu.memref_slice %arg2[%dma_start3A_49, %dma_start3A_50] : memref<10000x128xf32, #tpu.memory_space<hbm>> -> memref<10000x128xf32, #tpu.memory_space<hbm>>
    tpu.enqueue_indirect_dma source(%dma_start3A_51 : memref<10000x128xf32, #tpu.memory_space<hbm>>) target(%arg12 : memref<64x128xf32, #tpu.memory_space<vmem>>) offsets(%dma_start3A_48 : memref<64xi32, #tpu.memory_space<vmem>>) semaphore(%arg17 : memref<!tpu.dma_semaphore, #tpu.memory_space<semaphore_mem>>)
    %scan3A_52 = arith.constant 0 : i32
    %scan3A_53 = arith.constant 0 : i32
    %scan3A_54 = arith.constant 10 : i32
    %scan3A_55 = arith.addi %scan3A_53, %scan3A_54 : i32
    %scan3A_56 = arith.constant 1 : i32
    scf.for %scan3A_86 = %scan3A_53 to %scan3A_55 step %scan3A_56  : i32 {
      %mul3A_87 = arith.constant 2 : i32
      %mul3A_88 = arith.muli %mul3A_87, %scan3A_86 : i32
      %add3A_89 = arith.constant 0 : i32
      %add3A_90 = arith.addi %mul3A_88, %add3A_89 : i32
      %mul3A_91 = arith.constant 8 : i32
      %mul3A_92 = arith.muli %add3A_90, %mul3A_91 : i32
      %add3A_93 = arith.constant 0 : i32
      %add3A_94 = arith.addi %mul3A_92, %add3A_93 : i32
      %dma_wait3A_95 = arith.constant 0 : i32
      %dma_wait3A_96 = arith.constant 0 : i32
      %dma_wait3A_97 = tpu.memref_slice %arg7[%dma_wait3A_95, %dma_wait3A_96] : memref<8x64xi32, #tpu.memory_space<vmem>> -> memref<1x64xi32, #tpu.memory_space<vmem>>
      %dma_wait3A_98 = tpu.memref_squeeze %dma_wait3A_97 : memref<1x64xi32, #tpu.memory_space<vmem>> -> memref<64xi32, #tpu.memory_space<vmem>>
      %dma_wait3A_99 = arith.constant 0 : i32
      %dma_wait3A_100 = arith.constant 0 : i32
      %dma_wait3A_101 = tpu.memref_slice %arg2[%dma_wait3A_99, %dma_wait3A_100] : memref<10000x128xf32, #tpu.memory_space<hbm>> -> memref<10000x128xf32, #tpu.memory_space<hbm>>
      tpu.wait_indirect_dma semaphore(%arg16 : memref<!tpu.dma_semaphore, #tpu.memory_space<semaphore_mem>>) src(%dma_wait3A_101 : memref<10000x128xf32, #tpu.memory_space<hbm>>) dst(%arg11 : memref<64x128xf32, #tpu.memory_space<vmem>>)
      %dma_start3A_102 = arith.constant 0 : i32
      %dma_start3A_103 = arith.constant 0 : i32
      %dma_start3A_104 = tpu.memref_slice %arg9[%dma_start3A_102, %dma_start3A_103] : memref<8x64xi32, #tpu.memory_space<vmem>> -> memref<1x64xi32, #tpu.memory_space<vmem>>
      %dma_start3A_105 = tpu.memref_squeeze %dma_start3A_104 : memref<1x64xi32, #tpu.memory_space<vmem>> -> memref<64xi32, #tpu.memory_space<vmem>>
      %dma_start3A_106 = arith.constant 0 : i32
      %dma_start3A_107 = arith.constant 0 : i32
      %dma_start3A_108 = tpu.memref_slice %arg15[%dma_start3A_106, %dma_start3A_107] : memref<10112x128xf32, #tpu.memory_space<vmem_shared>> -> memref<10112x128xf32, #tpu.memory_space<vmem_shared>>
      tpu.enqueue_indirect_dma source(%arg11 : memref<64x128xf32, #tpu.memory_space<vmem>>) target(%dma_start3A_108 : memref<10112x128xf32, #tpu.memory_space<vmem_shared>>) offsets(%dma_start3A_105 : memref<64xi32, #tpu.memory_space<vmem>>) semaphore(%arg20 : memref<!tpu.dma_semaphore, #tpu.memory_space<semaphore_mem>>) {add = true}
      %add3A_109 = arith.constant 2 : i32
      %add3A_110 = arith.addi %add3A_94, %add3A_109 : i32
      %lt3A_111 = arith.constant 160 : i32
      %lt3A_112 = arith.cmpi slt, %add3A_110, %lt3A_111 : i32
      %convert_element_type3A_113 = arith.extui %lt3A_112 : i1 to i32
      %cond3A_114 = arith.constant 0 : i32
      %cond3A_115 = arith.cmpi ne, %convert_element_type3A_113, %cond3A_114 : i32
      scf.if %cond3A_115 {
        %ge3A_481 = arith.constant 2 : i32
        %ge3A_482 = arith.cmpi sge, %add3A_94, %ge3A_481 : i32
        %convert_element_type3A_483 = arith.extui %ge3A_482 : i1 to i32
        %cond3A_484 = arith.constant 0 : i32
        %cond3A_485 = arith.cmpi ne, %convert_element_type3A_483, %cond3A_484 : i32
        scf.if %cond3A_485 {
          %dma_wait3A_493 = arith.constant 0 : i32
          %dma_wait3A_494 = arith.constant 0 : i32
          %dma_wait3A_495 = tpu.memref_slice %arg9[%dma_wait3A_493, %dma_wait3A_494] : memref<8x64xi32, #tpu.memory_space<vmem>> -> memref<1x64xi32, #tpu.memory_space<vmem>>
          %dma_wait3A_496 = tpu.memref_squeeze %dma_wait3A_495 : memref<1x64xi32, #tpu.memory_space<vmem>> -> memref<64xi32, #tpu.memory_space<vmem>>
          %dma_wait3A_497 = arith.constant 0 : i32
          %dma_wait3A_498 = arith.constant 0 : i32
          %dma_wait3A_499 = tpu.memref_slice %arg15[%dma_wait3A_497, %dma_wait3A_498] : memref<10112x128xf32, #tpu.memory_space<vmem_shared>> -> memref<10112x128xf32, #tpu.memory_space<vmem_shared>>
          tpu.wait_indirect_dma semaphore(%arg22 : memref<!tpu.dma_semaphore, #tpu.memory_space<semaphore_mem>>) src(%arg13 : memref<64x128xf32, #tpu.memory_space<vmem>>) dst(%dma_wait3A_499 : memref<10112x128xf32, #tpu.memory_space<vmem_shared>>)
        } else {
        }
        %dma_start3A_486 = arith.constant 2 : i32
        %dma_start3A_487 = arith.constant 0 : i32
        %dma_start3A_488 = tpu.memref_slice %arg7[%dma_start3A_486, %dma_start3A_487] : memref<8x64xi32, #tpu.memory_space<vmem>> -> memref<1x64xi32, #tpu.memory_space<vmem>>
        %dma_start3A_489 = tpu.memref_squeeze %dma_start3A_488 : memref<1x64xi32, #tpu.memory_space<vmem>> -> memref<64xi32, #tpu.memory_space<vmem>>
        %dma_start3A_490 = arith.constant 0 : i32
        %dma_start3A_491 = arith.constant 0 : i32
        %dma_start3A_492 = tpu.memref_slice %arg2[%dma_start3A_490, %dma_start3A_491] : memref<10000x128xf32, #tpu.memory_space<hbm>> -> memref<10000x128xf32, #tpu.memory_space<hbm>>
        tpu.enqueue_indirect_dma source(%dma_start3A_492 : memref<10000x128xf32, #tpu.memory_space<hbm>>) target(%arg13 : memref<64x128xf32, #tpu.memory_space<vmem>>) offsets(%dma_start3A_489 : memref<64xi32, #tpu.memory_space<vmem>>) semaphore(%arg18 : memref<!tpu.dma_semaphore, #tpu.memory_space<semaphore_mem>>)
      } else {
      }
      %add3A_116 = arith.constant 1 : i32
      %add3A_117 = arith.addi %mul3A_92, %add3A_116 : i32
      %dma_wait3A_118 = arith.constant 0 : i32
      %dma_wait3A_119 = arith.constant 0 : i32
      %dma_wait3A_120 = tpu.memref_slice %arg7[%dma_wait3A_118, %dma_wait3A_119] : memref<8x64xi32, #tpu.memory_space<vmem>> -> memref<1x64xi32, #tpu.memory_space<vmem>>
      %dma_wait3A_121 = tpu.memref_squeeze %dma_wait3A_120 : memref<1x64xi32, #tpu.memory_space<vmem>> -> memref<64xi32, #tpu.memory_space<vmem>>
      %dma_wait3A_122 = arith.constant 0 : i32
      %dma_wait3A_123 = arith.constant 0 : i32
      %dma_wait3A_124 = tpu.memref_slice %arg2[%dma_wait3A_122, %dma_wait3A_123] : memref<10000x128xf32, #tpu.memory_space<hbm>> -> memref<10000x128xf32, #tpu.memory_space<hbm>>
      tpu.wait_indirect_dma semaphore(%arg17 : memref<!tpu.dma_semaphore, #tpu.memory_space<semaphore_mem>>) src(%dma_wait3A_124 : memref<10000x128xf32, #tpu.memory_space<hbm>>) dst(%arg12 : memref<64x128xf32, #tpu.memory_space<vmem>>)
      %dma_start3A_125 = arith.constant 1 : i32
      %dma_start3A_126 = arith.constant 0 : i32
      %dma_start3A_127 = tpu.memref_slice %arg9[%dma_start3A_125, %dma_start3A_126] : memref<8x64xi32, #tpu.memory_space<vmem>> -> memref<1x64xi32, #tpu.memory_space<vmem>>
      %dma_start3A_128 = tpu.memref_squeeze %dma_start3A_127 : memref<1x64xi32, #tpu.memory_space<vmem>> -> memref<64xi32, #tpu.memory_space<vmem>>
      %dma_start3A_129 = arith.constant 0 : i32
      %dma_start3A_130 = arith.constant 0 : i32
      %dma_start3A_131 = tpu.memref_slice %arg15[%dma_start3A_129, %dma_start3A_130] : memref<10112x128xf32, #tpu.memory_space<vmem_shared>> -> memref<10112x128xf32, #tpu.memory_space<vmem_shared>>
      tpu.enqueue_indirect_dma source(%arg12 : memref<64x128xf32, #tpu.memory_space<vmem>>) target(%dma_start3A_131 : memref<10112x128xf32, #tpu.memory_space<vmem_shared>>) offsets(%dma_start3A_128 : memref<64xi32, #tpu.memory_space<vmem>>) semaphore(%arg21 : memref<!tpu.dma_semaphore, #tpu.memory_space<semaphore_mem>>) {add = true}
      %add3A_132 = arith.constant 2 : i32
      %add3A_133 = arith.addi %add3A_117, %add3A_132 : i32
      %lt3A_134 = arith.constant 160 : i32
      %lt3A_135 = arith.cmpi slt, %add3A_133, %lt3A_134 : i32
      %convert_element_type3A_136 = arith.extui %lt3A_135 : i1 to i32
      %cond3A_137 = arith.constant 0 : i32
      %cond3A_138 = arith.cmpi ne, %convert_element_type3A_136, %cond3A_137 : i32
      scf.if %cond3A_138 {
        %ge3A_481 = arith.constant 2 : i32
        %ge3A_482 = arith.cmpi sge, %add3A_117, %ge3A_481 : i32
        %convert_element_type3A_483 = arith.extui %ge3A_482 : i1 to i32
        %cond3A_484 = arith.constant 0 : i32
        %cond3A_485 = arith.cmpi ne, %convert_element_type3A_483, %cond3A_484 : i32
        scf.if %cond3A_485 {
          %dma_wait3A_493 = arith.constant 0 : i32
          %dma_wait3A_494 = arith.constant 0 : i32
          %dma_wait3A_495 = tpu.memref_slice %arg9[%dma_wait3A_493, %dma_wait3A_494] : memref<8x64xi32, #tpu.memory_space<vmem>> -> memref<1x64xi32, #tpu.memory_space<vmem>>
          %dma_wait3A_496 = tpu.memref_squeeze %dma_wait3A_495 : memref<1x64xi32, #tpu.memory_space<vmem>> -> memref<64xi32, #tpu.memory_space<vmem>>
          %dma_wait3A_497 = arith.constant 0 : i32
          %dma_wait3A_498 = arith.constant 0 : i32
          %dma_wait3A_499 = tpu.memref_slice %arg15[%dma_wait3A_497, %dma_wait3A_498] : memref<10112x128xf32, #tpu.memory_space<vmem_shared>> -> memref<10112x128xf32, #tpu.memory_space<vmem_shared>>
          tpu.wait_indirect_dma semaphore(%arg23 : memref<!tpu.dma_semaphore, #tpu.memory_space<semaphore_mem>>) src(%arg14 : memref<64x128xf32, #tpu.memory_space<vmem>>) dst(%dma_wait3A_499 : memref<10112x128xf32, #tpu.memory_space<vmem_shared>>)
        } else {
        }
        %dma_start3A_486 = arith.constant 3 : i32
        %dma_start3A_487 = arith.constant 0 : i32
        %dma_start3A_488 = tpu.memref_slice %arg7[%dma_start3A_486, %dma_start3A_487] : memref<8x64xi32, #tpu.memory_space<vmem>> -> memref<1x64xi32, #tpu.memory_space<vmem>>
        %dma_start3A_489 = tpu.memref_squeeze %dma_start3A_488 : memref<1x64xi32, #tpu.memory_space<vmem>> -> memref<64xi32, #tpu.memory_space<vmem>>
        %dma_start3A_490 = arith.constant 0 : i32
        %dma_start3A_491 = arith.constant 0 : i32
        %dma_start3A_492 = tpu.memref_slice %arg2[%dma_start3A_490, %dma_start3A_491] : memref<10000x128xf32, #tpu.memory_space<hbm>> -> memref<10000x128xf32, #tpu.memory_space<hbm>>
        tpu.enqueue_indirect_dma source(%dma_start3A_492 : memref<10000x128xf32, #tpu.memory_space<hbm>>) target(%arg14 : memref<64x128xf32, #tpu.memory_space<vmem>>) offsets(%dma_start3A_489 : memref<64xi32, #tpu.memory_space<vmem>>) semaphore(%arg19 : memref<!tpu.dma_semaphore, #tpu.memory_space<semaphore_mem>>)
      } else {
      }
      %add3A_139 = arith.constant 1 : i32
      %add3A_140 = arith.addi %add3A_90, %add3A_139 : i32
      %lt3A_141 = arith.constant 20 : i32
      %lt3A_142 = arith.cmpi slt, %add3A_140, %lt3A_141 : i32
      %convert_element_type3A_143 = arith.extui %lt3A_142 : i1 to i32
      %cond3A_144 = arith.constant 0 : i32
      %cond3A_145 = arith.cmpi ne, %convert_element_type3A_143, %cond3A_144 : i32
      scf.if %cond3A_145 {
        %mul3A_481 = arith.constant 160 : i32
        %mul3A_482 = arith.muli %add3A, %mul3A_481 : i32
        %add3A_483 = arith.constant 1 : i32
        %add3A_484 = arith.addi %add3A_90, %add3A_483 : i32
        %mul3A_485 = arith.constant 8 : i32
        %mul3A_486 = arith.muli %add3A_484, %mul3A_485 : i32
        %add3A_487 = arith.addi %mul3A_482, %mul3A_486 : i32
        %lt3A_488 = arith.constant 5000 : i32
        %lt3A_489 = arith.cmpi slt, %add3A_487, %lt3A_488 : i32
        %convert_element_type3A_490 = arith.extui %lt3A_489 : i1 to i32
        %cond3A_491 = arith.constant 0 : i32
        %cond3A_492 = arith.cmpi ne, %convert_element_type3A_490, %cond3A_491 : i32
        scf.if %cond3A_492 {
          %dma_start3A_498 = arith.constant 0 : i32
          %dma_start3A_499 = tpu.memref_slice %arg3[%add3A_487, %dma_start3A_498] : memref<10000x64xi32, #tpu.memory_space<hbm>> -> memref<8x64xi32, #tpu.memory_space<hbm>>
          %dma_start3A_500 = arith.constant 0 : i32
          %dma_start3A_501 = tpu.memref_slice %arg3[%add3A_487, %dma_start3A_500] : memref<10000x64xi32, #tpu.memory_space<hbm>> -> memref<8x64xi32, #tpu.memory_space<hbm>>
          tpu.enqueue_dma source(%dma_start3A_501 : memref<8x64xi32, #tpu.memory_space<hbm>>) target(%arg8 : memref<8x64xi32, #tpu.memory_space<vmem>>) target_semaphore(%arg25 : memref<!tpu.dma_semaphore, #tpu.memory_space<semaphore_mem>>)
          %add3A_502 = arith.constant 5000 : i32
          %add3A_503 = arith.addi %add3A_502, %add3A_487 : i32
          %dma_start3A_504 = arith.constant 0 : i32
          %dma_start3A_505 = tpu.memref_slice %arg3[%add3A_503, %dma_start3A_504] : memref<10000x64xi32, #tpu.memory_space<hbm>> -> memref<8x64xi32, #tpu.memory_space<hbm>>
          %dma_start3A_506 = arith.constant 0 : i32
          %dma_start3A_507 = tpu.memref_slice %arg3[%add3A_503, %dma_start3A_506] : memref<10000x64xi32, #tpu.memory_space<hbm>> -> memref<8x64xi32, #tpu.memory_space<hbm>>
          tpu.enqueue_dma source(%dma_start3A_507 : memref<8x64xi32, #tpu.memory_space<hbm>>) target(%arg10 : memref<8x64xi32, #tpu.memory_space<vmem>>) target_semaphore(%arg25 : memref<!tpu.dma_semaphore, #tpu.memory_space<semaphore_mem>>)
        } else {
        }
        %ge3A_493 = arith.constant 5000 : i32
        %ge3A_494 = arith.cmpi sge, %add3A_487, %ge3A_493 : i32
        %convert_element_type3A_495 = arith.extui %ge3A_494 : i1 to i32
        %cond3A_496 = arith.constant 0 : i32
        %cond3A_497 = arith.cmpi ne, %convert_element_type3A_495, %cond3A_496 : i32
        scf.if %cond3A_497 {
          tpu.enqueue_dma source(%arg4 : memref<8x64xi32, #tpu.memory_space<hbm>>) target(%arg8 : memref<8x64xi32, #tpu.memory_space<vmem>>) target_semaphore(%arg25 : memref<!tpu.dma_semaphore, #tpu.memory_space<semaphore_mem>>)
          tpu.enqueue_dma source(%arg5 : memref<8x64xi32, #tpu.memory_space<hbm>>) target(%arg10 : memref<8x64xi32, #tpu.memory_space<vmem>>) target_semaphore(%arg25 : memref<!tpu.dma_semaphore, #tpu.memory_space<semaphore_mem>>)
        } else {
        }
      } else {
      }
      %add3A_146 = arith.constant 2 : i32
      %add3A_147 = arith.addi %mul3A_92, %add3A_146 : i32
      %dma_wait3A_148 = arith.constant 0 : i32
      %dma_wait3A_149 = arith.constant 0 : i32
      %dma_wait3A_150 = tpu.memref_slice %arg7[%dma_wait3A_148, %dma_wait3A_149] : memref<8x64xi32, #tpu.memory_space<vmem>> -> memref<1x64xi32, #tpu.memory_space<vmem>>
      %dma_wait3A_151 = tpu.memref_squeeze %dma_wait3A_150 : memref<1x64xi32, #tpu.memory_space<vmem>> -> memref<64xi32, #tpu.memory_space<vmem>>
      %dma_wait3A_152 = arith.constant 0 : i32
      %dma_wait3A_153 = arith.constant 0 : i32
      %dma_wait3A_154 = tpu.memref_slice %arg2[%dma_wait3A_152, %dma_wait3A_153] : memref<10000x128xf32, #tpu.memory_space<hbm>> -> memref<10000x128xf32, #tpu.memory_space<hbm>>
      tpu.wait_indirect_dma semaphore(%arg18 : memref<!tpu.dma_semaphore, #tpu.memory_space<semaphore_mem>>) src(%dma_wait3A_154 : memref<10000x128xf32, #tpu.memory_space<hbm>>) dst(%arg13 : memref<64x128xf32, #tpu.memory_space<vmem>>)
      %dma_start3A_155 = arith.constant 2 : i32
      %dma_start3A_156 = arith.constant 0 : i32
      %dma_start3A_157 = tpu.memref_slice %arg9[%dma_start3A_155, %dma_start3A_156] : memref<8x64xi32, #tpu.memory_space<vmem>> -> memref<1x64xi32, #tpu.memory_space<vmem>>
      %dma_start3A_158 = tpu.memref_squeeze %dma_start3A_157 : memref<1x64xi32, #tpu.memory_space<vmem>> -> memref<64xi32, #tpu.memory_space<vmem>>
      %dma_start3A_159 = arith.constant 0 : i32
      %dma_start3A_160 = arith.constant 0 : i32
      %dma_start3A_161 = tpu.memref_slice %arg15[%dma_start3A_159, %dma_start3A_160] : memref<10112x128xf32, #tpu.memory_space<vmem_shared>> -> memref<10112x128xf32, #tpu.memory_space<vmem_shared>>
      tpu.enqueue_indirect_dma source(%arg13 : memref<64x128xf32, #tpu.memory_space<vmem>>) target(%dma_start3A_161 : memref<10112x128xf32, #tpu.memory_space<vmem_shared>>) offsets(%dma_start3A_158 : memref<64xi32, #tpu.memory_space<vmem>>) semaphore(%arg22 : memref<!tpu.dma_semaphore, #tpu.memory_space<semaphore_mem>>) {add = true}
      %add3A_162 = arith.constant 2 : i32
      %add3A_163 = arith.addi %add3A_147, %add3A_162 : i32
      %lt3A_164 = arith.constant 160 : i32
      %lt3A_165 = arith.cmpi slt, %add3A_163, %lt3A_164 : i32
      %convert_element_type3A_166 = arith.extui %lt3A_165 : i1 to i32
      %cond3A_167 = arith.constant 0 : i32
      %cond3A_168 = arith.cmpi ne, %convert_element_type3A_166, %cond3A_167 : i32
      scf.if %cond3A_168 {
        %ge3A_481 = arith.constant 2 : i32
        %ge3A_482 = arith.cmpi sge, %add3A_147, %ge3A_481 : i32
        %convert_element_type3A_483 = arith.extui %ge3A_482 : i1 to i32
        %cond3A_484 = arith.constant 0 : i32
        %cond3A_485 = arith.cmpi ne, %convert_element_type3A_483, %cond3A_484 : i32
        scf.if %cond3A_485 {
          %dma_wait3A_493 = arith.constant 0 : i32
          %dma_wait3A_494 = arith.constant 0 : i32
          %dma_wait3A_495 = tpu.memref_slice %arg9[%dma_wait3A_493, %dma_wait3A_494] : memref<8x64xi32, #tpu.memory_space<vmem>> -> memref<1x64xi32, #tpu.memory_space<vmem>>
          %dma_wait3A_496 = tpu.memref_squeeze %dma_wait3A_495 : memref<1x64xi32, #tpu.memory_space<vmem>> -> memref<64xi32, #tpu.memory_space<vmem>>
          %dma_wait3A_497 = arith.constant 0 : i32
          %dma_wait3A_498 = arith.constant 0 : i32
          %dma_wait3A_499 = tpu.memref_slice %arg15[%dma_wait3A_497, %dma_wait3A_498] : memref<10112x128xf32, #tpu.memory_space<vmem_shared>> -> memref<10112x128xf32, #tpu.memory_space<vmem_shared>>
          tpu.wait_indirect_dma semaphore(%arg20 : memref<!tpu.dma_semaphore, #tpu.memory_space<semaphore_mem>>) src(%arg11 : memref<64x128xf32, #tpu.memory_space<vmem>>) dst(%dma_wait3A_499 : memref<10112x128xf32, #tpu.memory_space<vmem_shared>>)
        } else {
        }
        %dma_start3A_486 = arith.constant 4 : i32
        %dma_start3A_487 = arith.constant 0 : i32
        %dma_start3A_488 = tpu.memref_slice %arg7[%dma_start3A_486, %dma_start3A_487] : memref<8x64xi32, #tpu.memory_space<vmem>> -> memref<1x64xi32, #tpu.memory_space<vmem>>
        %dma_start3A_489 = tpu.memref_squeeze %dma_start3A_488 : memref<1x64xi32, #tpu.memory_space<vmem>> -> memref<64xi32, #tpu.memory_space<vmem>>
        %dma_start3A_490 = arith.constant 0 : i32
        %dma_start3A_491 = arith.constant 0 : i32
        %dma_start3A_492 = tpu.memref_slice %arg2[%dma_start3A_490, %dma_start3A_491] : memref<10000x128xf32, #tpu.memory_space<hbm>> -> memref<10000x128xf32, #tpu.memory_space<hbm>>
        tpu.enqueue_indirect_dma source(%dma_start3A_492 : memref<10000x128xf32, #tpu.memory_space<hbm>>) target(%arg11 : memref<64x128xf32, #tpu.memory_space<vmem>>) offsets(%dma_start3A_489 : memref<64xi32, #tpu.memory_space<vmem>>) semaphore(%arg16 : memref<!tpu.dma_semaphore, #tpu.memory_space<semaphore_mem>>)
      } else {
      }
      %add3A_169 = arith.constant 3 : i32
      %add3A_170 = arith.addi %mul3A_92, %add3A_169 : i32
      %dma_wait3A_171 = arith.constant 0 : i32
      %dma_wait3A_172 = arith.constant 0 : i32
      %dma_wait3A_173 = tpu.memref_slice %arg7[%dma_wait3A_171, %dma_wait3A_172] : memref<8x64xi32, #tpu.memory_space<vmem>> -> memref<1x64xi32, #tpu.memory_space<vmem>>
      %dma_wait3A_174 = tpu.memref_squeeze %dma_wait3A_173 : memref<1x64xi32, #tpu.memory_space<vmem>> -> memref<64xi32, #tpu.memory_space<vmem>>
      %dma_wait3A_175 = arith.constant 0 : i32
      %dma_wait3A_176 = arith.constant 0 : i32
      %dma_wait3A_177 = tpu.memref_slice %arg2[%dma_wait3A_175, %dma_wait3A_176] : memref<10000x128xf32, #tpu.memory_space<hbm>> -> memref<10000x128xf32, #tpu.memory_space<hbm>>
      tpu.wait_indirect_dma semaphore(%arg19 : memref<!tpu.dma_semaphore, #tpu.memory_space<semaphore_mem>>) src(%dma_wait3A_177 : memref<10000x128xf32, #tpu.memory_space<hbm>>) dst(%arg14 : memref<64x128xf32, #tpu.memory_space<vmem>>)
      %dma_start3A_178 = arith.constant 3 : i32
      %dma_start3A_179 = arith.constant 0 : i32
      %dma_start3A_180 = tpu.memref_slice %arg9[%dma_start3A_178, %dma_start3A_179] : memref<8x64xi32, #tpu.memory_space<vmem>> -> memref<1x64xi32, #tpu.memory_space<vmem>>
      %dma_start3A_181 = tpu.memref_squeeze %dma_start3A_180 : memref<1x64xi32, #tpu.memory_space<vmem>> -> memref<64xi32, #tpu.memory_space<vmem>>
      %dma_start3A_182 = arith.constant 0 : i32
      %dma_start3A_183 = arith.constant 0 : i32
      %dma_start3A_184 = tpu.memref_slice %arg15[%dma_start3A_182, %dma_start3A_183] : memref<10112x128xf32, #tpu.memory_space<vmem_shared>> -> memref<10112x128xf32, #tpu.memory_space<vmem_shared>>
      tpu.enqueue_indirect_dma source(%arg14 : memref<64x128xf32, #tpu.memory_space<vmem>>) target(%dma_start3A_184 : memref<10112x128xf32, #tpu.memory_space<vmem_shared>>) offsets(%dma_start3A_181 : memref<64xi32, #tpu.memory_space<vmem>>) semaphore(%arg23 : memref<!tpu.dma_semaphore, #tpu.memory_space<semaphore_mem>>) {add = true}
      %add3A_185 = arith.constant 2 : i32
      %add3A_186 = arith.addi %add3A_170, %add3A_185 : i32
      %lt3A_187 = arith.constant 160 : i32
      %lt3A_188 = arith.cmpi slt, %add3A_186, %lt3A_187 : i32
      %convert_element_type3A_189 = arith.extui %lt3A_188 : i1 to i32
      %cond3A_190 = arith.constant 0 : i32
      %cond3A_191 = arith.cmpi ne, %convert_element_type3A_189, %cond3A_190 : i32
      scf.if %cond3A_191 {
        %ge3A_481 = arith.constant 2 : i32
        %ge3A_482 = arith.cmpi sge, %add3A_170, %ge3A_481 : i32
        %convert_element_type3A_483 = arith.extui %ge3A_482 : i1 to i32
        %cond3A_484 = arith.constant 0 : i32
        %cond3A_485 = arith.cmpi ne, %convert_element_type3A_483, %cond3A_484 : i32
        scf.if %cond3A_485 {
          %dma_wait3A_493 = arith.constant 0 : i32
          %dma_wait3A_494 = arith.constant 0 : i32
          %dma_wait3A_495 = tpu.memref_slice %arg9[%dma_wait3A_493, %dma_wait3A_494] : memref<8x64xi32, #tpu.memory_space<vmem>> -> memref<1x64xi32, #tpu.memory_space<vmem>>
          %dma_wait3A_496 = tpu.memref_squeeze %dma_wait3A_495 : memref<1x64xi32, #tpu.memory_space<vmem>> -> memref<64xi32, #tpu.memory_space<vmem>>
          %dma_wait3A_497 = arith.constant 0 : i32
          %dma_wait3A_498 = arith.constant 0 : i32
          %dma_wait3A_499 = tpu.memref_slice %arg15[%dma_wait3A_497, %dma_wait3A_498] : memref<10112x128xf32, #tpu.memory_space<vmem_shared>> -> memref<10112x128xf32, #tpu.memory_space<vmem_shared>>
          tpu.wait_indirect_dma semaphore(%arg21 : memref<!tpu.dma_semaphore, #tpu.memory_space<semaphore_mem>>) src(%arg12 : memref<64x128xf32, #tpu.memory_space<vmem>>) dst(%dma_wait3A_499 : memref<10112x128xf32, #tpu.memory_space<vmem_shared>>)
        } else {
        }
        %dma_start3A_486 = arith.constant 5 : i32
        %dma_start3A_487 = arith.constant 0 : i32
        %dma_start3A_488 = tpu.memref_slice %arg7[%dma_start3A_486, %dma_start3A_487] : memref<8x64xi32, #tpu.memory_space<vmem>> -> memref<1x64xi32, #tpu.memory_space<vmem>>
        %dma_start3A_489 = tpu.memref_squeeze %dma_start3A_488 : memref<1x64xi32, #tpu.memory_space<vmem>> -> memref<64xi32, #tpu.memory_space<vmem>>
        %dma_start3A_490 = arith.constant 0 : i32
        %dma_start3A_491 = arith.constant 0 : i32
        %dma_start3A_492 = tpu.memref_slice %arg2[%dma_start3A_490, %dma_start3A_491] : memref<10000x128xf32, #tpu.memory_space<hbm>> -> memref<10000x128xf32, #tpu.memory_space<hbm>>
        tpu.enqueue_indirect_dma source(%dma_start3A_492 : memref<10000x128xf32, #tpu.memory_space<hbm>>) target(%arg12 : memref<64x128xf32, #tpu.memory_space<vmem>>) offsets(%dma_start3A_489 : memref<64xi32, #tpu.memory_space<vmem>>) semaphore(%arg17 : memref<!tpu.dma_semaphore, #tpu.memory_space<semaphore_mem>>)
      } else {
      }
      %add3A_192 = arith.constant 4 : i32
      %add3A_193 = arith.addi %mul3A_92, %add3A_192 : i32
      %dma_wait3A_194 = arith.constant 0 : i32
      %dma_wait3A_195 = arith.constant 0 : i32
      %dma_wait3A_196 = tpu.memref_slice %arg7[%dma_wait3A_194, %dma_wait3A_195] : memref<8x64xi32, #tpu.memory_space<vmem>> -> memref<1x64xi32, #tpu.memory_space<vmem>>
      %dma_wait3A_197 = tpu.memref_squeeze %dma_wait3A_196 : memref<1x64xi32, #tpu.memory_space<vmem>> -> memref<64xi32, #tpu.memory_space<vmem>>
      %dma_wait3A_198 = arith.constant 0 : i32
      %dma_wait3A_199 = arith.constant 0 : i32
      %dma_wait3A_200 = tpu.memref_slice %arg2[%dma_wait3A_198, %dma_wait3A_199] : memref<10000x128xf32, #tpu.memory_space<hbm>> -> memref<10000x128xf32, #tpu.memory_space<hbm>>
      tpu.wait_indirect_dma semaphore(%arg16 : memref<!tpu.dma_semaphore, #tpu.memory_space<semaphore_mem>>) src(%dma_wait3A_200 : memref<10000x128xf32, #tpu.memory_space<hbm>>) dst(%arg11 : memref<64x128xf32, #tpu.memory_space<vmem>>)
      %dma_start3A_201 = arith.constant 4 : i32
      %dma_start3A_202 = arith.constant 0 : i32
      %dma_start3A_203 = tpu.memref_slice %arg9[%dma_start3A_201, %dma_start3A_202] : memref<8x64xi32, #tpu.memory_space<vmem>> -> memref<1x64xi32, #tpu.memory_space<vmem>>
      %dma_start3A_204 = tpu.memref_squeeze %dma_start3A_203 : memref<1x64xi32, #tpu.memory_space<vmem>> -> memref<64xi32, #tpu.memory_space<vmem>>
      %dma_start3A_205 = arith.constant 0 : i32
      %dma_start3A_206 = arith.constant 0 : i32
      %dma_start3A_207 = tpu.memref_slice %arg15[%dma_start3A_205, %dma_start3A_206] : memref<10112x128xf32, #tpu.memory_space<vmem_shared>> -> memref<10112x128xf32, #tpu.memory_space<vmem_shared>>
      tpu.enqueue_indirect_dma source(%arg11 : memref<64x128xf32, #tpu.memory_space<vmem>>) target(%dma_start3A_207 : memref<10112x128xf32, #tpu.memory_space<vmem_shared>>) offsets(%dma_start3A_204 : memref<64xi32, #tpu.memory_space<vmem>>) semaphore(%arg20 : memref<!tpu.dma_semaphore, #tpu.memory_space<semaphore_mem>>) {add = true}
      %add3A_208 = arith.constant 2 : i32
      %add3A_209 = arith.addi %add3A_193, %add3A_208 : i32
      %lt3A_210 = arith.constant 160 : i32
      %lt3A_211 = arith.cmpi slt, %add3A_209, %lt3A_210 : i32
      %convert_element_type3A_212 = arith.extui %lt3A_211 : i1 to i32
      %cond3A_213 = arith.constant 0 : i32
      %cond3A_214 = arith.cmpi ne, %convert_element_type3A_212, %cond3A_213 : i32
      scf.if %cond3A_214 {
        %ge3A_481 = arith.constant 2 : i32
        %ge3A_482 = arith.cmpi sge, %add3A_193, %ge3A_481 : i32
        %convert_element_type3A_483 = arith.extui %ge3A_482 : i1 to i32
        %cond3A_484 = arith.constant 0 : i32
        %cond3A_485 = arith.cmpi ne, %convert_element_type3A_483, %cond3A_484 : i32
        scf.if %cond3A_485 {
          %dma_wait3A_493 = arith.constant 0 : i32
          %dma_wait3A_494 = arith.constant 0 : i32
          %dma_wait3A_495 = tpu.memref_slice %arg9[%dma_wait3A_493, %dma_wait3A_494] : memref<8x64xi32, #tpu.memory_space<vmem>> -> memref<1x64xi32, #tpu.memory_space<vmem>>
          %dma_wait3A_496 = tpu.memref_squeeze %dma_wait3A_495 : memref<1x64xi32, #tpu.memory_space<vmem>> -> memref<64xi32, #tpu.memory_space<vmem>>
          %dma_wait3A_497 = arith.constant 0 : i32
          %dma_wait3A_498 = arith.constant 0 : i32
          %dma_wait3A_499 = tpu.memref_slice %arg15[%dma_wait3A_497, %dma_wait3A_498] : memref<10112x128xf32, #tpu.memory_space<vmem_shared>> -> memref<10112x128xf32, #tpu.memory_space<vmem_shared>>
          tpu.wait_indirect_dma semaphore(%arg22 : memref<!tpu.dma_semaphore, #tpu.memory_space<semaphore_mem>>) src(%arg13 : memref<64x128xf32, #tpu.memory_space<vmem>>) dst(%dma_wait3A_499 : memref<10112x128xf32, #tpu.memory_space<vmem_shared>>)
        } else {
        }
        %dma_start3A_486 = arith.constant 6 : i32
        %dma_start3A_487 = arith.constant 0 : i32
        %dma_start3A_488 = tpu.memref_slice %arg7[%dma_start3A_486, %dma_start3A_487] : memref<8x64xi32, #tpu.memory_space<vmem>> -> memref<1x64xi32, #tpu.memory_space<vmem>>
        %dma_start3A_489 = tpu.memref_squeeze %dma_start3A_488 : memref<1x64xi32, #tpu.memory_space<vmem>> -> memref<64xi32, #tpu.memory_space<vmem>>
        %dma_start3A_490 = arith.constant 0 : i32
        %dma_start3A_491 = arith.constant 0 : i32
        %dma_start3A_492 = tpu.memref_slice %arg2[%dma_start3A_490, %dma_start3A_491] : memref<10000x128xf32, #tpu.memory_space<hbm>> -> memref<10000x128xf32, #tpu.memory_space<hbm>>
        tpu.enqueue_indirect_dma source(%dma_start3A_492 : memref<10000x128xf32, #tpu.memory_space<hbm>>) target(%arg13 : memref<64x128xf32, #tpu.memory_space<vmem>>) offsets(%dma_start3A_489 : memref<64xi32, #tpu.memory_space<vmem>>) semaphore(%arg18 : memref<!tpu.dma_semaphore, #tpu.memory_space<semaphore_mem>>)
      } else {
      }
      %add3A_215 = arith.constant 5 : i32
      %add3A_216 = arith.addi %mul3A_92, %add3A_215 : i32
      %dma_wait3A_217 = arith.constant 0 : i32
      %dma_wait3A_218 = arith.constant 0 : i32
      %dma_wait3A_219 = tpu.memref_slice %arg7[%dma_wait3A_217, %dma_wait3A_218] : memref<8x64xi32, #tpu.memory_space<vmem>> -> memref<1x64xi32, #tpu.memory_space<vmem>>
      %dma_wait3A_220 = tpu.memref_squeeze %dma_wait3A_219 : memref<1x64xi32, #tpu.memory_space<vmem>> -> memref<64xi32, #tpu.memory_space<vmem>>
      %dma_wait3A_221 = arith.constant 0 : i32
      %dma_wait3A_222 = arith.constant 0 : i32
      %dma_wait3A_223 = tpu.memref_slice %arg2[%dma_wait3A_221, %dma_wait3A_222] : memref<10000x128xf32, #tpu.memory_space<hbm>> -> memref<10000x128xf32, #tpu.memory_space<hbm>>
      tpu.wait_indirect_dma semaphore(%arg17 : memref<!tpu.dma_semaphore, #tpu.memory_space<semaphore_mem>>) src(%dma_wait3A_223 : memref<10000x128xf32, #tpu.memory_space<hbm>>) dst(%arg12 : memref<64x128xf32, #tpu.memory_space<vmem>>)
      %dma_start3A_224 = arith.constant 5 : i32
      %dma_start3A_225 = arith.constant 0 : i32
      %dma_start3A_226 = tpu.memref_slice %arg9[%dma_start3A_224, %dma_start3A_225] : memref<8x64xi32, #tpu.memory_space<vmem>> -> memref<1x64xi32, #tpu.memory_space<vmem>>
      %dma_start3A_227 = tpu.memref_squeeze %dma_start3A_226 : memref<1x64xi32, #tpu.memory_space<vmem>> -> memref<64xi32, #tpu.memory_space<vmem>>
      %dma_start3A_228 = arith.constant 0 : i32
      %dma_start3A_229 = arith.constant 0 : i32
      %dma_start3A_230 = tpu.memref_slice %arg15[%dma_start3A_228, %dma_start3A_229] : memref<10112x128xf32, #tpu.memory_space<vmem_shared>> -> memref<10112x128xf32, #tpu.memory_space<vmem_shared>>
      tpu.enqueue_indirect_dma source(%arg12 : memref<64x128xf32, #tpu.memory_space<vmem>>) target(%dma_start3A_230 : memref<10112x128xf32, #tpu.memory_space<vmem_shared>>) offsets(%dma_start3A_227 : memref<64xi32, #tpu.memory_space<vmem>>) semaphore(%arg21 : memref<!tpu.dma_semaphore, #tpu.memory_space<semaphore_mem>>) {add = true}
      %add3A_231 = arith.constant 2 : i32
      %add3A_232 = arith.addi %add3A_216, %add3A_231 : i32
      %lt3A_233 = arith.constant 160 : i32
      %lt3A_234 = arith.cmpi slt, %add3A_232, %lt3A_233 : i32
      %convert_element_type3A_235 = arith.extui %lt3A_234 : i1 to i32
      %cond3A_236 = arith.constant 0 : i32
      %cond3A_237 = arith.cmpi ne, %convert_element_type3A_235, %cond3A_236 : i32
      scf.if %cond3A_237 {
        %ge3A_481 = arith.constant 2 : i32
        %ge3A_482 = arith.cmpi sge, %add3A_216, %ge3A_481 : i32
        %convert_element_type3A_483 = arith.extui %ge3A_482 : i1 to i32
        %cond3A_484 = arith.constant 0 : i32
        %cond3A_485 = arith.cmpi ne, %convert_element_type3A_483, %cond3A_484 : i32
        scf.if %cond3A_485 {
          %dma_wait3A_493 = arith.constant 0 : i32
          %dma_wait3A_494 = arith.constant 0 : i32
          %dma_wait3A_495 = tpu.memref_slice %arg9[%dma_wait3A_493, %dma_wait3A_494] : memref<8x64xi32, #tpu.memory_space<vmem>> -> memref<1x64xi32, #tpu.memory_space<vmem>>
          %dma_wait3A_496 = tpu.memref_squeeze %dma_wait3A_495 : memref<1x64xi32, #tpu.memory_space<vmem>> -> memref<64xi32, #tpu.memory_space<vmem>>
          %dma_wait3A_497 = arith.constant 0 : i32
          %dma_wait3A_498 = arith.constant 0 : i32
          %dma_wait3A_499 = tpu.memref_slice %arg15[%dma_wait3A_497, %dma_wait3A_498] : memref<10112x128xf32, #tpu.memory_space<vmem_shared>> -> memref<10112x128xf32, #tpu.memory_space<vmem_shared>>
          tpu.wait_indirect_dma semaphore(%arg23 : memref<!tpu.dma_semaphore, #tpu.memory_space<semaphore_mem>>) src(%arg14 : memref<64x128xf32, #tpu.memory_space<vmem>>) dst(%dma_wait3A_499 : memref<10112x128xf32, #tpu.memory_space<vmem_shared>>)
        } else {
        }
        %dma_start3A_486 = arith.constant 7 : i32
        %dma_start3A_487 = arith.constant 0 : i32
        %dma_start3A_488 = tpu.memref_slice %arg7[%dma_start3A_486, %dma_start3A_487] : memref<8x64xi32, #tpu.memory_space<vmem>> -> memref<1x64xi32, #tpu.memory_space<vmem>>
        %dma_start3A_489 = tpu.memref_squeeze %dma_start3A_488 : memref<1x64xi32, #tpu.memory_space<vmem>> -> memref<64xi32, #tpu.memory_space<vmem>>
        %dma_start3A_490 = arith.constant 0 : i32
        %dma_start3A_491 = arith.constant 0 : i32
        %dma_start3A_492 = tpu.memref_slice %arg2[%dma_start3A_490, %dma_start3A_491] : memref<10000x128xf32, #tpu.memory_space<hbm>> -> memref<10000x128xf32, #tpu.memory_space<hbm>>
        tpu.enqueue_indirect_dma source(%dma_start3A_492 : memref<10000x128xf32, #tpu.memory_space<hbm>>) target(%arg14 : memref<64x128xf32, #tpu.memory_space<vmem>>) offsets(%dma_start3A_489 : memref<64xi32, #tpu.memory_space<vmem>>) semaphore(%arg19 : memref<!tpu.dma_semaphore, #tpu.memory_space<semaphore_mem>>)
      } else {
      }
      %add3A_238 = arith.constant 6 : i32
      %add3A_239 = arith.addi %mul3A_92, %add3A_238 : i32
      %dma_wait3A_240 = arith.constant 0 : i32
      %dma_wait3A_241 = arith.constant 0 : i32
      %dma_wait3A_242 = tpu.memref_slice %arg7[%dma_wait3A_240, %dma_wait3A_241] : memref<8x64xi32, #tpu.memory_space<vmem>> -> memref<1x64xi32, #tpu.memory_space<vmem>>
      %dma_wait3A_243 = tpu.memref_squeeze %dma_wait3A_242 : memref<1x64xi32, #tpu.memory_space<vmem>> -> memref<64xi32, #tpu.memory_space<vmem>>
      %dma_wait3A_244 = arith.constant 0 : i32
      %dma_wait3A_245 = arith.constant 0 : i32
      %dma_wait3A_246 = tpu.memref_slice %arg2[%dma_wait3A_244, %dma_wait3A_245] : memref<10000x128xf32, #tpu.memory_space<hbm>> -> memref<10000x128xf32, #tpu.memory_space<hbm>>
      tpu.wait_indirect_dma semaphore(%arg18 : memref<!tpu.dma_semaphore, #tpu.memory_space<semaphore_mem>>) src(%dma_wait3A_246 : memref<10000x128xf32, #tpu.memory_space<hbm>>) dst(%arg13 : memref<64x128xf32, #tpu.memory_space<vmem>>)
      %dma_start3A_247 = arith.constant 6 : i32
      %dma_start3A_248 = arith.constant 0 : i32
      %dma_start3A_249 = tpu.memref_slice %arg9[%dma_start3A_247, %dma_start3A_248] : memref<8x64xi32, #tpu.memory_space<vmem>> -> memref<1x64xi32, #tpu.memory_space<vmem>>
      %dma_start3A_250 = tpu.memref_squeeze %dma_start3A_249 : memref<1x64xi32, #tpu.memory_space<vmem>> -> memref<64xi32, #tpu.memory_space<vmem>>
      %dma_start3A_251 = arith.constant 0 : i32
      %dma_start3A_252 = arith.constant 0 : i32
      %dma_start3A_253 = tpu.memref_slice %arg15[%dma_start3A_251, %dma_start3A_252] : memref<10112x128xf32, #tpu.memory_space<vmem_shared>> -> memref<10112x128xf32, #tpu.memory_space<vmem_shared>>
      tpu.enqueue_indirect_dma source(%arg13 : memref<64x128xf32, #tpu.memory_space<vmem>>) target(%dma_start3A_253 : memref<10112x128xf32, #tpu.memory_space<vmem_shared>>) offsets(%dma_start3A_250 : memref<64xi32, #tpu.memory_space<vmem>>) semaphore(%arg22 : memref<!tpu.dma_semaphore, #tpu.memory_space<semaphore_mem>>) {add = true}
      %add3A_254 = arith.constant 2 : i32
      %add3A_255 = arith.addi %add3A_239, %add3A_254 : i32
      %lt3A_256 = arith.constant 160 : i32
      %lt3A_257 = arith.cmpi slt, %add3A_255, %lt3A_256 : i32
      %convert_element_type3A_258 = arith.extui %lt3A_257 : i1 to i32
      %cond3A_259 = arith.constant 0 : i32
      %cond3A_260 = arith.cmpi ne, %convert_element_type3A_258, %cond3A_259 : i32
      scf.if %cond3A_260 {
        %ge3A_481 = arith.constant 2 : i32
        %ge3A_482 = arith.cmpi sge, %add3A_239, %ge3A_481 : i32
        %convert_element_type3A_483 = arith.extui %ge3A_482 : i1 to i32
        %cond3A_484 = arith.constant 0 : i32
        %cond3A_485 = arith.cmpi ne, %convert_element_type3A_483, %cond3A_484 : i32
        scf.if %cond3A_485 {
          %dma_wait3A_493 = arith.constant 0 : i32
          %dma_wait3A_494 = arith.constant 0 : i32
          %dma_wait3A_495 = tpu.memref_slice %arg9[%dma_wait3A_493, %dma_wait3A_494] : memref<8x64xi32, #tpu.memory_space<vmem>> -> memref<1x64xi32, #tpu.memory_space<vmem>>
          %dma_wait3A_496 = tpu.memref_squeeze %dma_wait3A_495 : memref<1x64xi32, #tpu.memory_space<vmem>> -> memref<64xi32, #tpu.memory_space<vmem>>
          %dma_wait3A_497 = arith.constant 0 : i32
          %dma_wait3A_498 = arith.constant 0 : i32
          %dma_wait3A_499 = tpu.memref_slice %arg15[%dma_wait3A_497, %dma_wait3A_498] : memref<10112x128xf32, #tpu.memory_space<vmem_shared>> -> memref<10112x128xf32, #tpu.memory_space<vmem_shared>>
          tpu.wait_indirect_dma semaphore(%arg20 : memref<!tpu.dma_semaphore, #tpu.memory_space<semaphore_mem>>) src(%arg11 : memref<64x128xf32, #tpu.memory_space<vmem>>) dst(%dma_wait3A_499 : memref<10112x128xf32, #tpu.memory_space<vmem_shared>>)
        } else {
        }
        tpu.wait_dma2 semaphore(%arg25 : memref<!tpu.dma_semaphore, #tpu.memory_space<semaphore_mem>>) src(%arg4 : memref<8x64xi32, #tpu.memory_space<hbm>>) dst(%arg8 : memref<8x64xi32, #tpu.memory_space<vmem>>)
        tpu.wait_dma2 semaphore(%arg25 : memref<!tpu.dma_semaphore, #tpu.memory_space<semaphore_mem>>) src(%arg5 : memref<8x64xi32, #tpu.memory_space<hbm>>) dst(%arg10 : memref<8x64xi32, #tpu.memory_space<vmem>>)
        %dma_start3A_486 = arith.constant 0 : i32
        %dma_start3A_487 = arith.constant 0 : i32
        %dma_start3A_488 = tpu.memref_slice %arg8[%dma_start3A_486, %dma_start3A_487] : memref<8x64xi32, #tpu.memory_space<vmem>> -> memref<1x64xi32, #tpu.memory_space<vmem>>
        %dma_start3A_489 = tpu.memref_squeeze %dma_start3A_488 : memref<1x64xi32, #tpu.memory_space<vmem>> -> memref<64xi32, #tpu.memory_space<vmem>>
        %dma_start3A_490 = arith.constant 0 : i32
        %dma_start3A_491 = arith.constant 0 : i32
        %dma_start3A_492 = tpu.memref_slice %arg2[%dma_start3A_490, %dma_start3A_491] : memref<10000x128xf32, #tpu.memory_space<hbm>> -> memref<10000x128xf32, #tpu.memory_space<hbm>>
        tpu.enqueue_indirect_dma source(%dma_start3A_492 : memref<10000x128xf32, #tpu.memory_space<hbm>>) target(%arg11 : memref<64x128xf32, #tpu.memory_space<vmem>>) offsets(%dma_start3A_489 : memref<64xi32, #tpu.memory_space<vmem>>) semaphore(%arg16 : memref<!tpu.dma_semaphore, #tpu.memory_space<semaphore_mem>>)
      } else {
      }
      %add3A_261 = arith.constant 7 : i32
      %add3A_262 = arith.addi %mul3A_92, %add3A_261 : i32
      %dma_wait3A_263 = arith.constant 0 : i32
      %dma_wait3A_264 = arith.constant 0 : i32
      %dma_wait3A_265 = tpu.memref_slice %arg7[%dma_wait3A_263, %dma_wait3A_264] : memref<8x64xi32, #tpu.memory_space<vmem>> -> memref<1x64xi32, #tpu.memory_space<vmem>>
      %dma_wait3A_266 = tpu.memref_squeeze %dma_wait3A_265 : memref<1x64xi32, #tpu.memory_space<vmem>> -> memref<64xi32, #tpu.memory_space<vmem>>
      %dma_wait3A_267 = arith.constant 0 : i32
      %dma_wait3A_268 = arith.constant 0 : i32
      %dma_wait3A_269 = tpu.memref_slice %arg2[%dma_wait3A_267, %dma_wait3A_268] : memref<10000x128xf32, #tpu.memory_space<hbm>> -> memref<10000x128xf32, #tpu.memory_space<hbm>>
      tpu.wait_indirect_dma semaphore(%arg19 : memref<!tpu.dma_semaphore, #tpu.memory_space<semaphore_mem>>) src(%dma_wait3A_269 : memref<10000x128xf32, #tpu.memory_space<hbm>>) dst(%arg14 : memref<64x128xf32, #tpu.memory_space<vmem>>)
      %dma_start3A_270 = arith.constant 7 : i32
      %dma_start3A_271 = arith.constant 0 : i32
      %dma_start3A_272 = tpu.memref_slice %arg9[%dma_start3A_270, %dma_start3A_271] : memref<8x64xi32, #tpu.memory_space<vmem>> -> memref<1x64xi32, #tpu.memory_space<vmem>>
      %dma_start3A_273 = tpu.memref_squeeze %dma_start3A_272 : memref<1x64xi32, #tpu.memory_space<vmem>> -> memref<64xi32, #tpu.memory_space<vmem>>
      %dma_start3A_274 = arith.constant 0 : i32
      %dma_start3A_275 = arith.constant 0 : i32
      %dma_start3A_276 = tpu.memref_slice %arg15[%dma_start3A_274, %dma_start3A_275] : memref<10112x128xf32, #tpu.memory_space<vmem_shared>> -> memref<10112x128xf32, #tpu.memory_space<vmem_shared>>
      tpu.enqueue_indirect_dma source(%arg14 : memref<64x128xf32, #tpu.memory_space<vmem>>) target(%dma_start3A_276 : memref<10112x128xf32, #tpu.memory_space<vmem_shared>>) offsets(%dma_start3A_273 : memref<64xi32, #tpu.memory_space<vmem>>) semaphore(%arg23 : memref<!tpu.dma_semaphore, #tpu.memory_space<semaphore_mem>>) {add = true}
      %add3A_277 = arith.constant 2 : i32
      %add3A_278 = arith.addi %add3A_262, %add3A_277 : i32
      %lt3A_279 = arith.constant 160 : i32
      %lt3A_280 = arith.cmpi slt, %add3A_278, %lt3A_279 : i32
      %convert_element_type3A_281 = arith.extui %lt3A_280 : i1 to i32
      %cond3A_282 = arith.constant 0 : i32
      %cond3A_283 = arith.cmpi ne, %convert_element_type3A_281, %cond3A_282 : i32
      scf.if %cond3A_283 {
        %ge3A_481 = arith.constant 2 : i32
        %ge3A_482 = arith.cmpi sge, %add3A_262, %ge3A_481 : i32
        %convert_element_type3A_483 = arith.extui %ge3A_482 : i1 to i32
        %cond3A_484 = arith.constant 0 : i32
        %cond3A_485 = arith.cmpi ne, %convert_element_type3A_483, %cond3A_484 : i32
        scf.if %cond3A_485 {
          %dma_wait3A_493 = arith.constant 0 : i32
          %dma_wait3A_494 = arith.constant 0 : i32
          %dma_wait3A_495 = tpu.memref_slice %arg9[%dma_wait3A_493, %dma_wait3A_494] : memref<8x64xi32, #tpu.memory_space<vmem>> -> memref<1x64xi32, #tpu.memory_space<vmem>>
          %dma_wait3A_496 = tpu.memref_squeeze %dma_wait3A_495 : memref<1x64xi32, #tpu.memory_space<vmem>> -> memref<64xi32, #tpu.memory_space<vmem>>
          %dma_wait3A_497 = arith.constant 0 : i32
          %dma_wait3A_498 = arith.constant 0 : i32
          %dma_wait3A_499 = tpu.memref_slice %arg15[%dma_wait3A_497, %dma_wait3A_498] : memref<10112x128xf32, #tpu.memory_space<vmem_shared>> -> memref<10112x128xf32, #tpu.memory_space<vmem_shared>>
          tpu.wait_indirect_dma semaphore(%arg21 : memref<!tpu.dma_semaphore, #tpu.memory_space<semaphore_mem>>) src(%arg12 : memref<64x128xf32, #tpu.memory_space<vmem>>) dst(%dma_wait3A_499 : memref<10112x128xf32, #tpu.memory_space<vmem_shared>>)
        } else {
        }
        %dma_start3A_486 = arith.constant 1 : i32
        %dma_start3A_487 = arith.constant 0 : i32
        %dma_start3A_488 = tpu.memref_slice %arg8[%dma_start3A_486, %dma_start3A_487] : memref<8x64xi32, #tpu.memory_space<vmem>> -> memref<1x64xi32, #tpu.memory_space<vmem>>
        %dma_start3A_489 = tpu.memref_squeeze %dma_start3A_488 : memref<1x64xi32, #tpu.memory_space<vmem>> -> memref<64xi32, #tpu.memory_space<vmem>>
        %dma_start3A_490 = arith.constant 0 : i32
        %dma_start3A_491 = arith.constant 0 : i32
        %dma_start3A_492 = tpu.memref_slice %arg2[%dma_start3A_490, %dma_start3A_491] : memref<10000x128xf32, #tpu.memory_space<hbm>> -> memref<10000x128xf32, #tpu.memory_space<hbm>>
        tpu.enqueue_indirect_dma source(%dma_start3A_492 : memref<10000x128xf32, #tpu.memory_space<hbm>>) target(%arg12 : memref<64x128xf32, #tpu.memory_space<vmem>>) offsets(%dma_start3A_489 : memref<64xi32, #tpu.memory_space<vmem>>) semaphore(%arg17 : memref<!tpu.dma_semaphore, #tpu.memory_space<semaphore_mem>>)
      } else {
      }
      %mul3A_284 = arith.constant 2 : i32
      %mul3A_285 = arith.muli %mul3A_284, %scan3A_86 : i32
      %add3A_286 = arith.constant 1 : i32
      %add3A_287 = arith.addi %mul3A_285, %add3A_286 : i32
      %mul3A_288 = arith.constant 8 : i32
      %mul3A_289 = arith.muli %add3A_287, %mul3A_288 : i32
      %add3A_290 = arith.constant 0 : i32
      %add3A_291 = arith.addi %mul3A_289, %add3A_290 : i32
      %dma_wait3A_292 = arith.constant 0 : i32
      %dma_wait3A_293 = arith.constant 0 : i32
      %dma_wait3A_294 = tpu.memref_slice %arg8[%dma_wait3A_292, %dma_wait3A_293] : memref<8x64xi32, #tpu.memory_space<vmem>> -> memref<1x64xi32, #tpu.memory_space<vmem>>
      %dma_wait3A_295 = tpu.memref_squeeze %dma_wait3A_294 : memref<1x64xi32, #tpu.memory_space<vmem>> -> memref<64xi32, #tpu.memory_space<vmem>>
      %dma_wait3A_296 = arith.constant 0 : i32
      %dma_wait3A_297 = arith.constant 0 : i32
      %dma_wait3A_298 = tpu.memref_slice %arg2[%dma_wait3A_296, %dma_wait3A_297] : memref<10000x128xf32, #tpu.memory_space<hbm>> -> memref<10000x128xf32, #tpu.memory_space<hbm>>
      tpu.wait_indirect_dma semaphore(%arg16 : memref<!tpu.dma_semaphore, #tpu.memory_space<semaphore_mem>>) src(%dma_wait3A_298 : memref<10000x128xf32, #tpu.memory_space<hbm>>) dst(%arg11 : memref<64x128xf32, #tpu.memory_space<vmem>>)
      %dma_start3A_299 = arith.constant 0 : i32
      %dma_start3A_300 = arith.constant 0 : i32
      %dma_start3A_301 = tpu.memref_slice %arg10[%dma_start3A_299, %dma_start3A_300] : memref<8x64xi32, #tpu.memory_space<vmem>> -> memref<1x64xi32, #tpu.memory_space<vmem>>
      %dma_start3A_302 = tpu.memref_squeeze %dma_start3A_301 : memref<1x64xi32, #tpu.memory_space<vmem>> -> memref<64xi32, #tpu.memory_space<vmem>>
      %dma_start3A_303 = arith.constant 0 : i32
      %dma_start3A_304 = arith.constant 0 : i32
      %dma_start3A_305 = tpu.memref_slice %arg15[%dma_start3A_303, %dma_start3A_304] : memref<10112x128xf32, #tpu.memory_space<vmem_shared>> -> memref<10112x128xf32, #tpu.memory_space<vmem_shared>>
      tpu.enqueue_indirect_dma source(%arg11 : memref<64x128xf32, #tpu.memory_space<vmem>>) target(%dma_start3A_305 : memref<10112x128xf32, #tpu.memory_space<vmem_shared>>) offsets(%dma_start3A_302 : memref<64xi32, #tpu.memory_space<vmem>>) semaphore(%arg20 : memref<!tpu.dma_semaphore, #tpu.memory_space<semaphore_mem>>) {add = true}
      %add3A_306 = arith.constant 2 : i32
      %add3A_307 = arith.addi %add3A_291, %add3A_306 : i32
      %lt3A_308 = arith.constant 160 : i32
      %lt3A_309 = arith.cmpi slt, %add3A_307, %lt3A_308 : i32
      %convert_element_type3A_310 = arith.extui %lt3A_309 : i1 to i32
      %cond3A_311 = arith.constant 0 : i32
      %cond3A_312 = arith.cmpi ne, %convert_element_type3A_310, %cond3A_311 : i32
      scf.if %cond3A_312 {
        %ge3A_481 = arith.constant 2 : i32
        %ge3A_482 = arith.cmpi sge, %add3A_291, %ge3A_481 : i32
        %convert_element_type3A_483 = arith.extui %ge3A_482 : i1 to i32
        %cond3A_484 = arith.constant 0 : i32
        %cond3A_485 = arith.cmpi ne, %convert_element_type3A_483, %cond3A_484 : i32
        scf.if %cond3A_485 {
          %dma_wait3A_493 = arith.constant 0 : i32
          %dma_wait3A_494 = arith.constant 0 : i32
          %dma_wait3A_495 = tpu.memref_slice %arg10[%dma_wait3A_493, %dma_wait3A_494] : memref<8x64xi32, #tpu.memory_space<vmem>> -> memref<1x64xi32, #tpu.memory_space<vmem>>
          %dma_wait3A_496 = tpu.memref_squeeze %dma_wait3A_495 : memref<1x64xi32, #tpu.memory_space<vmem>> -> memref<64xi32, #tpu.memory_space<vmem>>
          %dma_wait3A_497 = arith.constant 0 : i32
          %dma_wait3A_498 = arith.constant 0 : i32
          %dma_wait3A_499 = tpu.memref_slice %arg15[%dma_wait3A_497, %dma_wait3A_498] : memref<10112x128xf32, #tpu.memory_space<vmem_shared>> -> memref<10112x128xf32, #tpu.memory_space<vmem_shared>>
          tpu.wait_indirect_dma semaphore(%arg22 : memref<!tpu.dma_semaphore, #tpu.memory_space<semaphore_mem>>) src(%arg13 : memref<64x128xf32, #tpu.memory_space<vmem>>) dst(%dma_wait3A_499 : memref<10112x128xf32, #tpu.memory_space<vmem_shared>>)
        } else {
        }
        %dma_start3A_486 = arith.constant 2 : i32
        %dma_start3A_487 = arith.constant 0 : i32
        %dma_start3A_488 = tpu.memref_slice %arg8[%dma_start3A_486, %dma_start3A_487] : memref<8x64xi32, #tpu.memory_space<vmem>> -> memref<1x64xi32, #tpu.memory_space<vmem>>
        %dma_start3A_489 = tpu.memref_squeeze %dma_start3A_488 : memref<1x64xi32, #tpu.memory_space<vmem>> -> memref<64xi32, #tpu.memory_space<vmem>>
        %dma_start3A_490 = arith.constant 0 : i32
        %dma_start3A_491 = arith.constant 0 : i32
        %dma_start3A_492 = tpu.memref_slice %arg2[%dma_start3A_490, %dma_start3A_491] : memref<10000x128xf32, #tpu.memory_space<hbm>> -> memref<10000x128xf32, #tpu.memory_space<hbm>>
        tpu.enqueue_indirect_dma source(%dma_start3A_492 : memref<10000x128xf32, #tpu.memory_space<hbm>>) target(%arg13 : memref<64x128xf32, #tpu.memory_space<vmem>>) offsets(%dma_start3A_489 : memref<64xi32, #tpu.memory_space<vmem>>) semaphore(%arg18 : memref<!tpu.dma_semaphore, #tpu.memory_space<semaphore_mem>>)
      } else {
      }
      %add3A_313 = arith.constant 1 : i32
      %add3A_314 = arith.addi %mul3A_289, %add3A_313 : i32
      %dma_wait3A_315 = arith.constant 0 : i32
      %dma_wait3A_316 = arith.constant 0 : i32
      %dma_wait3A_317 = tpu.memref_slice %arg8[%dma_wait3A_315, %dma_wait3A_316] : memref<8x64xi32, #tpu.memory_space<vmem>> -> memref<1x64xi32, #tpu.memory_space<vmem>>
      %dma_wait3A_318 = tpu.memref_squeeze %dma_wait3A_317 : memref<1x64xi32, #tpu.memory_space<vmem>> -> memref<64xi32, #tpu.memory_space<vmem>>
      %dma_wait3A_319 = arith.constant 0 : i32
      %dma_wait3A_320 = arith.constant 0 : i32
      %dma_wait3A_321 = tpu.memref_slice %arg2[%dma_wait3A_319, %dma_wait3A_320] : memref<10000x128xf32, #tpu.memory_space<hbm>> -> memref<10000x128xf32, #tpu.memory_space<hbm>>
      tpu.wait_indirect_dma semaphore(%arg17 : memref<!tpu.dma_semaphore, #tpu.memory_space<semaphore_mem>>) src(%dma_wait3A_321 : memref<10000x128xf32, #tpu.memory_space<hbm>>) dst(%arg12 : memref<64x128xf32, #tpu.memory_space<vmem>>)
      %dma_start3A_322 = arith.constant 1 : i32
      %dma_start3A_323 = arith.constant 0 : i32
      %dma_start3A_324 = tpu.memref_slice %arg10[%dma_start3A_322, %dma_start3A_323] : memref<8x64xi32, #tpu.memory_space<vmem>> -> memref<1x64xi32, #tpu.memory_space<vmem>>
      %dma_start3A_325 = tpu.memref_squeeze %dma_start3A_324 : memref<1x64xi32, #tpu.memory_space<vmem>> -> memref<64xi32, #tpu.memory_space<vmem>>
      %dma_start3A_326 = arith.constant 0 : i32
      %dma_start3A_327 = arith.constant 0 : i32
      %dma_start3A_328 = tpu.memref_slice %arg15[%dma_start3A_326, %dma_start3A_327] : memref<10112x128xf32, #tpu.memory_space<vmem_shared>> -> memref<10112x128xf32, #tpu.memory_space<vmem_shared>>
      tpu.enqueue_indirect_dma source(%arg12 : memref<64x128xf32, #tpu.memory_space<vmem>>) target(%dma_start3A_328 : memref<10112x128xf32, #tpu.memory_space<vmem_shared>>) offsets(%dma_start3A_325 : memref<64xi32, #tpu.memory_space<vmem>>) semaphore(%arg21 : memref<!tpu.dma_semaphore, #tpu.memory_space<semaphore_mem>>) {add = true}
      %add3A_329 = arith.constant 2 : i32
      %add3A_330 = arith.addi %add3A_314, %add3A_329 : i32
      %lt3A_331 = arith.constant 160 : i32
      %lt3A_332 = arith.cmpi slt, %add3A_330, %lt3A_331 : i32
      %convert_element_type3A_333 = arith.extui %lt3A_332 : i1 to i32
      %cond3A_334 = arith.constant 0 : i32
      %cond3A_335 = arith.cmpi ne, %convert_element_type3A_333, %cond3A_334 : i32
      scf.if %cond3A_335 {
        %ge3A_481 = arith.constant 2 : i32
        %ge3A_482 = arith.cmpi sge, %add3A_314, %ge3A_481 : i32
        %convert_element_type3A_483 = arith.extui %ge3A_482 : i1 to i32
        %cond3A_484 = arith.constant 0 : i32
        %cond3A_485 = arith.cmpi ne, %convert_element_type3A_483, %cond3A_484 : i32
        scf.if %cond3A_485 {
          %dma_wait3A_493 = arith.constant 0 : i32
          %dma_wait3A_494 = arith.constant 0 : i32
          %dma_wait3A_495 = tpu.memref_slice %arg10[%dma_wait3A_493, %dma_wait3A_494] : memref<8x64xi32, #tpu.memory_space<vmem>> -> memref<1x64xi32, #tpu.memory_space<vmem>>
          %dma_wait3A_496 = tpu.memref_squeeze %dma_wait3A_495 : memref<1x64xi32, #tpu.memory_space<vmem>> -> memref<64xi32, #tpu.memory_space<vmem>>
          %dma_wait3A_497 = arith.constant 0 : i32
          %dma_wait3A_498 = arith.constant 0 : i32
          %dma_wait3A_499 = tpu.memref_slice %arg15[%dma_wait3A_497, %dma_wait3A_498] : memref<10112x128xf32, #tpu.memory_space<vmem_shared>> -> memref<10112x128xf32, #tpu.memory_space<vmem_shared>>
          tpu.wait_indirect_dma semaphore(%arg23 : memref<!tpu.dma_semaphore, #tpu.memory_space<semaphore_mem>>) src(%arg14 : memref<64x128xf32, #tpu.memory_space<vmem>>) dst(%dma_wait3A_499 : memref<10112x128xf32, #tpu.memory_space<vmem_shared>>)
        } else {
        }
        %dma_start3A_486 = arith.constant 3 : i32
        %dma_start3A_487 = arith.constant 0 : i32
        %dma_start3A_488 = tpu.memref_slice %arg8[%dma_start3A_486, %dma_start3A_487] : memref<8x64xi32, #tpu.memory_space<vmem>> -> memref<1x64xi32, #tpu.memory_space<vmem>>
        %dma_start3A_489 = tpu.memref_squeeze %dma_start3A_488 : memref<1x64xi32, #tpu.memory_space<vmem>> -> memref<64xi32, #tpu.memory_space<vmem>>
        %dma_start3A_490 = arith.constant 0 : i32
        %dma_start3A_491 = arith.constant 0 : i32
        %dma_start3A_492 = tpu.memref_slice %arg2[%dma_start3A_490, %dma_start3A_491] : memref<10000x128xf32, #tpu.memory_space<hbm>> -> memref<10000x128xf32, #tpu.memory_space<hbm>>
        tpu.enqueue_indirect_dma source(%dma_start3A_492 : memref<10000x128xf32, #tpu.memory_space<hbm>>) target(%arg14 : memref<64x128xf32, #tpu.memory_space<vmem>>) offsets(%dma_start3A_489 : memref<64xi32, #tpu.memory_space<vmem>>) semaphore(%arg19 : memref<!tpu.dma_semaphore, #tpu.memory_space<semaphore_mem>>)
      } else {
      }
      %add3A_336 = arith.constant 1 : i32
      %add3A_337 = arith.addi %add3A_287, %add3A_336 : i32
      %lt3A_338 = arith.constant 20 : i32
      %lt3A_339 = arith.cmpi slt, %add3A_337, %lt3A_338 : i32
      %convert_element_type3A_340 = arith.extui %lt3A_339 : i1 to i32
      %cond3A_341 = arith.constant 0 : i32
      %cond3A_342 = arith.cmpi ne, %convert_element_type3A_340, %cond3A_341 : i32
      scf.if %cond3A_342 {
        %mul3A_481 = arith.constant 160 : i32
        %mul3A_482 = arith.muli %add3A, %mul3A_481 : i32
        %add3A_483 = arith.constant 1 : i32
        %add3A_484 = arith.addi %add3A_287, %add3A_483 : i32
        %mul3A_485 = arith.constant 8 : i32
        %mul3A_486 = arith.muli %add3A_484, %mul3A_485 : i32
        %add3A_487 = arith.addi %mul3A_482, %mul3A_486 : i32
        %lt3A_488 = arith.constant 5000 : i32
        %lt3A_489 = arith.cmpi slt, %add3A_487, %lt3A_488 : i32
        %convert_element_type3A_490 = arith.extui %lt3A_489 : i1 to i32
        %cond3A_491 = arith.constant 0 : i32
        %cond3A_492 = arith.cmpi ne, %convert_element_type3A_490, %cond3A_491 : i32
        scf.if %cond3A_492 {
          %dma_start3A_498 = arith.constant 0 : i32
          %dma_start3A_499 = tpu.memref_slice %arg3[%add3A_487, %dma_start3A_498] : memref<10000x64xi32, #tpu.memory_space<hbm>> -> memref<8x64xi32, #tpu.memory_space<hbm>>
          %dma_start3A_500 = arith.constant 0 : i32
          %dma_start3A_501 = tpu.memref_slice %arg3[%add3A_487, %dma_start3A_500] : memref<10000x64xi32, #tpu.memory_space<hbm>> -> memref<8x64xi32, #tpu.memory_space<hbm>>
          tpu.enqueue_dma source(%dma_start3A_501 : memref<8x64xi32, #tpu.memory_space<hbm>>) target(%arg7 : memref<8x64xi32, #tpu.memory_space<vmem>>) target_semaphore(%arg24 : memref<!tpu.dma_semaphore, #tpu.memory_space<semaphore_mem>>)
          %add3A_502 = arith.constant 5000 : i32
          %add3A_503 = arith.addi %add3A_502, %add3A_487 : i32
          %dma_start3A_504 = arith.constant 0 : i32
          %dma_start3A_505 = tpu.memref_slice %arg3[%add3A_503, %dma_start3A_504] : memref<10000x64xi32, #tpu.memory_space<hbm>> -> memref<8x64xi32, #tpu.memory_space<hbm>>
          %dma_start3A_506 = arith.constant 0 : i32
          %dma_start3A_507 = tpu.memref_slice %arg3[%add3A_503, %dma_start3A_506] : memref<10000x64xi32, #tpu.memory_space<hbm>> -> memref<8x64xi32, #tpu.memory_space<hbm>>
          tpu.enqueue_dma source(%dma_start3A_507 : memref<8x64xi32, #tpu.memory_space<hbm>>) target(%arg9 : memref<8x64xi32, #tpu.memory_space<vmem>>) target_semaphore(%arg24 : memref<!tpu.dma_semaphore, #tpu.memory_space<semaphore_mem>>)
        } else {
        }
        %ge3A_493 = arith.constant 5000 : i32
        %ge3A_494 = arith.cmpi sge, %add3A_487, %ge3A_493 : i32
        %convert_element_type3A_495 = arith.extui %ge3A_494 : i1 to i32
        %cond3A_496 = arith.constant 0 : i32
        %cond3A_497 = arith.cmpi ne, %convert_element_type3A_495, %cond3A_496 : i32
        scf.if %cond3A_497 {
          tpu.enqueue_dma source(%arg4 : memref<8x64xi32, #tpu.memory_space<hbm>>) target(%arg7 : memref<8x64xi32, #tpu.memory_space<vmem>>) target_semaphore(%arg24 : memref<!tpu.dma_semaphore, #tpu.memory_space<semaphore_mem>>)
          tpu.enqueue_dma source(%arg5 : memref<8x64xi32, #tpu.memory_space<hbm>>) target(%arg9 : memref<8x64xi32, #tpu.memory_space<vmem>>) target_semaphore(%arg24 : memref<!tpu.dma_semaphore, #tpu.memory_space<semaphore_mem>>)
        } else {
        }
      } else {
      }
      %add3A_343 = arith.constant 2 : i32
      %add3A_344 = arith.addi %mul3A_289, %add3A_343 : i32
      %dma_wait3A_345 = arith.constant 0 : i32
      %dma_wait3A_346 = arith.constant 0 : i32
      %dma_wait3A_347 = tpu.memref_slice %arg8[%dma_wait3A_345, %dma_wait3A_346] : memref<8x64xi32, #tpu.memory_space<vmem>> -> memref<1x64xi32, #tpu.memory_space<vmem>>
      %dma_wait3A_348 = tpu.memref_squeeze %dma_wait3A_347 : memref<1x64xi32, #tpu.memory_space<vmem>> -> memref<64xi32, #tpu.memory_space<vmem>>
      %dma_wait3A_349 = arith.constant 0 : i32
      %dma_wait3A_350 = arith.constant 0 : i32
      %dma_wait3A_351 = tpu.memref_slice %arg2[%dma_wait3A_349, %dma_wait3A_350] : memref<10000x128xf32, #tpu.memory_space<hbm>> -> memref<10000x128xf32, #tpu.memory_space<hbm>>
      tpu.wait_indirect_dma semaphore(%arg18 : memref<!tpu.dma_semaphore, #tpu.memory_space<semaphore_mem>>) src(%dma_wait3A_351 : memref<10000x128xf32, #tpu.memory_space<hbm>>) dst(%arg13 : memref<64x128xf32, #tpu.memory_space<vmem>>)
      %dma_start3A_352 = arith.constant 2 : i32
      %dma_start3A_353 = arith.constant 0 : i32
      %dma_start3A_354 = tpu.memref_slice %arg10[%dma_start3A_352, %dma_start3A_353] : memref<8x64xi32, #tpu.memory_space<vmem>> -> memref<1x64xi32, #tpu.memory_space<vmem>>
      %dma_start3A_355 = tpu.memref_squeeze %dma_start3A_354 : memref<1x64xi32, #tpu.memory_space<vmem>> -> memref<64xi32, #tpu.memory_space<vmem>>
      %dma_start3A_356 = arith.constant 0 : i32
      %dma_start3A_357 = arith.constant 0 : i32
      %dma_start3A_358 = tpu.memref_slice %arg15[%dma_start3A_356, %dma_start3A_357] : memref<10112x128xf32, #tpu.memory_space<vmem_shared>> -> memref<10112x128xf32, #tpu.memory_space<vmem_shared>>
      tpu.enqueue_indirect_dma source(%arg13 : memref<64x128xf32, #tpu.memory_space<vmem>>) target(%dma_start3A_358 : memref<10112x128xf32, #tpu.memory_space<vmem_shared>>) offsets(%dma_start3A_355 : memref<64xi32, #tpu.memory_space<vmem>>) semaphore(%arg22 : memref<!tpu.dma_semaphore, #tpu.memory_space<semaphore_mem>>) {add = true}
      %add3A_359 = arith.constant 2 : i32
      %add3A_360 = arith.addi %add3A_344, %add3A_359 : i32
      %lt3A_361 = arith.constant 160 : i32
      %lt3A_362 = arith.cmpi slt, %add3A_360, %lt3A_361 : i32
      %convert_element_type3A_363 = arith.extui %lt3A_362 : i1 to i32
      %cond3A_364 = arith.constant 0 : i32
      %cond3A_365 = arith.cmpi ne, %convert_element_type3A_363, %cond3A_364 : i32
      scf.if %cond3A_365 {
        %ge3A_481 = arith.constant 2 : i32
        %ge3A_482 = arith.cmpi sge, %add3A_344, %ge3A_481 : i32
        %convert_element_type3A_483 = arith.extui %ge3A_482 : i1 to i32
        %cond3A_484 = arith.constant 0 : i32
        %cond3A_485 = arith.cmpi ne, %convert_element_type3A_483, %cond3A_484 : i32
        scf.if %cond3A_485 {
          %dma_wait3A_493 = arith.constant 0 : i32
          %dma_wait3A_494 = arith.constant 0 : i32
          %dma_wait3A_495 = tpu.memref_slice %arg10[%dma_wait3A_493, %dma_wait3A_494] : memref<8x64xi32, #tpu.memory_space<vmem>> -> memref<1x64xi32, #tpu.memory_space<vmem>>
          %dma_wait3A_496 = tpu.memref_squeeze %dma_wait3A_495 : memref<1x64xi32, #tpu.memory_space<vmem>> -> memref<64xi32, #tpu.memory_space<vmem>>
          %dma_wait3A_497 = arith.constant 0 : i32
          %dma_wait3A_498 = arith.constant 0 : i32
          %dma_wait3A_499 = tpu.memref_slice %arg15[%dma_wait3A_497, %dma_wait3A_498] : memref<10112x128xf32, #tpu.memory_space<vmem_shared>> -> memref<10112x128xf32, #tpu.memory_space<vmem_shared>>
          tpu.wait_indirect_dma semaphore(%arg20 : memref<!tpu.dma_semaphore, #tpu.memory_space<semaphore_mem>>) src(%arg11 : memref<64x128xf32, #tpu.memory_space<vmem>>) dst(%dma_wait3A_499 : memref<10112x128xf32, #tpu.memory_space<vmem_shared>>)
        } else {
        }
        %dma_start3A_486 = arith.constant 4 : i32
        %dma_start3A_487 = arith.constant 0 : i32
        %dma_start3A_488 = tpu.memref_slice %arg8[%dma_start3A_486, %dma_start3A_487] : memref<8x64xi32, #tpu.memory_space<vmem>> -> memref<1x64xi32, #tpu.memory_space<vmem>>
        %dma_start3A_489 = tpu.memref_squeeze %dma_start3A_488 : memref<1x64xi32, #tpu.memory_space<vmem>> -> memref<64xi32, #tpu.memory_space<vmem>>
        %dma_start3A_490 = arith.constant 0 : i32
        %dma_start3A_491 = arith.constant 0 : i32
        %dma_start3A_492 = tpu.memref_slice %arg2[%dma_start3A_490, %dma_start3A_491] : memref<10000x128xf32, #tpu.memory_space<hbm>> -> memref<10000x128xf32, #tpu.memory_space<hbm>>
        tpu.enqueue_indirect_dma source(%dma_start3A_492 : memref<10000x128xf32, #tpu.memory_space<hbm>>) target(%arg11 : memref<64x128xf32, #tpu.memory_space<vmem>>) offsets(%dma_start3A_489 : memref<64xi32, #tpu.memory_space<vmem>>) semaphore(%arg16 : memref<!tpu.dma_semaphore, #tpu.memory_space<semaphore_mem>>)
      } else {
      }
      %add3A_366 = arith.constant 3 : i32
      %add3A_367 = arith.addi %mul3A_289, %add3A_366 : i32
      %dma_wait3A_368 = arith.constant 0 : i32
      %dma_wait3A_369 = arith.constant 0 : i32
      %dma_wait3A_370 = tpu.memref_slice %arg8[%dma_wait3A_368, %dma_wait3A_369] : memref<8x64xi32, #tpu.memory_space<vmem>> -> memref<1x64xi32, #tpu.memory_space<vmem>>
      %dma_wait3A_371 = tpu.memref_squeeze %dma_wait3A_370 : memref<1x64xi32, #tpu.memory_space<vmem>> -> memref<64xi32, #tpu.memory_space<vmem>>
      %dma_wait3A_372 = arith.constant 0 : i32
      %dma_wait3A_373 = arith.constant 0 : i32
      %dma_wait3A_374 = tpu.memref_slice %arg2[%dma_wait3A_372, %dma_wait3A_373] : memref<10000x128xf32, #tpu.memory_space<hbm>> -> memref<10000x128xf32, #tpu.memory_space<hbm>>
      tpu.wait_indirect_dma semaphore(%arg19 : memref<!tpu.dma_semaphore, #tpu.memory_space<semaphore_mem>>) src(%dma_wait3A_374 : memref<10000x128xf32, #tpu.memory_space<hbm>>) dst(%arg14 : memref<64x128xf32, #tpu.memory_space<vmem>>)
      %dma_start3A_375 = arith.constant 3 : i32
      %dma_start3A_376 = arith.constant 0 : i32
      %dma_start3A_377 = tpu.memref_slice %arg10[%dma_start3A_375, %dma_start3A_376] : memref<8x64xi32, #tpu.memory_space<vmem>> -> memref<1x64xi32, #tpu.memory_space<vmem>>
      %dma_start3A_378 = tpu.memref_squeeze %dma_start3A_377 : memref<1x64xi32, #tpu.memory_space<vmem>> -> memref<64xi32, #tpu.memory_space<vmem>>
      %dma_start3A_379 = arith.constant 0 : i32
      %dma_start3A_380 = arith.constant 0 : i32
      %dma_start3A_381 = tpu.memref_slice %arg15[%dma_start3A_379, %dma_start3A_380] : memref<10112x128xf32, #tpu.memory_space<vmem_shared>> -> memref<10112x128xf32, #tpu.memory_space<vmem_shared>>
      tpu.enqueue_indirect_dma source(%arg14 : memref<64x128xf32, #tpu.memory_space<vmem>>) target(%dma_start3A_381 : memref<10112x128xf32, #tpu.memory_space<vmem_shared>>) offsets(%dma_start3A_378 : memref<64xi32, #tpu.memory_space<vmem>>) semaphore(%arg23 : memref<!tpu.dma_semaphore, #tpu.memory_space<semaphore_mem>>) {add = true}
      %add3A_382 = arith.constant 2 : i32
      %add3A_383 = arith.addi %add3A_367, %add3A_382 : i32
      %lt3A_384 = arith.constant 160 : i32
      %lt3A_385 = arith.cmpi slt, %add3A_383, %lt3A_384 : i32
      %convert_element_type3A_386 = arith.extui %lt3A_385 : i1 to i32
      %cond3A_387 = arith.constant 0 : i32
      %cond3A_388 = arith.cmpi ne, %convert_element_type3A_386, %cond3A_387 : i32
      scf.if %cond3A_388 {
        %ge3A_481 = arith.constant 2 : i32
        %ge3A_482 = arith.cmpi sge, %add3A_367, %ge3A_481 : i32
        %convert_element_type3A_483 = arith.extui %ge3A_482 : i1 to i32
        %cond3A_484 = arith.constant 0 : i32
        %cond3A_485 = arith.cmpi ne, %convert_element_type3A_483, %cond3A_484 : i32
        scf.if %cond3A_485 {
          %dma_wait3A_493 = arith.constant 0 : i32
          %dma_wait3A_494 = arith.constant 0 : i32
          %dma_wait3A_495 = tpu.memref_slice %arg10[%dma_wait3A_493, %dma_wait3A_494] : memref<8x64xi32, #tpu.memory_space<vmem>> -> memref<1x64xi32, #tpu.memory_space<vmem>>
          %dma_wait3A_496 = tpu.memref_squeeze %dma_wait3A_495 : memref<1x64xi32, #tpu.memory_space<vmem>> -> memref<64xi32, #tpu.memory_space<vmem>>
          %dma_wait3A_497 = arith.constant 0 : i32
          %dma_wait3A_498 = arith.constant 0 : i32
          %dma_wait3A_499 = tpu.memref_slice %arg15[%dma_wait3A_497, %dma_wait3A_498] : memref<10112x128xf32, #tpu.memory_space<vmem_shared>> -> memref<10112x128xf32, #tpu.memory_space<vmem_shared>>
          tpu.wait_indirect_dma semaphore(%arg21 : memref<!tpu.dma_semaphore, #tpu.memory_space<semaphore_mem>>) src(%arg12 : memref<64x128xf32, #tpu.memory_space<vmem>>) dst(%dma_wait3A_499 : memref<10112x128xf32, #tpu.memory_space<vmem_shared>>)
        } else {
        }
        %dma_start3A_486 = arith.constant 5 : i32
        %dma_start3A_487 = arith.constant 0 : i32
        %dma_start3A_488 = tpu.memref_slice %arg8[%dma_start3A_486, %dma_start3A_487] : memref<8x64xi32, #tpu.memory_space<vmem>> -> memref<1x64xi32, #tpu.memory_space<vmem>>
        %dma_start3A_489 = tpu.memref_squeeze %dma_start3A_488 : memref<1x64xi32, #tpu.memory_space<vmem>> -> memref<64xi32, #tpu.memory_space<vmem>>
        %dma_start3A_490 = arith.constant 0 : i32
        %dma_start3A_491 = arith.constant 0 : i32
        %dma_start3A_492 = tpu.memref_slice %arg2[%dma_start3A_490, %dma_start3A_491] : memref<10000x128xf32, #tpu.memory_space<hbm>> -> memref<10000x128xf32, #tpu.memory_space<hbm>>
        tpu.enqueue_indirect_dma source(%dma_start3A_492 : memref<10000x128xf32, #tpu.memory_space<hbm>>) target(%arg12 : memref<64x128xf32, #tpu.memory_space<vmem>>) offsets(%dma_start3A_489 : memref<64xi32, #tpu.memory_space<vmem>>) semaphore(%arg17 : memref<!tpu.dma_semaphore, #tpu.memory_space<semaphore_mem>>)
      } else {
      }
      %add3A_389 = arith.constant 4 : i32
      %add3A_390 = arith.addi %mul3A_289, %add3A_389 : i32
      %dma_wait3A_391 = arith.constant 0 : i32
      %dma_wait3A_392 = arith.constant 0 : i32
      %dma_wait3A_393 = tpu.memref_slice %arg8[%dma_wait3A_391, %dma_wait3A_392] : memref<8x64xi32, #tpu.memory_space<vmem>> -> memref<1x64xi32, #tpu.memory_space<vmem>>
      %dma_wait3A_394 = tpu.memref_squeeze %dma_wait3A_393 : memref<1x64xi32, #tpu.memory_space<vmem>> -> memref<64xi32, #tpu.memory_space<vmem>>
      %dma_wait3A_395 = arith.constant 0 : i32
      %dma_wait3A_396 = arith.constant 0 : i32
      %dma_wait3A_397 = tpu.memref_slice %arg2[%dma_wait3A_395, %dma_wait3A_396] : memref<10000x128xf32, #tpu.memory_space<hbm>> -> memref<10000x128xf32, #tpu.memory_space<hbm>>
      tpu.wait_indirect_dma semaphore(%arg16 : memref<!tpu.dma_semaphore, #tpu.memory_space<semaphore_mem>>) src(%dma_wait3A_397 : memref<10000x128xf32, #tpu.memory_space<hbm>>) dst(%arg11 : memref<64x128xf32, #tpu.memory_space<vmem>>)
      %dma_start3A_398 = arith.constant 4 : i32
      %dma_start3A_399 = arith.constant 0 : i32
      %dma_start3A_400 = tpu.memref_slice %arg10[%dma_start3A_398, %dma_start3A_399] : memref<8x64xi32, #tpu.memory_space<vmem>> -> memref<1x64xi32, #tpu.memory_space<vmem>>
      %dma_start3A_401 = tpu.memref_squeeze %dma_start3A_400 : memref<1x64xi32, #tpu.memory_space<vmem>> -> memref<64xi32, #tpu.memory_space<vmem>>
      %dma_start3A_402 = arith.constant 0 : i32
      %dma_start3A_403 = arith.constant 0 : i32
      %dma_start3A_404 = tpu.memref_slice %arg15[%dma_start3A_402, %dma_start3A_403] : memref<10112x128xf32, #tpu.memory_space<vmem_shared>> -> memref<10112x128xf32, #tpu.memory_space<vmem_shared>>
      tpu.enqueue_indirect_dma source(%arg11 : memref<64x128xf32, #tpu.memory_space<vmem>>) target(%dma_start3A_404 : memref<10112x128xf32, #tpu.memory_space<vmem_shared>>) offsets(%dma_start3A_401 : memref<64xi32, #tpu.memory_space<vmem>>) semaphore(%arg20 : memref<!tpu.dma_semaphore, #tpu.memory_space<semaphore_mem>>) {add = true}
      %add3A_405 = arith.constant 2 : i32
      %add3A_406 = arith.addi %add3A_390, %add3A_405 : i32
      %lt3A_407 = arith.constant 160 : i32
      %lt3A_408 = arith.cmpi slt, %add3A_406, %lt3A_407 : i32
      %convert_element_type3A_409 = arith.extui %lt3A_408 : i1 to i32
      %cond3A_410 = arith.constant 0 : i32
      %cond3A_411 = arith.cmpi ne, %convert_element_type3A_409, %cond3A_410 : i32
      scf.if %cond3A_411 {
        %ge3A_481 = arith.constant 2 : i32
        %ge3A_482 = arith.cmpi sge, %add3A_390, %ge3A_481 : i32
        %convert_element_type3A_483 = arith.extui %ge3A_482 : i1 to i32
        %cond3A_484 = arith.constant 0 : i32
        %cond3A_485 = arith.cmpi ne, %convert_element_type3A_483, %cond3A_484 : i32
        scf.if %cond3A_485 {
          %dma_wait3A_493 = arith.constant 0 : i32
          %dma_wait3A_494 = arith.constant 0 : i32
          %dma_wait3A_495 = tpu.memref_slice %arg10[%dma_wait3A_493, %dma_wait3A_494] : memref<8x64xi32, #tpu.memory_space<vmem>> -> memref<1x64xi32, #tpu.memory_space<vmem>>
          %dma_wait3A_496 = tpu.memref_squeeze %dma_wait3A_495 : memref<1x64xi32, #tpu.memory_space<vmem>> -> memref<64xi32, #tpu.memory_space<vmem>>
          %dma_wait3A_497 = arith.constant 0 : i32
          %dma_wait3A_498 = arith.constant 0 : i32
          %dma_wait3A_499 = tpu.memref_slice %arg15[%dma_wait3A_497, %dma_wait3A_498] : memref<10112x128xf32, #tpu.memory_space<vmem_shared>> -> memref<10112x128xf32, #tpu.memory_space<vmem_shared>>
          tpu.wait_indirect_dma semaphore(%arg22 : memref<!tpu.dma_semaphore, #tpu.memory_space<semaphore_mem>>) src(%arg13 : memref<64x128xf32, #tpu.memory_space<vmem>>) dst(%dma_wait3A_499 : memref<10112x128xf32, #tpu.memory_space<vmem_shared>>)
        } else {
        }
        %dma_start3A_486 = arith.constant 6 : i32
        %dma_start3A_487 = arith.constant 0 : i32
        %dma_start3A_488 = tpu.memref_slice %arg8[%dma_start3A_486, %dma_start3A_487] : memref<8x64xi32, #tpu.memory_space<vmem>> -> memref<1x64xi32, #tpu.memory_space<vmem>>
        %dma_start3A_489 = tpu.memref_squeeze %dma_start3A_488 : memref<1x64xi32, #tpu.memory_space<vmem>> -> memref<64xi32, #tpu.memory_space<vmem>>
        %dma_start3A_490 = arith.constant 0 : i32
        %dma_start3A_491 = arith.constant 0 : i32
        %dma_start3A_492 = tpu.memref_slice %arg2[%dma_start3A_490, %dma_start3A_491] : memref<10000x128xf32, #tpu.memory_space<hbm>> -> memref<10000x128xf32, #tpu.memory_space<hbm>>
        tpu.enqueue_indirect_dma source(%dma_start3A_492 : memref<10000x128xf32, #tpu.memory_space<hbm>>) target(%arg13 : memref<64x128xf32, #tpu.memory_space<vmem>>) offsets(%dma_start3A_489 : memref<64xi32, #tpu.memory_space<vmem>>) semaphore(%arg18 : memref<!tpu.dma_semaphore, #tpu.memory_space<semaphore_mem>>)
      } else {
      }
      %add3A_412 = arith.constant 5 : i32
      %add3A_413 = arith.addi %mul3A_289, %add3A_412 : i32
      %dma_wait3A_414 = arith.constant 0 : i32
      %dma_wait3A_415 = arith.constant 0 : i32
      %dma_wait3A_416 = tpu.memref_slice %arg8[%dma_wait3A_414, %dma_wait3A_415] : memref<8x64xi32, #tpu.memory_space<vmem>> -> memref<1x64xi32, #tpu.memory_space<vmem>>
      %dma_wait3A_417 = tpu.memref_squeeze %dma_wait3A_416 : memref<1x64xi32, #tpu.memory_space<vmem>> -> memref<64xi32, #tpu.memory_space<vmem>>
      %dma_wait3A_418 = arith.constant 0 : i32
      %dma_wait3A_419 = arith.constant 0 : i32
      %dma_wait3A_420 = tpu.memref_slice %arg2[%dma_wait3A_418, %dma_wait3A_419] : memref<10000x128xf32, #tpu.memory_space<hbm>> -> memref<10000x128xf32, #tpu.memory_space<hbm>>
      tpu.wait_indirect_dma semaphore(%arg17 : memref<!tpu.dma_semaphore, #tpu.memory_space<semaphore_mem>>) src(%dma_wait3A_420 : memref<10000x128xf32, #tpu.memory_space<hbm>>) dst(%arg12 : memref<64x128xf32, #tpu.memory_space<vmem>>)
      %dma_start3A_421 = arith.constant 5 : i32
      %dma_start3A_422 = arith.constant 0 : i32
      %dma_start3A_423 = tpu.memref_slice %arg10[%dma_start3A_421, %dma_start3A_422] : memref<8x64xi32, #tpu.memory_space<vmem>> -> memref<1x64xi32, #tpu.memory_space<vmem>>
      %dma_start3A_424 = tpu.memref_squeeze %dma_start3A_423 : memref<1x64xi32, #tpu.memory_space<vmem>> -> memref<64xi32, #tpu.memory_space<vmem>>
      %dma_start3A_425 = arith.constant 0 : i32
      %dma_start3A_426 = arith.constant 0 : i32
      %dma_start3A_427 = tpu.memref_slice %arg15[%dma_start3A_425, %dma_start3A_426] : memref<10112x128xf32, #tpu.memory_space<vmem_shared>> -> memref<10112x128xf32, #tpu.memory_space<vmem_shared>>
      tpu.enqueue_indirect_dma source(%arg12 : memref<64x128xf32, #tpu.memory_space<vmem>>) target(%dma_start3A_427 : memref<10112x128xf32, #tpu.memory_space<vmem_shared>>) offsets(%dma_start3A_424 : memref<64xi32, #tpu.memory_space<vmem>>) semaphore(%arg21 : memref<!tpu.dma_semaphore, #tpu.memory_space<semaphore_mem>>) {add = true}
      %add3A_428 = arith.constant 2 : i32
      %add3A_429 = arith.addi %add3A_413, %add3A_428 : i32
      %lt3A_430 = arith.constant 160 : i32
      %lt3A_431 = arith.cmpi slt, %add3A_429, %lt3A_430 : i32
      %convert_element_type3A_432 = arith.extui %lt3A_431 : i1 to i32
      %cond3A_433 = arith.constant 0 : i32
      %cond3A_434 = arith.cmpi ne, %convert_element_type3A_432, %cond3A_433 : i32
      scf.if %cond3A_434 {
        %ge3A_481 = arith.constant 2 : i32
        %ge3A_482 = arith.cmpi sge, %add3A_413, %ge3A_481 : i32
        %convert_element_type3A_483 = arith.extui %ge3A_482 : i1 to i32
        %cond3A_484 = arith.constant 0 : i32
        %cond3A_485 = arith.cmpi ne, %convert_element_type3A_483, %cond3A_484 : i32
        scf.if %cond3A_485 {
          %dma_wait3A_493 = arith.constant 0 : i32
          %dma_wait3A_494 = arith.constant 0 : i32
          %dma_wait3A_495 = tpu.memref_slice %arg10[%dma_wait3A_493, %dma_wait3A_494] : memref<8x64xi32, #tpu.memory_space<vmem>> -> memref<1x64xi32, #tpu.memory_space<vmem>>
          %dma_wait3A_496 = tpu.memref_squeeze %dma_wait3A_495 : memref<1x64xi32, #tpu.memory_space<vmem>> -> memref<64xi32, #tpu.memory_space<vmem>>
          %dma_wait3A_497 = arith.constant 0 : i32
          %dma_wait3A_498 = arith.constant 0 : i32
          %dma_wait3A_499 = tpu.memref_slice %arg15[%dma_wait3A_497, %dma_wait3A_498] : memref<10112x128xf32, #tpu.memory_space<vmem_shared>> -> memref<10112x128xf32, #tpu.memory_space<vmem_shared>>
          tpu.wait_indirect_dma semaphore(%arg23 : memref<!tpu.dma_semaphore, #tpu.memory_space<semaphore_mem>>) src(%arg14 : memref<64x128xf32, #tpu.memory_space<vmem>>) dst(%dma_wait3A_499 : memref<10112x128xf32, #tpu.memory_space<vmem_shared>>)
        } else {
        }
        %dma_start3A_486 = arith.constant 7 : i32
        %dma_start3A_487 = arith.constant 0 : i32
        %dma_start3A_488 = tpu.memref_slice %arg8[%dma_start3A_486, %dma_start3A_487] : memref<8x64xi32, #tpu.memory_space<vmem>> -> memref<1x64xi32, #tpu.memory_space<vmem>>
        %dma_start3A_489 = tpu.memref_squeeze %dma_start3A_488 : memref<1x64xi32, #tpu.memory_space<vmem>> -> memref<64xi32, #tpu.memory_space<vmem>>
        %dma_start3A_490 = arith.constant 0 : i32
        %dma_start3A_491 = arith.constant 0 : i32
        %dma_start3A_492 = tpu.memref_slice %arg2[%dma_start3A_490, %dma_start3A_491] : memref<10000x128xf32, #tpu.memory_space<hbm>> -> memref<10000x128xf32, #tpu.memory_space<hbm>>
        tpu.enqueue_indirect_dma source(%dma_start3A_492 : memref<10000x128xf32, #tpu.memory_space<hbm>>) target(%arg14 : memref<64x128xf32, #tpu.memory_space<vmem>>) offsets(%dma_start3A_489 : memref<64xi32, #tpu.memory_space<vmem>>) semaphore(%arg19 : memref<!tpu.dma_semaphore, #tpu.memory_space<semaphore_mem>>)
      } else {
      }
      %add3A_435 = arith.constant 6 : i32
      %add3A_436 = arith.addi %mul3A_289, %add3A_435 : i32
      %dma_wait3A_437 = arith.constant 0 : i32
      %dma_wait3A_438 = arith.constant 0 : i32
      %dma_wait3A_439 = tpu.memref_slice %arg8[%dma_wait3A_437, %dma_wait3A_438] : memref<8x64xi32, #tpu.memory_space<vmem>> -> memref<1x64xi32, #tpu.memory_space<vmem>>
      %dma_wait3A_440 = tpu.memref_squeeze %dma_wait3A_439 : memref<1x64xi32, #tpu.memory_space<vmem>> -> memref<64xi32, #tpu.memory_space<vmem>>
      %dma_wait3A_441 = arith.constant 0 : i32
      %dma_wait3A_442 = arith.constant 0 : i32
      %dma_wait3A_443 = tpu.memref_slice %arg2[%dma_wait3A_441, %dma_wait3A_442] : memref<10000x128xf32, #tpu.memory_space<hbm>> -> memref<10000x128xf32, #tpu.memory_space<hbm>>
      tpu.wait_indirect_dma semaphore(%arg18 : memref<!tpu.dma_semaphore, #tpu.memory_space<semaphore_mem>>) src(%dma_wait3A_443 : memref<10000x128xf32, #tpu.memory_space<hbm>>) dst(%arg13 : memref<64x128xf32, #tpu.memory_space<vmem>>)
      %dma_start3A_444 = arith.constant 6 : i32
      %dma_start3A_445 = arith.constant 0 : i32
      %dma_start3A_446 = tpu.memref_slice %arg10[%dma_start3A_444, %dma_start3A_445] : memref<8x64xi32, #tpu.memory_space<vmem>> -> memref<1x64xi32, #tpu.memory_space<vmem>>
      %dma_start3A_447 = tpu.memref_squeeze %dma_start3A_446 : memref<1x64xi32, #tpu.memory_space<vmem>> -> memref<64xi32, #tpu.memory_space<vmem>>
      %dma_start3A_448 = arith.constant 0 : i32
      %dma_start3A_449 = arith.constant 0 : i32
      %dma_start3A_450 = tpu.memref_slice %arg15[%dma_start3A_448, %dma_start3A_449] : memref<10112x128xf32, #tpu.memory_space<vmem_shared>> -> memref<10112x128xf32, #tpu.memory_space<vmem_shared>>
      tpu.enqueue_indirect_dma source(%arg13 : memref<64x128xf32, #tpu.memory_space<vmem>>) target(%dma_start3A_450 : memref<10112x128xf32, #tpu.memory_space<vmem_shared>>) offsets(%dma_start3A_447 : memref<64xi32, #tpu.memory_space<vmem>>) semaphore(%arg22 : memref<!tpu.dma_semaphore, #tpu.memory_space<semaphore_mem>>) {add = true}
      %add3A_451 = arith.constant 2 : i32
      %add3A_452 = arith.addi %add3A_436, %add3A_451 : i32
      %lt3A_453 = arith.constant 160 : i32
      %lt3A_454 = arith.cmpi slt, %add3A_452, %lt3A_453 : i32
      %convert_element_type3A_455 = arith.extui %lt3A_454 : i1 to i32
      %cond3A_456 = arith.constant 0 : i32
      %cond3A_457 = arith.cmpi ne, %convert_element_type3A_455, %cond3A_456 : i32
      scf.if %cond3A_457 {
        %ge3A_481 = arith.constant 2 : i32
        %ge3A_482 = arith.cmpi sge, %add3A_436, %ge3A_481 : i32
        %convert_element_type3A_483 = arith.extui %ge3A_482 : i1 to i32
        %cond3A_484 = arith.constant 0 : i32
        %cond3A_485 = arith.cmpi ne, %convert_element_type3A_483, %cond3A_484 : i32
        scf.if %cond3A_485 {
          %dma_wait3A_493 = arith.constant 0 : i32
          %dma_wait3A_494 = arith.constant 0 : i32
          %dma_wait3A_495 = tpu.memref_slice %arg10[%dma_wait3A_493, %dma_wait3A_494] : memref<8x64xi32, #tpu.memory_space<vmem>> -> memref<1x64xi32, #tpu.memory_space<vmem>>
          %dma_wait3A_496 = tpu.memref_squeeze %dma_wait3A_495 : memref<1x64xi32, #tpu.memory_space<vmem>> -> memref<64xi32, #tpu.memory_space<vmem>>
          %dma_wait3A_497 = arith.constant 0 : i32
          %dma_wait3A_498 = arith.constant 0 : i32
          %dma_wait3A_499 = tpu.memref_slice %arg15[%dma_wait3A_497, %dma_wait3A_498] : memref<10112x128xf32, #tpu.memory_space<vmem_shared>> -> memref<10112x128xf32, #tpu.memory_space<vmem_shared>>
          tpu.wait_indirect_dma semaphore(%arg20 : memref<!tpu.dma_semaphore, #tpu.memory_space<semaphore_mem>>) src(%arg11 : memref<64x128xf32, #tpu.memory_space<vmem>>) dst(%dma_wait3A_499 : memref<10112x128xf32, #tpu.memory_space<vmem_shared>>)
        } else {
        }
        tpu.wait_dma2 semaphore(%arg24 : memref<!tpu.dma_semaphore, #tpu.memory_space<semaphore_mem>>) src(%arg4 : memref<8x64xi32, #tpu.memory_space<hbm>>) dst(%arg7 : memref<8x64xi32, #tpu.memory_space<vmem>>)
        tpu.wait_dma2 semaphore(%arg24 : memref<!tpu.dma_semaphore, #tpu.memory_space<semaphore_mem>>) src(%arg5 : memref<8x64xi32, #tpu.memory_space<hbm>>) dst(%arg9 : memref<8x64xi32, #tpu.memory_space<vmem>>)
        %dma_start3A_486 = arith.constant 0 : i32
        %dma_start3A_487 = arith.constant 0 : i32
        %dma_start3A_488 = tpu.memref_slice %arg7[%dma_start3A_486, %dma_start3A_487] : memref<8x64xi32, #tpu.memory_space<vmem>> -> memref<1x64xi32, #tpu.memory_space<vmem>>
        %dma_start3A_489 = tpu.memref_squeeze %dma_start3A_488 : memref<1x64xi32, #tpu.memory_space<vmem>> -> memref<64xi32, #tpu.memory_space<vmem>>
        %dma_start3A_490 = arith.constant 0 : i32
        %dma_start3A_491 = arith.constant 0 : i32
        %dma_start3A_492 = tpu.memref_slice %arg2[%dma_start3A_490, %dma_start3A_491] : memref<10000x128xf32, #tpu.memory_space<hbm>> -> memref<10000x128xf32, #tpu.memory_space<hbm>>
        tpu.enqueue_indirect_dma source(%dma_start3A_492 : memref<10000x128xf32, #tpu.memory_space<hbm>>) target(%arg11 : memref<64x128xf32, #tpu.memory_space<vmem>>) offsets(%dma_start3A_489 : memref<64xi32, #tpu.memory_space<vmem>>) semaphore(%arg16 : memref<!tpu.dma_semaphore, #tpu.memory_space<semaphore_mem>>)
      } else {
      }
      %add3A_458 = arith.constant 7 : i32
      %add3A_459 = arith.addi %mul3A_289, %add3A_458 : i32
      %dma_wait3A_460 = arith.constant 0 : i32
      %dma_wait3A_461 = arith.constant 0 : i32
      %dma_wait3A_462 = tpu.memref_slice %arg8[%dma_wait3A_460, %dma_wait3A_461] : memref<8x64xi32, #tpu.memory_space<vmem>> -> memref<1x64xi32, #tpu.memory_space<vmem>>
      %dma_wait3A_463 = tpu.memref_squeeze %dma_wait3A_462 : memref<1x64xi32, #tpu.memory_space<vmem>> -> memref<64xi32, #tpu.memory_space<vmem>>
      %dma_wait3A_464 = arith.constant 0 : i32
      %dma_wait3A_465 = arith.constant 0 : i32
      %dma_wait3A_466 = tpu.memref_slice %arg2[%dma_wait3A_464, %dma_wait3A_465] : memref<10000x128xf32, #tpu.memory_space<hbm>> -> memref<10000x128xf32, #tpu.memory_space<hbm>>
      tpu.wait_indirect_dma semaphore(%arg19 : memref<!tpu.dma_semaphore, #tpu.memory_space<semaphore_mem>>) src(%dma_wait3A_466 : memref<10000x128xf32, #tpu.memory_space<hbm>>) dst(%arg14 : memref<64x128xf32, #tpu.memory_space<vmem>>)
      %dma_start3A_467 = arith.constant 7 : i32
      %dma_start3A_468 = arith.constant 0 : i32
      %dma_start3A_469 = tpu.memref_slice %arg10[%dma_start3A_467, %dma_start3A_468] : memref<8x64xi32, #tpu.memory_space<vmem>> -> memref<1x64xi32, #tpu.memory_space<vmem>>
      %dma_start3A_470 = tpu.memref_squeeze %dma_start3A_469 : memref<1x64xi32, #tpu.memory_space<vmem>> -> memref<64xi32, #tpu.memory_space<vmem>>
      %dma_start3A_471 = arith.constant 0 : i32
      %dma_start3A_472 = arith.constant 0 : i32
      %dma_start3A_473 = tpu.memref_slice %arg15[%dma_start3A_471, %dma_start3A_472] : memref<10112x128xf32, #tpu.memory_space<vmem_shared>> -> memref<10112x128xf32, #tpu.memory_space<vmem_shared>>
      tpu.enqueue_indirect_dma source(%arg14 : memref<64x128xf32, #tpu.memory_space<vmem>>) target(%dma_start3A_473 : memref<10112x128xf32, #tpu.memory_space<vmem_shared>>) offsets(%dma_start3A_470 : memref<64xi32, #tpu.memory_space<vmem>>) semaphore(%arg23 : memref<!tpu.dma_semaphore, #tpu.memory_space<semaphore_mem>>) {add = true}
      %add3A_474 = arith.constant 2 : i32
      %add3A_475 = arith.addi %add3A_459, %add3A_474 : i32
      %lt3A_476 = arith.constant 160 : i32
      %lt3A_477 = arith.cmpi slt, %add3A_475, %lt3A_476 : i32
      %convert_element_type3A_478 = arith.extui %lt3A_477 : i1 to i32
      %cond3A_479 = arith.constant 0 : i32
      %cond3A_480 = arith.cmpi ne, %convert_element_type3A_478, %cond3A_479 : i32
      scf.if %cond3A_480 {
        %ge3A_481 = arith.constant 2 : i32
        %ge3A_482 = arith.cmpi sge, %add3A_459, %ge3A_481 : i32
        %convert_element_type3A_483 = arith.extui %ge3A_482 : i1 to i32
        %cond3A_484 = arith.constant 0 : i32
        %cond3A_485 = arith.cmpi ne, %convert_element_type3A_483, %cond3A_484 : i32
        scf.if %cond3A_485 {
          %dma_wait3A_493 = arith.constant 0 : i32
          %dma_wait3A_494 = arith.constant 0 : i32
          %dma_wait3A_495 = tpu.memref_slice %arg10[%dma_wait3A_493, %dma_wait3A_494] : memref<8x64xi32, #tpu.memory_space<vmem>> -> memref<1x64xi32, #tpu.memory_space<vmem>>
          %dma_wait3A_496 = tpu.memref_squeeze %dma_wait3A_495 : memref<1x64xi32, #tpu.memory_space<vmem>> -> memref<64xi32, #tpu.memory_space<vmem>>
          %dma_wait3A_497 = arith.constant 0 : i32
          %dma_wait3A_498 = arith.constant 0 : i32
          %dma_wait3A_499 = tpu.memref_slice %arg15[%dma_wait3A_497, %dma_wait3A_498] : memref<10112x128xf32, #tpu.memory_space<vmem_shared>> -> memref<10112x128xf32, #tpu.memory_space<vmem_shared>>
          tpu.wait_indirect_dma semaphore(%arg21 : memref<!tpu.dma_semaphore, #tpu.memory_space<semaphore_mem>>) src(%arg12 : memref<64x128xf32, #tpu.memory_space<vmem>>) dst(%dma_wait3A_499 : memref<10112x128xf32, #tpu.memory_space<vmem_shared>>)
        } else {
        }
        %dma_start3A_486 = arith.constant 1 : i32
        %dma_start3A_487 = arith.constant 0 : i32
        %dma_start3A_488 = tpu.memref_slice %arg7[%dma_start3A_486, %dma_start3A_487] : memref<8x64xi32, #tpu.memory_space<vmem>> -> memref<1x64xi32, #tpu.memory_space<vmem>>
        %dma_start3A_489 = tpu.memref_squeeze %dma_start3A_488 : memref<1x64xi32, #tpu.memory_space<vmem>> -> memref<64xi32, #tpu.memory_space<vmem>>
        %dma_start3A_490 = arith.constant 0 : i32
        %dma_start3A_491 = arith.constant 0 : i32
        %dma_start3A_492 = tpu.memref_slice %arg2[%dma_start3A_490, %dma_start3A_491] : memref<10000x128xf32, #tpu.memory_space<hbm>> -> memref<10000x128xf32, #tpu.memory_space<hbm>>
        tpu.enqueue_indirect_dma source(%dma_start3A_492 : memref<10000x128xf32, #tpu.memory_space<hbm>>) target(%arg12 : memref<64x128xf32, #tpu.memory_space<vmem>>) offsets(%dma_start3A_489 : memref<64xi32, #tpu.memory_space<vmem>>) semaphore(%arg17 : memref<!tpu.dma_semaphore, #tpu.memory_space<semaphore_mem>>)
      } else {
      }
    }
    %scan3A_57 = arith.constant 10 : i32
    %dma_wait3A = arith.constant 0 : i32
    %dma_wait3A_58 = arith.constant 0 : i32
    %dma_wait3A_59 = tpu.memref_slice %arg9[%dma_wait3A, %dma_wait3A_58] : memref<8x64xi32, #tpu.memory_space<vmem>> -> memref<1x64xi32, #tpu.memory_space<vmem>>
    %dma_wait3A_60 = tpu.memref_squeeze %dma_wait3A_59 : memref<1x64xi32, #tpu.memory_space<vmem>> -> memref<64xi32, #tpu.memory_space<vmem>>
    %dma_wait3A_61 = arith.constant 0 : i32
    %dma_wait3A_62 = arith.constant 0 : i32
    %dma_wait3A_63 = tpu.memref_slice %arg15[%dma_wait3A_61, %dma_wait3A_62] : memref<10112x128xf32, #tpu.memory_space<vmem_shared>> -> memref<10112x128xf32, #tpu.memory_space<vmem_shared>>
    tpu.wait_indirect_dma semaphore(%arg20 : memref<!tpu.dma_semaphore, #tpu.memory_space<semaphore_mem>>) src(%arg11 : memref<64x128xf32, #tpu.memory_space<vmem>>) dst(%dma_wait3A_63 : memref<10112x128xf32, #tpu.memory_space<vmem_shared>>)
    %dma_wait3A_64 = arith.constant 0 : i32
    %dma_wait3A_65 = arith.constant 0 : i32
    %dma_wait3A_66 = tpu.memref_slice %arg9[%dma_wait3A_64, %dma_wait3A_65] : memref<8x64xi32, #tpu.memory_space<vmem>> -> memref<1x64xi32, #tpu.memory_space<vmem>>
    %dma_wait3A_67 = tpu.memref_squeeze %dma_wait3A_66 : memref<1x64xi32, #tpu.memory_space<vmem>> -> memref<64xi32, #tpu.memory_space<vmem>>
    %dma_wait3A_68 = arith.constant 0 : i32
    %dma_wait3A_69 = arith.constant 0 : i32
    %dma_wait3A_70 = tpu.memref_slice %arg15[%dma_wait3A_68, %dma_wait3A_69] : memref<10112x128xf32, #tpu.memory_space<vmem_shared>> -> memref<10112x128xf32, #tpu.memory_space<vmem_shared>>
    tpu.wait_indirect_dma semaphore(%arg21 : memref<!tpu.dma_semaphore, #tpu.memory_space<semaphore_mem>>) src(%arg12 : memref<64x128xf32, #tpu.memory_space<vmem>>) dst(%dma_wait3A_70 : memref<10112x128xf32, #tpu.memory_space<vmem_shared>>)
    %dma_wait3A_71 = arith.constant 0 : i32
    %dma_wait3A_72 = arith.constant 0 : i32
    %dma_wait3A_73 = tpu.memref_slice %arg9[%dma_wait3A_71, %dma_wait3A_72] : memref<8x64xi32, #tpu.memory_space<vmem>> -> memref<1x64xi32, #tpu.memory_space<vmem>>
    %dma_wait3A_74 = tpu.memref_squeeze %dma_wait3A_73 : memref<1x64xi32, #tpu.memory_space<vmem>> -> memref<64xi32, #tpu.memory_space<vmem>>
    %dma_wait3A_75 = arith.constant 0 : i32
    %dma_wait3A_76 = arith.constant 0 : i32
    %dma_wait3A_77 = tpu.memref_slice %arg15[%dma_wait3A_75, %dma_wait3A_76] : memref<10112x128xf32, #tpu.memory_space<vmem_shared>> -> memref<10112x128xf32, #tpu.memory_space<vmem_shared>>
    tpu.wait_indirect_dma semaphore(%arg22 : memref<!tpu.dma_semaphore, #tpu.memory_space<semaphore_mem>>) src(%arg13 : memref<64x128xf32, #tpu.memory_space<vmem>>) dst(%dma_wait3A_77 : memref<10112x128xf32, #tpu.memory_space<vmem_shared>>)
    %dma_wait3A_78 = arith.constant 0 : i32
    %dma_wait3A_79 = arith.constant 0 : i32
    %dma_wait3A_80 = tpu.memref_slice %arg9[%dma_wait3A_78, %dma_wait3A_79] : memref<8x64xi32, #tpu.memory_space<vmem>> -> memref<1x64xi32, #tpu.memory_space<vmem>>
    %dma_wait3A_81 = tpu.memref_squeeze %dma_wait3A_80 : memref<1x64xi32, #tpu.memory_space<vmem>> -> memref<64xi32, #tpu.memory_space<vmem>>
    %dma_wait3A_82 = arith.constant 0 : i32
    %dma_wait3A_83 = arith.constant 0 : i32
    %dma_wait3A_84 = tpu.memref_slice %arg15[%dma_wait3A_82, %dma_wait3A_83] : memref<10112x128xf32, #tpu.memory_space<vmem_shared>> -> memref<10112x128xf32, #tpu.memory_space<vmem_shared>>
    tpu.wait_indirect_dma semaphore(%arg23 : memref<!tpu.dma_semaphore, #tpu.memory_space<semaphore_mem>>) src(%arg14 : memref<64x128xf32, #tpu.memory_space<vmem>>) dst(%dma_wait3A_84 : memref<10112x128xf32, #tpu.memory_space<vmem_shared>>)
    %barrier3A_85 = arith.constant 0 : index
    tpu.barrier barrier_id(%barrier3A_85)
    "tpu.region"() ({
      %run_scoped3A = tpu.sem_alloc : memref<!tpu.dma_semaphore, #tpu.memory_space<semaphore_mem>>
      %dma_start3A_86 = arith.constant 0 : i32
      %dma_start3A_87 = tpu.memref_slice %arg6[%arg0, %mul3A_2, %dma_start3A_86] : memref<2x10112x128xf32, #tpu.memory_space<hbm>> -> memref<1x632x128xf32, #tpu.memory_space<hbm>>
      %dma_start3A_88 = tpu.memref_squeeze %dma_start3A_87 : memref<1x632x128xf32, #tpu.memory_space<hbm>> -> memref<632x128xf32, #tpu.memory_space<hbm>>
      %dma_start3A_89 = arith.constant 0 : i32
      %dma_start3A_90 = tpu.memref_slice %arg15[%mul3A_2, %dma_start3A_89] : memref<10112x128xf32, #tpu.memory_space<vmem_shared>> -> memref<632x128xf32, #tpu.memory_space<vmem_shared>>
      tpu.enqueue_dma source(%dma_start3A_90 : memref<632x128xf32, #tpu.memory_space<vmem_shared>>) target(%dma_start3A_88 : memref<632x128xf32, #tpu.memory_space<hbm>>) target_semaphore(%run_scoped3A : memref<!tpu.dma_semaphore, #tpu.memory_space<semaphore_mem>>)
      %dma_wait3A_91 = arith.constant 0 : i32
      %dma_wait3A_92 = tpu.memref_slice %arg6[%arg0, %mul3A_2, %dma_wait3A_91] : memref<2x10112x128xf32, #tpu.memory_space<hbm>> -> memref<1x632x128xf32, #tpu.memory_space<hbm>>
      %dma_wait3A_93 = tpu.memref_squeeze %dma_wait3A_92 : memref<1x632x128xf32, #tpu.memory_space<hbm>> -> memref<632x128xf32, #tpu.memory_space<hbm>>
      %dma_wait3A_94 = arith.constant 0 : i32
      %dma_wait3A_95 = tpu.memref_slice %arg15[%mul3A_2, %dma_wait3A_94] : memref<10112x128xf32, #tpu.memory_space<vmem_shared>> -> memref<632x128xf32, #tpu.memory_space<vmem_shared>>
      tpu.wait_dma2 semaphore(%run_scoped3A : memref<!tpu.dma_semaphore, #tpu.memory_space<semaphore_mem>>) src(%dma_wait3A_95 : memref<632x128xf32, #tpu.memory_space<vmem_shared>>) dst(%dma_wait3A_93 : memref<632x128xf32, #tpu.memory_space<hbm>>)
      tpu.yield
    }) : () -> ()
    return
  }
}

#map = affine_map<(d0, d1) -> (0, 0)>
#map1 = affine_map<(d0, d1) -> (0, 0, 0)>
module attributes {stable_mosaic.version = 14 : i64} {
  func.func @body(%arg0: i32, %arg1: i32, %arg2: memref<10000x128xf32, #tpu.memory_space<hbm>>, %arg3: memref<10000x64xi32, #tpu.memory_space<hbm>>, %arg4: memref<8x64xi32, #tpu.memory_space<hbm>>, %arg5: memref<8x64xi32, #tpu.memory_space<hbm>>, %arg6: memref<2x10112x128xf32, #tpu.memory_space<hbm>>, %arg7: memref<2x16x10112xf32, #tpu.memory_space<hbm>>, %arg8: memref<8x64xi32, #tpu.memory_space<vmem>>, %arg9: memref<8x64xi32, #tpu.memory_space<vmem>>, %arg10: memref<8x64xi32, #tpu.memory_space<vmem>>, %arg11: memref<8x64xi32, #tpu.memory_space<vmem>>, %arg12: memref<64x128xf32, #tpu.memory_space<vmem>>, %arg13: memref<64x128xf32, #tpu.memory_space<vmem>>, %arg14: memref<64x128xf32, #tpu.memory_space<vmem>>, %arg15: memref<64x128xf32, #tpu.memory_space<vmem>>, %arg16: memref<10112x128xf32, #tpu.memory_space<vmem_shared>>, %arg17: memref<!tpu.dma_semaphore, #tpu.memory_space<semaphore_mem>>, %arg18: memref<!tpu.dma_semaphore, #tpu.memory_space<semaphore_mem>>, %arg19: memref<!tpu.dma_semaphore, #tpu.memory_space<semaphore_mem>>, %arg20: memref<!tpu.dma_semaphore, #tpu.memory_space<semaphore_mem>>, %arg21: memref<!tpu.dma_semaphore, #tpu.memory_space<semaphore_mem>>, %arg22: memref<!tpu.dma_semaphore, #tpu.memory_space<semaphore_mem>>, %arg23: memref<!tpu.dma_semaphore, #tpu.memory_space<semaphore_mem>>, %arg24: memref<!tpu.dma_semaphore, #tpu.memory_space<semaphore_mem>>, %arg25: memref<!tpu.dma_semaphore, #tpu.memory_space<semaphore_mem>>, %arg26: memref<!tpu.dma_semaphore, #tpu.memory_space<semaphore_mem>>, %arg27: memref<10112xf32, #tpu.memory_space<vmem>>) attributes {dimension_semantics = [#tpu.dimension_semantics<core_parallel>, #tpu.dimension_semantics<subcore_parallel>], iteration_bounds = array<i64: 2, 16>, scalar_prefetch = 0 : i64, scratch_operands = 20 : i64, tpu.core_type = #tpu.core_type<sc_vector_subcore>, window_params = [{transform_indices = #map}, {transform_indices = #map}, {transform_indices = #map}, {transform_indices = #map}, {transform_indices = #map1}, {transform_indices = #map1}]} {
    %mul3A = arith.constant 2 : i32
    %mul3A_0 = arith.muli %arg1, %mul3A : i32
    %add3A = arith.addi %mul3A_0, %arg0 : i32
    %mul3A_1 = arith.constant 632 : i32
    %mul3A_2 = arith.muli %arg1, %mul3A_1 : i32
    %broadcast_in_dim3A = arith.constant 0.000000e+00 : f32
    %broadcast_in_dim3A_3 = vector.broadcast %broadcast_in_dim3A : f32 to vector<16xf32>
    %broadcast_in_dim3A_4 = arith.constant 1.000000e+00 : f32
    %broadcast_in_dim3A_5 = vector.broadcast %broadcast_in_dim3A_4 : f32 to vector<16xf32>
    %scan3A = arith.constant 0 : i32
    %scan3A_6 = arith.constant 0 : i32
    %scan3A_7 = arith.constant 64 : i32
    %scan3A_8 = arith.addi %scan3A_6, %scan3A_7 : i32
    %scan3A_9 = arith.constant 1 : i32
    scf.for %scan3A_92 = %scan3A_6 to %scan3A_8 step %scan3A_9  : i32 {
      %swap3A = arith.index_cast %scan3A_92 : i32 to index
      %swap3A_93 = arith.constant 0 : index
      %swap3A_94 = tpu.vector_load %arg12[%swap3A, %swap3A_93] {strides = array<i32>} : memref<64x128xf32, #tpu.memory_space<vmem>>, vector<16xf32>,
      tpu.vector_store %arg12[%swap3A, %swap3A_93], %broadcast_in_dim3A_3 {strides = array<i32>} : memref<64x128xf32, #tpu.memory_space<vmem>>, vector<16xf32>,
      %swap3A_95 = arith.index_cast %scan3A_92 : i32 to index
      %swap3A_96 = arith.constant 16 : index
      %swap3A_97 = tpu.vector_load %arg12[%swap3A_95, %swap3A_96] {strides = array<i32>} : memref<64x128xf32, #tpu.memory_space<vmem>>, vector<16xf32>,
      tpu.vector_store %arg12[%swap3A_95, %swap3A_96], %broadcast_in_dim3A_3 {strides = array<i32>} : memref<64x128xf32, #tpu.memory_space<vmem>>, vector<16xf32>,
      %swap3A_98 = arith.index_cast %scan3A_92 : i32 to index
      %swap3A_99 = arith.constant 32 : index
      %swap3A_100 = tpu.vector_load %arg12[%swap3A_98, %swap3A_99] {strides = array<i32>} : memref<64x128xf32, #tpu.memory_space<vmem>>, vector<16xf32>,
      tpu.vector_store %arg12[%swap3A_98, %swap3A_99], %broadcast_in_dim3A_3 {strides = array<i32>} : memref<64x128xf32, #tpu.memory_space<vmem>>, vector<16xf32>,
      %swap3A_101 = arith.index_cast %scan3A_92 : i32 to index
      %swap3A_102 = arith.constant 48 : index
      %swap3A_103 = tpu.vector_load %arg12[%swap3A_101, %swap3A_102] {strides = array<i32>} : memref<64x128xf32, #tpu.memory_space<vmem>>, vector<16xf32>,
      tpu.vector_store %arg12[%swap3A_101, %swap3A_102], %broadcast_in_dim3A_3 {strides = array<i32>} : memref<64x128xf32, #tpu.memory_space<vmem>>, vector<16xf32>,
      %swap3A_104 = arith.index_cast %scan3A_92 : i32 to index
      %swap3A_105 = arith.constant 64 : index
      %swap3A_106 = tpu.vector_load %arg12[%swap3A_104, %swap3A_105] {strides = array<i32>} : memref<64x128xf32, #tpu.memory_space<vmem>>, vector<16xf32>,
      tpu.vector_store %arg12[%swap3A_104, %swap3A_105], %broadcast_in_dim3A_3 {strides = array<i32>} : memref<64x128xf32, #tpu.memory_space<vmem>>, vector<16xf32>,
      %swap3A_107 = arith.index_cast %scan3A_92 : i32 to index
      %swap3A_108 = arith.constant 80 : index
      %swap3A_109 = tpu.vector_load %arg12[%swap3A_107, %swap3A_108] {strides = array<i32>} : memref<64x128xf32, #tpu.memory_space<vmem>>, vector<16xf32>,
      tpu.vector_store %arg12[%swap3A_107, %swap3A_108], %broadcast_in_dim3A_3 {strides = array<i32>} : memref<64x128xf32, #tpu.memory_space<vmem>>, vector<16xf32>,
      %swap3A_110 = arith.index_cast %scan3A_92 : i32 to index
      %swap3A_111 = arith.constant 96 : index
      %swap3A_112 = tpu.vector_load %arg12[%swap3A_110, %swap3A_111] {strides = array<i32>} : memref<64x128xf32, #tpu.memory_space<vmem>>, vector<16xf32>,
      tpu.vector_store %arg12[%swap3A_110, %swap3A_111], %broadcast_in_dim3A_3 {strides = array<i32>} : memref<64x128xf32, #tpu.memory_space<vmem>>, vector<16xf32>,
      %swap3A_113 = arith.index_cast %scan3A_92 : i32 to index
      %swap3A_114 = arith.constant 112 : index
      %swap3A_115 = tpu.vector_load %arg12[%swap3A_113, %swap3A_114] {strides = array<i32>} : memref<64x128xf32, #tpu.memory_space<vmem>>, vector<16xf32>,
      tpu.vector_store %arg12[%swap3A_113, %swap3A_114], %broadcast_in_dim3A_3 {strides = array<i32>} : memref<64x128xf32, #tpu.memory_space<vmem>>, vector<16xf32>,
    }
    %scan3A_10 = arith.constant 64 : i32
    %add3A_11 = arith.constant 0 : i32
    %add3A_12 = arith.addi %mul3A_2, %add3A_11 : i32
    "tpu.region"() ({
      %run_scoped3A = tpu.sem_alloc : memref<!tpu.dma_semaphore, #tpu.memory_space<semaphore_mem>>
      %dma_start3A_92 = arith.constant 0 : i32
      %dma_start3A_93 = arith.constant 0 : i32
      %dma_start3A_94 = tpu.memref_slice %arg12[%dma_start3A_92, %dma_start3A_93] : memref<64x128xf32, #tpu.memory_space<vmem>> -> memref<64x128xf32, #tpu.memory_space<vmem>>
      %dma_start3A_95 = arith.constant 0 : i32
      %dma_start3A_96 = tpu.memref_slice %arg16[%add3A_12, %dma_start3A_95] : memref<10112x128xf32, #tpu.memory_space<vmem_shared>> -> memref<64x128xf32, #tpu.memory_space<vmem_shared>>
      %dma_start3A_97 = arith.constant 0 : i32
      %dma_start3A_98 = tpu.memref_slice %arg16[%add3A_12, %dma_start3A_97] : memref<10112x128xf32, #tpu.memory_space<vmem_shared>> -> memref<64x128xf32, #tpu.memory_space<vmem_shared>>
      %dma_start3A_99 = arith.constant 0 : i32
      %dma_start3A_100 = arith.constant 0 : i32
      %dma_start3A_101 = tpu.memref_slice %arg12[%dma_start3A_99, %dma_start3A_100] : memref<64x128xf32, #tpu.memory_space<vmem>> -> memref<64x128xf32, #tpu.memory_space<vmem>>
      tpu.enqueue_dma source(%dma_start3A_101 : memref<64x128xf32, #tpu.memory_space<vmem>>) target(%dma_start3A_98 : memref<64x128xf32, #tpu.memory_space<vmem_shared>>) target_semaphore(%run_scoped3A : memref<!tpu.dma_semaphore, #tpu.memory_space<semaphore_mem>>)
      %dma_wait3A_102 = arith.constant 0 : i32
      %dma_wait3A_103 = arith.constant 0 : i32
      %dma_wait3A_104 = tpu.memref_slice %arg12[%dma_wait3A_102, %dma_wait3A_103] : memref<64x128xf32, #tpu.memory_space<vmem>> -> memref<64x128xf32, #tpu.memory_space<vmem>>
      %dma_wait3A_105 = arith.constant 0 : i32
      %dma_wait3A_106 = tpu.memref_slice %arg16[%add3A_12, %dma_wait3A_105] : memref<10112x128xf32, #tpu.memory_space<vmem_shared>> -> memref<64x128xf32, #tpu.memory_space<vmem_shared>>
      %dma_wait3A_107 = arith.constant 0 : i32
      %dma_wait3A_108 = tpu.memref_slice %arg16[%add3A_12, %dma_wait3A_107] : memref<10112x128xf32, #tpu.memory_space<vmem_shared>> -> memref<64x128xf32, #tpu.memory_space<vmem_shared>>
      %dma_wait3A_109 = arith.constant 0 : i32
      %dma_wait3A_110 = arith.constant 0 : i32
      %dma_wait3A_111 = tpu.memref_slice %arg12[%dma_wait3A_109, %dma_wait3A_110] : memref<64x128xf32, #tpu.memory_space<vmem>> -> memref<64x128xf32, #tpu.memory_space<vmem>>
      tpu.wait_dma2 semaphore(%run_scoped3A : memref<!tpu.dma_semaphore, #tpu.memory_space<semaphore_mem>>) src(%dma_wait3A_111 : memref<64x128xf32, #tpu.memory_space<vmem>>) dst(%dma_wait3A_108 : memref<64x128xf32, #tpu.memory_space<vmem_shared>>)
      tpu.yield
    }) : () -> ()
    %add3A_13 = arith.constant 64 : i32
    %add3A_14 = arith.addi %mul3A_2, %add3A_13 : i32
    "tpu.region"() ({
      %run_scoped3A = tpu.sem_alloc : memref<!tpu.dma_semaphore, #tpu.memory_space<semaphore_mem>>
      %dma_start3A_92 = arith.constant 0 : i32
      %dma_start3A_93 = arith.constant 0 : i32
      %dma_start3A_94 = tpu.memref_slice %arg12[%dma_start3A_92, %dma_start3A_93] : memref<64x128xf32, #tpu.memory_space<vmem>> -> memref<64x128xf32, #tpu.memory_space<vmem>>
      %dma_start3A_95 = arith.constant 0 : i32
      %dma_start3A_96 = tpu.memref_slice %arg16[%add3A_14, %dma_start3A_95] : memref<10112x128xf32, #tpu.memory_space<vmem_shared>> -> memref<64x128xf32, #tpu.memory_space<vmem_shared>>
      %dma_start3A_97 = arith.constant 0 : i32
      %dma_start3A_98 = tpu.memref_slice %arg16[%add3A_14, %dma_start3A_97] : memref<10112x128xf32, #tpu.memory_space<vmem_shared>> -> memref<64x128xf32, #tpu.memory_space<vmem_shared>>
      %dma_start3A_99 = arith.constant 0 : i32
      %dma_start3A_100 = arith.constant 0 : i32
      %dma_start3A_101 = tpu.memref_slice %arg12[%dma_start3A_99, %dma_start3A_100] : memref<64x128xf32, #tpu.memory_space<vmem>> -> memref<64x128xf32, #tpu.memory_space<vmem>>
      tpu.enqueue_dma source(%dma_start3A_101 : memref<64x128xf32, #tpu.memory_space<vmem>>) target(%dma_start3A_98 : memref<64x128xf32, #tpu.memory_space<vmem_shared>>) target_semaphore(%run_scoped3A : memref<!tpu.dma_semaphore, #tpu.memory_space<semaphore_mem>>)
      %dma_wait3A_102 = arith.constant 0 : i32
      %dma_wait3A_103 = arith.constant 0 : i32
      %dma_wait3A_104 = tpu.memref_slice %arg12[%dma_wait3A_102, %dma_wait3A_103] : memref<64x128xf32, #tpu.memory_space<vmem>> -> memref<64x128xf32, #tpu.memory_space<vmem>>
      %dma_wait3A_105 = arith.constant 0 : i32
      %dma_wait3A_106 = tpu.memref_slice %arg16[%add3A_14, %dma_wait3A_105] : memref<10112x128xf32, #tpu.memory_space<vmem_shared>> -> memref<64x128xf32, #tpu.memory_space<vmem_shared>>
      %dma_wait3A_107 = arith.constant 0 : i32
      %dma_wait3A_108 = tpu.memref_slice %arg16[%add3A_14, %dma_wait3A_107] : memref<10112x128xf32, #tpu.memory_space<vmem_shared>> -> memref<64x128xf32, #tpu.memory_space<vmem_shared>>
      %dma_wait3A_109 = arith.constant 0 : i32
      %dma_wait3A_110 = arith.constant 0 : i32
      %dma_wait3A_111 = tpu.memref_slice %arg12[%dma_wait3A_109, %dma_wait3A_110] : memref<64x128xf32, #tpu.memory_space<vmem>> -> memref<64x128xf32, #tpu.memory_space<vmem>>
      tpu.wait_dma2 semaphore(%run_scoped3A : memref<!tpu.dma_semaphore, #tpu.memory_space<semaphore_mem>>) src(%dma_wait3A_111 : memref<64x128xf32, #tpu.memory_space<vmem>>) dst(%dma_wait3A_108 : memref<64x128xf32, #tpu.memory_space<vmem_shared>>)
      tpu.yield
    }) : () -> ()
    %add3A_15 = arith.constant 128 : i32
    %add3A_16 = arith.addi %mul3A_2, %add3A_15 : i32
    "tpu.region"() ({
      %run_scoped3A = tpu.sem_alloc : memref<!tpu.dma_semaphore, #tpu.memory_space<semaphore_mem>>
      %dma_start3A_92 = arith.constant 0 : i32
      %dma_start3A_93 = arith.constant 0 : i32
      %dma_start3A_94 = tpu.memref_slice %arg12[%dma_start3A_92, %dma_start3A_93] : memref<64x128xf32, #tpu.memory_space<vmem>> -> memref<64x128xf32, #tpu.memory_space<vmem>>
      %dma_start3A_95 = arith.constant 0 : i32
      %dma_start3A_96 = tpu.memref_slice %arg16[%add3A_16, %dma_start3A_95] : memref<10112x128xf32, #tpu.memory_space<vmem_shared>> -> memref<64x128xf32, #tpu.memory_space<vmem_shared>>
      %dma_start3A_97 = arith.constant 0 : i32
      %dma_start3A_98 = tpu.memref_slice %arg16[%add3A_16, %dma_start3A_97] : memref<10112x128xf32, #tpu.memory_space<vmem_shared>> -> memref<64x128xf32, #tpu.memory_space<vmem_shared>>
      %dma_start3A_99 = arith.constant 0 : i32
      %dma_start3A_100 = arith.constant 0 : i32
      %dma_start3A_101 = tpu.memref_slice %arg12[%dma_start3A_99, %dma_start3A_100] : memref<64x128xf32, #tpu.memory_space<vmem>> -> memref<64x128xf32, #tpu.memory_space<vmem>>
      tpu.enqueue_dma source(%dma_start3A_101 : memref<64x128xf32, #tpu.memory_space<vmem>>) target(%dma_start3A_98 : memref<64x128xf32, #tpu.memory_space<vmem_shared>>) target_semaphore(%run_scoped3A : memref<!tpu.dma_semaphore, #tpu.memory_space<semaphore_mem>>)
      %dma_wait3A_102 = arith.constant 0 : i32
      %dma_wait3A_103 = arith.constant 0 : i32
      %dma_wait3A_104 = tpu.memref_slice %arg12[%dma_wait3A_102, %dma_wait3A_103] : memref<64x128xf32, #tpu.memory_space<vmem>> -> memref<64x128xf32, #tpu.memory_space<vmem>>
      %dma_wait3A_105 = arith.constant 0 : i32
      %dma_wait3A_106 = tpu.memref_slice %arg16[%add3A_16, %dma_wait3A_105] : memref<10112x128xf32, #tpu.memory_space<vmem_shared>> -> memref<64x128xf32, #tpu.memory_space<vmem_shared>>
      %dma_wait3A_107 = arith.constant 0 : i32
      %dma_wait3A_108 = tpu.memref_slice %arg16[%add3A_16, %dma_wait3A_107] : memref<10112x128xf32, #tpu.memory_space<vmem_shared>> -> memref<64x128xf32, #tpu.memory_space<vmem_shared>>
      %dma_wait3A_109 = arith.constant 0 : i32
      %dma_wait3A_110 = arith.constant 0 : i32
      %dma_wait3A_111 = tpu.memref_slice %arg12[%dma_wait3A_109, %dma_wait3A_110] : memref<64x128xf32, #tpu.memory_space<vmem>> -> memref<64x128xf32, #tpu.memory_space<vmem>>
      tpu.wait_dma2 semaphore(%run_scoped3A : memref<!tpu.dma_semaphore, #tpu.memory_space<semaphore_mem>>) src(%dma_wait3A_111 : memref<64x128xf32, #tpu.memory_space<vmem>>) dst(%dma_wait3A_108 : memref<64x128xf32, #tpu.memory_space<vmem_shared>>)
      tpu.yield
    }) : () -> ()
    %add3A_17 = arith.constant 192 : i32
    %add3A_18 = arith.addi %mul3A_2, %add3A_17 : i32
    "tpu.region"() ({
      %run_scoped3A = tpu.sem_alloc : memref<!tpu.dma_semaphore, #tpu.memory_space<semaphore_mem>>
      %dma_start3A_92 = arith.constant 0 : i32
      %dma_start3A_93 = arith.constant 0 : i32
      %dma_start3A_94 = tpu.memref_slice %arg12[%dma_start3A_92, %dma_start3A_93] : memref<64x128xf32, #tpu.memory_space<vmem>> -> memref<64x128xf32, #tpu.memory_space<vmem>>
      %dma_start3A_95 = arith.constant 0 : i32
      %dma_start3A_96 = tpu.memref_slice %arg16[%add3A_18, %dma_start3A_95] : memref<10112x128xf32, #tpu.memory_space<vmem_shared>> -> memref<64x128xf32, #tpu.memory_space<vmem_shared>>
      %dma_start3A_97 = arith.constant 0 : i32
      %dma_start3A_98 = tpu.memref_slice %arg16[%add3A_18, %dma_start3A_97] : memref<10112x128xf32, #tpu.memory_space<vmem_shared>> -> memref<64x128xf32, #tpu.memory_space<vmem_shared>>
      %dma_start3A_99 = arith.constant 0 : i32
      %dma_start3A_100 = arith.constant 0 : i32
      %dma_start3A_101 = tpu.memref_slice %arg12[%dma_start3A_99, %dma_start3A_100] : memref<64x128xf32, #tpu.memory_space<vmem>> -> memref<64x128xf32, #tpu.memory_space<vmem>>
      tpu.enqueue_dma source(%dma_start3A_101 : memref<64x128xf32, #tpu.memory_space<vmem>>) target(%dma_start3A_98 : memref<64x128xf32, #tpu.memory_space<vmem_shared>>) target_semaphore(%run_scoped3A : memref<!tpu.dma_semaphore, #tpu.memory_space<semaphore_mem>>)
      %dma_wait3A_102 = arith.constant 0 : i32
      %dma_wait3A_103 = arith.constant 0 : i32
      %dma_wait3A_104 = tpu.memref_slice %arg12[%dma_wait3A_102, %dma_wait3A_103] : memref<64x128xf32, #tpu.memory_space<vmem>> -> memref<64x128xf32, #tpu.memory_space<vmem>>
      %dma_wait3A_105 = arith.constant 0 : i32
      %dma_wait3A_106 = tpu.memref_slice %arg16[%add3A_18, %dma_wait3A_105] : memref<10112x128xf32, #tpu.memory_space<vmem_shared>> -> memref<64x128xf32, #tpu.memory_space<vmem_shared>>
      %dma_wait3A_107 = arith.constant 0 : i32
      %dma_wait3A_108 = tpu.memref_slice %arg16[%add3A_18, %dma_wait3A_107] : memref<10112x128xf32, #tpu.memory_space<vmem_shared>> -> memref<64x128xf32, #tpu.memory_space<vmem_shared>>
      %dma_wait3A_109 = arith.constant 0 : i32
      %dma_wait3A_110 = arith.constant 0 : i32
      %dma_wait3A_111 = tpu.memref_slice %arg12[%dma_wait3A_109, %dma_wait3A_110] : memref<64x128xf32, #tpu.memory_space<vmem>> -> memref<64x128xf32, #tpu.memory_space<vmem>>
      tpu.wait_dma2 semaphore(%run_scoped3A : memref<!tpu.dma_semaphore, #tpu.memory_space<semaphore_mem>>) src(%dma_wait3A_111 : memref<64x128xf32, #tpu.memory_space<vmem>>) dst(%dma_wait3A_108 : memref<64x128xf32, #tpu.memory_space<vmem_shared>>)
      tpu.yield
    }) : () -> ()
    %add3A_19 = arith.constant 256 : i32
    %add3A_20 = arith.addi %mul3A_2, %add3A_19 : i32
    "tpu.region"() ({
      %run_scoped3A = tpu.sem_alloc : memref<!tpu.dma_semaphore, #tpu.memory_space<semaphore_mem>>
      %dma_start3A_92 = arith.constant 0 : i32
      %dma_start3A_93 = arith.constant 0 : i32
      %dma_start3A_94 = tpu.memref_slice %arg12[%dma_start3A_92, %dma_start3A_93] : memref<64x128xf32, #tpu.memory_space<vmem>> -> memref<64x128xf32, #tpu.memory_space<vmem>>
      %dma_start3A_95 = arith.constant 0 : i32
      %dma_start3A_96 = tpu.memref_slice %arg16[%add3A_20, %dma_start3A_95] : memref<10112x128xf32, #tpu.memory_space<vmem_shared>> -> memref<64x128xf32, #tpu.memory_space<vmem_shared>>
      %dma_start3A_97 = arith.constant 0 : i32
      %dma_start3A_98 = tpu.memref_slice %arg16[%add3A_20, %dma_start3A_97] : memref<10112x128xf32, #tpu.memory_space<vmem_shared>> -> memref<64x128xf32, #tpu.memory_space<vmem_shared>>
      %dma_start3A_99 = arith.constant 0 : i32
      %dma_start3A_100 = arith.constant 0 : i32
      %dma_start3A_101 = tpu.memref_slice %arg12[%dma_start3A_99, %dma_start3A_100] : memref<64x128xf32, #tpu.memory_space<vmem>> -> memref<64x128xf32, #tpu.memory_space<vmem>>
      tpu.enqueue_dma source(%dma_start3A_101 : memref<64x128xf32, #tpu.memory_space<vmem>>) target(%dma_start3A_98 : memref<64x128xf32, #tpu.memory_space<vmem_shared>>) target_semaphore(%run_scoped3A : memref<!tpu.dma_semaphore, #tpu.memory_space<semaphore_mem>>)
      %dma_wait3A_102 = arith.constant 0 : i32
      %dma_wait3A_103 = arith.constant 0 : i32
      %dma_wait3A_104 = tpu.memref_slice %arg12[%dma_wait3A_102, %dma_wait3A_103] : memref<64x128xf32, #tpu.memory_space<vmem>> -> memref<64x128xf32, #tpu.memory_space<vmem>>
      %dma_wait3A_105 = arith.constant 0 : i32
      %dma_wait3A_106 = tpu.memref_slice %arg16[%add3A_20, %dma_wait3A_105] : memref<10112x128xf32, #tpu.memory_space<vmem_shared>> -> memref<64x128xf32, #tpu.memory_space<vmem_shared>>
      %dma_wait3A_107 = arith.constant 0 : i32
      %dma_wait3A_108 = tpu.memref_slice %arg16[%add3A_20, %dma_wait3A_107] : memref<10112x128xf32, #tpu.memory_space<vmem_shared>> -> memref<64x128xf32, #tpu.memory_space<vmem_shared>>
      %dma_wait3A_109 = arith.constant 0 : i32
      %dma_wait3A_110 = arith.constant 0 : i32
      %dma_wait3A_111 = tpu.memref_slice %arg12[%dma_wait3A_109, %dma_wait3A_110] : memref<64x128xf32, #tpu.memory_space<vmem>> -> memref<64x128xf32, #tpu.memory_space<vmem>>
      tpu.wait_dma2 semaphore(%run_scoped3A : memref<!tpu.dma_semaphore, #tpu.memory_space<semaphore_mem>>) src(%dma_wait3A_111 : memref<64x128xf32, #tpu.memory_space<vmem>>) dst(%dma_wait3A_108 : memref<64x128xf32, #tpu.memory_space<vmem_shared>>)
      tpu.yield
    }) : () -> ()
    %add3A_21 = arith.constant 320 : i32
    %add3A_22 = arith.addi %mul3A_2, %add3A_21 : i32
    "tpu.region"() ({
      %run_scoped3A = tpu.sem_alloc : memref<!tpu.dma_semaphore, #tpu.memory_space<semaphore_mem>>
      %dma_start3A_92 = arith.constant 0 : i32
      %dma_start3A_93 = arith.constant 0 : i32
      %dma_start3A_94 = tpu.memref_slice %arg12[%dma_start3A_92, %dma_start3A_93] : memref<64x128xf32, #tpu.memory_space<vmem>> -> memref<64x128xf32, #tpu.memory_space<vmem>>
      %dma_start3A_95 = arith.constant 0 : i32
      %dma_start3A_96 = tpu.memref_slice %arg16[%add3A_22, %dma_start3A_95] : memref<10112x128xf32, #tpu.memory_space<vmem_shared>> -> memref<64x128xf32, #tpu.memory_space<vmem_shared>>
      %dma_start3A_97 = arith.constant 0 : i32
      %dma_start3A_98 = tpu.memref_slice %arg16[%add3A_22, %dma_start3A_97] : memref<10112x128xf32, #tpu.memory_space<vmem_shared>> -> memref<64x128xf32, #tpu.memory_space<vmem_shared>>
      %dma_start3A_99 = arith.constant 0 : i32
      %dma_start3A_100 = arith.constant 0 : i32
      %dma_start3A_101 = tpu.memref_slice %arg12[%dma_start3A_99, %dma_start3A_100] : memref<64x128xf32, #tpu.memory_space<vmem>> -> memref<64x128xf32, #tpu.memory_space<vmem>>
      tpu.enqueue_dma source(%dma_start3A_101 : memref<64x128xf32, #tpu.memory_space<vmem>>) target(%dma_start3A_98 : memref<64x128xf32, #tpu.memory_space<vmem_shared>>) target_semaphore(%run_scoped3A : memref<!tpu.dma_semaphore, #tpu.memory_space<semaphore_mem>>)
      %dma_wait3A_102 = arith.constant 0 : i32
      %dma_wait3A_103 = arith.constant 0 : i32
      %dma_wait3A_104 = tpu.memref_slice %arg12[%dma_wait3A_102, %dma_wait3A_103] : memref<64x128xf32, #tpu.memory_space<vmem>> -> memref<64x128xf32, #tpu.memory_space<vmem>>
      %dma_wait3A_105 = arith.constant 0 : i32
      %dma_wait3A_106 = tpu.memref_slice %arg16[%add3A_22, %dma_wait3A_105] : memref<10112x128xf32, #tpu.memory_space<vmem_shared>> -> memref<64x128xf32, #tpu.memory_space<vmem_shared>>
      %dma_wait3A_107 = arith.constant 0 : i32
      %dma_wait3A_108 = tpu.memref_slice %arg16[%add3A_22, %dma_wait3A_107] : memref<10112x128xf32, #tpu.memory_space<vmem_shared>> -> memref<64x128xf32, #tpu.memory_space<vmem_shared>>
      %dma_wait3A_109 = arith.constant 0 : i32
      %dma_wait3A_110 = arith.constant 0 : i32
      %dma_wait3A_111 = tpu.memref_slice %arg12[%dma_wait3A_109, %dma_wait3A_110] : memref<64x128xf32, #tpu.memory_space<vmem>> -> memref<64x128xf32, #tpu.memory_space<vmem>>
      tpu.wait_dma2 semaphore(%run_scoped3A : memref<!tpu.dma_semaphore, #tpu.memory_space<semaphore_mem>>) src(%dma_wait3A_111 : memref<64x128xf32, #tpu.memory_space<vmem>>) dst(%dma_wait3A_108 : memref<64x128xf32, #tpu.memory_space<vmem_shared>>)
      tpu.yield
    }) : () -> ()
    %add3A_23 = arith.constant 384 : i32
    %add3A_24 = arith.addi %mul3A_2, %add3A_23 : i32
    "tpu.region"() ({
      %run_scoped3A = tpu.sem_alloc : memref<!tpu.dma_semaphore, #tpu.memory_space<semaphore_mem>>
      %dma_start3A_92 = arith.constant 0 : i32
      %dma_start3A_93 = arith.constant 0 : i32
      %dma_start3A_94 = tpu.memref_slice %arg12[%dma_start3A_92, %dma_start3A_93] : memref<64x128xf32, #tpu.memory_space<vmem>> -> memref<64x128xf32, #tpu.memory_space<vmem>>
      %dma_start3A_95 = arith.constant 0 : i32
      %dma_start3A_96 = tpu.memref_slice %arg16[%add3A_24, %dma_start3A_95] : memref<10112x128xf32, #tpu.memory_space<vmem_shared>> -> memref<64x128xf32, #tpu.memory_space<vmem_shared>>
      %dma_start3A_97 = arith.constant 0 : i32
      %dma_start3A_98 = tpu.memref_slice %arg16[%add3A_24, %dma_start3A_97] : memref<10112x128xf32, #tpu.memory_space<vmem_shared>> -> memref<64x128xf32, #tpu.memory_space<vmem_shared>>
      %dma_start3A_99 = arith.constant 0 : i32
      %dma_start3A_100 = arith.constant 0 : i32
      %dma_start3A_101 = tpu.memref_slice %arg12[%dma_start3A_99, %dma_start3A_100] : memref<64x128xf32, #tpu.memory_space<vmem>> -> memref<64x128xf32, #tpu.memory_space<vmem>>
      tpu.enqueue_dma source(%dma_start3A_101 : memref<64x128xf32, #tpu.memory_space<vmem>>) target(%dma_start3A_98 : memref<64x128xf32, #tpu.memory_space<vmem_shared>>) target_semaphore(%run_scoped3A : memref<!tpu.dma_semaphore, #tpu.memory_space<semaphore_mem>>)
      %dma_wait3A_102 = arith.constant 0 : i32
      %dma_wait3A_103 = arith.constant 0 : i32
      %dma_wait3A_104 = tpu.memref_slice %arg12[%dma_wait3A_102, %dma_wait3A_103] : memref<64x128xf32, #tpu.memory_space<vmem>> -> memref<64x128xf32, #tpu.memory_space<vmem>>
      %dma_wait3A_105 = arith.constant 0 : i32
      %dma_wait3A_106 = tpu.memref_slice %arg16[%add3A_24, %dma_wait3A_105] : memref<10112x128xf32, #tpu.memory_space<vmem_shared>> -> memref<64x128xf32, #tpu.memory_space<vmem_shared>>
      %dma_wait3A_107 = arith.constant 0 : i32
      %dma_wait3A_108 = tpu.memref_slice %arg16[%add3A_24, %dma_wait3A_107] : memref<10112x128xf32, #tpu.memory_space<vmem_shared>> -> memref<64x128xf32, #tpu.memory_space<vmem_shared>>
      %dma_wait3A_109 = arith.constant 0 : i32
      %dma_wait3A_110 = arith.constant 0 : i32
      %dma_wait3A_111 = tpu.memref_slice %arg12[%dma_wait3A_109, %dma_wait3A_110] : memref<64x128xf32, #tpu.memory_space<vmem>> -> memref<64x128xf32, #tpu.memory_space<vmem>>
      tpu.wait_dma2 semaphore(%run_scoped3A : memref<!tpu.dma_semaphore, #tpu.memory_space<semaphore_mem>>) src(%dma_wait3A_111 : memref<64x128xf32, #tpu.memory_space<vmem>>) dst(%dma_wait3A_108 : memref<64x128xf32, #tpu.memory_space<vmem_shared>>)
      tpu.yield
    }) : () -> ()
    %add3A_25 = arith.constant 448 : i32
    %add3A_26 = arith.addi %mul3A_2, %add3A_25 : i32
    "tpu.region"() ({
      %run_scoped3A = tpu.sem_alloc : memref<!tpu.dma_semaphore, #tpu.memory_space<semaphore_mem>>
      %dma_start3A_92 = arith.constant 0 : i32
      %dma_start3A_93 = arith.constant 0 : i32
      %dma_start3A_94 = tpu.memref_slice %arg12[%dma_start3A_92, %dma_start3A_93] : memref<64x128xf32, #tpu.memory_space<vmem>> -> memref<64x128xf32, #tpu.memory_space<vmem>>
      %dma_start3A_95 = arith.constant 0 : i32
      %dma_start3A_96 = tpu.memref_slice %arg16[%add3A_26, %dma_start3A_95] : memref<10112x128xf32, #tpu.memory_space<vmem_shared>> -> memref<64x128xf32, #tpu.memory_space<vmem_shared>>
      %dma_start3A_97 = arith.constant 0 : i32
      %dma_start3A_98 = tpu.memref_slice %arg16[%add3A_26, %dma_start3A_97] : memref<10112x128xf32, #tpu.memory_space<vmem_shared>> -> memref<64x128xf32, #tpu.memory_space<vmem_shared>>
      %dma_start3A_99 = arith.constant 0 : i32
      %dma_start3A_100 = arith.constant 0 : i32
      %dma_start3A_101 = tpu.memref_slice %arg12[%dma_start3A_99, %dma_start3A_100] : memref<64x128xf32, #tpu.memory_space<vmem>> -> memref<64x128xf32, #tpu.memory_space<vmem>>
      tpu.enqueue_dma source(%dma_start3A_101 : memref<64x128xf32, #tpu.memory_space<vmem>>) target(%dma_start3A_98 : memref<64x128xf32, #tpu.memory_space<vmem_shared>>) target_semaphore(%run_scoped3A : memref<!tpu.dma_semaphore, #tpu.memory_space<semaphore_mem>>)
      %dma_wait3A_102 = arith.constant 0 : i32
      %dma_wait3A_103 = arith.constant 0 : i32
      %dma_wait3A_104 = tpu.memref_slice %arg12[%dma_wait3A_102, %dma_wait3A_103] : memref<64x128xf32, #tpu.memory_space<vmem>> -> memref<64x128xf32, #tpu.memory_space<vmem>>
      %dma_wait3A_105 = arith.constant 0 : i32
      %dma_wait3A_106 = tpu.memref_slice %arg16[%add3A_26, %dma_wait3A_105] : memref<10112x128xf32, #tpu.memory_space<vmem_shared>> -> memref<64x128xf32, #tpu.memory_space<vmem_shared>>
      %dma_wait3A_107 = arith.constant 0 : i32
      %dma_wait3A_108 = tpu.memref_slice %arg16[%add3A_26, %dma_wait3A_107] : memref<10112x128xf32, #tpu.memory_space<vmem_shared>> -> memref<64x128xf32, #tpu.memory_space<vmem_shared>>
      %dma_wait3A_109 = arith.constant 0 : i32
      %dma_wait3A_110 = arith.constant 0 : i32
      %dma_wait3A_111 = tpu.memref_slice %arg12[%dma_wait3A_109, %dma_wait3A_110] : memref<64x128xf32, #tpu.memory_space<vmem>> -> memref<64x128xf32, #tpu.memory_space<vmem>>
      tpu.wait_dma2 semaphore(%run_scoped3A : memref<!tpu.dma_semaphore, #tpu.memory_space<semaphore_mem>>) src(%dma_wait3A_111 : memref<64x128xf32, #tpu.memory_space<vmem>>) dst(%dma_wait3A_108 : memref<64x128xf32, #tpu.memory_space<vmem_shared>>)
      tpu.yield
    }) : () -> ()
    %add3A_27 = arith.constant 512 : i32
    %add3A_28 = arith.addi %mul3A_2, %add3A_27 : i32
    "tpu.region"() ({
      %run_scoped3A = tpu.sem_alloc : memref<!tpu.dma_semaphore, #tpu.memory_space<semaphore_mem>>
      %dma_start3A_92 = arith.constant 0 : i32
      %dma_start3A_93 = arith.constant 0 : i32
      %dma_start3A_94 = tpu.memref_slice %arg12[%dma_start3A_92, %dma_start3A_93] : memref<64x128xf32, #tpu.memory_space<vmem>> -> memref<64x128xf32, #tpu.memory_space<vmem>>
      %dma_start3A_95 = arith.constant 0 : i32
      %dma_start3A_96 = tpu.memref_slice %arg16[%add3A_28, %dma_start3A_95] : memref<10112x128xf32, #tpu.memory_space<vmem_shared>> -> memref<64x128xf32, #tpu.memory_space<vmem_shared>>
      %dma_start3A_97 = arith.constant 0 : i32
      %dma_start3A_98 = tpu.memref_slice %arg16[%add3A_28, %dma_start3A_97] : memref<10112x128xf32, #tpu.memory_space<vmem_shared>> -> memref<64x128xf32, #tpu.memory_space<vmem_shared>>
      %dma_start3A_99 = arith.constant 0 : i32
      %dma_start3A_100 = arith.constant 0 : i32
      %dma_start3A_101 = tpu.memref_slice %arg12[%dma_start3A_99, %dma_start3A_100] : memref<64x128xf32, #tpu.memory_space<vmem>> -> memref<64x128xf32, #tpu.memory_space<vmem>>
      tpu.enqueue_dma source(%dma_start3A_101 : memref<64x128xf32, #tpu.memory_space<vmem>>) target(%dma_start3A_98 : memref<64x128xf32, #tpu.memory_space<vmem_shared>>) target_semaphore(%run_scoped3A : memref<!tpu.dma_semaphore, #tpu.memory_space<semaphore_mem>>)
      %dma_wait3A_102 = arith.constant 0 : i32
      %dma_wait3A_103 = arith.constant 0 : i32
      %dma_wait3A_104 = tpu.memref_slice %arg12[%dma_wait3A_102, %dma_wait3A_103] : memref<64x128xf32, #tpu.memory_space<vmem>> -> memref<64x128xf32, #tpu.memory_space<vmem>>
      %dma_wait3A_105 = arith.constant 0 : i32
      %dma_wait3A_106 = tpu.memref_slice %arg16[%add3A_28, %dma_wait3A_105] : memref<10112x128xf32, #tpu.memory_space<vmem_shared>> -> memref<64x128xf32, #tpu.memory_space<vmem_shared>>
      %dma_wait3A_107 = arith.constant 0 : i32
      %dma_wait3A_108 = tpu.memref_slice %arg16[%add3A_28, %dma_wait3A_107] : memref<10112x128xf32, #tpu.memory_space<vmem_shared>> -> memref<64x128xf32, #tpu.memory_space<vmem_shared>>
      %dma_wait3A_109 = arith.constant 0 : i32
      %dma_wait3A_110 = arith.constant 0 : i32
      %dma_wait3A_111 = tpu.memref_slice %arg12[%dma_wait3A_109, %dma_wait3A_110] : memref<64x128xf32, #tpu.memory_space<vmem>> -> memref<64x128xf32, #tpu.memory_space<vmem>>
      tpu.wait_dma2 semaphore(%run_scoped3A : memref<!tpu.dma_semaphore, #tpu.memory_space<semaphore_mem>>) src(%dma_wait3A_111 : memref<64x128xf32, #tpu.memory_space<vmem>>) dst(%dma_wait3A_108 : memref<64x128xf32, #tpu.memory_space<vmem_shared>>)
      tpu.yield
    }) : () -> ()
    %add3A_29 = arith.constant 576 : i32
    %add3A_30 = arith.addi %mul3A_2, %add3A_29 : i32
    "tpu.region"() ({
      %run_scoped3A = tpu.sem_alloc : memref<!tpu.dma_semaphore, #tpu.memory_space<semaphore_mem>>
      %dma_start3A_92 = arith.constant 0 : i32
      %dma_start3A_93 = arith.constant 0 : i32
      %dma_start3A_94 = tpu.memref_slice %arg12[%dma_start3A_92, %dma_start3A_93] : memref<64x128xf32, #tpu.memory_space<vmem>> -> memref<56x128xf32, #tpu.memory_space<vmem>>
      %dma_start3A_95 = arith.constant 0 : i32
      %dma_start3A_96 = tpu.memref_slice %arg16[%add3A_30, %dma_start3A_95] : memref<10112x128xf32, #tpu.memory_space<vmem_shared>> -> memref<56x128xf32, #tpu.memory_space<vmem_shared>>
      %dma_start3A_97 = arith.constant 0 : i32
      %dma_start3A_98 = tpu.memref_slice %arg16[%add3A_30, %dma_start3A_97] : memref<10112x128xf32, #tpu.memory_space<vmem_shared>> -> memref<56x128xf32, #tpu.memory_space<vmem_shared>>
      %dma_start3A_99 = arith.constant 0 : i32
      %dma_start3A_100 = arith.constant 0 : i32
      %dma_start3A_101 = tpu.memref_slice %arg12[%dma_start3A_99, %dma_start3A_100] : memref<64x128xf32, #tpu.memory_space<vmem>> -> memref<56x128xf32, #tpu.memory_space<vmem>>
      tpu.enqueue_dma source(%dma_start3A_101 : memref<56x128xf32, #tpu.memory_space<vmem>>) target(%dma_start3A_98 : memref<56x128xf32, #tpu.memory_space<vmem_shared>>) target_semaphore(%run_scoped3A : memref<!tpu.dma_semaphore, #tpu.memory_space<semaphore_mem>>)
      %dma_wait3A_102 = arith.constant 0 : i32
      %dma_wait3A_103 = arith.constant 0 : i32
      %dma_wait3A_104 = tpu.memref_slice %arg12[%dma_wait3A_102, %dma_wait3A_103] : memref<64x128xf32, #tpu.memory_space<vmem>> -> memref<56x128xf32, #tpu.memory_space<vmem>>
      %dma_wait3A_105 = arith.constant 0 : i32
      %dma_wait3A_106 = tpu.memref_slice %arg16[%add3A_30, %dma_wait3A_105] : memref<10112x128xf32, #tpu.memory_space<vmem_shared>> -> memref<56x128xf32, #tpu.memory_space<vmem_shared>>
      %dma_wait3A_107 = arith.constant 0 : i32
      %dma_wait3A_108 = tpu.memref_slice %arg16[%add3A_30, %dma_wait3A_107] : memref<10112x128xf32, #tpu.memory_space<vmem_shared>> -> memref<56x128xf32, #tpu.memory_space<vmem_shared>>
      %dma_wait3A_109 = arith.constant 0 : i32
      %dma_wait3A_110 = arith.constant 0 : i32
      %dma_wait3A_111 = tpu.memref_slice %arg12[%dma_wait3A_109, %dma_wait3A_110] : memref<64x128xf32, #tpu.memory_space<vmem>> -> memref<56x128xf32, #tpu.memory_space<vmem>>
      tpu.wait_dma2 semaphore(%run_scoped3A : memref<!tpu.dma_semaphore, #tpu.memory_space<semaphore_mem>>) src(%dma_wait3A_111 : memref<56x128xf32, #tpu.memory_space<vmem>>) dst(%dma_wait3A_108 : memref<56x128xf32, #tpu.memory_space<vmem_shared>>)
      tpu.yield
    }) : () -> ()
    %scan3A_31 = arith.constant 0 : i32
    %scan3A_32 = arith.constant 0 : i32
    %scan3A_33 = arith.constant 632 : i32
    %scan3A_34 = arith.addi %scan3A_32, %scan3A_33 : i32
    %scan3A_35 = arith.constant 1 : i32
    scf.for %scan3A_92 = %scan3A_32 to %scan3A_34 step %scan3A_35  : i32 {
      %mul3A_93 = arith.constant 16 : i32
      %mul3A_94 = arith.muli %scan3A_92, %mul3A_93 : i32
      %swap3A = arith.index_cast %mul3A_94 : i32 to index
      %swap3A_95 = tpu.vector_load %arg27[%swap3A] {strides = array<i32>} : memref<10112xf32, #tpu.memory_space<vmem>>, vector<16xf32>,
      tpu.vector_store %arg27[%swap3A], %broadcast_in_dim3A_3 {strides = array<i32>} : memref<10112xf32, #tpu.memory_space<vmem>>, vector<16xf32>,
    }
    %scan3A_36 = arith.constant 632 : i32
    %barrier3A = arith.constant 0 : index
    tpu.barrier barrier_id(%barrier3A)
    %mul3A_37 = arith.constant 160 : i32
    %mul3A_38 = arith.muli %add3A, %mul3A_37 : i32
    %lt3A = arith.constant 5000 : i32
    %lt3A_39 = arith.cmpi slt, %mul3A_38, %lt3A : i32
    %convert_element_type3A = arith.extui %lt3A_39 : i1 to i32
    %cond3A = arith.constant 0 : i32
    %cond3A_40 = arith.cmpi ne, %convert_element_type3A, %cond3A : i32
    scf.if %cond3A_40 {
      "tpu.region"() ({
        %run_scoped3A = tpu.sem_alloc : memref<!tpu.dma_semaphore, #tpu.memory_space<semaphore_mem>>
        %dma_start3A_94 = arith.constant 0 : i32
        %dma_start3A_95 = tpu.memref_slice %arg3[%mul3A_38, %dma_start3A_94] : memref<10000x64xi32, #tpu.memory_space<hbm>> -> memref<8x64xi32, #tpu.memory_space<hbm>>
        %dma_start3A_96 = arith.constant 0 : i32
        %dma_start3A_97 = tpu.memref_slice %arg3[%mul3A_38, %dma_start3A_96] : memref<10000x64xi32, #tpu.memory_space<hbm>> -> memref<8x64xi32, #tpu.memory_space<hbm>>
        tpu.enqueue_dma source(%dma_start3A_97 : memref<8x64xi32, #tpu.memory_space<hbm>>) target(%arg8 : memref<8x64xi32, #tpu.memory_space<vmem>>) target_semaphore(%run_scoped3A : memref<!tpu.dma_semaphore, #tpu.memory_space<semaphore_mem>>)
        %dma_wait3A_98 = arith.constant 0 : i32
        %dma_wait3A_99 = tpu.memref_slice %arg3[%mul3A_38, %dma_wait3A_98] : memref<10000x64xi32, #tpu.memory_space<hbm>> -> memref<8x64xi32, #tpu.memory_space<hbm>>
        %dma_wait3A_100 = arith.constant 0 : i32
        %dma_wait3A_101 = tpu.memref_slice %arg3[%mul3A_38, %dma_wait3A_100] : memref<10000x64xi32, #tpu.memory_space<hbm>> -> memref<8x64xi32, #tpu.memory_space<hbm>>
        tpu.wait_dma2 semaphore(%run_scoped3A : memref<!tpu.dma_semaphore, #tpu.memory_space<semaphore_mem>>) src(%dma_wait3A_101 : memref<8x64xi32, #tpu.memory_space<hbm>>) dst(%arg8 : memref<8x64xi32, #tpu.memory_space<vmem>>)
        tpu.yield
      }) : () -> ()
      %add3A_92 = arith.constant 5000 : i32
      %add3A_93 = arith.addi %add3A_92, %mul3A_38 : i32
      "tpu.region"() ({
        %run_scoped3A = tpu.sem_alloc : memref<!tpu.dma_semaphore, #tpu.memory_space<semaphore_mem>>
        %dma_start3A_94 = arith.constant 0 : i32
        %dma_start3A_95 = tpu.memref_slice %arg3[%add3A_93, %dma_start3A_94] : memref<10000x64xi32, #tpu.memory_space<hbm>> -> memref<8x64xi32, #tpu.memory_space<hbm>>
        %dma_start3A_96 = arith.constant 0 : i32
        %dma_start3A_97 = tpu.memref_slice %arg3[%add3A_93, %dma_start3A_96] : memref<10000x64xi32, #tpu.memory_space<hbm>> -> memref<8x64xi32, #tpu.memory_space<hbm>>
        tpu.enqueue_dma source(%dma_start3A_97 : memref<8x64xi32, #tpu.memory_space<hbm>>) target(%arg10 : memref<8x64xi32, #tpu.memory_space<vmem>>) target_semaphore(%run_scoped3A : memref<!tpu.dma_semaphore, #tpu.memory_space<semaphore_mem>>)
        %dma_wait3A_98 = arith.constant 0 : i32
        %dma_wait3A_99 = tpu.memref_slice %arg3[%add3A_93, %dma_wait3A_98] : memref<10000x64xi32, #tpu.memory_space<hbm>> -> memref<8x64xi32, #tpu.memory_space<hbm>>
        %dma_wait3A_100 = arith.constant 0 : i32
        %dma_wait3A_101 = tpu.memref_slice %arg3[%add3A_93, %dma_wait3A_100] : memref<10000x64xi32, #tpu.memory_space<hbm>> -> memref<8x64xi32, #tpu.memory_space<hbm>>
        tpu.wait_dma2 semaphore(%run_scoped3A : memref<!tpu.dma_semaphore, #tpu.memory_space<semaphore_mem>>) src(%dma_wait3A_101 : memref<8x64xi32, #tpu.memory_space<hbm>>) dst(%arg10 : memref<8x64xi32, #tpu.memory_space<vmem>>)
        tpu.yield
      }) : () -> ()
    } else {
    }
    %ge3A = arith.constant 5000 : i32
    %ge3A_41 = arith.cmpi sge, %mul3A_38, %ge3A : i32
    %convert_element_type3A_42 = arith.extui %ge3A_41 : i1 to i32
    %cond3A_43 = arith.constant 0 : i32
    %cond3A_44 = arith.cmpi ne, %convert_element_type3A_42, %cond3A_43 : i32
    scf.if %cond3A_44 {
      "tpu.region"() ({
        %run_scoped3A = tpu.sem_alloc : memref<!tpu.dma_semaphore, #tpu.memory_space<semaphore_mem>>
        tpu.enqueue_dma source(%arg4 : memref<8x64xi32, #tpu.memory_space<hbm>>) target(%arg8 : memref<8x64xi32, #tpu.memory_space<vmem>>) target_semaphore(%run_scoped3A : memref<!tpu.dma_semaphore, #tpu.memory_space<semaphore_mem>>)
        tpu.wait_dma2 semaphore(%run_scoped3A : memref<!tpu.dma_semaphore, #tpu.memory_space<semaphore_mem>>) src(%arg4 : memref<8x64xi32, #tpu.memory_space<hbm>>) dst(%arg8 : memref<8x64xi32, #tpu.memory_space<vmem>>)
        tpu.yield
      }) : () -> ()
      "tpu.region"() ({
        %run_scoped3A = tpu.sem_alloc : memref<!tpu.dma_semaphore, #tpu.memory_space<semaphore_mem>>
        tpu.enqueue_dma source(%arg5 : memref<8x64xi32, #tpu.memory_space<hbm>>) target(%arg10 : memref<8x64xi32, #tpu.memory_space<vmem>>) target_semaphore(%run_scoped3A : memref<!tpu.dma_semaphore, #tpu.memory_space<semaphore_mem>>)
        tpu.wait_dma2 semaphore(%run_scoped3A : memref<!tpu.dma_semaphore, #tpu.memory_space<semaphore_mem>>) src(%arg5 : memref<8x64xi32, #tpu.memory_space<hbm>>) dst(%arg10 : memref<8x64xi32, #tpu.memory_space<vmem>>)
        tpu.yield
      }) : () -> ()
    } else {
    }
    %dma_start3A = arith.constant 0 : i32
    %dma_start3A_45 = arith.constant 0 : i32
    %dma_start3A_46 = tpu.memref_slice %arg8[%dma_start3A, %dma_start3A_45] : memref<8x64xi32, #tpu.memory_space<vmem>> -> memref<1x64xi32, #tpu.memory_space<vmem>>
    %dma_start3A_47 = tpu.memref_squeeze %dma_start3A_46 : memref<1x64xi32, #tpu.memory_space<vmem>> -> memref<64xi32, #tpu.memory_space<vmem>>
    %dma_start3A_48 = arith.constant 0 : i32
    %dma_start3A_49 = arith.constant 0 : i32
    %dma_start3A_50 = tpu.memref_slice %arg2[%dma_start3A_48, %dma_start3A_49] : memref<10000x128xf32, #tpu.memory_space<hbm>> -> memref<10000x128xf32, #tpu.memory_space<hbm>>
    tpu.enqueue_indirect_dma source(%dma_start3A_50 : memref<10000x128xf32, #tpu.memory_space<hbm>>) target(%arg12 : memref<64x128xf32, #tpu.memory_space<vmem>>) offsets(%dma_start3A_47 : memref<64xi32, #tpu.memory_space<vmem>>) semaphore(%arg17 : memref<!tpu.dma_semaphore, #tpu.memory_space<semaphore_mem>>)
    %dma_start3A_51 = arith.constant 1 : i32
    %dma_start3A_52 = arith.constant 0 : i32
    %dma_start3A_53 = tpu.memref_slice %arg8[%dma_start3A_51, %dma_start3A_52] : memref<8x64xi32, #tpu.memory_space<vmem>> -> memref<1x64xi32, #tpu.memory_space<vmem>>
    %dma_start3A_54 = tpu.memref_squeeze %dma_start3A_53 : memref<1x64xi32, #tpu.memory_space<vmem>> -> memref<64xi32, #tpu.memory_space<vmem>>
    %dma_start3A_55 = arith.constant 0 : i32
    %dma_start3A_56 = arith.constant 0 : i32
    %dma_start3A_57 = tpu.memref_slice %arg2[%dma_start3A_55, %dma_start3A_56] : memref<10000x128xf32, #tpu.memory_space<hbm>> -> memref<10000x128xf32, #tpu.memory_space<hbm>>
    tpu.enqueue_indirect_dma source(%dma_start3A_57 : memref<10000x128xf32, #tpu.memory_space<hbm>>) target(%arg13 : memref<64x128xf32, #tpu.memory_space<vmem>>) offsets(%dma_start3A_54 : memref<64xi32, #tpu.memory_space<vmem>>) semaphore(%arg18 : memref<!tpu.dma_semaphore, #tpu.memory_space<semaphore_mem>>)
    %scan3A_58 = arith.constant 0 : i32
    %scan3A_59 = arith.constant 0 : i32
    %scan3A_60 = arith.constant 10 : i32
    %scan3A_61 = arith.addi %scan3A_59, %scan3A_60 : i32
    %scan3A_62 = arith.constant 1 : i32
    scf.for %scan3A_92 = %scan3A_59 to %scan3A_61 step %scan3A_62  : i32 {
      %mul3A_93 = arith.constant 2 : i32
      %mul3A_94 = arith.muli %mul3A_93, %scan3A_92 : i32
      %add3A_95 = arith.constant 0 : i32
      %add3A_96 = arith.addi %mul3A_94, %add3A_95 : i32
      %mul3A_97 = arith.constant 8 : i32
      %mul3A_98 = arith.muli %add3A_96, %mul3A_97 : i32
      %add3A_99 = arith.constant 0 : i32
      %add3A_100 = arith.addi %mul3A_98, %add3A_99 : i32
      %dma_wait3A_101 = arith.constant 0 : i32
      %dma_wait3A_102 = arith.constant 0 : i32
      %dma_wait3A_103 = tpu.memref_slice %arg8[%dma_wait3A_101, %dma_wait3A_102] : memref<8x64xi32, #tpu.memory_space<vmem>> -> memref<1x64xi32, #tpu.memory_space<vmem>>
      %dma_wait3A_104 = tpu.memref_squeeze %dma_wait3A_103 : memref<1x64xi32, #tpu.memory_space<vmem>> -> memref<64xi32, #tpu.memory_space<vmem>>
      %dma_wait3A_105 = arith.constant 0 : i32
      %dma_wait3A_106 = arith.constant 0 : i32
      %dma_wait3A_107 = tpu.memref_slice %arg2[%dma_wait3A_105, %dma_wait3A_106] : memref<10000x128xf32, #tpu.memory_space<hbm>> -> memref<10000x128xf32, #tpu.memory_space<hbm>>
      tpu.wait_indirect_dma semaphore(%arg17 : memref<!tpu.dma_semaphore, #tpu.memory_space<semaphore_mem>>) src(%dma_wait3A_107 : memref<10000x128xf32, #tpu.memory_space<hbm>>) dst(%arg12 : memref<64x128xf32, #tpu.memory_space<vmem>>)
      %dma_start3A_108 = arith.constant 0 : i32
      %dma_start3A_109 = arith.constant 0 : i32
      %dma_start3A_110 = tpu.memref_slice %arg10[%dma_start3A_108, %dma_start3A_109] : memref<8x64xi32, #tpu.memory_space<vmem>> -> memref<1x64xi32, #tpu.memory_space<vmem>>
      %dma_start3A_111 = tpu.memref_squeeze %dma_start3A_110 : memref<1x64xi32, #tpu.memory_space<vmem>> -> memref<64xi32, #tpu.memory_space<vmem>>
      %dma_start3A_112 = arith.constant 0 : i32
      %dma_start3A_113 = arith.constant 0 : i32
      %dma_start3A_114 = tpu.memref_slice %arg16[%dma_start3A_112, %dma_start3A_113] : memref<10112x128xf32, #tpu.memory_space<vmem_shared>> -> memref<10112x128xf32, #tpu.memory_space<vmem_shared>>
      tpu.enqueue_indirect_dma source(%arg12 : memref<64x128xf32, #tpu.memory_space<vmem>>) target(%dma_start3A_114 : memref<10112x128xf32, #tpu.memory_space<vmem_shared>>) offsets(%dma_start3A_111 : memref<64xi32, #tpu.memory_space<vmem>>) semaphore(%arg21 : memref<!tpu.dma_semaphore, #tpu.memory_space<semaphore_mem>>) {add = true}
      %get3A = arith.constant 0 : i32
      %get3A_115 = arith.index_cast %get3A : i32 to index
      %get3A_116 = arith.constant 0 : index
      %get3A_117 = tpu.vector_load %arg10[%get3A_115, %get3A_116] {strides = array<i32>} : memref<8x64xi32, #tpu.memory_space<vmem>>, vector<16xi32>,
      tpu.vector_store_idx %arg27[%get3A_117], %broadcast_in_dim3A_5 {add = true} : memref<10112xf32, #tpu.memory_space<vmem>>[vector<16xi32>], vector<16xf32>,
      %get3A_118 = arith.constant 0 : i32
      %get3A_119 = arith.index_cast %get3A_118 : i32 to index
      %get3A_120 = arith.constant 16 : index
      %get3A_121 = tpu.vector_load %arg10[%get3A_119, %get3A_120] {strides = array<i32>} : memref<8x64xi32, #tpu.memory_space<vmem>>, vector<16xi32>,
      tpu.vector_store_idx %arg27[%get3A_121], %broadcast_in_dim3A_5 {add = true} : memref<10112xf32, #tpu.memory_space<vmem>>[vector<16xi32>], vector<16xf32>,
      %get3A_122 = arith.constant 0 : i32
      %get3A_123 = arith.index_cast %get3A_122 : i32 to index
      %get3A_124 = arith.constant 32 : index
      %get3A_125 = tpu.vector_load %arg10[%get3A_123, %get3A_124] {strides = array<i32>} : memref<8x64xi32, #tpu.memory_space<vmem>>, vector<16xi32>,
      tpu.vector_store_idx %arg27[%get3A_125], %broadcast_in_dim3A_5 {add = true} : memref<10112xf32, #tpu.memory_space<vmem>>[vector<16xi32>], vector<16xf32>,
      %get3A_126 = arith.constant 0 : i32
      %get3A_127 = arith.index_cast %get3A_126 : i32 to index
      %get3A_128 = arith.constant 48 : index
      %get3A_129 = tpu.vector_load %arg10[%get3A_127, %get3A_128] {strides = array<i32>} : memref<8x64xi32, #tpu.memory_space<vmem>>, vector<16xi32>,
      tpu.vector_store_idx %arg27[%get3A_129], %broadcast_in_dim3A_5 {add = true} : memref<10112xf32, #tpu.memory_space<vmem>>[vector<16xi32>], vector<16xf32>,
      %add3A_130 = arith.constant 2 : i32
      %add3A_131 = arith.addi %add3A_100, %add3A_130 : i32
      %lt3A_132 = arith.constant 160 : i32
      %lt3A_133 = arith.cmpi slt, %add3A_131, %lt3A_132 : i32
      %convert_element_type3A_134 = arith.extui %lt3A_133 : i1 to i32
      %cond3A_135 = arith.constant 0 : i32
      %cond3A_136 = arith.cmpi ne, %convert_element_type3A_134, %cond3A_135 : i32
      scf.if %cond3A_136 {
        %ge3A_742 = arith.constant 2 : i32
        %ge3A_743 = arith.cmpi sge, %add3A_100, %ge3A_742 : i32
        %convert_element_type3A_744 = arith.extui %ge3A_743 : i1 to i32
        %cond3A_745 = arith.constant 0 : i32
        %cond3A_746 = arith.cmpi ne, %convert_element_type3A_744, %cond3A_745 : i32
        scf.if %cond3A_746 {
          %dma_wait3A_754 = arith.constant 0 : i32
          %dma_wait3A_755 = arith.constant 0 : i32
          %dma_wait3A_756 = tpu.memref_slice %arg10[%dma_wait3A_754, %dma_wait3A_755] : memref<8x64xi32, #tpu.memory_space<vmem>> -> memref<1x64xi32, #tpu.memory_space<vmem>>
          %dma_wait3A_757 = tpu.memref_squeeze %dma_wait3A_756 : memref<1x64xi32, #tpu.memory_space<vmem>> -> memref<64xi32, #tpu.memory_space<vmem>>
          %dma_wait3A_758 = arith.constant 0 : i32
          %dma_wait3A_759 = arith.constant 0 : i32
          %dma_wait3A_760 = tpu.memref_slice %arg16[%dma_wait3A_758, %dma_wait3A_759] : memref<10112x128xf32, #tpu.memory_space<vmem_shared>> -> memref<10112x128xf32, #tpu.memory_space<vmem_shared>>
          tpu.wait_indirect_dma semaphore(%arg23 : memref<!tpu.dma_semaphore, #tpu.memory_space<semaphore_mem>>) src(%arg14 : memref<64x128xf32, #tpu.memory_space<vmem>>) dst(%dma_wait3A_760 : memref<10112x128xf32, #tpu.memory_space<vmem_shared>>)
        } else {
        }
        %dma_start3A_747 = arith.constant 2 : i32
        %dma_start3A_748 = arith.constant 0 : i32
        %dma_start3A_749 = tpu.memref_slice %arg8[%dma_start3A_747, %dma_start3A_748] : memref<8x64xi32, #tpu.memory_space<vmem>> -> memref<1x64xi32, #tpu.memory_space<vmem>>
        %dma_start3A_750 = tpu.memref_squeeze %dma_start3A_749 : memref<1x64xi32, #tpu.memory_space<vmem>> -> memref<64xi32, #tpu.memory_space<vmem>>
        %dma_start3A_751 = arith.constant 0 : i32
        %dma_start3A_752 = arith.constant 0 : i32
        %dma_start3A_753 = tpu.memref_slice %arg2[%dma_start3A_751, %dma_start3A_752] : memref<10000x128xf32, #tpu.memory_space<hbm>> -> memref<10000x128xf32, #tpu.memory_space<hbm>>
        tpu.enqueue_indirect_dma source(%dma_start3A_753 : memref<10000x128xf32, #tpu.memory_space<hbm>>) target(%arg14 : memref<64x128xf32, #tpu.memory_space<vmem>>) offsets(%dma_start3A_750 : memref<64xi32, #tpu.memory_space<vmem>>) semaphore(%arg19 : memref<!tpu.dma_semaphore, #tpu.memory_space<semaphore_mem>>)
      } else {
      }
      %add3A_137 = arith.constant 1 : i32
      %add3A_138 = arith.addi %mul3A_98, %add3A_137 : i32
      %dma_wait3A_139 = arith.constant 0 : i32
      %dma_wait3A_140 = arith.constant 0 : i32
      %dma_wait3A_141 = tpu.memref_slice %arg8[%dma_wait3A_139, %dma_wait3A_140] : memref<8x64xi32, #tpu.memory_space<vmem>> -> memref<1x64xi32, #tpu.memory_space<vmem>>
      %dma_wait3A_142 = tpu.memref_squeeze %dma_wait3A_141 : memref<1x64xi32, #tpu.memory_space<vmem>> -> memref<64xi32, #tpu.memory_space<vmem>>
      %dma_wait3A_143 = arith.constant 0 : i32
      %dma_wait3A_144 = arith.constant 0 : i32
      %dma_wait3A_145 = tpu.memref_slice %arg2[%dma_wait3A_143, %dma_wait3A_144] : memref<10000x128xf32, #tpu.memory_space<hbm>> -> memref<10000x128xf32, #tpu.memory_space<hbm>>
      tpu.wait_indirect_dma semaphore(%arg18 : memref<!tpu.dma_semaphore, #tpu.memory_space<semaphore_mem>>) src(%dma_wait3A_145 : memref<10000x128xf32, #tpu.memory_space<hbm>>) dst(%arg13 : memref<64x128xf32, #tpu.memory_space<vmem>>)
      %dma_start3A_146 = arith.constant 1 : i32
      %dma_start3A_147 = arith.constant 0 : i32
      %dma_start3A_148 = tpu.memref_slice %arg10[%dma_start3A_146, %dma_start3A_147] : memref<8x64xi32, #tpu.memory_space<vmem>> -> memref<1x64xi32, #tpu.memory_space<vmem>>
      %dma_start3A_149 = tpu.memref_squeeze %dma_start3A_148 : memref<1x64xi32, #tpu.memory_space<vmem>> -> memref<64xi32, #tpu.memory_space<vmem>>
      %dma_start3A_150 = arith.constant 0 : i32
      %dma_start3A_151 = arith.constant 0 : i32
      %dma_start3A_152 = tpu.memref_slice %arg16[%dma_start3A_150, %dma_start3A_151] : memref<10112x128xf32, #tpu.memory_space<vmem_shared>> -> memref<10112x128xf32, #tpu.memory_space<vmem_shared>>
      tpu.enqueue_indirect_dma source(%arg13 : memref<64x128xf32, #tpu.memory_space<vmem>>) target(%dma_start3A_152 : memref<10112x128xf32, #tpu.memory_space<vmem_shared>>) offsets(%dma_start3A_149 : memref<64xi32, #tpu.memory_space<vmem>>) semaphore(%arg22 : memref<!tpu.dma_semaphore, #tpu.memory_space<semaphore_mem>>) {add = true}
      %get3A_153 = arith.constant 1 : i32
      %get3A_154 = arith.index_cast %get3A_153 : i32 to index
      %get3A_155 = arith.constant 0 : index
      %get3A_156 = tpu.vector_load %arg10[%get3A_154, %get3A_155] {strides = array<i32>} : memref<8x64xi32, #tpu.memory_space<vmem>>, vector<16xi32>,
      tpu.vector_store_idx %arg27[%get3A_156], %broadcast_in_dim3A_5 {add = true} : memref<10112xf32, #tpu.memory_space<vmem>>[vector<16xi32>], vector<16xf32>,
      %get3A_157 = arith.constant 1 : i32
      %get3A_158 = arith.index_cast %get3A_157 : i32 to index
      %get3A_159 = arith.constant 16 : index
      %get3A_160 = tpu.vector_load %arg10[%get3A_158, %get3A_159] {strides = array<i32>} : memref<8x64xi32, #tpu.memory_space<vmem>>, vector<16xi32>,
      tpu.vector_store_idx %arg27[%get3A_160], %broadcast_in_dim3A_5 {add = true} : memref<10112xf32, #tpu.memory_space<vmem>>[vector<16xi32>], vector<16xf32>,
      %get3A_161 = arith.constant 1 : i32
      %get3A_162 = arith.index_cast %get3A_161 : i32 to index
      %get3A_163 = arith.constant 32 : index
      %get3A_164 = tpu.vector_load %arg10[%get3A_162, %get3A_163] {strides = array<i32>} : memref<8x64xi32, #tpu.memory_space<vmem>>, vector<16xi32>,
      tpu.vector_store_idx %arg27[%get3A_164], %broadcast_in_dim3A_5 {add = true} : memref<10112xf32, #tpu.memory_space<vmem>>[vector<16xi32>], vector<16xf32>,
      %get3A_165 = arith.constant 1 : i32
      %get3A_166 = arith.index_cast %get3A_165 : i32 to index
      %get3A_167 = arith.constant 48 : index
      %get3A_168 = tpu.vector_load %arg10[%get3A_166, %get3A_167] {strides = array<i32>} : memref<8x64xi32, #tpu.memory_space<vmem>>, vector<16xi32>,
      tpu.vector_store_idx %arg27[%get3A_168], %broadcast_in_dim3A_5 {add = true} : memref<10112xf32, #tpu.memory_space<vmem>>[vector<16xi32>], vector<16xf32>,
      %add3A_169 = arith.constant 2 : i32
      %add3A_170 = arith.addi %add3A_138, %add3A_169 : i32
      %lt3A_171 = arith.constant 160 : i32
      %lt3A_172 = arith.cmpi slt, %add3A_170, %lt3A_171 : i32
      %convert_element_type3A_173 = arith.extui %lt3A_172 : i1 to i32
      %cond3A_174 = arith.constant 0 : i32
      %cond3A_175 = arith.cmpi ne, %convert_element_type3A_173, %cond3A_174 : i32
      scf.if %cond3A_175 {
        %ge3A_742 = arith.constant 2 : i32
        %ge3A_743 = arith.cmpi sge, %add3A_138, %ge3A_742 : i32
        %convert_element_type3A_744 = arith.extui %ge3A_743 : i1 to i32
        %cond3A_745 = arith.constant 0 : i32
        %cond3A_746 = arith.cmpi ne, %convert_element_type3A_744, %cond3A_745 : i32
        scf.if %cond3A_746 {
          %dma_wait3A_754 = arith.constant 0 : i32
          %dma_wait3A_755 = arith.constant 0 : i32
          %dma_wait3A_756 = tpu.memref_slice %arg10[%dma_wait3A_754, %dma_wait3A_755] : memref<8x64xi32, #tpu.memory_space<vmem>> -> memref<1x64xi32, #tpu.memory_space<vmem>>
          %dma_wait3A_757 = tpu.memref_squeeze %dma_wait3A_756 : memref<1x64xi32, #tpu.memory_space<vmem>> -> memref<64xi32, #tpu.memory_space<vmem>>
          %dma_wait3A_758 = arith.constant 0 : i32
          %dma_wait3A_759 = arith.constant 0 : i32
          %dma_wait3A_760 = tpu.memref_slice %arg16[%dma_wait3A_758, %dma_wait3A_759] : memref<10112x128xf32, #tpu.memory_space<vmem_shared>> -> memref<10112x128xf32, #tpu.memory_space<vmem_shared>>
          tpu.wait_indirect_dma semaphore(%arg24 : memref<!tpu.dma_semaphore, #tpu.memory_space<semaphore_mem>>) src(%arg15 : memref<64x128xf32, #tpu.memory_space<vmem>>) dst(%dma_wait3A_760 : memref<10112x128xf32, #tpu.memory_space<vmem_shared>>)
        } else {
        }
        %dma_start3A_747 = arith.constant 3 : i32
        %dma_start3A_748 = arith.constant 0 : i32
        %dma_start3A_749 = tpu.memref_slice %arg8[%dma_start3A_747, %dma_start3A_748] : memref<8x64xi32, #tpu.memory_space<vmem>> -> memref<1x64xi32, #tpu.memory_space<vmem>>
        %dma_start3A_750 = tpu.memref_squeeze %dma_start3A_749 : memref<1x64xi32, #tpu.memory_space<vmem>> -> memref<64xi32, #tpu.memory_space<vmem>>
        %dma_start3A_751 = arith.constant 0 : i32
        %dma_start3A_752 = arith.constant 0 : i32
        %dma_start3A_753 = tpu.memref_slice %arg2[%dma_start3A_751, %dma_start3A_752] : memref<10000x128xf32, #tpu.memory_space<hbm>> -> memref<10000x128xf32, #tpu.memory_space<hbm>>
        tpu.enqueue_indirect_dma source(%dma_start3A_753 : memref<10000x128xf32, #tpu.memory_space<hbm>>) target(%arg15 : memref<64x128xf32, #tpu.memory_space<vmem>>) offsets(%dma_start3A_750 : memref<64xi32, #tpu.memory_space<vmem>>) semaphore(%arg20 : memref<!tpu.dma_semaphore, #tpu.memory_space<semaphore_mem>>)
      } else {
      }
      %add3A_176 = arith.constant 1 : i32
      %add3A_177 = arith.addi %add3A_96, %add3A_176 : i32
      %lt3A_178 = arith.constant 20 : i32
      %lt3A_179 = arith.cmpi slt, %add3A_177, %lt3A_178 : i32
      %convert_element_type3A_180 = arith.extui %lt3A_179 : i1 to i32
      %cond3A_181 = arith.constant 0 : i32
      %cond3A_182 = arith.cmpi ne, %convert_element_type3A_180, %cond3A_181 : i32
      scf.if %cond3A_182 {
        %mul3A_742 = arith.constant 160 : i32
        %mul3A_743 = arith.muli %add3A, %mul3A_742 : i32
        %add3A_744 = arith.constant 1 : i32
        %add3A_745 = arith.addi %add3A_96, %add3A_744 : i32
        %mul3A_746 = arith.constant 8 : i32
        %mul3A_747 = arith.muli %add3A_745, %mul3A_746 : i32
        %add3A_748 = arith.addi %mul3A_743, %mul3A_747 : i32
        %lt3A_749 = arith.constant 5000 : i32
        %lt3A_750 = arith.cmpi slt, %add3A_748, %lt3A_749 : i32
        %convert_element_type3A_751 = arith.extui %lt3A_750 : i1 to i32
        %cond3A_752 = arith.constant 0 : i32
        %cond3A_753 = arith.cmpi ne, %convert_element_type3A_751, %cond3A_752 : i32
        scf.if %cond3A_753 {
          %dma_start3A_759 = arith.constant 0 : i32
          %dma_start3A_760 = tpu.memref_slice %arg3[%add3A_748, %dma_start3A_759] : memref<10000x64xi32, #tpu.memory_space<hbm>> -> memref<8x64xi32, #tpu.memory_space<hbm>>
          %dma_start3A_761 = arith.constant 0 : i32
          %dma_start3A_762 = tpu.memref_slice %arg3[%add3A_748, %dma_start3A_761] : memref<10000x64xi32, #tpu.memory_space<hbm>> -> memref<8x64xi32, #tpu.memory_space<hbm>>
          tpu.enqueue_dma source(%dma_start3A_762 : memref<8x64xi32, #tpu.memory_space<hbm>>) target(%arg9 : memref<8x64xi32, #tpu.memory_space<vmem>>) target_semaphore(%arg26 : memref<!tpu.dma_semaphore, #tpu.memory_space<semaphore_mem>>)
          %add3A_763 = arith.constant 5000 : i32
          %add3A_764 = arith.addi %add3A_763, %add3A_748 : i32
          %dma_start3A_765 = arith.constant 0 : i32
          %dma_start3A_766 = tpu.memref_slice %arg3[%add3A_764, %dma_start3A_765] : memref<10000x64xi32, #tpu.memory_space<hbm>> -> memref<8x64xi32, #tpu.memory_space<hbm>>
          %dma_start3A_767 = arith.constant 0 : i32
          %dma_start3A_768 = tpu.memref_slice %arg3[%add3A_764, %dma_start3A_767] : memref<10000x64xi32, #tpu.memory_space<hbm>> -> memref<8x64xi32, #tpu.memory_space<hbm>>
          tpu.enqueue_dma source(%dma_start3A_768 : memref<8x64xi32, #tpu.memory_space<hbm>>) target(%arg11 : memref<8x64xi32, #tpu.memory_space<vmem>>) target_semaphore(%arg26 : memref<!tpu.dma_semaphore, #tpu.memory_space<semaphore_mem>>)
        } else {
        }
        %ge3A_754 = arith.constant 5000 : i32
        %ge3A_755 = arith.cmpi sge, %add3A_748, %ge3A_754 : i32
        %convert_element_type3A_756 = arith.extui %ge3A_755 : i1 to i32
        %cond3A_757 = arith.constant 0 : i32
        %cond3A_758 = arith.cmpi ne, %convert_element_type3A_756, %cond3A_757 : i32
        scf.if %cond3A_758 {
          tpu.enqueue_dma source(%arg4 : memref<8x64xi32, #tpu.memory_space<hbm>>) target(%arg9 : memref<8x64xi32, #tpu.memory_space<vmem>>) target_semaphore(%arg26 : memref<!tpu.dma_semaphore, #tpu.memory_space<semaphore_mem>>)
          tpu.enqueue_dma source(%arg5 : memref<8x64xi32, #tpu.memory_space<hbm>>) target(%arg11 : memref<8x64xi32, #tpu.memory_space<vmem>>) target_semaphore(%arg26 : memref<!tpu.dma_semaphore, #tpu.memory_space<semaphore_mem>>)
        } else {
        }
      } else {
      }
      %add3A_183 = arith.constant 2 : i32
      %add3A_184 = arith.addi %mul3A_98, %add3A_183 : i32
      %dma_wait3A_185 = arith.constant 0 : i32
      %dma_wait3A_186 = arith.constant 0 : i32
      %dma_wait3A_187 = tpu.memref_slice %arg8[%dma_wait3A_185, %dma_wait3A_186] : memref<8x64xi32, #tpu.memory_space<vmem>> -> memref<1x64xi32, #tpu.memory_space<vmem>>
      %dma_wait3A_188 = tpu.memref_squeeze %dma_wait3A_187 : memref<1x64xi32, #tpu.memory_space<vmem>> -> memref<64xi32, #tpu.memory_space<vmem>>
      %dma_wait3A_189 = arith.constant 0 : i32
      %dma_wait3A_190 = arith.constant 0 : i32
      %dma_wait3A_191 = tpu.memref_slice %arg2[%dma_wait3A_189, %dma_wait3A_190] : memref<10000x128xf32, #tpu.memory_space<hbm>> -> memref<10000x128xf32, #tpu.memory_space<hbm>>
      tpu.wait_indirect_dma semaphore(%arg19 : memref<!tpu.dma_semaphore, #tpu.memory_space<semaphore_mem>>) src(%dma_wait3A_191 : memref<10000x128xf32, #tpu.memory_space<hbm>>) dst(%arg14 : memref<64x128xf32, #tpu.memory_space<vmem>>)
      %dma_start3A_192 = arith.constant 2 : i32
      %dma_start3A_193 = arith.constant 0 : i32
      %dma_start3A_194 = tpu.memref_slice %arg10[%dma_start3A_192, %dma_start3A_193] : memref<8x64xi32, #tpu.memory_space<vmem>> -> memref<1x64xi32, #tpu.memory_space<vmem>>
      %dma_start3A_195 = tpu.memref_squeeze %dma_start3A_194 : memref<1x64xi32, #tpu.memory_space<vmem>> -> memref<64xi32, #tpu.memory_space<vmem>>
      %dma_start3A_196 = arith.constant 0 : i32
      %dma_start3A_197 = arith.constant 0 : i32
      %dma_start3A_198 = tpu.memref_slice %arg16[%dma_start3A_196, %dma_start3A_197] : memref<10112x128xf32, #tpu.memory_space<vmem_shared>> -> memref<10112x128xf32, #tpu.memory_space<vmem_shared>>
      tpu.enqueue_indirect_dma source(%arg14 : memref<64x128xf32, #tpu.memory_space<vmem>>) target(%dma_start3A_198 : memref<10112x128xf32, #tpu.memory_space<vmem_shared>>) offsets(%dma_start3A_195 : memref<64xi32, #tpu.memory_space<vmem>>) semaphore(%arg23 : memref<!tpu.dma_semaphore, #tpu.memory_space<semaphore_mem>>) {add = true}
      %get3A_199 = arith.constant 2 : i32
      %get3A_200 = arith.index_cast %get3A_199 : i32 to index
      %get3A_201 = arith.constant 0 : index
      %get3A_202 = tpu.vector_load %arg10[%get3A_200, %get3A_201] {strides = array<i32>} : memref<8x64xi32, #tpu.memory_space<vmem>>, vector<16xi32>,
      tpu.vector_store_idx %arg27[%get3A_202], %broadcast_in_dim3A_5 {add = true} : memref<10112xf32, #tpu.memory_space<vmem>>[vector<16xi32>], vector<16xf32>,
      %get3A_203 = arith.constant 2 : i32
      %get3A_204 = arith.index_cast %get3A_203 : i32 to index
      %get3A_205 = arith.constant 16 : index
      %get3A_206 = tpu.vector_load %arg10[%get3A_204, %get3A_205] {strides = array<i32>} : memref<8x64xi32, #tpu.memory_space<vmem>>, vector<16xi32>,
      tpu.vector_store_idx %arg27[%get3A_206], %broadcast_in_dim3A_5 {add = true} : memref<10112xf32, #tpu.memory_space<vmem>>[vector<16xi32>], vector<16xf32>,
      %get3A_207 = arith.constant 2 : i32
      %get3A_208 = arith.index_cast %get3A_207 : i32 to index
      %get3A_209 = arith.constant 32 : index
      %get3A_210 = tpu.vector_load %arg10[%get3A_208, %get3A_209] {strides = array<i32>} : memref<8x64xi32, #tpu.memory_space<vmem>>, vector<16xi32>,
      tpu.vector_store_idx %arg27[%get3A_210], %broadcast_in_dim3A_5 {add = true} : memref<10112xf32, #tpu.memory_space<vmem>>[vector<16xi32>], vector<16xf32>,
      %get3A_211 = arith.constant 2 : i32
      %get3A_212 = arith.index_cast %get3A_211 : i32 to index
      %get3A_213 = arith.constant 48 : index
      %get3A_214 = tpu.vector_load %arg10[%get3A_212, %get3A_213] {strides = array<i32>} : memref<8x64xi32, #tpu.memory_space<vmem>>, vector<16xi32>,
      tpu.vector_store_idx %arg27[%get3A_214], %broadcast_in_dim3A_5 {add = true} : memref<10112xf32, #tpu.memory_space<vmem>>[vector<16xi32>], vector<16xf32>,
      %add3A_215 = arith.constant 2 : i32
      %add3A_216 = arith.addi %add3A_184, %add3A_215 : i32
      %lt3A_217 = arith.constant 160 : i32
      %lt3A_218 = arith.cmpi slt, %add3A_216, %lt3A_217 : i32
      %convert_element_type3A_219 = arith.extui %lt3A_218 : i1 to i32
      %cond3A_220 = arith.constant 0 : i32
      %cond3A_221 = arith.cmpi ne, %convert_element_type3A_219, %cond3A_220 : i32
      scf.if %cond3A_221 {
        %ge3A_742 = arith.constant 2 : i32
        %ge3A_743 = arith.cmpi sge, %add3A_184, %ge3A_742 : i32
        %convert_element_type3A_744 = arith.extui %ge3A_743 : i1 to i32
        %cond3A_745 = arith.constant 0 : i32
        %cond3A_746 = arith.cmpi ne, %convert_element_type3A_744, %cond3A_745 : i32
        scf.if %cond3A_746 {
          %dma_wait3A_754 = arith.constant 0 : i32
          %dma_wait3A_755 = arith.constant 0 : i32
          %dma_wait3A_756 = tpu.memref_slice %arg10[%dma_wait3A_754, %dma_wait3A_755] : memref<8x64xi32, #tpu.memory_space<vmem>> -> memref<1x64xi32, #tpu.memory_space<vmem>>
          %dma_wait3A_757 = tpu.memref_squeeze %dma_wait3A_756 : memref<1x64xi32, #tpu.memory_space<vmem>> -> memref<64xi32, #tpu.memory_space<vmem>>
          %dma_wait3A_758 = arith.constant 0 : i32
          %dma_wait3A_759 = arith.constant 0 : i32
          %dma_wait3A_760 = tpu.memref_slice %arg16[%dma_wait3A_758, %dma_wait3A_759] : memref<10112x128xf32, #tpu.memory_space<vmem_shared>> -> memref<10112x128xf32, #tpu.memory_space<vmem_shared>>
          tpu.wait_indirect_dma semaphore(%arg21 : memref<!tpu.dma_semaphore, #tpu.memory_space<semaphore_mem>>) src(%arg12 : memref<64x128xf32, #tpu.memory_space<vmem>>) dst(%dma_wait3A_760 : memref<10112x128xf32, #tpu.memory_space<vmem_shared>>)
        } else {
        }
        %dma_start3A_747 = arith.constant 4 : i32
        %dma_start3A_748 = arith.constant 0 : i32
        %dma_start3A_749 = tpu.memref_slice %arg8[%dma_start3A_747, %dma_start3A_748] : memref<8x64xi32, #tpu.memory_space<vmem>> -> memref<1x64xi32, #tpu.memory_space<vmem>>
        %dma_start3A_750 = tpu.memref_squeeze %dma_start3A_749 : memref<1x64xi32, #tpu.memory_space<vmem>> -> memref<64xi32, #tpu.memory_space<vmem>>
        %dma_start3A_751 = arith.constant 0 : i32
        %dma_start3A_752 = arith.constant 0 : i32
        %dma_start3A_753 = tpu.memref_slice %arg2[%dma_start3A_751, %dma_start3A_752] : memref<10000x128xf32, #tpu.memory_space<hbm>> -> memref<10000x128xf32, #tpu.memory_space<hbm>>
        tpu.enqueue_indirect_dma source(%dma_start3A_753 : memref<10000x128xf32, #tpu.memory_space<hbm>>) target(%arg12 : memref<64x128xf32, #tpu.memory_space<vmem>>) offsets(%dma_start3A_750 : memref<64xi32, #tpu.memory_space<vmem>>) semaphore(%arg17 : memref<!tpu.dma_semaphore, #tpu.memory_space<semaphore_mem>>)
      } else {
      }
      %add3A_222 = arith.constant 3 : i32
      %add3A_223 = arith.addi %mul3A_98, %add3A_222 : i32
      %dma_wait3A_224 = arith.constant 0 : i32
      %dma_wait3A_225 = arith.constant 0 : i32
      %dma_wait3A_226 = tpu.memref_slice %arg8[%dma_wait3A_224, %dma_wait3A_225] : memref<8x64xi32, #tpu.memory_space<vmem>> -> memref<1x64xi32, #tpu.memory_space<vmem>>
      %dma_wait3A_227 = tpu.memref_squeeze %dma_wait3A_226 : memref<1x64xi32, #tpu.memory_space<vmem>> -> memref<64xi32, #tpu.memory_space<vmem>>
      %dma_wait3A_228 = arith.constant 0 : i32
      %dma_wait3A_229 = arith.constant 0 : i32
      %dma_wait3A_230 = tpu.memref_slice %arg2[%dma_wait3A_228, %dma_wait3A_229] : memref<10000x128xf32, #tpu.memory_space<hbm>> -> memref<10000x128xf32, #tpu.memory_space<hbm>>
      tpu.wait_indirect_dma semaphore(%arg20 : memref<!tpu.dma_semaphore, #tpu.memory_space<semaphore_mem>>) src(%dma_wait3A_230 : memref<10000x128xf32, #tpu.memory_space<hbm>>) dst(%arg15 : memref<64x128xf32, #tpu.memory_space<vmem>>)
      %dma_start3A_231 = arith.constant 3 : i32
      %dma_start3A_232 = arith.constant 0 : i32
      %dma_start3A_233 = tpu.memref_slice %arg10[%dma_start3A_231, %dma_start3A_232] : memref<8x64xi32, #tpu.memory_space<vmem>> -> memref<1x64xi32, #tpu.memory_space<vmem>>
      %dma_start3A_234 = tpu.memref_squeeze %dma_start3A_233 : memref<1x64xi32, #tpu.memory_space<vmem>> -> memref<64xi32, #tpu.memory_space<vmem>>
      %dma_start3A_235 = arith.constant 0 : i32
      %dma_start3A_236 = arith.constant 0 : i32
      %dma_start3A_237 = tpu.memref_slice %arg16[%dma_start3A_235, %dma_start3A_236] : memref<10112x128xf32, #tpu.memory_space<vmem_shared>> -> memref<10112x128xf32, #tpu.memory_space<vmem_shared>>
      tpu.enqueue_indirect_dma source(%arg15 : memref<64x128xf32, #tpu.memory_space<vmem>>) target(%dma_start3A_237 : memref<10112x128xf32, #tpu.memory_space<vmem_shared>>) offsets(%dma_start3A_234 : memref<64xi32, #tpu.memory_space<vmem>>) semaphore(%arg24 : memref<!tpu.dma_semaphore, #tpu.memory_space<semaphore_mem>>) {add = true}
      %get3A_238 = arith.constant 3 : i32
      %get3A_239 = arith.index_cast %get3A_238 : i32 to index
      %get3A_240 = arith.constant 0 : index
      %get3A_241 = tpu.vector_load %arg10[%get3A_239, %get3A_240] {strides = array<i32>} : memref<8x64xi32, #tpu.memory_space<vmem>>, vector<16xi32>,
      tpu.vector_store_idx %arg27[%get3A_241], %broadcast_in_dim3A_5 {add = true} : memref<10112xf32, #tpu.memory_space<vmem>>[vector<16xi32>], vector<16xf32>,
      %get3A_242 = arith.constant 3 : i32
      %get3A_243 = arith.index_cast %get3A_242 : i32 to index
      %get3A_244 = arith.constant 16 : index
      %get3A_245 = tpu.vector_load %arg10[%get3A_243, %get3A_244] {strides = array<i32>} : memref<8x64xi32, #tpu.memory_space<vmem>>, vector<16xi32>,
      tpu.vector_store_idx %arg27[%get3A_245], %broadcast_in_dim3A_5 {add = true} : memref<10112xf32, #tpu.memory_space<vmem>>[vector<16xi32>], vector<16xf32>,
      %get3A_246 = arith.constant 3 : i32
      %get3A_247 = arith.index_cast %get3A_246 : i32 to index
      %get3A_248 = arith.constant 32 : index
      %get3A_249 = tpu.vector_load %arg10[%get3A_247, %get3A_248] {strides = array<i32>} : memref<8x64xi32, #tpu.memory_space<vmem>>, vector<16xi32>,
      tpu.vector_store_idx %arg27[%get3A_249], %broadcast_in_dim3A_5 {add = true} : memref<10112xf32, #tpu.memory_space<vmem>>[vector<16xi32>], vector<16xf32>,
      %get3A_250 = arith.constant 3 : i32
      %get3A_251 = arith.index_cast %get3A_250 : i32 to index
      %get3A_252 = arith.constant 48 : index
      %get3A_253 = tpu.vector_load %arg10[%get3A_251, %get3A_252] {strides = array<i32>} : memref<8x64xi32, #tpu.memory_space<vmem>>, vector<16xi32>,
      tpu.vector_store_idx %arg27[%get3A_253], %broadcast_in_dim3A_5 {add = true} : memref<10112xf32, #tpu.memory_space<vmem>>[vector<16xi32>], vector<16xf32>,
      %add3A_254 = arith.constant 2 : i32
      %add3A_255 = arith.addi %add3A_223, %add3A_254 : i32
      %lt3A_256 = arith.constant 160 : i32
      %lt3A_257 = arith.cmpi slt, %add3A_255, %lt3A_256 : i32
      %convert_element_type3A_258 = arith.extui %lt3A_257 : i1 to i32
      %cond3A_259 = arith.constant 0 : i32
      %cond3A_260 = arith.cmpi ne, %convert_element_type3A_258, %cond3A_259 : i32
      scf.if %cond3A_260 {
        %ge3A_742 = arith.constant 2 : i32
        %ge3A_743 = arith.cmpi sge, %add3A_223, %ge3A_742 : i32
        %convert_element_type3A_744 = arith.extui %ge3A_743 : i1 to i32
        %cond3A_745 = arith.constant 0 : i32
        %cond3A_746 = arith.cmpi ne, %convert_element_type3A_744, %cond3A_745 : i32
        scf.if %cond3A_746 {
          %dma_wait3A_754 = arith.constant 0 : i32
          %dma_wait3A_755 = arith.constant 0 : i32
          %dma_wait3A_756 = tpu.memref_slice %arg10[%dma_wait3A_754, %dma_wait3A_755] : memref<8x64xi32, #tpu.memory_space<vmem>> -> memref<1x64xi32, #tpu.memory_space<vmem>>
          %dma_wait3A_757 = tpu.memref_squeeze %dma_wait3A_756 : memref<1x64xi32, #tpu.memory_space<vmem>> -> memref<64xi32, #tpu.memory_space<vmem>>
          %dma_wait3A_758 = arith.constant 0 : i32
          %dma_wait3A_759 = arith.constant 0 : i32
          %dma_wait3A_760 = tpu.memref_slice %arg16[%dma_wait3A_758, %dma_wait3A_759] : memref<10112x128xf32, #tpu.memory_space<vmem_shared>> -> memref<10112x128xf32, #tpu.memory_space<vmem_shared>>
          tpu.wait_indirect_dma semaphore(%arg22 : memref<!tpu.dma_semaphore, #tpu.memory_space<semaphore_mem>>) src(%arg13 : memref<64x128xf32, #tpu.memory_space<vmem>>) dst(%dma_wait3A_760 : memref<10112x128xf32, #tpu.memory_space<vmem_shared>>)
        } else {
        }
        %dma_start3A_747 = arith.constant 5 : i32
        %dma_start3A_748 = arith.constant 0 : i32
        %dma_start3A_749 = tpu.memref_slice %arg8[%dma_start3A_747, %dma_start3A_748] : memref<8x64xi32, #tpu.memory_space<vmem>> -> memref<1x64xi32, #tpu.memory_space<vmem>>
        %dma_start3A_750 = tpu.memref_squeeze %dma_start3A_749 : memref<1x64xi32, #tpu.memory_space<vmem>> -> memref<64xi32, #tpu.memory_space<vmem>>
        %dma_start3A_751 = arith.constant 0 : i32
        %dma_start3A_752 = arith.constant 0 : i32
        %dma_start3A_753 = tpu.memref_slice %arg2[%dma_start3A_751, %dma_start3A_752] : memref<10000x128xf32, #tpu.memory_space<hbm>> -> memref<10000x128xf32, #tpu.memory_space<hbm>>
        tpu.enqueue_indirect_dma source(%dma_start3A_753 : memref<10000x128xf32, #tpu.memory_space<hbm>>) target(%arg13 : memref<64x128xf32, #tpu.memory_space<vmem>>) offsets(%dma_start3A_750 : memref<64xi32, #tpu.memory_space<vmem>>) semaphore(%arg18 : memref<!tpu.dma_semaphore, #tpu.memory_space<semaphore_mem>>)
      } else {
      }
      %add3A_261 = arith.constant 4 : i32
      %add3A_262 = arith.addi %mul3A_98, %add3A_261 : i32
      %dma_wait3A_263 = arith.constant 0 : i32
      %dma_wait3A_264 = arith.constant 0 : i32
      %dma_wait3A_265 = tpu.memref_slice %arg8[%dma_wait3A_263, %dma_wait3A_264] : memref<8x64xi32, #tpu.memory_space<vmem>> -> memref<1x64xi32, #tpu.memory_space<vmem>>
      %dma_wait3A_266 = tpu.memref_squeeze %dma_wait3A_265 : memref<1x64xi32, #tpu.memory_space<vmem>> -> memref<64xi32, #tpu.memory_space<vmem>>
      %dma_wait3A_267 = arith.constant 0 : i32
      %dma_wait3A_268 = arith.constant 0 : i32
      %dma_wait3A_269 = tpu.memref_slice %arg2[%dma_wait3A_267, %dma_wait3A_268] : memref<10000x128xf32, #tpu.memory_space<hbm>> -> memref<10000x128xf32, #tpu.memory_space<hbm>>
      tpu.wait_indirect_dma semaphore(%arg17 : memref<!tpu.dma_semaphore, #tpu.memory_space<semaphore_mem>>) src(%dma_wait3A_269 : memref<10000x128xf32, #tpu.memory_space<hbm>>) dst(%arg12 : memref<64x128xf32, #tpu.memory_space<vmem>>)
      %dma_start3A_270 = arith.constant 4 : i32
      %dma_start3A_271 = arith.constant 0 : i32
      %dma_start3A_272 = tpu.memref_slice %arg10[%dma_start3A_270, %dma_start3A_271] : memref<8x64xi32, #tpu.memory_space<vmem>> -> memref<1x64xi32, #tpu.memory_space<vmem>>
      %dma_start3A_273 = tpu.memref_squeeze %dma_start3A_272 : memref<1x64xi32, #tpu.memory_space<vmem>> -> memref<64xi32, #tpu.memory_space<vmem>>
      %dma_start3A_274 = arith.constant 0 : i32
      %dma_start3A_275 = arith.constant 0 : i32
      %dma_start3A_276 = tpu.memref_slice %arg16[%dma_start3A_274, %dma_start3A_275] : memref<10112x128xf32, #tpu.memory_space<vmem_shared>> -> memref<10112x128xf32, #tpu.memory_space<vmem_shared>>
      tpu.enqueue_indirect_dma source(%arg12 : memref<64x128xf32, #tpu.memory_space<vmem>>) target(%dma_start3A_276 : memref<10112x128xf32, #tpu.memory_space<vmem_shared>>) offsets(%dma_start3A_273 : memref<64xi32, #tpu.memory_space<vmem>>) semaphore(%arg21 : memref<!tpu.dma_semaphore, #tpu.memory_space<semaphore_mem>>) {add = true}
      %get3A_277 = arith.constant 4 : i32
      %get3A_278 = arith.index_cast %get3A_277 : i32 to index
      %get3A_279 = arith.constant 0 : index
      %get3A_280 = tpu.vector_load %arg10[%get3A_278, %get3A_279] {strides = array<i32>} : memref<8x64xi32, #tpu.memory_space<vmem>>, vector<16xi32>,
      tpu.vector_store_idx %arg27[%get3A_280], %broadcast_in_dim3A_5 {add = true} : memref<10112xf32, #tpu.memory_space<vmem>>[vector<16xi32>], vector<16xf32>,
      %get3A_281 = arith.constant 4 : i32
      %get3A_282 = arith.index_cast %get3A_281 : i32 to index
      %get3A_283 = arith.constant 16 : index
      %get3A_284 = tpu.vector_load %arg10[%get3A_282, %get3A_283] {strides = array<i32>} : memref<8x64xi32, #tpu.memory_space<vmem>>, vector<16xi32>,
      tpu.vector_store_idx %arg27[%get3A_284], %broadcast_in_dim3A_5 {add = true} : memref<10112xf32, #tpu.memory_space<vmem>>[vector<16xi32>], vector<16xf32>,
      %get3A_285 = arith.constant 4 : i32
      %get3A_286 = arith.index_cast %get3A_285 : i32 to index
      %get3A_287 = arith.constant 32 : index
      %get3A_288 = tpu.vector_load %arg10[%get3A_286, %get3A_287] {strides = array<i32>} : memref<8x64xi32, #tpu.memory_space<vmem>>, vector<16xi32>,
      tpu.vector_store_idx %arg27[%get3A_288], %broadcast_in_dim3A_5 {add = true} : memref<10112xf32, #tpu.memory_space<vmem>>[vector<16xi32>], vector<16xf32>,
      %get3A_289 = arith.constant 4 : i32
      %get3A_290 = arith.index_cast %get3A_289 : i32 to index
      %get3A_291 = arith.constant 48 : index
      %get3A_292 = tpu.vector_load %arg10[%get3A_290, %get3A_291] {strides = array<i32>} : memref<8x64xi32, #tpu.memory_space<vmem>>, vector<16xi32>,
      tpu.vector_store_idx %arg27[%get3A_292], %broadcast_in_dim3A_5 {add = true} : memref<10112xf32, #tpu.memory_space<vmem>>[vector<16xi32>], vector<16xf32>,
      %add3A_293 = arith.constant 2 : i32
      %add3A_294 = arith.addi %add3A_262, %add3A_293 : i32
      %lt3A_295 = arith.constant 160 : i32
      %lt3A_296 = arith.cmpi slt, %add3A_294, %lt3A_295 : i32
      %convert_element_type3A_297 = arith.extui %lt3A_296 : i1 to i32
      %cond3A_298 = arith.constant 0 : i32
      %cond3A_299 = arith.cmpi ne, %convert_element_type3A_297, %cond3A_298 : i32
      scf.if %cond3A_299 {
        %ge3A_742 = arith.constant 2 : i32
        %ge3A_743 = arith.cmpi sge, %add3A_262, %ge3A_742 : i32
        %convert_element_type3A_744 = arith.extui %ge3A_743 : i1 to i32
        %cond3A_745 = arith.constant 0 : i32
        %cond3A_746 = arith.cmpi ne, %convert_element_type3A_744, %cond3A_745 : i32
        scf.if %cond3A_746 {
          %dma_wait3A_754 = arith.constant 0 : i32
          %dma_wait3A_755 = arith.constant 0 : i32
          %dma_wait3A_756 = tpu.memref_slice %arg10[%dma_wait3A_754, %dma_wait3A_755] : memref<8x64xi32, #tpu.memory_space<vmem>> -> memref<1x64xi32, #tpu.memory_space<vmem>>
          %dma_wait3A_757 = tpu.memref_squeeze %dma_wait3A_756 : memref<1x64xi32, #tpu.memory_space<vmem>> -> memref<64xi32, #tpu.memory_space<vmem>>
          %dma_wait3A_758 = arith.constant 0 : i32
          %dma_wait3A_759 = arith.constant 0 : i32
          %dma_wait3A_760 = tpu.memref_slice %arg16[%dma_wait3A_758, %dma_wait3A_759] : memref<10112x128xf32, #tpu.memory_space<vmem_shared>> -> memref<10112x128xf32, #tpu.memory_space<vmem_shared>>
          tpu.wait_indirect_dma semaphore(%arg23 : memref<!tpu.dma_semaphore, #tpu.memory_space<semaphore_mem>>) src(%arg14 : memref<64x128xf32, #tpu.memory_space<vmem>>) dst(%dma_wait3A_760 : memref<10112x128xf32, #tpu.memory_space<vmem_shared>>)
        } else {
        }
        %dma_start3A_747 = arith.constant 6 : i32
        %dma_start3A_748 = arith.constant 0 : i32
        %dma_start3A_749 = tpu.memref_slice %arg8[%dma_start3A_747, %dma_start3A_748] : memref<8x64xi32, #tpu.memory_space<vmem>> -> memref<1x64xi32, #tpu.memory_space<vmem>>
        %dma_start3A_750 = tpu.memref_squeeze %dma_start3A_749 : memref<1x64xi32, #tpu.memory_space<vmem>> -> memref<64xi32, #tpu.memory_space<vmem>>
        %dma_start3A_751 = arith.constant 0 : i32
        %dma_start3A_752 = arith.constant 0 : i32
        %dma_start3A_753 = tpu.memref_slice %arg2[%dma_start3A_751, %dma_start3A_752] : memref<10000x128xf32, #tpu.memory_space<hbm>> -> memref<10000x128xf32, #tpu.memory_space<hbm>>
        tpu.enqueue_indirect_dma source(%dma_start3A_753 : memref<10000x128xf32, #tpu.memory_space<hbm>>) target(%arg14 : memref<64x128xf32, #tpu.memory_space<vmem>>) offsets(%dma_start3A_750 : memref<64xi32, #tpu.memory_space<vmem>>) semaphore(%arg19 : memref<!tpu.dma_semaphore, #tpu.memory_space<semaphore_mem>>)
      } else {
      }
      %add3A_300 = arith.constant 5 : i32
      %add3A_301 = arith.addi %mul3A_98, %add3A_300 : i32
      %dma_wait3A_302 = arith.constant 0 : i32
      %dma_wait3A_303 = arith.constant 0 : i32
      %dma_wait3A_304 = tpu.memref_slice %arg8[%dma_wait3A_302, %dma_wait3A_303] : memref<8x64xi32, #tpu.memory_space<vmem>> -> memref<1x64xi32, #tpu.memory_space<vmem>>
      %dma_wait3A_305 = tpu.memref_squeeze %dma_wait3A_304 : memref<1x64xi32, #tpu.memory_space<vmem>> -> memref<64xi32, #tpu.memory_space<vmem>>
      %dma_wait3A_306 = arith.constant 0 : i32
      %dma_wait3A_307 = arith.constant 0 : i32
      %dma_wait3A_308 = tpu.memref_slice %arg2[%dma_wait3A_306, %dma_wait3A_307] : memref<10000x128xf32, #tpu.memory_space<hbm>> -> memref<10000x128xf32, #tpu.memory_space<hbm>>
      tpu.wait_indirect_dma semaphore(%arg18 : memref<!tpu.dma_semaphore, #tpu.memory_space<semaphore_mem>>) src(%dma_wait3A_308 : memref<10000x128xf32, #tpu.memory_space<hbm>>) dst(%arg13 : memref<64x128xf32, #tpu.memory_space<vmem>>)
      %dma_start3A_309 = arith.constant 5 : i32
      %dma_start3A_310 = arith.constant 0 : i32
      %dma_start3A_311 = tpu.memref_slice %arg10[%dma_start3A_309, %dma_start3A_310] : memref<8x64xi32, #tpu.memory_space<vmem>> -> memref<1x64xi32, #tpu.memory_space<vmem>>
      %dma_start3A_312 = tpu.memref_squeeze %dma_start3A_311 : memref<1x64xi32, #tpu.memory_space<vmem>> -> memref<64xi32, #tpu.memory_space<vmem>>
      %dma_start3A_313 = arith.constant 0 : i32
      %dma_start3A_314 = arith.constant 0 : i32
      %dma_start3A_315 = tpu.memref_slice %arg16[%dma_start3A_313, %dma_start3A_314] : memref<10112x128xf32, #tpu.memory_space<vmem_shared>> -> memref<10112x128xf32, #tpu.memory_space<vmem_shared>>
      tpu.enqueue_indirect_dma source(%arg13 : memref<64x128xf32, #tpu.memory_space<vmem>>) target(%dma_start3A_315 : memref<10112x128xf32, #tpu.memory_space<vmem_shared>>) offsets(%dma_start3A_312 : memref<64xi32, #tpu.memory_space<vmem>>) semaphore(%arg22 : memref<!tpu.dma_semaphore, #tpu.memory_space<semaphore_mem>>) {add = true}
      %get3A_316 = arith.constant 5 : i32
      %get3A_317 = arith.index_cast %get3A_316 : i32 to index
      %get3A_318 = arith.constant 0 : index
      %get3A_319 = tpu.vector_load %arg10[%get3A_317, %get3A_318] {strides = array<i32>} : memref<8x64xi32, #tpu.memory_space<vmem>>, vector<16xi32>,
      tpu.vector_store_idx %arg27[%get3A_319], %broadcast_in_dim3A_5 {add = true} : memref<10112xf32, #tpu.memory_space<vmem>>[vector<16xi32>], vector<16xf32>,
      %get3A_320 = arith.constant 5 : i32
      %get3A_321 = arith.index_cast %get3A_320 : i32 to index
      %get3A_322 = arith.constant 16 : index
      %get3A_323 = tpu.vector_load %arg10[%get3A_321, %get3A_322] {strides = array<i32>} : memref<8x64xi32, #tpu.memory_space<vmem>>, vector<16xi32>,
      tpu.vector_store_idx %arg27[%get3A_323], %broadcast_in_dim3A_5 {add = true} : memref<10112xf32, #tpu.memory_space<vmem>>[vector<16xi32>], vector<16xf32>,
      %get3A_324 = arith.constant 5 : i32
      %get3A_325 = arith.index_cast %get3A_324 : i32 to index
      %get3A_326 = arith.constant 32 : index
      %get3A_327 = tpu.vector_load %arg10[%get3A_325, %get3A_326] {strides = array<i32>} : memref<8x64xi32, #tpu.memory_space<vmem>>, vector<16xi32>,
      tpu.vector_store_idx %arg27[%get3A_327], %broadcast_in_dim3A_5 {add = true} : memref<10112xf32, #tpu.memory_space<vmem>>[vector<16xi32>], vector<16xf32>,
      %get3A_328 = arith.constant 5 : i32
      %get3A_329 = arith.index_cast %get3A_328 : i32 to index
      %get3A_330 = arith.constant 48 : index
      %get3A_331 = tpu.vector_load %arg10[%get3A_329, %get3A_330] {strides = array<i32>} : memref<8x64xi32, #tpu.memory_space<vmem>>, vector<16xi32>,
      tpu.vector_store_idx %arg27[%get3A_331], %broadcast_in_dim3A_5 {add = true} : memref<10112xf32, #tpu.memory_space<vmem>>[vector<16xi32>], vector<16xf32>,
      %add3A_332 = arith.constant 2 : i32
      %add3A_333 = arith.addi %add3A_301, %add3A_332 : i32
      %lt3A_334 = arith.constant 160 : i32
      %lt3A_335 = arith.cmpi slt, %add3A_333, %lt3A_334 : i32
      %convert_element_type3A_336 = arith.extui %lt3A_335 : i1 to i32
      %cond3A_337 = arith.constant 0 : i32
      %cond3A_338 = arith.cmpi ne, %convert_element_type3A_336, %cond3A_337 : i32
      scf.if %cond3A_338 {
        %ge3A_742 = arith.constant 2 : i32
        %ge3A_743 = arith.cmpi sge, %add3A_301, %ge3A_742 : i32
        %convert_element_type3A_744 = arith.extui %ge3A_743 : i1 to i32
        %cond3A_745 = arith.constant 0 : i32
        %cond3A_746 = arith.cmpi ne, %convert_element_type3A_744, %cond3A_745 : i32
        scf.if %cond3A_746 {
          %dma_wait3A_754 = arith.constant 0 : i32
          %dma_wait3A_755 = arith.constant 0 : i32
          %dma_wait3A_756 = tpu.memref_slice %arg10[%dma_wait3A_754, %dma_wait3A_755] : memref<8x64xi32, #tpu.memory_space<vmem>> -> memref<1x64xi32, #tpu.memory_space<vmem>>
          %dma_wait3A_757 = tpu.memref_squeeze %dma_wait3A_756 : memref<1x64xi32, #tpu.memory_space<vmem>> -> memref<64xi32, #tpu.memory_space<vmem>>
          %dma_wait3A_758 = arith.constant 0 : i32
          %dma_wait3A_759 = arith.constant 0 : i32
          %dma_wait3A_760 = tpu.memref_slice %arg16[%dma_wait3A_758, %dma_wait3A_759] : memref<10112x128xf32, #tpu.memory_space<vmem_shared>> -> memref<10112x128xf32, #tpu.memory_space<vmem_shared>>
          tpu.wait_indirect_dma semaphore(%arg24 : memref<!tpu.dma_semaphore, #tpu.memory_space<semaphore_mem>>) src(%arg15 : memref<64x128xf32, #tpu.memory_space<vmem>>) dst(%dma_wait3A_760 : memref<10112x128xf32, #tpu.memory_space<vmem_shared>>)
        } else {
        }
        %dma_start3A_747 = arith.constant 7 : i32
        %dma_start3A_748 = arith.constant 0 : i32
        %dma_start3A_749 = tpu.memref_slice %arg8[%dma_start3A_747, %dma_start3A_748] : memref<8x64xi32, #tpu.memory_space<vmem>> -> memref<1x64xi32, #tpu.memory_space<vmem>>
        %dma_start3A_750 = tpu.memref_squeeze %dma_start3A_749 : memref<1x64xi32, #tpu.memory_space<vmem>> -> memref<64xi32, #tpu.memory_space<vmem>>
        %dma_start3A_751 = arith.constant 0 : i32
        %dma_start3A_752 = arith.constant 0 : i32
        %dma_start3A_753 = tpu.memref_slice %arg2[%dma_start3A_751, %dma_start3A_752] : memref<10000x128xf32, #tpu.memory_space<hbm>> -> memref<10000x128xf32, #tpu.memory_space<hbm>>
        tpu.enqueue_indirect_dma source(%dma_start3A_753 : memref<10000x128xf32, #tpu.memory_space<hbm>>) target(%arg15 : memref<64x128xf32, #tpu.memory_space<vmem>>) offsets(%dma_start3A_750 : memref<64xi32, #tpu.memory_space<vmem>>) semaphore(%arg20 : memref<!tpu.dma_semaphore, #tpu.memory_space<semaphore_mem>>)
      } else {
      }
      %add3A_339 = arith.constant 6 : i32
      %add3A_340 = arith.addi %mul3A_98, %add3A_339 : i32
      %dma_wait3A_341 = arith.constant 0 : i32
      %dma_wait3A_342 = arith.constant 0 : i32
      %dma_wait3A_343 = tpu.memref_slice %arg8[%dma_wait3A_341, %dma_wait3A_342] : memref<8x64xi32, #tpu.memory_space<vmem>> -> memref<1x64xi32, #tpu.memory_space<vmem>>
      %dma_wait3A_344 = tpu.memref_squeeze %dma_wait3A_343 : memref<1x64xi32, #tpu.memory_space<vmem>> -> memref<64xi32, #tpu.memory_space<vmem>>
      %dma_wait3A_345 = arith.constant 0 : i32
      %dma_wait3A_346 = arith.constant 0 : i32
      %dma_wait3A_347 = tpu.memref_slice %arg2[%dma_wait3A_345, %dma_wait3A_346] : memref<10000x128xf32, #tpu.memory_space<hbm>> -> memref<10000x128xf32, #tpu.memory_space<hbm>>
      tpu.wait_indirect_dma semaphore(%arg19 : memref<!tpu.dma_semaphore, #tpu.memory_space<semaphore_mem>>) src(%dma_wait3A_347 : memref<10000x128xf32, #tpu.memory_space<hbm>>) dst(%arg14 : memref<64x128xf32, #tpu.memory_space<vmem>>)
      %dma_start3A_348 = arith.constant 6 : i32
      %dma_start3A_349 = arith.constant 0 : i32
      %dma_start3A_350 = tpu.memref_slice %arg10[%dma_start3A_348, %dma_start3A_349] : memref<8x64xi32, #tpu.memory_space<vmem>> -> memref<1x64xi32, #tpu.memory_space<vmem>>
      %dma_start3A_351 = tpu.memref_squeeze %dma_start3A_350 : memref<1x64xi32, #tpu.memory_space<vmem>> -> memref<64xi32, #tpu.memory_space<vmem>>
      %dma_start3A_352 = arith.constant 0 : i32
      %dma_start3A_353 = arith.constant 0 : i32
      %dma_start3A_354 = tpu.memref_slice %arg16[%dma_start3A_352, %dma_start3A_353] : memref<10112x128xf32, #tpu.memory_space<vmem_shared>> -> memref<10112x128xf32, #tpu.memory_space<vmem_shared>>
      tpu.enqueue_indirect_dma source(%arg14 : memref<64x128xf32, #tpu.memory_space<vmem>>) target(%dma_start3A_354 : memref<10112x128xf32, #tpu.memory_space<vmem_shared>>) offsets(%dma_start3A_351 : memref<64xi32, #tpu.memory_space<vmem>>) semaphore(%arg23 : memref<!tpu.dma_semaphore, #tpu.memory_space<semaphore_mem>>) {add = true}
      %get3A_355 = arith.constant 6 : i32
      %get3A_356 = arith.index_cast %get3A_355 : i32 to index
      %get3A_357 = arith.constant 0 : index
      %get3A_358 = tpu.vector_load %arg10[%get3A_356, %get3A_357] {strides = array<i32>} : memref<8x64xi32, #tpu.memory_space<vmem>>, vector<16xi32>,
      tpu.vector_store_idx %arg27[%get3A_358], %broadcast_in_dim3A_5 {add = true} : memref<10112xf32, #tpu.memory_space<vmem>>[vector<16xi32>], vector<16xf32>,
      %get3A_359 = arith.constant 6 : i32
      %get3A_360 = arith.index_cast %get3A_359 : i32 to index
      %get3A_361 = arith.constant 16 : index
      %get3A_362 = tpu.vector_load %arg10[%get3A_360, %get3A_361] {strides = array<i32>} : memref<8x64xi32, #tpu.memory_space<vmem>>, vector<16xi32>,
      tpu.vector_store_idx %arg27[%get3A_362], %broadcast_in_dim3A_5 {add = true} : memref<10112xf32, #tpu.memory_space<vmem>>[vector<16xi32>], vector<16xf32>,
      %get3A_363 = arith.constant 6 : i32
      %get3A_364 = arith.index_cast %get3A_363 : i32 to index
      %get3A_365 = arith.constant 32 : index
      %get3A_366 = tpu.vector_load %arg10[%get3A_364, %get3A_365] {strides = array<i32>} : memref<8x64xi32, #tpu.memory_space<vmem>>, vector<16xi32>,
      tpu.vector_store_idx %arg27[%get3A_366], %broadcast_in_dim3A_5 {add = true} : memref<10112xf32, #tpu.memory_space<vmem>>[vector<16xi32>], vector<16xf32>,
      %get3A_367 = arith.constant 6 : i32
      %get3A_368 = arith.index_cast %get3A_367 : i32 to index
      %get3A_369 = arith.constant 48 : index
      %get3A_370 = tpu.vector_load %arg10[%get3A_368, %get3A_369] {strides = array<i32>} : memref<8x64xi32, #tpu.memory_space<vmem>>, vector<16xi32>,
      tpu.vector_store_idx %arg27[%get3A_370], %broadcast_in_dim3A_5 {add = true} : memref<10112xf32, #tpu.memory_space<vmem>>[vector<16xi32>], vector<16xf32>,
      %add3A_371 = arith.constant 2 : i32
      %add3A_372 = arith.addi %add3A_340, %add3A_371 : i32
      %lt3A_373 = arith.constant 160 : i32
      %lt3A_374 = arith.cmpi slt, %add3A_372, %lt3A_373 : i32
      %convert_element_type3A_375 = arith.extui %lt3A_374 : i1 to i32
      %cond3A_376 = arith.constant 0 : i32
      %cond3A_377 = arith.cmpi ne, %convert_element_type3A_375, %cond3A_376 : i32
      scf.if %cond3A_377 {
        %ge3A_742 = arith.constant 2 : i32
        %ge3A_743 = arith.cmpi sge, %add3A_340, %ge3A_742 : i32
        %convert_element_type3A_744 = arith.extui %ge3A_743 : i1 to i32
        %cond3A_745 = arith.constant 0 : i32
        %cond3A_746 = arith.cmpi ne, %convert_element_type3A_744, %cond3A_745 : i32
        scf.if %cond3A_746 {
          %dma_wait3A_754 = arith.constant 0 : i32
          %dma_wait3A_755 = arith.constant 0 : i32
          %dma_wait3A_756 = tpu.memref_slice %arg10[%dma_wait3A_754, %dma_wait3A_755] : memref<8x64xi32, #tpu.memory_space<vmem>> -> memref<1x64xi32, #tpu.memory_space<vmem>>
          %dma_wait3A_757 = tpu.memref_squeeze %dma_wait3A_756 : memref<1x64xi32, #tpu.memory_space<vmem>> -> memref<64xi32, #tpu.memory_space<vmem>>
          %dma_wait3A_758 = arith.constant 0 : i32
          %dma_wait3A_759 = arith.constant 0 : i32
          %dma_wait3A_760 = tpu.memref_slice %arg16[%dma_wait3A_758, %dma_wait3A_759] : memref<10112x128xf32, #tpu.memory_space<vmem_shared>> -> memref<10112x128xf32, #tpu.memory_space<vmem_shared>>
          tpu.wait_indirect_dma semaphore(%arg21 : memref<!tpu.dma_semaphore, #tpu.memory_space<semaphore_mem>>) src(%arg12 : memref<64x128xf32, #tpu.memory_space<vmem>>) dst(%dma_wait3A_760 : memref<10112x128xf32, #tpu.memory_space<vmem_shared>>)
        } else {
        }
        tpu.wait_dma2 semaphore(%arg26 : memref<!tpu.dma_semaphore, #tpu.memory_space<semaphore_mem>>) src(%arg4 : memref<8x64xi32, #tpu.memory_space<hbm>>) dst(%arg9 : memref<8x64xi32, #tpu.memory_space<vmem>>)
        tpu.wait_dma2 semaphore(%arg26 : memref<!tpu.dma_semaphore, #tpu.memory_space<semaphore_mem>>) src(%arg5 : memref<8x64xi32, #tpu.memory_space<hbm>>) dst(%arg11 : memref<8x64xi32, #tpu.memory_space<vmem>>)
        %dma_start3A_747 = arith.constant 0 : i32
        %dma_start3A_748 = arith.constant 0 : i32
        %dma_start3A_749 = tpu.memref_slice %arg9[%dma_start3A_747, %dma_start3A_748] : memref<8x64xi32, #tpu.memory_space<vmem>> -> memref<1x64xi32, #tpu.memory_space<vmem>>
        %dma_start3A_750 = tpu.memref_squeeze %dma_start3A_749 : memref<1x64xi32, #tpu.memory_space<vmem>> -> memref<64xi32, #tpu.memory_space<vmem>>
        %dma_start3A_751 = arith.constant 0 : i32
        %dma_start3A_752 = arith.constant 0 : i32
        %dma_start3A_753 = tpu.memref_slice %arg2[%dma_start3A_751, %dma_start3A_752] : memref<10000x128xf32, #tpu.memory_space<hbm>> -> memref<10000x128xf32, #tpu.memory_space<hbm>>
        tpu.enqueue_indirect_dma source(%dma_start3A_753 : memref<10000x128xf32, #tpu.memory_space<hbm>>) target(%arg12 : memref<64x128xf32, #tpu.memory_space<vmem>>) offsets(%dma_start3A_750 : memref<64xi32, #tpu.memory_space<vmem>>) semaphore(%arg17 : memref<!tpu.dma_semaphore, #tpu.memory_space<semaphore_mem>>)
      } else {
      }
      %add3A_378 = arith.constant 7 : i32
      %add3A_379 = arith.addi %mul3A_98, %add3A_378 : i32
      %dma_wait3A_380 = arith.constant 0 : i32
      %dma_wait3A_381 = arith.constant 0 : i32
      %dma_wait3A_382 = tpu.memref_slice %arg8[%dma_wait3A_380, %dma_wait3A_381] : memref<8x64xi32, #tpu.memory_space<vmem>> -> memref<1x64xi32, #tpu.memory_space<vmem>>
      %dma_wait3A_383 = tpu.memref_squeeze %dma_wait3A_382 : memref<1x64xi32, #tpu.memory_space<vmem>> -> memref<64xi32, #tpu.memory_space<vmem>>
      %dma_wait3A_384 = arith.constant 0 : i32
      %dma_wait3A_385 = arith.constant 0 : i32
      %dma_wait3A_386 = tpu.memref_slice %arg2[%dma_wait3A_384, %dma_wait3A_385] : memref<10000x128xf32, #tpu.memory_space<hbm>> -> memref<10000x128xf32, #tpu.memory_space<hbm>>
      tpu.wait_indirect_dma semaphore(%arg20 : memref<!tpu.dma_semaphore, #tpu.memory_space<semaphore_mem>>) src(%dma_wait3A_386 : memref<10000x128xf32, #tpu.memory_space<hbm>>) dst(%arg15 : memref<64x128xf32, #tpu.memory_space<vmem>>)
      %dma_start3A_387 = arith.constant 7 : i32
      %dma_start3A_388 = arith.constant 0 : i32
      %dma_start3A_389 = tpu.memref_slice %arg10[%dma_start3A_387, %dma_start3A_388] : memref<8x64xi32, #tpu.memory_space<vmem>> -> memref<1x64xi32, #tpu.memory_space<vmem>>
      %dma_start3A_390 = tpu.memref_squeeze %dma_start3A_389 : memref<1x64xi32, #tpu.memory_space<vmem>> -> memref<64xi32, #tpu.memory_space<vmem>>
      %dma_start3A_391 = arith.constant 0 : i32
      %dma_start3A_392 = arith.constant 0 : i32
      %dma_start3A_393 = tpu.memref_slice %arg16[%dma_start3A_391, %dma_start3A_392] : memref<10112x128xf32, #tpu.memory_space<vmem_shared>> -> memref<10112x128xf32, #tpu.memory_space<vmem_shared>>
      tpu.enqueue_indirect_dma source(%arg15 : memref<64x128xf32, #tpu.memory_space<vmem>>) target(%dma_start3A_393 : memref<10112x128xf32, #tpu.memory_space<vmem_shared>>) offsets(%dma_start3A_390 : memref<64xi32, #tpu.memory_space<vmem>>) semaphore(%arg24 : memref<!tpu.dma_semaphore, #tpu.memory_space<semaphore_mem>>) {add = true}
      %get3A_394 = arith.constant 7 : i32
      %get3A_395 = arith.index_cast %get3A_394 : i32 to index
      %get3A_396 = arith.constant 0 : index
      %get3A_397 = tpu.vector_load %arg10[%get3A_395, %get3A_396] {strides = array<i32>} : memref<8x64xi32, #tpu.memory_space<vmem>>, vector<16xi32>,
      tpu.vector_store_idx %arg27[%get3A_397], %broadcast_in_dim3A_5 {add = true} : memref<10112xf32, #tpu.memory_space<vmem>>[vector<16xi32>], vector<16xf32>,
      %get3A_398 = arith.constant 7 : i32
      %get3A_399 = arith.index_cast %get3A_398 : i32 to index
      %get3A_400 = arith.constant 16 : index
      %get3A_401 = tpu.vector_load %arg10[%get3A_399, %get3A_400] {strides = array<i32>} : memref<8x64xi32, #tpu.memory_space<vmem>>, vector<16xi32>,
      tpu.vector_store_idx %arg27[%get3A_401], %broadcast_in_dim3A_5 {add = true} : memref<10112xf32, #tpu.memory_space<vmem>>[vector<16xi32>], vector<16xf32>,
      %get3A_402 = arith.constant 7 : i32
      %get3A_403 = arith.index_cast %get3A_402 : i32 to index
      %get3A_404 = arith.constant 32 : index
      %get3A_405 = tpu.vector_load %arg10[%get3A_403, %get3A_404] {strides = array<i32>} : memref<8x64xi32, #tpu.memory_space<vmem>>, vector<16xi32>,
      tpu.vector_store_idx %arg27[%get3A_405], %broadcast_in_dim3A_5 {add = true} : memref<10112xf32, #tpu.memory_space<vmem>>[vector<16xi32>], vector<16xf32>,
      %get3A_406 = arith.constant 7 : i32
      %get3A_407 = arith.index_cast %get3A_406 : i32 to index
      %get3A_408 = arith.constant 48 : index
      %get3A_409 = tpu.vector_load %arg10[%get3A_407, %get3A_408] {strides = array<i32>} : memref<8x64xi32, #tpu.memory_space<vmem>>, vector<16xi32>,
      tpu.vector_store_idx %arg27[%get3A_409], %broadcast_in_dim3A_5 {add = true} : memref<10112xf32, #tpu.memory_space<vmem>>[vector<16xi32>], vector<16xf32>,
      %add3A_410 = arith.constant 2 : i32
      %add3A_411 = arith.addi %add3A_379, %add3A_410 : i32
      %lt3A_412 = arith.constant 160 : i32
      %lt3A_413 = arith.cmpi slt, %add3A_411, %lt3A_412 : i32
      %convert_element_type3A_414 = arith.extui %lt3A_413 : i1 to i32
      %cond3A_415 = arith.constant 0 : i32
      %cond3A_416 = arith.cmpi ne, %convert_element_type3A_414, %cond3A_415 : i32
      scf.if %cond3A_416 {
        %ge3A_742 = arith.constant 2 : i32
        %ge3A_743 = arith.cmpi sge, %add3A_379, %ge3A_742 : i32
        %convert_element_type3A_744 = arith.extui %ge3A_743 : i1 to i32
        %cond3A_745 = arith.constant 0 : i32
        %cond3A_746 = arith.cmpi ne, %convert_element_type3A_744, %cond3A_745 : i32
        scf.if %cond3A_746 {
          %dma_wait3A_754 = arith.constant 0 : i32
          %dma_wait3A_755 = arith.constant 0 : i32
          %dma_wait3A_756 = tpu.memref_slice %arg10[%dma_wait3A_754, %dma_wait3A_755] : memref<8x64xi32, #tpu.memory_space<vmem>> -> memref<1x64xi32, #tpu.memory_space<vmem>>
          %dma_wait3A_757 = tpu.memref_squeeze %dma_wait3A_756 : memref<1x64xi32, #tpu.memory_space<vmem>> -> memref<64xi32, #tpu.memory_space<vmem>>
          %dma_wait3A_758 = arith.constant 0 : i32
          %dma_wait3A_759 = arith.constant 0 : i32
          %dma_wait3A_760 = tpu.memref_slice %arg16[%dma_wait3A_758, %dma_wait3A_759] : memref<10112x128xf32, #tpu.memory_space<vmem_shared>> -> memref<10112x128xf32, #tpu.memory_space<vmem_shared>>
          tpu.wait_indirect_dma semaphore(%arg22 : memref<!tpu.dma_semaphore, #tpu.memory_space<semaphore_mem>>) src(%arg13 : memref<64x128xf32, #tpu.memory_space<vmem>>) dst(%dma_wait3A_760 : memref<10112x128xf32, #tpu.memory_space<vmem_shared>>)
        } else {
        }
        %dma_start3A_747 = arith.constant 1 : i32
        %dma_start3A_748 = arith.constant 0 : i32
        %dma_start3A_749 = tpu.memref_slice %arg9[%dma_start3A_747, %dma_start3A_748] : memref<8x64xi32, #tpu.memory_space<vmem>> -> memref<1x64xi32, #tpu.memory_space<vmem>>
        %dma_start3A_750 = tpu.memref_squeeze %dma_start3A_749 : memref<1x64xi32, #tpu.memory_space<vmem>> -> memref<64xi32, #tpu.memory_space<vmem>>
        %dma_start3A_751 = arith.constant 0 : i32
        %dma_start3A_752 = arith.constant 0 : i32
        %dma_start3A_753 = tpu.memref_slice %arg2[%dma_start3A_751, %dma_start3A_752] : memref<10000x128xf32, #tpu.memory_space<hbm>> -> memref<10000x128xf32, #tpu.memory_space<hbm>>
        tpu.enqueue_indirect_dma source(%dma_start3A_753 : memref<10000x128xf32, #tpu.memory_space<hbm>>) target(%arg13 : memref<64x128xf32, #tpu.memory_space<vmem>>) offsets(%dma_start3A_750 : memref<64xi32, #tpu.memory_space<vmem>>) semaphore(%arg18 : memref<!tpu.dma_semaphore, #tpu.memory_space<semaphore_mem>>)
      } else {
      }
      %mul3A_417 = arith.constant 2 : i32
      %mul3A_418 = arith.muli %mul3A_417, %scan3A_92 : i32
      %add3A_419 = arith.constant 1 : i32
      %add3A_420 = arith.addi %mul3A_418, %add3A_419 : i32
      %mul3A_421 = arith.constant 8 : i32
      %mul3A_422 = arith.muli %add3A_420, %mul3A_421 : i32
      %add3A_423 = arith.constant 0 : i32
      %add3A_424 = arith.addi %mul3A_422, %add3A_423 : i32
      %dma_wait3A_425 = arith.constant 0 : i32
      %dma_wait3A_426 = arith.constant 0 : i32
      %dma_wait3A_427 = tpu.memref_slice %arg9[%dma_wait3A_425, %dma_wait3A_426] : memref<8x64xi32, #tpu.memory_space<vmem>> -> memref<1x64xi32, #tpu.memory_space<vmem>>
      %dma_wait3A_428 = tpu.memref_squeeze %dma_wait3A_427 : memref<1x64xi32, #tpu.memory_space<vmem>> -> memref<64xi32, #tpu.memory_space<vmem>>
      %dma_wait3A_429 = arith.constant 0 : i32
      %dma_wait3A_430 = arith.constant 0 : i32
      %dma_wait3A_431 = tpu.memref_slice %arg2[%dma_wait3A_429, %dma_wait3A_430] : memref<10000x128xf32, #tpu.memory_space<hbm>> -> memref<10000x128xf32, #tpu.memory_space<hbm>>
      tpu.wait_indirect_dma semaphore(%arg17 : memref<!tpu.dma_semaphore, #tpu.memory_space<semaphore_mem>>) src(%dma_wait3A_431 : memref<10000x128xf32, #tpu.memory_space<hbm>>) dst(%arg12 : memref<64x128xf32, #tpu.memory_space<vmem>>)
      %dma_start3A_432 = arith.constant 0 : i32
      %dma_start3A_433 = arith.constant 0 : i32
      %dma_start3A_434 = tpu.memref_slice %arg11[%dma_start3A_432, %dma_start3A_433] : memref<8x64xi32, #tpu.memory_space<vmem>> -> memref<1x64xi32, #tpu.memory_space<vmem>>
      %dma_start3A_435 = tpu.memref_squeeze %dma_start3A_434 : memref<1x64xi32, #tpu.memory_space<vmem>> -> memref<64xi32, #tpu.memory_space<vmem>>
      %dma_start3A_436 = arith.constant 0 : i32
      %dma_start3A_437 = arith.constant 0 : i32
      %dma_start3A_438 = tpu.memref_slice %arg16[%dma_start3A_436, %dma_start3A_437] : memref<10112x128xf32, #tpu.memory_space<vmem_shared>> -> memref<10112x128xf32, #tpu.memory_space<vmem_shared>>
      tpu.enqueue_indirect_dma source(%arg12 : memref<64x128xf32, #tpu.memory_space<vmem>>) target(%dma_start3A_438 : memref<10112x128xf32, #tpu.memory_space<vmem_shared>>) offsets(%dma_start3A_435 : memref<64xi32, #tpu.memory_space<vmem>>) semaphore(%arg21 : memref<!tpu.dma_semaphore, #tpu.memory_space<semaphore_mem>>) {add = true}
      %get3A_439 = arith.constant 0 : i32
      %get3A_440 = arith.index_cast %get3A_439 : i32 to index
      %get3A_441 = arith.constant 0 : index
      %get3A_442 = tpu.vector_load %arg11[%get3A_440, %get3A_441] {strides = array<i32>} : memref<8x64xi32, #tpu.memory_space<vmem>>, vector<16xi32>,
      tpu.vector_store_idx %arg27[%get3A_442], %broadcast_in_dim3A_5 {add = true} : memref<10112xf32, #tpu.memory_space<vmem>>[vector<16xi32>], vector<16xf32>,
      %get3A_443 = arith.constant 0 : i32
      %get3A_444 = arith.index_cast %get3A_443 : i32 to index
      %get3A_445 = arith.constant 16 : index
      %get3A_446 = tpu.vector_load %arg11[%get3A_444, %get3A_445] {strides = array<i32>} : memref<8x64xi32, #tpu.memory_space<vmem>>, vector<16xi32>,
      tpu.vector_store_idx %arg27[%get3A_446], %broadcast_in_dim3A_5 {add = true} : memref<10112xf32, #tpu.memory_space<vmem>>[vector<16xi32>], vector<16xf32>,
      %get3A_447 = arith.constant 0 : i32
      %get3A_448 = arith.index_cast %get3A_447 : i32 to index
      %get3A_449 = arith.constant 32 : index
      %get3A_450 = tpu.vector_load %arg11[%get3A_448, %get3A_449] {strides = array<i32>} : memref<8x64xi32, #tpu.memory_space<vmem>>, vector<16xi32>,
      tpu.vector_store_idx %arg27[%get3A_450], %broadcast_in_dim3A_5 {add = true} : memref<10112xf32, #tpu.memory_space<vmem>>[vector<16xi32>], vector<16xf32>,
      %get3A_451 = arith.constant 0 : i32
      %get3A_452 = arith.index_cast %get3A_451 : i32 to index
      %get3A_453 = arith.constant 48 : index
      %get3A_454 = tpu.vector_load %arg11[%get3A_452, %get3A_453] {strides = array<i32>} : memref<8x64xi32, #tpu.memory_space<vmem>>, vector<16xi32>,
      tpu.vector_store_idx %arg27[%get3A_454], %broadcast_in_dim3A_5 {add = true} : memref<10112xf32, #tpu.memory_space<vmem>>[vector<16xi32>], vector<16xf32>,
      %add3A_455 = arith.constant 2 : i32
      %add3A_456 = arith.addi %add3A_424, %add3A_455 : i32
      %lt3A_457 = arith.constant 160 : i32
      %lt3A_458 = arith.cmpi slt, %add3A_456, %lt3A_457 : i32
      %convert_element_type3A_459 = arith.extui %lt3A_458 : i1 to i32
      %cond3A_460 = arith.constant 0 : i32
      %cond3A_461 = arith.cmpi ne, %convert_element_type3A_459, %cond3A_460 : i32
      scf.if %cond3A_461 {
        %ge3A_742 = arith.constant 2 : i32
        %ge3A_743 = arith.cmpi sge, %add3A_424, %ge3A_742 : i32
        %convert_element_type3A_744 = arith.extui %ge3A_743 : i1 to i32
        %cond3A_745 = arith.constant 0 : i32
        %cond3A_746 = arith.cmpi ne, %convert_element_type3A_744, %cond3A_745 : i32
        scf.if %cond3A_746 {
          %dma_wait3A_754 = arith.constant 0 : i32
          %dma_wait3A_755 = arith.constant 0 : i32
          %dma_wait3A_756 = tpu.memref_slice %arg11[%dma_wait3A_754, %dma_wait3A_755] : memref<8x64xi32, #tpu.memory_space<vmem>> -> memref<1x64xi32, #tpu.memory_space<vmem>>
          %dma_wait3A_757 = tpu.memref_squeeze %dma_wait3A_756 : memref<1x64xi32, #tpu.memory_space<vmem>> -> memref<64xi32, #tpu.memory_space<vmem>>
          %dma_wait3A_758 = arith.constant 0 : i32
          %dma_wait3A_759 = arith.constant 0 : i32
          %dma_wait3A_760 = tpu.memref_slice %arg16[%dma_wait3A_758, %dma_wait3A_759] : memref<10112x128xf32, #tpu.memory_space<vmem_shared>> -> memref<10112x128xf32, #tpu.memory_space<vmem_shared>>
          tpu.wait_indirect_dma semaphore(%arg23 : memref<!tpu.dma_semaphore, #tpu.memory_space<semaphore_mem>>) src(%arg14 : memref<64x128xf32, #tpu.memory_space<vmem>>) dst(%dma_wait3A_760 : memref<10112x128xf32, #tpu.memory_space<vmem_shared>>)
        } else {
        }
        %dma_start3A_747 = arith.constant 2 : i32
        %dma_start3A_748 = arith.constant 0 : i32
        %dma_start3A_749 = tpu.memref_slice %arg9[%dma_start3A_747, %dma_start3A_748] : memref<8x64xi32, #tpu.memory_space<vmem>> -> memref<1x64xi32, #tpu.memory_space<vmem>>
        %dma_start3A_750 = tpu.memref_squeeze %dma_start3A_749 : memref<1x64xi32, #tpu.memory_space<vmem>> -> memref<64xi32, #tpu.memory_space<vmem>>
        %dma_start3A_751 = arith.constant 0 : i32
        %dma_start3A_752 = arith.constant 0 : i32
        %dma_start3A_753 = tpu.memref_slice %arg2[%dma_start3A_751, %dma_start3A_752] : memref<10000x128xf32, #tpu.memory_space<hbm>> -> memref<10000x128xf32, #tpu.memory_space<hbm>>
        tpu.enqueue_indirect_dma source(%dma_start3A_753 : memref<10000x128xf32, #tpu.memory_space<hbm>>) target(%arg14 : memref<64x128xf32, #tpu.memory_space<vmem>>) offsets(%dma_start3A_750 : memref<64xi32, #tpu.memory_space<vmem>>) semaphore(%arg19 : memref<!tpu.dma_semaphore, #tpu.memory_space<semaphore_mem>>)
      } else {
      }
      %add3A_462 = arith.constant 1 : i32
      %add3A_463 = arith.addi %mul3A_422, %add3A_462 : i32
      %dma_wait3A_464 = arith.constant 0 : i32
      %dma_wait3A_465 = arith.constant 0 : i32
      %dma_wait3A_466 = tpu.memref_slice %arg9[%dma_wait3A_464, %dma_wait3A_465] : memref<8x64xi32, #tpu.memory_space<vmem>> -> memref<1x64xi32, #tpu.memory_space<vmem>>
      %dma_wait3A_467 = tpu.memref_squeeze %dma_wait3A_466 : memref<1x64xi32, #tpu.memory_space<vmem>> -> memref<64xi32, #tpu.memory_space<vmem>>
      %dma_wait3A_468 = arith.constant 0 : i32
      %dma_wait3A_469 = arith.constant 0 : i32
      %dma_wait3A_470 = tpu.memref_slice %arg2[%dma_wait3A_468, %dma_wait3A_469] : memref<10000x128xf32, #tpu.memory_space<hbm>> -> memref<10000x128xf32, #tpu.memory_space<hbm>>
      tpu.wait_indirect_dma semaphore(%arg18 : memref<!tpu.dma_semaphore, #tpu.memory_space<semaphore_mem>>) src(%dma_wait3A_470 : memref<10000x128xf32, #tpu.memory_space<hbm>>) dst(%arg13 : memref<64x128xf32, #tpu.memory_space<vmem>>)
      %dma_start3A_471 = arith.constant 1 : i32
      %dma_start3A_472 = arith.constant 0 : i32
      %dma_start3A_473 = tpu.memref_slice %arg11[%dma_start3A_471, %dma_start3A_472] : memref<8x64xi32, #tpu.memory_space<vmem>> -> memref<1x64xi32, #tpu.memory_space<vmem>>
      %dma_start3A_474 = tpu.memref_squeeze %dma_start3A_473 : memref<1x64xi32, #tpu.memory_space<vmem>> -> memref<64xi32, #tpu.memory_space<vmem>>
      %dma_start3A_475 = arith.constant 0 : i32
      %dma_start3A_476 = arith.constant 0 : i32
      %dma_start3A_477 = tpu.memref_slice %arg16[%dma_start3A_475, %dma_start3A_476] : memref<10112x128xf32, #tpu.memory_space<vmem_shared>> -> memref<10112x128xf32, #tpu.memory_space<vmem_shared>>
      tpu.enqueue_indirect_dma source(%arg13 : memref<64x128xf32, #tpu.memory_space<vmem>>) target(%dma_start3A_477 : memref<10112x128xf32, #tpu.memory_space<vmem_shared>>) offsets(%dma_start3A_474 : memref<64xi32, #tpu.memory_space<vmem>>) semaphore(%arg22 : memref<!tpu.dma_semaphore, #tpu.memory_space<semaphore_mem>>) {add = true}
      %get3A_478 = arith.constant 1 : i32
      %get3A_479 = arith.index_cast %get3A_478 : i32 to index
      %get3A_480 = arith.constant 0 : index
      %get3A_481 = tpu.vector_load %arg11[%get3A_479, %get3A_480] {strides = array<i32>} : memref<8x64xi32, #tpu.memory_space<vmem>>, vector<16xi32>,
      tpu.vector_store_idx %arg27[%get3A_481], %broadcast_in_dim3A_5 {add = true} : memref<10112xf32, #tpu.memory_space<vmem>>[vector<16xi32>], vector<16xf32>,
      %get3A_482 = arith.constant 1 : i32
      %get3A_483 = arith.index_cast %get3A_482 : i32 to index
      %get3A_484 = arith.constant 16 : index
      %get3A_485 = tpu.vector_load %arg11[%get3A_483, %get3A_484] {strides = array<i32>} : memref<8x64xi32, #tpu.memory_space<vmem>>, vector<16xi32>,
      tpu.vector_store_idx %arg27[%get3A_485], %broadcast_in_dim3A_5 {add = true} : memref<10112xf32, #tpu.memory_space<vmem>>[vector<16xi32>], vector<16xf32>,
      %get3A_486 = arith.constant 1 : i32
      %get3A_487 = arith.index_cast %get3A_486 : i32 to index
      %get3A_488 = arith.constant 32 : index
      %get3A_489 = tpu.vector_load %arg11[%get3A_487, %get3A_488] {strides = array<i32>} : memref<8x64xi32, #tpu.memory_space<vmem>>, vector<16xi32>,
      tpu.vector_store_idx %arg27[%get3A_489], %broadcast_in_dim3A_5 {add = true} : memref<10112xf32, #tpu.memory_space<vmem>>[vector<16xi32>], vector<16xf32>,
      %get3A_490 = arith.constant 1 : i32
      %get3A_491 = arith.index_cast %get3A_490 : i32 to index
      %get3A_492 = arith.constant 48 : index
      %get3A_493 = tpu.vector_load %arg11[%get3A_491, %get3A_492] {strides = array<i32>} : memref<8x64xi32, #tpu.memory_space<vmem>>, vector<16xi32>,
      tpu.vector_store_idx %arg27[%get3A_493], %broadcast_in_dim3A_5 {add = true} : memref<10112xf32, #tpu.memory_space<vmem>>[vector<16xi32>], vector<16xf32>,
      %add3A_494 = arith.constant 2 : i32
      %add3A_495 = arith.addi %add3A_463, %add3A_494 : i32
      %lt3A_496 = arith.constant 160 : i32
      %lt3A_497 = arith.cmpi slt, %add3A_495, %lt3A_496 : i32
      %convert_element_type3A_498 = arith.extui %lt3A_497 : i1 to i32
      %cond3A_499 = arith.constant 0 : i32
      %cond3A_500 = arith.cmpi ne, %convert_element_type3A_498, %cond3A_499 : i32
      scf.if %cond3A_500 {
        %ge3A_742 = arith.constant 2 : i32
        %ge3A_743 = arith.cmpi sge, %add3A_463, %ge3A_742 : i32
        %convert_element_type3A_744 = arith.extui %ge3A_743 : i1 to i32
        %cond3A_745 = arith.constant 0 : i32
        %cond3A_746 = arith.cmpi ne, %convert_element_type3A_744, %cond3A_745 : i32
        scf.if %cond3A_746 {
          %dma_wait3A_754 = arith.constant 0 : i32
          %dma_wait3A_755 = arith.constant 0 : i32
          %dma_wait3A_756 = tpu.memref_slice %arg11[%dma_wait3A_754, %dma_wait3A_755] : memref<8x64xi32, #tpu.memory_space<vmem>> -> memref<1x64xi32, #tpu.memory_space<vmem>>
          %dma_wait3A_757 = tpu.memref_squeeze %dma_wait3A_756 : memref<1x64xi32, #tpu.memory_space<vmem>> -> memref<64xi32, #tpu.memory_space<vmem>>
          %dma_wait3A_758 = arith.constant 0 : i32
          %dma_wait3A_759 = arith.constant 0 : i32
          %dma_wait3A_760 = tpu.memref_slice %arg16[%dma_wait3A_758, %dma_wait3A_759] : memref<10112x128xf32, #tpu.memory_space<vmem_shared>> -> memref<10112x128xf32, #tpu.memory_space<vmem_shared>>
          tpu.wait_indirect_dma semaphore(%arg24 : memref<!tpu.dma_semaphore, #tpu.memory_space<semaphore_mem>>) src(%arg15 : memref<64x128xf32, #tpu.memory_space<vmem>>) dst(%dma_wait3A_760 : memref<10112x128xf32, #tpu.memory_space<vmem_shared>>)
        } else {
        }
        %dma_start3A_747 = arith.constant 3 : i32
        %dma_start3A_748 = arith.constant 0 : i32
        %dma_start3A_749 = tpu.memref_slice %arg9[%dma_start3A_747, %dma_start3A_748] : memref<8x64xi32, #tpu.memory_space<vmem>> -> memref<1x64xi32, #tpu.memory_space<vmem>>
        %dma_start3A_750 = tpu.memref_squeeze %dma_start3A_749 : memref<1x64xi32, #tpu.memory_space<vmem>> -> memref<64xi32, #tpu.memory_space<vmem>>
        %dma_start3A_751 = arith.constant 0 : i32
        %dma_start3A_752 = arith.constant 0 : i32
        %dma_start3A_753 = tpu.memref_slice %arg2[%dma_start3A_751, %dma_start3A_752] : memref<10000x128xf32, #tpu.memory_space<hbm>> -> memref<10000x128xf32, #tpu.memory_space<hbm>>
        tpu.enqueue_indirect_dma source(%dma_start3A_753 : memref<10000x128xf32, #tpu.memory_space<hbm>>) target(%arg15 : memref<64x128xf32, #tpu.memory_space<vmem>>) offsets(%dma_start3A_750 : memref<64xi32, #tpu.memory_space<vmem>>) semaphore(%arg20 : memref<!tpu.dma_semaphore, #tpu.memory_space<semaphore_mem>>)
      } else {
      }
      %add3A_501 = arith.constant 1 : i32
      %add3A_502 = arith.addi %add3A_420, %add3A_501 : i32
      %lt3A_503 = arith.constant 20 : i32
      %lt3A_504 = arith.cmpi slt, %add3A_502, %lt3A_503 : i32
      %convert_element_type3A_505 = arith.extui %lt3A_504 : i1 to i32
      %cond3A_506 = arith.constant 0 : i32
      %cond3A_507 = arith.cmpi ne, %convert_element_type3A_505, %cond3A_506 : i32
      scf.if %cond3A_507 {
        %mul3A_742 = arith.constant 160 : i32
        %mul3A_743 = arith.muli %add3A, %mul3A_742 : i32
        %add3A_744 = arith.constant 1 : i32
        %add3A_745 = arith.addi %add3A_420, %add3A_744 : i32
        %mul3A_746 = arith.constant 8 : i32
        %mul3A_747 = arith.muli %add3A_745, %mul3A_746 : i32
        %add3A_748 = arith.addi %mul3A_743, %mul3A_747 : i32
        %lt3A_749 = arith.constant 5000 : i32
        %lt3A_750 = arith.cmpi slt, %add3A_748, %lt3A_749 : i32
        %convert_element_type3A_751 = arith.extui %lt3A_750 : i1 to i32
        %cond3A_752 = arith.constant 0 : i32
        %cond3A_753 = arith.cmpi ne, %convert_element_type3A_751, %cond3A_752 : i32
        scf.if %cond3A_753 {
          %dma_start3A_759 = arith.constant 0 : i32
          %dma_start3A_760 = tpu.memref_slice %arg3[%add3A_748, %dma_start3A_759] : memref<10000x64xi32, #tpu.memory_space<hbm>> -> memref<8x64xi32, #tpu.memory_space<hbm>>
          %dma_start3A_761 = arith.constant 0 : i32
          %dma_start3A_762 = tpu.memref_slice %arg3[%add3A_748, %dma_start3A_761] : memref<10000x64xi32, #tpu.memory_space<hbm>> -> memref<8x64xi32, #tpu.memory_space<hbm>>
          tpu.enqueue_dma source(%dma_start3A_762 : memref<8x64xi32, #tpu.memory_space<hbm>>) target(%arg8 : memref<8x64xi32, #tpu.memory_space<vmem>>) target_semaphore(%arg25 : memref<!tpu.dma_semaphore, #tpu.memory_space<semaphore_mem>>)
          %add3A_763 = arith.constant 5000 : i32
          %add3A_764 = arith.addi %add3A_763, %add3A_748 : i32
          %dma_start3A_765 = arith.constant 0 : i32
          %dma_start3A_766 = tpu.memref_slice %arg3[%add3A_764, %dma_start3A_765] : memref<10000x64xi32, #tpu.memory_space<hbm>> -> memref<8x64xi32, #tpu.memory_space<hbm>>
          %dma_start3A_767 = arith.constant 0 : i32
          %dma_start3A_768 = tpu.memref_slice %arg3[%add3A_764, %dma_start3A_767] : memref<10000x64xi32, #tpu.memory_space<hbm>> -> memref<8x64xi32, #tpu.memory_space<hbm>>
          tpu.enqueue_dma source(%dma_start3A_768 : memref<8x64xi32, #tpu.memory_space<hbm>>) target(%arg10 : memref<8x64xi32, #tpu.memory_space<vmem>>) target_semaphore(%arg25 : memref<!tpu.dma_semaphore, #tpu.memory_space<semaphore_mem>>)
        } else {
        }
        %ge3A_754 = arith.constant 5000 : i32
        %ge3A_755 = arith.cmpi sge, %add3A_748, %ge3A_754 : i32
        %convert_element_type3A_756 = arith.extui %ge3A_755 : i1 to i32
        %cond3A_757 = arith.constant 0 : i32
        %cond3A_758 = arith.cmpi ne, %convert_element_type3A_756, %cond3A_757 : i32
        scf.if %cond3A_758 {
          tpu.enqueue_dma source(%arg4 : memref<8x64xi32, #tpu.memory_space<hbm>>) target(%arg8 : memref<8x64xi32, #tpu.memory_space<vmem>>) target_semaphore(%arg25 : memref<!tpu.dma_semaphore, #tpu.memory_space<semaphore_mem>>)
          tpu.enqueue_dma source(%arg5 : memref<8x64xi32, #tpu.memory_space<hbm>>) target(%arg10 : memref<8x64xi32, #tpu.memory_space<vmem>>) target_semaphore(%arg25 : memref<!tpu.dma_semaphore, #tpu.memory_space<semaphore_mem>>)
        } else {
        }
      } else {
      }
      %add3A_508 = arith.constant 2 : i32
      %add3A_509 = arith.addi %mul3A_422, %add3A_508 : i32
      %dma_wait3A_510 = arith.constant 0 : i32
      %dma_wait3A_511 = arith.constant 0 : i32
      %dma_wait3A_512 = tpu.memref_slice %arg9[%dma_wait3A_510, %dma_wait3A_511] : memref<8x64xi32, #tpu.memory_space<vmem>> -> memref<1x64xi32, #tpu.memory_space<vmem>>
      %dma_wait3A_513 = tpu.memref_squeeze %dma_wait3A_512 : memref<1x64xi32, #tpu.memory_space<vmem>> -> memref<64xi32, #tpu.memory_space<vmem>>
      %dma_wait3A_514 = arith.constant 0 : i32
      %dma_wait3A_515 = arith.constant 0 : i32
      %dma_wait3A_516 = tpu.memref_slice %arg2[%dma_wait3A_514, %dma_wait3A_515] : memref<10000x128xf32, #tpu.memory_space<hbm>> -> memref<10000x128xf32, #tpu.memory_space<hbm>>
      tpu.wait_indirect_dma semaphore(%arg19 : memref<!tpu.dma_semaphore, #tpu.memory_space<semaphore_mem>>) src(%dma_wait3A_516 : memref<10000x128xf32, #tpu.memory_space<hbm>>) dst(%arg14 : memref<64x128xf32, #tpu.memory_space<vmem>>)
      %dma_start3A_517 = arith.constant 2 : i32
      %dma_start3A_518 = arith.constant 0 : i32
      %dma_start3A_519 = tpu.memref_slice %arg11[%dma_start3A_517, %dma_start3A_518] : memref<8x64xi32, #tpu.memory_space<vmem>> -> memref<1x64xi32, #tpu.memory_space<vmem>>
      %dma_start3A_520 = tpu.memref_squeeze %dma_start3A_519 : memref<1x64xi32, #tpu.memory_space<vmem>> -> memref<64xi32, #tpu.memory_space<vmem>>
      %dma_start3A_521 = arith.constant 0 : i32
      %dma_start3A_522 = arith.constant 0 : i32
      %dma_start3A_523 = tpu.memref_slice %arg16[%dma_start3A_521, %dma_start3A_522] : memref<10112x128xf32, #tpu.memory_space<vmem_shared>> -> memref<10112x128xf32, #tpu.memory_space<vmem_shared>>
      tpu.enqueue_indirect_dma source(%arg14 : memref<64x128xf32, #tpu.memory_space<vmem>>) target(%dma_start3A_523 : memref<10112x128xf32, #tpu.memory_space<vmem_shared>>) offsets(%dma_start3A_520 : memref<64xi32, #tpu.memory_space<vmem>>) semaphore(%arg23 : memref<!tpu.dma_semaphore, #tpu.memory_space<semaphore_mem>>) {add = true}
      %get3A_524 = arith.constant 2 : i32
      %get3A_525 = arith.index_cast %get3A_524 : i32 to index
      %get3A_526 = arith.constant 0 : index
      %get3A_527 = tpu.vector_load %arg11[%get3A_525, %get3A_526] {strides = array<i32>} : memref<8x64xi32, #tpu.memory_space<vmem>>, vector<16xi32>,
      tpu.vector_store_idx %arg27[%get3A_527], %broadcast_in_dim3A_5 {add = true} : memref<10112xf32, #tpu.memory_space<vmem>>[vector<16xi32>], vector<16xf32>,
      %get3A_528 = arith.constant 2 : i32
      %get3A_529 = arith.index_cast %get3A_528 : i32 to index
      %get3A_530 = arith.constant 16 : index
      %get3A_531 = tpu.vector_load %arg11[%get3A_529, %get3A_530] {strides = array<i32>} : memref<8x64xi32, #tpu.memory_space<vmem>>, vector<16xi32>,
      tpu.vector_store_idx %arg27[%get3A_531], %broadcast_in_dim3A_5 {add = true} : memref<10112xf32, #tpu.memory_space<vmem>>[vector<16xi32>], vector<16xf32>,
      %get3A_532 = arith.constant 2 : i32
      %get3A_533 = arith.index_cast %get3A_532 : i32 to index
      %get3A_534 = arith.constant 32 : index
      %get3A_535 = tpu.vector_load %arg11[%get3A_533, %get3A_534] {strides = array<i32>} : memref<8x64xi32, #tpu.memory_space<vmem>>, vector<16xi32>,
      tpu.vector_store_idx %arg27[%get3A_535], %broadcast_in_dim3A_5 {add = true} : memref<10112xf32, #tpu.memory_space<vmem>>[vector<16xi32>], vector<16xf32>,
      %get3A_536 = arith.constant 2 : i32
      %get3A_537 = arith.index_cast %get3A_536 : i32 to index
      %get3A_538 = arith.constant 48 : index
      %get3A_539 = tpu.vector_load %arg11[%get3A_537, %get3A_538] {strides = array<i32>} : memref<8x64xi32, #tpu.memory_space<vmem>>, vector<16xi32>,
      tpu.vector_store_idx %arg27[%get3A_539], %broadcast_in_dim3A_5 {add = true} : memref<10112xf32, #tpu.memory_space<vmem>>[vector<16xi32>], vector<16xf32>,
      %add3A_540 = arith.constant 2 : i32
      %add3A_541 = arith.addi %add3A_509, %add3A_540 : i32
      %lt3A_542 = arith.constant 160 : i32
      %lt3A_543 = arith.cmpi slt, %add3A_541, %lt3A_542 : i32
      %convert_element_type3A_544 = arith.extui %lt3A_543 : i1 to i32
      %cond3A_545 = arith.constant 0 : i32
      %cond3A_546 = arith.cmpi ne, %convert_element_type3A_544, %cond3A_545 : i32
      scf.if %cond3A_546 {
        %ge3A_742 = arith.constant 2 : i32
        %ge3A_743 = arith.cmpi sge, %add3A_509, %ge3A_742 : i32
        %convert_element_type3A_744 = arith.extui %ge3A_743 : i1 to i32
        %cond3A_745 = arith.constant 0 : i32
        %cond3A_746 = arith.cmpi ne, %convert_element_type3A_744, %cond3A_745 : i32
        scf.if %cond3A_746 {
          %dma_wait3A_754 = arith.constant 0 : i32
          %dma_wait3A_755 = arith.constant 0 : i32
          %dma_wait3A_756 = tpu.memref_slice %arg11[%dma_wait3A_754, %dma_wait3A_755] : memref<8x64xi32, #tpu.memory_space<vmem>> -> memref<1x64xi32, #tpu.memory_space<vmem>>
          %dma_wait3A_757 = tpu.memref_squeeze %dma_wait3A_756 : memref<1x64xi32, #tpu.memory_space<vmem>> -> memref<64xi32, #tpu.memory_space<vmem>>
          %dma_wait3A_758 = arith.constant 0 : i32
          %dma_wait3A_759 = arith.constant 0 : i32
          %dma_wait3A_760 = tpu.memref_slice %arg16[%dma_wait3A_758, %dma_wait3A_759] : memref<10112x128xf32, #tpu.memory_space<vmem_shared>> -> memref<10112x128xf32, #tpu.memory_space<vmem_shared>>
          tpu.wait_indirect_dma semaphore(%arg21 : memref<!tpu.dma_semaphore, #tpu.memory_space<semaphore_mem>>) src(%arg12 : memref<64x128xf32, #tpu.memory_space<vmem>>) dst(%dma_wait3A_760 : memref<10112x128xf32, #tpu.memory_space<vmem_shared>>)
        } else {
        }
        %dma_start3A_747 = arith.constant 4 : i32
        %dma_start3A_748 = arith.constant 0 : i32
        %dma_start3A_749 = tpu.memref_slice %arg9[%dma_start3A_747, %dma_start3A_748] : memref<8x64xi32, #tpu.memory_space<vmem>> -> memref<1x64xi32, #tpu.memory_space<vmem>>
        %dma_start3A_750 = tpu.memref_squeeze %dma_start3A_749 : memref<1x64xi32, #tpu.memory_space<vmem>> -> memref<64xi32, #tpu.memory_space<vmem>>
        %dma_start3A_751 = arith.constant 0 : i32
        %dma_start3A_752 = arith.constant 0 : i32
        %dma_start3A_753 = tpu.memref_slice %arg2[%dma_start3A_751, %dma_start3A_752] : memref<10000x128xf32, #tpu.memory_space<hbm>> -> memref<10000x128xf32, #tpu.memory_space<hbm>>
        tpu.enqueue_indirect_dma source(%dma_start3A_753 : memref<10000x128xf32, #tpu.memory_space<hbm>>) target(%arg12 : memref<64x128xf32, #tpu.memory_space<vmem>>) offsets(%dma_start3A_750 : memref<64xi32, #tpu.memory_space<vmem>>) semaphore(%arg17 : memref<!tpu.dma_semaphore, #tpu.memory_space<semaphore_mem>>)
      } else {
      }
      %add3A_547 = arith.constant 3 : i32
      %add3A_548 = arith.addi %mul3A_422, %add3A_547 : i32
      %dma_wait3A_549 = arith.constant 0 : i32
      %dma_wait3A_550 = arith.constant 0 : i32
      %dma_wait3A_551 = tpu.memref_slice %arg9[%dma_wait3A_549, %dma_wait3A_550] : memref<8x64xi32, #tpu.memory_space<vmem>> -> memref<1x64xi32, #tpu.memory_space<vmem>>
      %dma_wait3A_552 = tpu.memref_squeeze %dma_wait3A_551 : memref<1x64xi32, #tpu.memory_space<vmem>> -> memref<64xi32, #tpu.memory_space<vmem>>
      %dma_wait3A_553 = arith.constant 0 : i32
      %dma_wait3A_554 = arith.constant 0 : i32
      %dma_wait3A_555 = tpu.memref_slice %arg2[%dma_wait3A_553, %dma_wait3A_554] : memref<10000x128xf32, #tpu.memory_space<hbm>> -> memref<10000x128xf32, #tpu.memory_space<hbm>>
      tpu.wait_indirect_dma semaphore(%arg20 : memref<!tpu.dma_semaphore, #tpu.memory_space<semaphore_mem>>) src(%dma_wait3A_555 : memref<10000x128xf32, #tpu.memory_space<hbm>>) dst(%arg15 : memref<64x128xf32, #tpu.memory_space<vmem>>)
      %dma_start3A_556 = arith.constant 3 : i32
      %dma_start3A_557 = arith.constant 0 : i32
      %dma_start3A_558 = tpu.memref_slice %arg11[%dma_start3A_556, %dma_start3A_557] : memref<8x64xi32, #tpu.memory_space<vmem>> -> memref<1x64xi32, #tpu.memory_space<vmem>>
      %dma_start3A_559 = tpu.memref_squeeze %dma_start3A_558 : memref<1x64xi32, #tpu.memory_space<vmem>> -> memref<64xi32, #tpu.memory_space<vmem>>
      %dma_start3A_560 = arith.constant 0 : i32
      %dma_start3A_561 = arith.constant 0 : i32
      %dma_start3A_562 = tpu.memref_slice %arg16[%dma_start3A_560, %dma_start3A_561] : memref<10112x128xf32, #tpu.memory_space<vmem_shared>> -> memref<10112x128xf32, #tpu.memory_space<vmem_shared>>
      tpu.enqueue_indirect_dma source(%arg15 : memref<64x128xf32, #tpu.memory_space<vmem>>) target(%dma_start3A_562 : memref<10112x128xf32, #tpu.memory_space<vmem_shared>>) offsets(%dma_start3A_559 : memref<64xi32, #tpu.memory_space<vmem>>) semaphore(%arg24 : memref<!tpu.dma_semaphore, #tpu.memory_space<semaphore_mem>>) {add = true}
      %get3A_563 = arith.constant 3 : i32
      %get3A_564 = arith.index_cast %get3A_563 : i32 to index
      %get3A_565 = arith.constant 0 : index
      %get3A_566 = tpu.vector_load %arg11[%get3A_564, %get3A_565] {strides = array<i32>} : memref<8x64xi32, #tpu.memory_space<vmem>>, vector<16xi32>,
      tpu.vector_store_idx %arg27[%get3A_566], %broadcast_in_dim3A_5 {add = true} : memref<10112xf32, #tpu.memory_space<vmem>>[vector<16xi32>], vector<16xf32>,
      %get3A_567 = arith.constant 3 : i32
      %get3A_568 = arith.index_cast %get3A_567 : i32 to index
      %get3A_569 = arith.constant 16 : index
      %get3A_570 = tpu.vector_load %arg11[%get3A_568, %get3A_569] {strides = array<i32>} : memref<8x64xi32, #tpu.memory_space<vmem>>, vector<16xi32>,
      tpu.vector_store_idx %arg27[%get3A_570], %broadcast_in_dim3A_5 {add = true} : memref<10112xf32, #tpu.memory_space<vmem>>[vector<16xi32>], vector<16xf32>,
      %get3A_571 = arith.constant 3 : i32
      %get3A_572 = arith.index_cast %get3A_571 : i32 to index
      %get3A_573 = arith.constant 32 : index
      %get3A_574 = tpu.vector_load %arg11[%get3A_572, %get3A_573] {strides = array<i32>} : memref<8x64xi32, #tpu.memory_space<vmem>>, vector<16xi32>,
      tpu.vector_store_idx %arg27[%get3A_574], %broadcast_in_dim3A_5 {add = true} : memref<10112xf32, #tpu.memory_space<vmem>>[vector<16xi32>], vector<16xf32>,
      %get3A_575 = arith.constant 3 : i32
      %get3A_576 = arith.index_cast %get3A_575 : i32 to index
      %get3A_577 = arith.constant 48 : index
      %get3A_578 = tpu.vector_load %arg11[%get3A_576, %get3A_577] {strides = array<i32>} : memref<8x64xi32, #tpu.memory_space<vmem>>, vector<16xi32>,
      tpu.vector_store_idx %arg27[%get3A_578], %broadcast_in_dim3A_5 {add = true} : memref<10112xf32, #tpu.memory_space<vmem>>[vector<16xi32>], vector<16xf32>,
      %add3A_579 = arith.constant 2 : i32
      %add3A_580 = arith.addi %add3A_548, %add3A_579 : i32
      %lt3A_581 = arith.constant 160 : i32
      %lt3A_582 = arith.cmpi slt, %add3A_580, %lt3A_581 : i32
      %convert_element_type3A_583 = arith.extui %lt3A_582 : i1 to i32
      %cond3A_584 = arith.constant 0 : i32
      %cond3A_585 = arith.cmpi ne, %convert_element_type3A_583, %cond3A_584 : i32
      scf.if %cond3A_585 {
        %ge3A_742 = arith.constant 2 : i32
        %ge3A_743 = arith.cmpi sge, %add3A_548, %ge3A_742 : i32
        %convert_element_type3A_744 = arith.extui %ge3A_743 : i1 to i32
        %cond3A_745 = arith.constant 0 : i32
        %cond3A_746 = arith.cmpi ne, %convert_element_type3A_744, %cond3A_745 : i32
        scf.if %cond3A_746 {
          %dma_wait3A_754 = arith.constant 0 : i32
          %dma_wait3A_755 = arith.constant 0 : i32
          %dma_wait3A_756 = tpu.memref_slice %arg11[%dma_wait3A_754, %dma_wait3A_755] : memref<8x64xi32, #tpu.memory_space<vmem>> -> memref<1x64xi32, #tpu.memory_space<vmem>>
          %dma_wait3A_757 = tpu.memref_squeeze %dma_wait3A_756 : memref<1x64xi32, #tpu.memory_space<vmem>> -> memref<64xi32, #tpu.memory_space<vmem>>
          %dma_wait3A_758 = arith.constant 0 : i32
          %dma_wait3A_759 = arith.constant 0 : i32
          %dma_wait3A_760 = tpu.memref_slice %arg16[%dma_wait3A_758, %dma_wait3A_759] : memref<10112x128xf32, #tpu.memory_space<vmem_shared>> -> memref<10112x128xf32, #tpu.memory_space<vmem_shared>>
          tpu.wait_indirect_dma semaphore(%arg22 : memref<!tpu.dma_semaphore, #tpu.memory_space<semaphore_mem>>) src(%arg13 : memref<64x128xf32, #tpu.memory_space<vmem>>) dst(%dma_wait3A_760 : memref<10112x128xf32, #tpu.memory_space<vmem_shared>>)
        } else {
        }
        %dma_start3A_747 = arith.constant 5 : i32
        %dma_start3A_748 = arith.constant 0 : i32
        %dma_start3A_749 = tpu.memref_slice %arg9[%dma_start3A_747, %dma_start3A_748] : memref<8x64xi32, #tpu.memory_space<vmem>> -> memref<1x64xi32, #tpu.memory_space<vmem>>
        %dma_start3A_750 = tpu.memref_squeeze %dma_start3A_749 : memref<1x64xi32, #tpu.memory_space<vmem>> -> memref<64xi32, #tpu.memory_space<vmem>>
        %dma_start3A_751 = arith.constant 0 : i32
        %dma_start3A_752 = arith.constant 0 : i32
        %dma_start3A_753 = tpu.memref_slice %arg2[%dma_start3A_751, %dma_start3A_752] : memref<10000x128xf32, #tpu.memory_space<hbm>> -> memref<10000x128xf32, #tpu.memory_space<hbm>>
        tpu.enqueue_indirect_dma source(%dma_start3A_753 : memref<10000x128xf32, #tpu.memory_space<hbm>>) target(%arg13 : memref<64x128xf32, #tpu.memory_space<vmem>>) offsets(%dma_start3A_750 : memref<64xi32, #tpu.memory_space<vmem>>) semaphore(%arg18 : memref<!tpu.dma_semaphore, #tpu.memory_space<semaphore_mem>>)
      } else {
      }
      %add3A_586 = arith.constant 4 : i32
      %add3A_587 = arith.addi %mul3A_422, %add3A_586 : i32
      %dma_wait3A_588 = arith.constant 0 : i32
      %dma_wait3A_589 = arith.constant 0 : i32
      %dma_wait3A_590 = tpu.memref_slice %arg9[%dma_wait3A_588, %dma_wait3A_589] : memref<8x64xi32, #tpu.memory_space<vmem>> -> memref<1x64xi32, #tpu.memory_space<vmem>>
      %dma_wait3A_591 = tpu.memref_squeeze %dma_wait3A_590 : memref<1x64xi32, #tpu.memory_space<vmem>> -> memref<64xi32, #tpu.memory_space<vmem>>
      %dma_wait3A_592 = arith.constant 0 : i32
      %dma_wait3A_593 = arith.constant 0 : i32
      %dma_wait3A_594 = tpu.memref_slice %arg2[%dma_wait3A_592, %dma_wait3A_593] : memref<10000x128xf32, #tpu.memory_space<hbm>> -> memref<10000x128xf32, #tpu.memory_space<hbm>>
      tpu.wait_indirect_dma semaphore(%arg17 : memref<!tpu.dma_semaphore, #tpu.memory_space<semaphore_mem>>) src(%dma_wait3A_594 : memref<10000x128xf32, #tpu.memory_space<hbm>>) dst(%arg12 : memref<64x128xf32, #tpu.memory_space<vmem>>)
      %dma_start3A_595 = arith.constant 4 : i32
      %dma_start3A_596 = arith.constant 0 : i32
      %dma_start3A_597 = tpu.memref_slice %arg11[%dma_start3A_595, %dma_start3A_596] : memref<8x64xi32, #tpu.memory_space<vmem>> -> memref<1x64xi32, #tpu.memory_space<vmem>>
      %dma_start3A_598 = tpu.memref_squeeze %dma_start3A_597 : memref<1x64xi32, #tpu.memory_space<vmem>> -> memref<64xi32, #tpu.memory_space<vmem>>
      %dma_start3A_599 = arith.constant 0 : i32
      %dma_start3A_600 = arith.constant 0 : i32
      %dma_start3A_601 = tpu.memref_slice %arg16[%dma_start3A_599, %dma_start3A_600] : memref<10112x128xf32, #tpu.memory_space<vmem_shared>> -> memref<10112x128xf32, #tpu.memory_space<vmem_shared>>
      tpu.enqueue_indirect_dma source(%arg12 : memref<64x128xf32, #tpu.memory_space<vmem>>) target(%dma_start3A_601 : memref<10112x128xf32, #tpu.memory_space<vmem_shared>>) offsets(%dma_start3A_598 : memref<64xi32, #tpu.memory_space<vmem>>) semaphore(%arg21 : memref<!tpu.dma_semaphore, #tpu.memory_space<semaphore_mem>>) {add = true}
      %get3A_602 = arith.constant 4 : i32
      %get3A_603 = arith.index_cast %get3A_602 : i32 to index
      %get3A_604 = arith.constant 0 : index
      %get3A_605 = tpu.vector_load %arg11[%get3A_603, %get3A_604] {strides = array<i32>} : memref<8x64xi32, #tpu.memory_space<vmem>>, vector<16xi32>,
      tpu.vector_store_idx %arg27[%get3A_605], %broadcast_in_dim3A_5 {add = true} : memref<10112xf32, #tpu.memory_space<vmem>>[vector<16xi32>], vector<16xf32>,
      %get3A_606 = arith.constant 4 : i32
      %get3A_607 = arith.index_cast %get3A_606 : i32 to index
      %get3A_608 = arith.constant 16 : index
      %get3A_609 = tpu.vector_load %arg11[%get3A_607, %get3A_608] {strides = array<i32>} : memref<8x64xi32, #tpu.memory_space<vmem>>, vector<16xi32>,
      tpu.vector_store_idx %arg27[%get3A_609], %broadcast_in_dim3A_5 {add = true} : memref<10112xf32, #tpu.memory_space<vmem>>[vector<16xi32>], vector<16xf32>,
      %get3A_610 = arith.constant 4 : i32
      %get3A_611 = arith.index_cast %get3A_610 : i32 to index
      %get3A_612 = arith.constant 32 : index
      %get3A_613 = tpu.vector_load %arg11[%get3A_611, %get3A_612] {strides = array<i32>} : memref<8x64xi32, #tpu.memory_space<vmem>>, vector<16xi32>,
      tpu.vector_store_idx %arg27[%get3A_613], %broadcast_in_dim3A_5 {add = true} : memref<10112xf32, #tpu.memory_space<vmem>>[vector<16xi32>], vector<16xf32>,
      %get3A_614 = arith.constant 4 : i32
      %get3A_615 = arith.index_cast %get3A_614 : i32 to index
      %get3A_616 = arith.constant 48 : index
      %get3A_617 = tpu.vector_load %arg11[%get3A_615, %get3A_616] {strides = array<i32>} : memref<8x64xi32, #tpu.memory_space<vmem>>, vector<16xi32>,
      tpu.vector_store_idx %arg27[%get3A_617], %broadcast_in_dim3A_5 {add = true} : memref<10112xf32, #tpu.memory_space<vmem>>[vector<16xi32>], vector<16xf32>,
      %add3A_618 = arith.constant 2 : i32
      %add3A_619 = arith.addi %add3A_587, %add3A_618 : i32
      %lt3A_620 = arith.constant 160 : i32
      %lt3A_621 = arith.cmpi slt, %add3A_619, %lt3A_620 : i32
      %convert_element_type3A_622 = arith.extui %lt3A_621 : i1 to i32
      %cond3A_623 = arith.constant 0 : i32
      %cond3A_624 = arith.cmpi ne, %convert_element_type3A_622, %cond3A_623 : i32
      scf.if %cond3A_624 {
        %ge3A_742 = arith.constant 2 : i32
        %ge3A_743 = arith.cmpi sge, %add3A_587, %ge3A_742 : i32
        %convert_element_type3A_744 = arith.extui %ge3A_743 : i1 to i32
        %cond3A_745 = arith.constant 0 : i32
        %cond3A_746 = arith.cmpi ne, %convert_element_type3A_744, %cond3A_745 : i32
        scf.if %cond3A_746 {
          %dma_wait3A_754 = arith.constant 0 : i32
          %dma_wait3A_755 = arith.constant 0 : i32
          %dma_wait3A_756 = tpu.memref_slice %arg11[%dma_wait3A_754, %dma_wait3A_755] : memref<8x64xi32, #tpu.memory_space<vmem>> -> memref<1x64xi32, #tpu.memory_space<vmem>>
          %dma_wait3A_757 = tpu.memref_squeeze %dma_wait3A_756 : memref<1x64xi32, #tpu.memory_space<vmem>> -> memref<64xi32, #tpu.memory_space<vmem>>
          %dma_wait3A_758 = arith.constant 0 : i32
          %dma_wait3A_759 = arith.constant 0 : i32
          %dma_wait3A_760 = tpu.memref_slice %arg16[%dma_wait3A_758, %dma_wait3A_759] : memref<10112x128xf32, #tpu.memory_space<vmem_shared>> -> memref<10112x128xf32, #tpu.memory_space<vmem_shared>>
          tpu.wait_indirect_dma semaphore(%arg23 : memref<!tpu.dma_semaphore, #tpu.memory_space<semaphore_mem>>) src(%arg14 : memref<64x128xf32, #tpu.memory_space<vmem>>) dst(%dma_wait3A_760 : memref<10112x128xf32, #tpu.memory_space<vmem_shared>>)
        } else {
        }
        %dma_start3A_747 = arith.constant 6 : i32
        %dma_start3A_748 = arith.constant 0 : i32
        %dma_start3A_749 = tpu.memref_slice %arg9[%dma_start3A_747, %dma_start3A_748] : memref<8x64xi32, #tpu.memory_space<vmem>> -> memref<1x64xi32, #tpu.memory_space<vmem>>
        %dma_start3A_750 = tpu.memref_squeeze %dma_start3A_749 : memref<1x64xi32, #tpu.memory_space<vmem>> -> memref<64xi32, #tpu.memory_space<vmem>>
        %dma_start3A_751 = arith.constant 0 : i32
        %dma_start3A_752 = arith.constant 0 : i32
        %dma_start3A_753 = tpu.memref_slice %arg2[%dma_start3A_751, %dma_start3A_752] : memref<10000x128xf32, #tpu.memory_space<hbm>> -> memref<10000x128xf32, #tpu.memory_space<hbm>>
        tpu.enqueue_indirect_dma source(%dma_start3A_753 : memref<10000x128xf32, #tpu.memory_space<hbm>>) target(%arg14 : memref<64x128xf32, #tpu.memory_space<vmem>>) offsets(%dma_start3A_750 : memref<64xi32, #tpu.memory_space<vmem>>) semaphore(%arg19 : memref<!tpu.dma_semaphore, #tpu.memory_space<semaphore_mem>>)
      } else {
      }
      %add3A_625 = arith.constant 5 : i32
      %add3A_626 = arith.addi %mul3A_422, %add3A_625 : i32
      %dma_wait3A_627 = arith.constant 0 : i32
      %dma_wait3A_628 = arith.constant 0 : i32
      %dma_wait3A_629 = tpu.memref_slice %arg9[%dma_wait3A_627, %dma_wait3A_628] : memref<8x64xi32, #tpu.memory_space<vmem>> -> memref<1x64xi32, #tpu.memory_space<vmem>>
      %dma_wait3A_630 = tpu.memref_squeeze %dma_wait3A_629 : memref<1x64xi32, #tpu.memory_space<vmem>> -> memref<64xi32, #tpu.memory_space<vmem>>
      %dma_wait3A_631 = arith.constant 0 : i32
      %dma_wait3A_632 = arith.constant 0 : i32
      %dma_wait3A_633 = tpu.memref_slice %arg2[%dma_wait3A_631, %dma_wait3A_632] : memref<10000x128xf32, #tpu.memory_space<hbm>> -> memref<10000x128xf32, #tpu.memory_space<hbm>>
      tpu.wait_indirect_dma semaphore(%arg18 : memref<!tpu.dma_semaphore, #tpu.memory_space<semaphore_mem>>) src(%dma_wait3A_633 : memref<10000x128xf32, #tpu.memory_space<hbm>>) dst(%arg13 : memref<64x128xf32, #tpu.memory_space<vmem>>)
      %dma_start3A_634 = arith.constant 5 : i32
      %dma_start3A_635 = arith.constant 0 : i32
      %dma_start3A_636 = tpu.memref_slice %arg11[%dma_start3A_634, %dma_start3A_635] : memref<8x64xi32, #tpu.memory_space<vmem>> -> memref<1x64xi32, #tpu.memory_space<vmem>>
      %dma_start3A_637 = tpu.memref_squeeze %dma_start3A_636 : memref<1x64xi32, #tpu.memory_space<vmem>> -> memref<64xi32, #tpu.memory_space<vmem>>
      %dma_start3A_638 = arith.constant 0 : i32
      %dma_start3A_639 = arith.constant 0 : i32
      %dma_start3A_640 = tpu.memref_slice %arg16[%dma_start3A_638, %dma_start3A_639] : memref<10112x128xf32, #tpu.memory_space<vmem_shared>> -> memref<10112x128xf32, #tpu.memory_space<vmem_shared>>
      tpu.enqueue_indirect_dma source(%arg13 : memref<64x128xf32, #tpu.memory_space<vmem>>) target(%dma_start3A_640 : memref<10112x128xf32, #tpu.memory_space<vmem_shared>>) offsets(%dma_start3A_637 : memref<64xi32, #tpu.memory_space<vmem>>) semaphore(%arg22 : memref<!tpu.dma_semaphore, #tpu.memory_space<semaphore_mem>>) {add = true}
      %get3A_641 = arith.constant 5 : i32
      %get3A_642 = arith.index_cast %get3A_641 : i32 to index
      %get3A_643 = arith.constant 0 : index
      %get3A_644 = tpu.vector_load %arg11[%get3A_642, %get3A_643] {strides = array<i32>} : memref<8x64xi32, #tpu.memory_space<vmem>>, vector<16xi32>,
      tpu.vector_store_idx %arg27[%get3A_644], %broadcast_in_dim3A_5 {add = true} : memref<10112xf32, #tpu.memory_space<vmem>>[vector<16xi32>], vector<16xf32>,
      %get3A_645 = arith.constant 5 : i32
      %get3A_646 = arith.index_cast %get3A_645 : i32 to index
      %get3A_647 = arith.constant 16 : index
      %get3A_648 = tpu.vector_load %arg11[%get3A_646, %get3A_647] {strides = array<i32>} : memref<8x64xi32, #tpu.memory_space<vmem>>, vector<16xi32>,
      tpu.vector_store_idx %arg27[%get3A_648], %broadcast_in_dim3A_5 {add = true} : memref<10112xf32, #tpu.memory_space<vmem>>[vector<16xi32>], vector<16xf32>,
      %get3A_649 = arith.constant 5 : i32
      %get3A_650 = arith.index_cast %get3A_649 : i32 to index
      %get3A_651 = arith.constant 32 : index
      %get3A_652 = tpu.vector_load %arg11[%get3A_650, %get3A_651] {strides = array<i32>} : memref<8x64xi32, #tpu.memory_space<vmem>>, vector<16xi32>,
      tpu.vector_store_idx %arg27[%get3A_652], %broadcast_in_dim3A_5 {add = true} : memref<10112xf32, #tpu.memory_space<vmem>>[vector<16xi32>], vector<16xf32>,
      %get3A_653 = arith.constant 5 : i32
      %get3A_654 = arith.index_cast %get3A_653 : i32 to index
      %get3A_655 = arith.constant 48 : index
      %get3A_656 = tpu.vector_load %arg11[%get3A_654, %get3A_655] {strides = array<i32>} : memref<8x64xi32, #tpu.memory_space<vmem>>, vector<16xi32>,
      tpu.vector_store_idx %arg27[%get3A_656], %broadcast_in_dim3A_5 {add = true} : memref<10112xf32, #tpu.memory_space<vmem>>[vector<16xi32>], vector<16xf32>,
      %add3A_657 = arith.constant 2 : i32
      %add3A_658 = arith.addi %add3A_626, %add3A_657 : i32
      %lt3A_659 = arith.constant 160 : i32
      %lt3A_660 = arith.cmpi slt, %add3A_658, %lt3A_659 : i32
      %convert_element_type3A_661 = arith.extui %lt3A_660 : i1 to i32
      %cond3A_662 = arith.constant 0 : i32
      %cond3A_663 = arith.cmpi ne, %convert_element_type3A_661, %cond3A_662 : i32
      scf.if %cond3A_663 {
        %ge3A_742 = arith.constant 2 : i32
        %ge3A_743 = arith.cmpi sge, %add3A_626, %ge3A_742 : i32
        %convert_element_type3A_744 = arith.extui %ge3A_743 : i1 to i32
        %cond3A_745 = arith.constant 0 : i32
        %cond3A_746 = arith.cmpi ne, %convert_element_type3A_744, %cond3A_745 : i32
        scf.if %cond3A_746 {
          %dma_wait3A_754 = arith.constant 0 : i32
          %dma_wait3A_755 = arith.constant 0 : i32
          %dma_wait3A_756 = tpu.memref_slice %arg11[%dma_wait3A_754, %dma_wait3A_755] : memref<8x64xi32, #tpu.memory_space<vmem>> -> memref<1x64xi32, #tpu.memory_space<vmem>>
          %dma_wait3A_757 = tpu.memref_squeeze %dma_wait3A_756 : memref<1x64xi32, #tpu.memory_space<vmem>> -> memref<64xi32, #tpu.memory_space<vmem>>
          %dma_wait3A_758 = arith.constant 0 : i32
          %dma_wait3A_759 = arith.constant 0 : i32
          %dma_wait3A_760 = tpu.memref_slice %arg16[%dma_wait3A_758, %dma_wait3A_759] : memref<10112x128xf32, #tpu.memory_space<vmem_shared>> -> memref<10112x128xf32, #tpu.memory_space<vmem_shared>>
          tpu.wait_indirect_dma semaphore(%arg24 : memref<!tpu.dma_semaphore, #tpu.memory_space<semaphore_mem>>) src(%arg15 : memref<64x128xf32, #tpu.memory_space<vmem>>) dst(%dma_wait3A_760 : memref<10112x128xf32, #tpu.memory_space<vmem_shared>>)
        } else {
        }
        %dma_start3A_747 = arith.constant 7 : i32
        %dma_start3A_748 = arith.constant 0 : i32
        %dma_start3A_749 = tpu.memref_slice %arg9[%dma_start3A_747, %dma_start3A_748] : memref<8x64xi32, #tpu.memory_space<vmem>> -> memref<1x64xi32, #tpu.memory_space<vmem>>
        %dma_start3A_750 = tpu.memref_squeeze %dma_start3A_749 : memref<1x64xi32, #tpu.memory_space<vmem>> -> memref<64xi32, #tpu.memory_space<vmem>>
        %dma_start3A_751 = arith.constant 0 : i32
        %dma_start3A_752 = arith.constant 0 : i32
        %dma_start3A_753 = tpu.memref_slice %arg2[%dma_start3A_751, %dma_start3A_752] : memref<10000x128xf32, #tpu.memory_space<hbm>> -> memref<10000x128xf32, #tpu.memory_space<hbm>>
        tpu.enqueue_indirect_dma source(%dma_start3A_753 : memref<10000x128xf32, #tpu.memory_space<hbm>>) target(%arg15 : memref<64x128xf32, #tpu.memory_space<vmem>>) offsets(%dma_start3A_750 : memref<64xi32, #tpu.memory_space<vmem>>) semaphore(%arg20 : memref<!tpu.dma_semaphore, #tpu.memory_space<semaphore_mem>>)
      } else {
      }
      %add3A_664 = arith.constant 6 : i32
      %add3A_665 = arith.addi %mul3A_422, %add3A_664 : i32
      %dma_wait3A_666 = arith.constant 0 : i32
      %dma_wait3A_667 = arith.constant 0 : i32
      %dma_wait3A_668 = tpu.memref_slice %arg9[%dma_wait3A_666, %dma_wait3A_667] : memref<8x64xi32, #tpu.memory_space<vmem>> -> memref<1x64xi32, #tpu.memory_space<vmem>>
      %dma_wait3A_669 = tpu.memref_squeeze %dma_wait3A_668 : memref<1x64xi32, #tpu.memory_space<vmem>> -> memref<64xi32, #tpu.memory_space<vmem>>
      %dma_wait3A_670 = arith.constant 0 : i32
      %dma_wait3A_671 = arith.constant 0 : i32
      %dma_wait3A_672 = tpu.memref_slice %arg2[%dma_wait3A_670, %dma_wait3A_671] : memref<10000x128xf32, #tpu.memory_space<hbm>> -> memref<10000x128xf32, #tpu.memory_space<hbm>>
      tpu.wait_indirect_dma semaphore(%arg19 : memref<!tpu.dma_semaphore, #tpu.memory_space<semaphore_mem>>) src(%dma_wait3A_672 : memref<10000x128xf32, #tpu.memory_space<hbm>>) dst(%arg14 : memref<64x128xf32, #tpu.memory_space<vmem>>)
      %dma_start3A_673 = arith.constant 6 : i32
      %dma_start3A_674 = arith.constant 0 : i32
      %dma_start3A_675 = tpu.memref_slice %arg11[%dma_start3A_673, %dma_start3A_674] : memref<8x64xi32, #tpu.memory_space<vmem>> -> memref<1x64xi32, #tpu.memory_space<vmem>>
      %dma_start3A_676 = tpu.memref_squeeze %dma_start3A_675 : memref<1x64xi32, #tpu.memory_space<vmem>> -> memref<64xi32, #tpu.memory_space<vmem>>
      %dma_start3A_677 = arith.constant 0 : i32
      %dma_start3A_678 = arith.constant 0 : i32
      %dma_start3A_679 = tpu.memref_slice %arg16[%dma_start3A_677, %dma_start3A_678] : memref<10112x128xf32, #tpu.memory_space<vmem_shared>> -> memref<10112x128xf32, #tpu.memory_space<vmem_shared>>
      tpu.enqueue_indirect_dma source(%arg14 : memref<64x128xf32, #tpu.memory_space<vmem>>) target(%dma_start3A_679 : memref<10112x128xf32, #tpu.memory_space<vmem_shared>>) offsets(%dma_start3A_676 : memref<64xi32, #tpu.memory_space<vmem>>) semaphore(%arg23 : memref<!tpu.dma_semaphore, #tpu.memory_space<semaphore_mem>>) {add = true}
      %get3A_680 = arith.constant 6 : i32
      %get3A_681 = arith.index_cast %get3A_680 : i32 to index
      %get3A_682 = arith.constant 0 : index
      %get3A_683 = tpu.vector_load %arg11[%get3A_681, %get3A_682] {strides = array<i32>} : memref<8x64xi32, #tpu.memory_space<vmem>>, vector<16xi32>,
      tpu.vector_store_idx %arg27[%get3A_683], %broadcast_in_dim3A_5 {add = true} : memref<10112xf32, #tpu.memory_space<vmem>>[vector<16xi32>], vector<16xf32>,
      %get3A_684 = arith.constant 6 : i32
      %get3A_685 = arith.index_cast %get3A_684 : i32 to index
      %get3A_686 = arith.constant 16 : index
      %get3A_687 = tpu.vector_load %arg11[%get3A_685, %get3A_686] {strides = array<i32>} : memref<8x64xi32, #tpu.memory_space<vmem>>, vector<16xi32>,
      tpu.vector_store_idx %arg27[%get3A_687], %broadcast_in_dim3A_5 {add = true} : memref<10112xf32, #tpu.memory_space<vmem>>[vector<16xi32>], vector<16xf32>,
      %get3A_688 = arith.constant 6 : i32
      %get3A_689 = arith.index_cast %get3A_688 : i32 to index
      %get3A_690 = arith.constant 32 : index
      %get3A_691 = tpu.vector_load %arg11[%get3A_689, %get3A_690] {strides = array<i32>} : memref<8x64xi32, #tpu.memory_space<vmem>>, vector<16xi32>,
      tpu.vector_store_idx %arg27[%get3A_691], %broadcast_in_dim3A_5 {add = true} : memref<10112xf32, #tpu.memory_space<vmem>>[vector<16xi32>], vector<16xf32>,
      %get3A_692 = arith.constant 6 : i32
      %get3A_693 = arith.index_cast %get3A_692 : i32 to index
      %get3A_694 = arith.constant 48 : index
      %get3A_695 = tpu.vector_load %arg11[%get3A_693, %get3A_694] {strides = array<i32>} : memref<8x64xi32, #tpu.memory_space<vmem>>, vector<16xi32>,
      tpu.vector_store_idx %arg27[%get3A_695], %broadcast_in_dim3A_5 {add = true} : memref<10112xf32, #tpu.memory_space<vmem>>[vector<16xi32>], vector<16xf32>,
      %add3A_696 = arith.constant 2 : i32
      %add3A_697 = arith.addi %add3A_665, %add3A_696 : i32
      %lt3A_698 = arith.constant 160 : i32
      %lt3A_699 = arith.cmpi slt, %add3A_697, %lt3A_698 : i32
      %convert_element_type3A_700 = arith.extui %lt3A_699 : i1 to i32
      %cond3A_701 = arith.constant 0 : i32
      %cond3A_702 = arith.cmpi ne, %convert_element_type3A_700, %cond3A_701 : i32
      scf.if %cond3A_702 {
        %ge3A_742 = arith.constant 2 : i32
        %ge3A_743 = arith.cmpi sge, %add3A_665, %ge3A_742 : i32
        %convert_element_type3A_744 = arith.extui %ge3A_743 : i1 to i32
        %cond3A_745 = arith.constant 0 : i32
        %cond3A_746 = arith.cmpi ne, %convert_element_type3A_744, %cond3A_745 : i32
        scf.if %cond3A_746 {
          %dma_wait3A_754 = arith.constant 0 : i32
          %dma_wait3A_755 = arith.constant 0 : i32
          %dma_wait3A_756 = tpu.memref_slice %arg11[%dma_wait3A_754, %dma_wait3A_755] : memref<8x64xi32, #tpu.memory_space<vmem>> -> memref<1x64xi32, #tpu.memory_space<vmem>>
          %dma_wait3A_757 = tpu.memref_squeeze %dma_wait3A_756 : memref<1x64xi32, #tpu.memory_space<vmem>> -> memref<64xi32, #tpu.memory_space<vmem>>
          %dma_wait3A_758 = arith.constant 0 : i32
          %dma_wait3A_759 = arith.constant 0 : i32
          %dma_wait3A_760 = tpu.memref_slice %arg16[%dma_wait3A_758, %dma_wait3A_759] : memref<10112x128xf32, #tpu.memory_space<vmem_shared>> -> memref<10112x128xf32, #tpu.memory_space<vmem_shared>>
          tpu.wait_indirect_dma semaphore(%arg21 : memref<!tpu.dma_semaphore, #tpu.memory_space<semaphore_mem>>) src(%arg12 : memref<64x128xf32, #tpu.memory_space<vmem>>) dst(%dma_wait3A_760 : memref<10112x128xf32, #tpu.memory_space<vmem_shared>>)
        } else {
        }
        tpu.wait_dma2 semaphore(%arg25 : memref<!tpu.dma_semaphore, #tpu.memory_space<semaphore_mem>>) src(%arg4 : memref<8x64xi32, #tpu.memory_space<hbm>>) dst(%arg8 : memref<8x64xi32, #tpu.memory_space<vmem>>)
        tpu.wait_dma2 semaphore(%arg25 : memref<!tpu.dma_semaphore, #tpu.memory_space<semaphore_mem>>) src(%arg5 : memref<8x64xi32, #tpu.memory_space<hbm>>) dst(%arg10 : memref<8x64xi32, #tpu.memory_space<vmem>>)
        %dma_start3A_747 = arith.constant 0 : i32
        %dma_start3A_748 = arith.constant 0 : i32
        %dma_start3A_749 = tpu.memref_slice %arg8[%dma_start3A_747, %dma_start3A_748] : memref<8x64xi32, #tpu.memory_space<vmem>> -> memref<1x64xi32, #tpu.memory_space<vmem>>
        %dma_start3A_750 = tpu.memref_squeeze %dma_start3A_749 : memref<1x64xi32, #tpu.memory_space<vmem>> -> memref<64xi32, #tpu.memory_space<vmem>>
        %dma_start3A_751 = arith.constant 0 : i32
        %dma_start3A_752 = arith.constant 0 : i32
        %dma_start3A_753 = tpu.memref_slice %arg2[%dma_start3A_751, %dma_start3A_752] : memref<10000x128xf32, #tpu.memory_space<hbm>> -> memref<10000x128xf32, #tpu.memory_space<hbm>>
        tpu.enqueue_indirect_dma source(%dma_start3A_753 : memref<10000x128xf32, #tpu.memory_space<hbm>>) target(%arg12 : memref<64x128xf32, #tpu.memory_space<vmem>>) offsets(%dma_start3A_750 : memref<64xi32, #tpu.memory_space<vmem>>) semaphore(%arg17 : memref<!tpu.dma_semaphore, #tpu.memory_space<semaphore_mem>>)
      } else {
      }
      %add3A_703 = arith.constant 7 : i32
      %add3A_704 = arith.addi %mul3A_422, %add3A_703 : i32
      %dma_wait3A_705 = arith.constant 0 : i32
      %dma_wait3A_706 = arith.constant 0 : i32
      %dma_wait3A_707 = tpu.memref_slice %arg9[%dma_wait3A_705, %dma_wait3A_706] : memref<8x64xi32, #tpu.memory_space<vmem>> -> memref<1x64xi32, #tpu.memory_space<vmem>>
      %dma_wait3A_708 = tpu.memref_squeeze %dma_wait3A_707 : memref<1x64xi32, #tpu.memory_space<vmem>> -> memref<64xi32, #tpu.memory_space<vmem>>
      %dma_wait3A_709 = arith.constant 0 : i32
      %dma_wait3A_710 = arith.constant 0 : i32
      %dma_wait3A_711 = tpu.memref_slice %arg2[%dma_wait3A_709, %dma_wait3A_710] : memref<10000x128xf32, #tpu.memory_space<hbm>> -> memref<10000x128xf32, #tpu.memory_space<hbm>>
      tpu.wait_indirect_dma semaphore(%arg20 : memref<!tpu.dma_semaphore, #tpu.memory_space<semaphore_mem>>) src(%dma_wait3A_711 : memref<10000x128xf32, #tpu.memory_space<hbm>>) dst(%arg15 : memref<64x128xf32, #tpu.memory_space<vmem>>)
      %dma_start3A_712 = arith.constant 7 : i32
      %dma_start3A_713 = arith.constant 0 : i32
      %dma_start3A_714 = tpu.memref_slice %arg11[%dma_start3A_712, %dma_start3A_713] : memref<8x64xi32, #tpu.memory_space<vmem>> -> memref<1x64xi32, #tpu.memory_space<vmem>>
      %dma_start3A_715 = tpu.memref_squeeze %dma_start3A_714 : memref<1x64xi32, #tpu.memory_space<vmem>> -> memref<64xi32, #tpu.memory_space<vmem>>
      %dma_start3A_716 = arith.constant 0 : i32
      %dma_start3A_717 = arith.constant 0 : i32
      %dma_start3A_718 = tpu.memref_slice %arg16[%dma_start3A_716, %dma_start3A_717] : memref<10112x128xf32, #tpu.memory_space<vmem_shared>> -> memref<10112x128xf32, #tpu.memory_space<vmem_shared>>
      tpu.enqueue_indirect_dma source(%arg15 : memref<64x128xf32, #tpu.memory_space<vmem>>) target(%dma_start3A_718 : memref<10112x128xf32, #tpu.memory_space<vmem_shared>>) offsets(%dma_start3A_715 : memref<64xi32, #tpu.memory_space<vmem>>) semaphore(%arg24 : memref<!tpu.dma_semaphore, #tpu.memory_space<semaphore_mem>>) {add = true}
      %get3A_719 = arith.constant 7 : i32
      %get3A_720 = arith.index_cast %get3A_719 : i32 to index
      %get3A_721 = arith.constant 0 : index
      %get3A_722 = tpu.vector_load %arg11[%get3A_720, %get3A_721] {strides = array<i32>} : memref<8x64xi32, #tpu.memory_space<vmem>>, vector<16xi32>,
      tpu.vector_store_idx %arg27[%get3A_722], %broadcast_in_dim3A_5 {add = true} : memref<10112xf32, #tpu.memory_space<vmem>>[vector<16xi32>], vector<16xf32>,
      %get3A_723 = arith.constant 7 : i32
      %get3A_724 = arith.index_cast %get3A_723 : i32 to index
      %get3A_725 = arith.constant 16 : index
      %get3A_726 = tpu.vector_load %arg11[%get3A_724, %get3A_725] {strides = array<i32>} : memref<8x64xi32, #tpu.memory_space<vmem>>, vector<16xi32>,
      tpu.vector_store_idx %arg27[%get3A_726], %broadcast_in_dim3A_5 {add = true} : memref<10112xf32, #tpu.memory_space<vmem>>[vector<16xi32>], vector<16xf32>,
      %get3A_727 = arith.constant 7 : i32
      %get3A_728 = arith.index_cast %get3A_727 : i32 to index
      %get3A_729 = arith.constant 32 : index
      %get3A_730 = tpu.vector_load %arg11[%get3A_728, %get3A_729] {strides = array<i32>} : memref<8x64xi32, #tpu.memory_space<vmem>>, vector<16xi32>,
      tpu.vector_store_idx %arg27[%get3A_730], %broadcast_in_dim3A_5 {add = true} : memref<10112xf32, #tpu.memory_space<vmem>>[vector<16xi32>], vector<16xf32>,
      %get3A_731 = arith.constant 7 : i32
      %get3A_732 = arith.index_cast %get3A_731 : i32 to index
      %get3A_733 = arith.constant 48 : index
      %get3A_734 = tpu.vector_load %arg11[%get3A_732, %get3A_733] {strides = array<i32>} : memref<8x64xi32, #tpu.memory_space<vmem>>, vector<16xi32>,
      tpu.vector_store_idx %arg27[%get3A_734], %broadcast_in_dim3A_5 {add = true} : memref<10112xf32, #tpu.memory_space<vmem>>[vector<16xi32>], vector<16xf32>,
      %add3A_735 = arith.constant 2 : i32
      %add3A_736 = arith.addi %add3A_704, %add3A_735 : i32
      %lt3A_737 = arith.constant 160 : i32
      %lt3A_738 = arith.cmpi slt, %add3A_736, %lt3A_737 : i32
      %convert_element_type3A_739 = arith.extui %lt3A_738 : i1 to i32
      %cond3A_740 = arith.constant 0 : i32
      %cond3A_741 = arith.cmpi ne, %convert_element_type3A_739, %cond3A_740 : i32
      scf.if %cond3A_741 {
        %ge3A_742 = arith.constant 2 : i32
        %ge3A_743 = arith.cmpi sge, %add3A_704, %ge3A_742 : i32
        %convert_element_type3A_744 = arith.extui %ge3A_743 : i1 to i32
        %cond3A_745 = arith.constant 0 : i32
        %cond3A_746 = arith.cmpi ne, %convert_element_type3A_744, %cond3A_745 : i32
        scf.if %cond3A_746 {
          %dma_wait3A_754 = arith.constant 0 : i32
          %dma_wait3A_755 = arith.constant 0 : i32
          %dma_wait3A_756 = tpu.memref_slice %arg11[%dma_wait3A_754, %dma_wait3A_755] : memref<8x64xi32, #tpu.memory_space<vmem>> -> memref<1x64xi32, #tpu.memory_space<vmem>>
          %dma_wait3A_757 = tpu.memref_squeeze %dma_wait3A_756 : memref<1x64xi32, #tpu.memory_space<vmem>> -> memref<64xi32, #tpu.memory_space<vmem>>
          %dma_wait3A_758 = arith.constant 0 : i32
          %dma_wait3A_759 = arith.constant 0 : i32
          %dma_wait3A_760 = tpu.memref_slice %arg16[%dma_wait3A_758, %dma_wait3A_759] : memref<10112x128xf32, #tpu.memory_space<vmem_shared>> -> memref<10112x128xf32, #tpu.memory_space<vmem_shared>>
          tpu.wait_indirect_dma semaphore(%arg22 : memref<!tpu.dma_semaphore, #tpu.memory_space<semaphore_mem>>) src(%arg13 : memref<64x128xf32, #tpu.memory_space<vmem>>) dst(%dma_wait3A_760 : memref<10112x128xf32, #tpu.memory_space<vmem_shared>>)
        } else {
        }
        %dma_start3A_747 = arith.constant 1 : i32
        %dma_start3A_748 = arith.constant 0 : i32
        %dma_start3A_749 = tpu.memref_slice %arg8[%dma_start3A_747, %dma_start3A_748] : memref<8x64xi32, #tpu.memory_space<vmem>> -> memref<1x64xi32, #tpu.memory_space<vmem>>
        %dma_start3A_750 = tpu.memref_squeeze %dma_start3A_749 : memref<1x64xi32, #tpu.memory_space<vmem>> -> memref<64xi32, #tpu.memory_space<vmem>>
        %dma_start3A_751 = arith.constant 0 : i32
        %dma_start3A_752 = arith.constant 0 : i32
        %dma_start3A_753 = tpu.memref_slice %arg2[%dma_start3A_751, %dma_start3A_752] : memref<10000x128xf32, #tpu.memory_space<hbm>> -> memref<10000x128xf32, #tpu.memory_space<hbm>>
        tpu.enqueue_indirect_dma source(%dma_start3A_753 : memref<10000x128xf32, #tpu.memory_space<hbm>>) target(%arg13 : memref<64x128xf32, #tpu.memory_space<vmem>>) offsets(%dma_start3A_750 : memref<64xi32, #tpu.memory_space<vmem>>) semaphore(%arg18 : memref<!tpu.dma_semaphore, #tpu.memory_space<semaphore_mem>>)
      } else {
      }
    }
    %scan3A_63 = arith.constant 10 : i32
    %dma_wait3A = arith.constant 0 : i32
    %dma_wait3A_64 = arith.constant 0 : i32
    %dma_wait3A_65 = tpu.memref_slice %arg10[%dma_wait3A, %dma_wait3A_64] : memref<8x64xi32, #tpu.memory_space<vmem>> -> memref<1x64xi32, #tpu.memory_space<vmem>>
    %dma_wait3A_66 = tpu.memref_squeeze %dma_wait3A_65 : memref<1x64xi32, #tpu.memory_space<vmem>> -> memref<64xi32, #tpu.memory_space<vmem>>
    %dma_wait3A_67 = arith.constant 0 : i32
    %dma_wait3A_68 = arith.constant 0 : i32
    %dma_wait3A_69 = tpu.memref_slice %arg16[%dma_wait3A_67, %dma_wait3A_68] : memref<10112x128xf32, #tpu.memory_space<vmem_shared>> -> memref<10112x128xf32, #tpu.memory_space<vmem_shared>>
    tpu.wait_indirect_dma semaphore(%arg21 : memref<!tpu.dma_semaphore, #tpu.memory_space<semaphore_mem>>) src(%arg12 : memref<64x128xf32, #tpu.memory_space<vmem>>) dst(%dma_wait3A_69 : memref<10112x128xf32, #tpu.memory_space<vmem_shared>>)
    %dma_wait3A_70 = arith.constant 0 : i32
    %dma_wait3A_71 = arith.constant 0 : i32
    %dma_wait3A_72 = tpu.memref_slice %arg10[%dma_wait3A_70, %dma_wait3A_71] : memref<8x64xi32, #tpu.memory_space<vmem>> -> memref<1x64xi32, #tpu.memory_space<vmem>>
    %dma_wait3A_73 = tpu.memref_squeeze %dma_wait3A_72 : memref<1x64xi32, #tpu.memory_space<vmem>> -> memref<64xi32, #tpu.memory_space<vmem>>
    %dma_wait3A_74 = arith.constant 0 : i32
    %dma_wait3A_75 = arith.constant 0 : i32
    %dma_wait3A_76 = tpu.memref_slice %arg16[%dma_wait3A_74, %dma_wait3A_75] : memref<10112x128xf32, #tpu.memory_space<vmem_shared>> -> memref<10112x128xf32, #tpu.memory_space<vmem_shared>>
    tpu.wait_indirect_dma semaphore(%arg22 : memref<!tpu.dma_semaphore, #tpu.memory_space<semaphore_mem>>) src(%arg13 : memref<64x128xf32, #tpu.memory_space<vmem>>) dst(%dma_wait3A_76 : memref<10112x128xf32, #tpu.memory_space<vmem_shared>>)
    %dma_wait3A_77 = arith.constant 0 : i32
    %dma_wait3A_78 = arith.constant 0 : i32
    %dma_wait3A_79 = tpu.memref_slice %arg10[%dma_wait3A_77, %dma_wait3A_78] : memref<8x64xi32, #tpu.memory_space<vmem>> -> memref<1x64xi32, #tpu.memory_space<vmem>>
    %dma_wait3A_80 = tpu.memref_squeeze %dma_wait3A_79 : memref<1x64xi32, #tpu.memory_space<vmem>> -> memref<64xi32, #tpu.memory_space<vmem>>
    %dma_wait3A_81 = arith.constant 0 : i32
    %dma_wait3A_82 = arith.constant 0 : i32
    %dma_wait3A_83 = tpu.memref_slice %arg16[%dma_wait3A_81, %dma_wait3A_82] : memref<10112x128xf32, #tpu.memory_space<vmem_shared>> -> memref<10112x128xf32, #tpu.memory_space<vmem_shared>>
    tpu.wait_indirect_dma semaphore(%arg23 : memref<!tpu.dma_semaphore, #tpu.memory_space<semaphore_mem>>) src(%arg14 : memref<64x128xf32, #tpu.memory_space<vmem>>) dst(%dma_wait3A_83 : memref<10112x128xf32, #tpu.memory_space<vmem_shared>>)
    %dma_wait3A_84 = arith.constant 0 : i32
    %dma_wait3A_85 = arith.constant 0 : i32
    %dma_wait3A_86 = tpu.memref_slice %arg10[%dma_wait3A_84, %dma_wait3A_85] : memref<8x64xi32, #tpu.memory_space<vmem>> -> memref<1x64xi32, #tpu.memory_space<vmem>>
    %dma_wait3A_87 = tpu.memref_squeeze %dma_wait3A_86 : memref<1x64xi32, #tpu.memory_space<vmem>> -> memref<64xi32, #tpu.memory_space<vmem>>
    %dma_wait3A_88 = arith.constant 0 : i32
    %dma_wait3A_89 = arith.constant 0 : i32
    %dma_wait3A_90 = tpu.memref_slice %arg16[%dma_wait3A_88, %dma_wait3A_89] : memref<10112x128xf32, #tpu.memory_space<vmem_shared>> -> memref<10112x128xf32, #tpu.memory_space<vmem_shared>>
    tpu.wait_indirect_dma semaphore(%arg24 : memref<!tpu.dma_semaphore, #tpu.memory_space<semaphore_mem>>) src(%arg15 : memref<64x128xf32, #tpu.memory_space<vmem>>) dst(%dma_wait3A_90 : memref<10112x128xf32, #tpu.memory_space<vmem_shared>>)
    %barrier3A_91 = arith.constant 0 : index
    tpu.barrier barrier_id(%barrier3A_91)
    "tpu.region"() ({
      %run_scoped3A = tpu.sem_alloc : memref<!tpu.dma_semaphore, #tpu.memory_space<semaphore_mem>>
      %dma_start3A_92 = arith.constant 0 : i32
      %dma_start3A_93 = tpu.memref_slice %arg6[%arg0, %mul3A_2, %dma_start3A_92] : memref<2x10112x128xf32, #tpu.memory_space<hbm>> -> memref<1x632x128xf32, #tpu.memory_space<hbm>>
      %dma_start3A_94 = tpu.memref_squeeze %dma_start3A_93 : memref<1x632x128xf32, #tpu.memory_space<hbm>> -> memref<632x128xf32, #tpu.memory_space<hbm>>
      %dma_start3A_95 = arith.constant 0 : i32
      %dma_start3A_96 = tpu.memref_slice %arg16[%mul3A_2, %dma_start3A_95] : memref<10112x128xf32, #tpu.memory_space<vmem_shared>> -> memref<632x128xf32, #tpu.memory_space<vmem_shared>>
      tpu.enqueue_dma source(%dma_start3A_96 : memref<632x128xf32, #tpu.memory_space<vmem_shared>>) target(%dma_start3A_94 : memref<632x128xf32, #tpu.memory_space<hbm>>) target_semaphore(%run_scoped3A : memref<!tpu.dma_semaphore, #tpu.memory_space<semaphore_mem>>)
      %dma_wait3A_97 = arith.constant 0 : i32
      %dma_wait3A_98 = tpu.memref_slice %arg6[%arg0, %mul3A_2, %dma_wait3A_97] : memref<2x10112x128xf32, #tpu.memory_space<hbm>> -> memref<1x632x128xf32, #tpu.memory_space<hbm>>
      %dma_wait3A_99 = tpu.memref_squeeze %dma_wait3A_98 : memref<1x632x128xf32, #tpu.memory_space<hbm>> -> memref<632x128xf32, #tpu.memory_space<hbm>>
      %dma_wait3A_100 = arith.constant 0 : i32
      %dma_wait3A_101 = tpu.memref_slice %arg16[%mul3A_2, %dma_wait3A_100] : memref<10112x128xf32, #tpu.memory_space<vmem_shared>> -> memref<632x128xf32, #tpu.memory_space<vmem_shared>>
      tpu.wait_dma2 semaphore(%run_scoped3A : memref<!tpu.dma_semaphore, #tpu.memory_space<semaphore_mem>>) src(%dma_wait3A_101 : memref<632x128xf32, #tpu.memory_space<vmem_shared>>) dst(%dma_wait3A_99 : memref<632x128xf32, #tpu.memory_space<hbm>>)
      tpu.yield
    }) : () -> ()
    "tpu.region"() ({
      %run_scoped3A = tpu.sem_alloc : memref<!tpu.dma_semaphore, #tpu.memory_space<semaphore_mem>>
      %dma_start3A_92 = arith.constant 0 : i32
      %dma_start3A_93 = tpu.memref_slice %arg7[%arg0, %arg1, %dma_start3A_92] : memref<2x16x10112xf32, #tpu.memory_space<hbm>> -> memref<1x1x10112xf32, #tpu.memory_space<hbm>>
      %dma_start3A_94 = tpu.memref_squeeze %dma_start3A_93 : memref<1x1x10112xf32, #tpu.memory_space<hbm>> -> memref<10112xf32, #tpu.memory_space<hbm>>
      %dma_start3A_95 = arith.constant 0 : i32
      %dma_start3A_96 = tpu.memref_slice %arg7[%arg0, %arg1, %dma_start3A_95] : memref<2x16x10112xf32, #tpu.memory_space<hbm>> -> memref<1x1x10112xf32, #tpu.memory_space<hbm>>
      %dma_start3A_97 = tpu.memref_squeeze %dma_start3A_96 : memref<1x1x10112xf32, #tpu.memory_space<hbm>> -> memref<10112xf32, #tpu.memory_space<hbm>>
      tpu.enqueue_dma source(%arg27 : memref<10112xf32, #tpu.memory_space<vmem>>) target(%dma_start3A_97 : memref<10112xf32, #tpu.memory_space<hbm>>) target_semaphore(%run_scoped3A : memref<!tpu.dma_semaphore, #tpu.memory_space<semaphore_mem>>)
      %dma_wait3A_98 = arith.constant 0 : i32
      %dma_wait3A_99 = tpu.memref_slice %arg7[%arg0, %arg1, %dma_wait3A_98] : memref<2x16x10112xf32, #tpu.memory_space<hbm>> -> memref<1x1x10112xf32, #tpu.memory_space<hbm>>
      %dma_wait3A_100 = tpu.memref_squeeze %dma_wait3A_99 : memref<1x1x10112xf32, #tpu.memory_space<hbm>> -> memref<10112xf32, #tpu.memory_space<hbm>>
      %dma_wait3A_101 = arith.constant 0 : i32
      %dma_wait3A_102 = tpu.memref_slice %arg7[%arg0, %arg1, %dma_wait3A_101] : memref<2x16x10112xf32, #tpu.memory_space<hbm>> -> memref<1x1x10112xf32, #tpu.memory_space<hbm>>
      %dma_wait3A_103 = tpu.memref_squeeze %dma_wait3A_102 : memref<1x1x10112xf32, #tpu.memory_space<hbm>> -> memref<10112xf32, #tpu.memory_space<hbm>>
      tpu.wait_dma2 semaphore(%run_scoped3A : memref<!tpu.dma_semaphore, #tpu.memory_space<semaphore_mem>>) src(%arg27 : memref<10112xf32, #tpu.memory_space<vmem>>) dst(%dma_wait3A_103 : memref<10112xf32, #tpu.memory_space<hbm>>)
      tpu.yield
    }) : () -> ()
    return
  }
}

module attributes {stable_mosaic.version = 14 : i64} {
  func.func @_tc_layer1_body(%arg0: i32, %arg1: memref<2048x128xf32, #tpu.memory_space<vmem>>, %arg2: memref<2x2048x128xf32, #tpu.memory_space<vmem>>, %arg3: memref<2x16x2048xf32, #tpu.memory_space<vmem>>, %arg4: memref<128x128xf32, #tpu.memory_space<vmem>>, %arg5: memref<1x128xf32, #tpu.memory_space<vmem>>, %arg6: memref<256x256xf32, #tpu.memory_space<vmem>>, %arg7: memref<1x256xf32, #tpu.memory_space<vmem>>, %arg8: memref<1x256xf32, #tpu.memory_space<vmem>>, %arg9: memref<1x256xf32, #tpu.memory_space<vmem>>, %arg10: memref<256x256xf32, #tpu.memory_space<vmem>>, %arg11: memref<1x256xf32, #tpu.memory_space<vmem>>, %arg12: memref<256x128xf32, #tpu.memory_space<vmem>>, %arg13: memref<1x128xf32, #tpu.memory_space<vmem>>, %arg14: memref<2048x128xf32, #tpu.memory_space<vmem>>, %arg15: memref<2048x128xf32, #tpu.memory_space<vmem>>) attributes {dimension_semantics = [#tpu.dimension_semantics<arbitrary>], iteration_bounds = array<i64: 5>, scalar_prefetch = 0 : i64, scratch_operands = 0 : i64, tpu.core_type = #tpu.core_type<tc>, window_params = [{transform_indices = @transform_0, window_bounds = array<i64: 2048, 128>}, {transform_indices = @transform_1, window_bounds = array<i64: 2, 2048, 128>}, {transform_indices = @transform_2, window_bounds = array<i64: 2, 16, 2048>}, {pipeline_mode = #tpu.pipeline_mode<synchronous>, transform_indices = @transform_3, window_bounds = array<i64: 128, 128>}, {pipeline_mode = #tpu.pipeline_mode<synchronous>, transform_indices = @transform_4, window_bounds = array<i64: 1, 128>}, {pipeline_mode = #tpu.pipeline_mode<synchronous>, transform_indices = @transform_5, window_bounds = array<i64: 256, 256>}, {pipeline_mode = #tpu.pipeline_mode<synchronous>, transform_indices = @transform_6, window_bounds = array<i64: 1, 256>}, {pipeline_mode = #tpu.pipeline_mode<synchronous>, transform_indices = @transform_7, window_bounds = array<i64: 1, 256>}, {pipeline_mode = #tpu.pipeline_mode<synchronous>, transform_indices = @transform_8, window_bounds = array<i64: 1, 256>}, {pipeline_mode = #tpu.pipeline_mode<synchronous>, transform_indices = @transform_9, window_bounds = array<i64: 256, 256>}, {pipeline_mode = #tpu.pipeline_mode<synchronous>, transform_indices = @transform_10, window_bounds = array<i64: 1, 256>}, {pipeline_mode = #tpu.pipeline_mode<synchronous>, transform_indices = @transform_11, window_bounds = array<i64: 256, 128>}, {pipeline_mode = #tpu.pipeline_mode<synchronous>, transform_indices = @transform_12, window_bounds = array<i64: 1, 128>}, {transform_indices = @transform_13, window_bounds = array<i64: 2048, 128>}, {transform_indices = @transform_14, window_bounds = array<i64: 2048, 128>}]} {
    %get3A = arith.constant 0 : index
    %get3A_0 = arith.constant 0 : index
    %get3A_1 = vector.load %arg1[%get3A, %get3A_0] : memref<2048x128xf32, #tpu.memory_space<vmem>>, vector<2048x128xf32>
    %get3A_2 = arith.constant 0 : index
    %get3A_3 = arith.constant 0 : index
    %get3A_4 = arith.constant 0 : index
    %get3A_5 = vector.load %arg2[%get3A_2, %get3A_3, %get3A_4] : memref<2x2048x128xf32, #tpu.memory_space<vmem>>, vector<1x2048x128xf32>
    %get3A_6 = vector.shape_cast %get3A_5 : vector<1x2048x128xf32> to vector<2048x128xf32>
    %get3A_7 = arith.constant 1 : index
    %get3A_8 = arith.constant 0 : index
    %get3A_9 = arith.constant 0 : index
    %get3A_10 = vector.load %arg2[%get3A_7, %get3A_8, %get3A_9] : memref<2x2048x128xf32, #tpu.memory_space<vmem>>, vector<1x2048x128xf32>
    %get3A_11 = vector.shape_cast %get3A_10 : vector<1x2048x128xf32> to vector<2048x128xf32>
    %add3A = arith.addf %get3A_6, %get3A_11 : vector<2048x128xf32>
    %get3A_12 = arith.constant 0 : index
    %get3A_13 = arith.constant 0 : index
    %get3A_14 = arith.constant 0 : index
    %get3A_15 = vector.load %arg3[%get3A_12, %get3A_13, %get3A_14] : memref<2x16x2048xf32, #tpu.memory_space<vmem>>, vector<2x16x2048xf32>
    %reduce_sum3A = arith.constant dense<0.000000e+00> : vector<2048xf32>
    %reduce_sum3A_16 = vector.multi_reduction <add>, %get3A_15, %reduce_sum3A [0, 1] : vector<2x16x2048xf32> to vector<2048xf32>
    %broadcast_in_dim3A = vector.shape_cast %reduce_sum3A_16 : vector<2048xf32> to vector<2048x1xf32>
    %get3A_17 = arith.constant 0 : index
    %get3A_18 = arith.constant 0 : index
    %get3A_19 = vector.load %arg4[%get3A_17, %get3A_18] : memref<128x128xf32, #tpu.memory_space<vmem>>, vector<128x128xf32>
    %get3A_20 = arith.constant 0 : index
    %get3A_21 = arith.constant 0 : index
    %get3A_22 = vector.load %arg5[%get3A_20, %get3A_21] : memref<1x128xf32, #tpu.memory_space<vmem>>, vector<1x128xf32>
    %dot_general3A = arith.constant dense<0.000000e+00> : vector<2048x128xf32>
    %dot_general3A_23 = tpu.matmul %get3A_1, %get3A_19, %dot_general3A {dimension_numbers = #tpu.dot_dimension_numbers<[1], [0], [0], [1], [0, 0, 1, 1], [], []>, transpose_lhs_hint = false} : vector<2048x128xf32>, vector<128x128xf32>, vector<2048x128xf32> -> vector<2048x128xf32>
    %add3A_24 = vector.broadcast %get3A_22 : vector<1x128xf32> to vector<2048x128xf32>
    %add3A_25 = arith.addf %dot_general3A_23, %add3A_24 : vector<2048x128xf32>
    %dot_general3A_26 = arith.constant dense<0.000000e+00> : vector<2048x128xf32>
    %dot_general3A_27 = tpu.matmul %add3A, %get3A_19, %dot_general3A_26 {dimension_numbers = #tpu.dot_dimension_numbers<[1], [0], [0], [1], [0, 0, 1, 1], [], []>, transpose_lhs_hint = false} : vector<2048x128xf32>, vector<128x128xf32>, vector<2048x128xf32> -> vector<2048x128xf32>
    %mul3A = vector.broadcast %broadcast_in_dim3A : vector<2048x1xf32> to vector<2048x128xf32>
    %mul3A_28 = vector.broadcast %get3A_22 : vector<1x128xf32> to vector<2048x128xf32>
    %mul3A_29 = arith.mulf %mul3A, %mul3A_28 : vector<2048x128xf32>
    %add3A_30 = arith.addf %dot_general3A_27, %mul3A_29 : vector<2048x128xf32>
    %add3A_31 = arith.addf %get3A_1, %add3A : vector<2048x128xf32>
    %add3A_32 = arith.addf %add3A_25, %add3A_30 : vector<2048x128xf32>
    %get3A_33 = arith.constant 0 : index
    %get3A_34 = arith.constant 0 : index
    %get3A_35 = vector.load %arg6[%get3A_33, %get3A_34] : memref<256x256xf32, #tpu.memory_space<vmem>>, vector<256x256xf32>
    %get3A_36 = arith.constant 0 : index
    %get3A_37 = arith.constant 0 : index
    %get3A_38 = vector.load %arg7[%get3A_36, %get3A_37] : memref<1x256xf32, #tpu.memory_space<vmem>>, vector<1x256xf32>
    %get3A_39 = arith.constant 0 : index
    %get3A_40 = arith.constant 0 : index
    %get3A_41 = vector.load %arg8[%get3A_39, %get3A_40] : memref<1x256xf32, #tpu.memory_space<vmem>>, vector<1x256xf32>
    %get3A_42 = arith.constant 0 : index
    %get3A_43 = arith.constant 0 : index
    %get3A_44 = vector.load %arg9[%get3A_42, %get3A_43] : memref<1x256xf32, #tpu.memory_space<vmem>>, vector<1x256xf32>
    %get3A_45 = arith.constant 0 : index
    %get3A_46 = arith.constant 0 : index
    %get3A_47 = vector.load %arg10[%get3A_45, %get3A_46] : memref<256x256xf32, #tpu.memory_space<vmem>>, vector<256x256xf32>
    %get3A_48 = arith.constant 0 : index
    %get3A_49 = arith.constant 0 : index
    %get3A_50 = vector.load %arg11[%get3A_48, %get3A_49] : memref<1x256xf32, #tpu.memory_space<vmem>>, vector<1x256xf32>
    %get3A_51 = arith.constant 0 : index
    %get3A_52 = arith.constant 0 : index
    %get3A_53 = vector.load %arg12[%get3A_51, %get3A_52] : memref<256x128xf32, #tpu.memory_space<vmem>>, vector<256x128xf32>
    %get3A_54 = arith.constant 0 : index
    %get3A_55 = arith.constant 0 : index
    %get3A_56 = vector.load %arg13[%get3A_54, %get3A_55] : memref<1x128xf32, #tpu.memory_space<vmem>>, vector<1x128xf32>
    %slice3A = vector.extract_strided_slice %get3A_35 {offsets = [0, 0], sizes = [128, 256], strides = [1, 1]} : vector<256x256xf32> to vector<128x256xf32>
    %dot_general3A_57 = arith.constant dense<0.000000e+00> : vector<2048x256xf32>
    %dot_general3A_58 = tpu.matmul %add3A_31, %slice3A, %dot_general3A_57 {dimension_numbers = #tpu.dot_dimension_numbers<[1], [0], [0], [1], [0, 0, 1, 1], [], []>, transpose_lhs_hint = false} : vector<2048x128xf32>, vector<128x256xf32>, vector<2048x256xf32> -> vector<2048x256xf32>
    %slice3A_59 = vector.extract_strided_slice %get3A_35 {offsets = [128, 0], sizes = [128, 256], strides = [1, 1]} : vector<256x256xf32> to vector<128x256xf32>
    %dot_general3A_60 = arith.constant dense<0.000000e+00> : vector<2048x256xf32>
    %dot_general3A_61 = tpu.matmul %add3A_32, %slice3A_59, %dot_general3A_60 {dimension_numbers = #tpu.dot_dimension_numbers<[1], [0], [0], [1], [0, 0, 1, 1], [], []>, transpose_lhs_hint = false} : vector<2048x128xf32>, vector<128x256xf32>, vector<2048x256xf32> -> vector<2048x256xf32>
    %add3A_62 = arith.addf %dot_general3A_58, %dot_general3A_61 : vector<2048x256xf32>
    %add3A_63 = vector.broadcast %get3A_38 : vector<1x256xf32> to vector<2048x256xf32>
    %add3A_64 = arith.addf %add3A_62, %add3A_63 : vector<2048x256xf32>
    %reduce_sum3A_65 = arith.constant dense<0.000000e+00> : vector<2048xf32>
    %reduce_sum3A_66 = vector.multi_reduction <add>, %add3A_64, %reduce_sum3A_65 [1] : vector<2048x256xf32> to vector<2048xf32>
    %broadcast_in_dim3A_67 = vector.shape_cast %reduce_sum3A_66 : vector<2048xf32> to vector<2048x1xf32>
    %div3A = arith.constant 2.560000e+02 : f32
    %div3A_68 = vector.broadcast %div3A : f32 to vector<2048x1xf32>
    %div3A_69 = arith.divf %broadcast_in_dim3A_67, %div3A_68 : vector<2048x1xf32>
    %sub3A = vector.broadcast %div3A_69 : vector<2048x1xf32> to vector<2048x256xf32>
    %sub3A_70 = arith.subf %add3A_64, %sub3A : vector<2048x256xf32>
    %integer_pow3A = arith.mulf %sub3A_70, %sub3A_70 : vector<2048x256xf32>
    %reduce_sum3A_71 = arith.constant dense<0.000000e+00> : vector<2048xf32>
    %reduce_sum3A_72 = vector.multi_reduction <add>, %integer_pow3A, %reduce_sum3A_71 [1] : vector<2048x256xf32> to vector<2048xf32>
    %broadcast_in_dim3A_73 = vector.shape_cast %reduce_sum3A_72 : vector<2048xf32> to vector<2048x1xf32>
    %div3A_74 = arith.constant 2.560000e+02 : f32
    %div3A_75 = vector.broadcast %div3A_74 : f32 to vector<2048x1xf32>
    %div3A_76 = arith.divf %broadcast_in_dim3A_73, %div3A_75 : vector<2048x1xf32>
    %sub3A_77 = vector.broadcast %div3A_69 : vector<2048x1xf32> to vector<2048x256xf32>
    %sub3A_78 = arith.subf %add3A_64, %sub3A_77 : vector<2048x256xf32>
    %add3A_79 = arith.constant 9.99999974E-6 : f32
    %add3A_80 = vector.broadcast %add3A_79 : f32 to vector<2048x1xf32>
    %add3A_81 = arith.addf %div3A_76, %add3A_80 : vector<2048x1xf32>
    %sqrt3A = math.sqrt %add3A_81 : vector<2048x1xf32>
    %div3A_82 = vector.broadcast %sqrt3A : vector<2048x1xf32> to vector<2048x256xf32>
    %div3A_83 = arith.divf %sub3A_78, %div3A_82 : vector<2048x256xf32>
    %mul3A_84 = vector.broadcast %get3A_41 : vector<1x256xf32> to vector<2048x256xf32>
    %mul3A_85 = arith.mulf %div3A_83, %mul3A_84 : vector<2048x256xf32>
    %add3A_86 = vector.broadcast %get3A_44 : vector<1x256xf32> to vector<2048x256xf32>
    %add3A_87 = arith.addf %mul3A_85, %add3A_86 : vector<2048x256xf32>
    %gt3A = arith.constant 0.000000e+00 : f32
    %gt3A_88 = vector.broadcast %gt3A : f32 to vector<2048x256xf32>
    %gt3A_89 = arith.cmpf ogt, %add3A_87, %gt3A_88 : vector<2048x256xf32>
    %mul3A_90 = arith.constant 1.000000e-01 : f32
    %mul3A_91 = vector.broadcast %mul3A_90 : f32 to vector<2048x256xf32>
    %mul3A_92 = arith.mulf %mul3A_91, %add3A_87 : vector<2048x256xf32>
    %select_n3A = arith.select %gt3A_89, %add3A_87, %mul3A_92 : vector<2048x256xi1>, vector<2048x256xf32>
    %dot_general3A_93 = arith.constant dense<0.000000e+00> : vector<2048x256xf32>
    %dot_general3A_94 = tpu.matmul %select_n3A, %get3A_47, %dot_general3A_93 {dimension_numbers = #tpu.dot_dimension_numbers<[1], [0], [0], [1], [0, 0, 1, 1], [], []>, transpose_lhs_hint = false} : vector<2048x256xf32>, vector<256x256xf32>, vector<2048x256xf32> -> vector<2048x256xf32>
    %add3A_95 = vector.broadcast %get3A_50 : vector<1x256xf32> to vector<2048x256xf32>
    %add3A_96 = arith.addf %dot_general3A_94, %add3A_95 : vector<2048x256xf32>
    %gt3A_97 = arith.constant 0.000000e+00 : f32
    %gt3A_98 = vector.broadcast %gt3A_97 : f32 to vector<2048x256xf32>
    %gt3A_99 = arith.cmpf ogt, %add3A_96, %gt3A_98 : vector<2048x256xf32>
    %mul3A_100 = arith.constant 1.000000e-01 : f32
    %mul3A_101 = vector.broadcast %mul3A_100 : f32 to vector<2048x256xf32>
    %mul3A_102 = arith.mulf %mul3A_101, %add3A_96 : vector<2048x256xf32>
    %select_n3A_103 = arith.select %gt3A_99, %add3A_96, %mul3A_102 : vector<2048x256xi1>, vector<2048x256xf32>
    %dot_general3A_104 = arith.constant dense<0.000000e+00> : vector<2048x128xf32>
    %dot_general3A_105 = tpu.matmul %select_n3A_103, %get3A_53, %dot_general3A_104 {dimension_numbers = #tpu.dot_dimension_numbers<[1], [0], [0], [1], [0, 0, 1, 1], [], []>, transpose_lhs_hint = false} : vector<2048x256xf32>, vector<256x128xf32>, vector<2048x128xf32> -> vector<2048x128xf32>
    %add3A_106 = vector.broadcast %get3A_56 : vector<1x128xf32> to vector<2048x128xf32>
    %add3A_107 = arith.addf %dot_general3A_105, %add3A_106 : vector<2048x128xf32>
    %swap3A = arith.constant 0 : index
    %swap3A_108 = arith.constant 0 : index
    %swap3A_109 = vector.load %arg14[%swap3A, %swap3A_108] : memref<2048x128xf32, #tpu.memory_space<vmem>>, vector<2048x128xf32>
    tpu.vector_store %arg14[%swap3A, %swap3A_108], %add3A_25 {strides = array<i32>} : memref<2048x128xf32, #tpu.memory_space<vmem>>, vector<2048x128xf32>,
    %swap3A_110 = arith.constant 0 : index
    %swap3A_111 = arith.constant 0 : index
    %swap3A_112 = vector.load %arg15[%swap3A_110, %swap3A_111] : memref<2048x128xf32, #tpu.memory_space<vmem>>, vector<2048x128xf32>
    tpu.vector_store %arg15[%swap3A_110, %swap3A_111], %add3A_107 {strides = array<i32>} : memref<2048x128xf32, #tpu.memory_space<vmem>>, vector<2048x128xf32>,
    return
  }
  func.func @transform_0(%arg0: i32) -> (i32, i32) {
    %c0_i32 = arith.constant 0 : i32
    %c0_i32_0 = arith.constant 0 : i32
    return %arg0, %c0_i32 : i32, i32
  }
  func.func @transform_1(%arg0: i32) -> (i32, i32, i32) {
    %c0_i32 = arith.constant 0 : i32
    %c0_i32_0 = arith.constant 0 : i32
    %c0_i32_1 = arith.constant 0 : i32
    return %c0_i32, %arg0, %c0_i32_0 : i32, i32, i32
  }
  func.func @transform_2(%arg0: i32) -> (i32, i32, i32) {
    %c0_i32 = arith.constant 0 : i32
    %c0_i32_0 = arith.constant 0 : i32
    %c0_i32_1 = arith.constant 0 : i32
    return %c0_i32, %c0_i32_0, %arg0 : i32, i32, i32
  }
  func.func @transform_3(%arg0: i32) -> (i32, i32) {
    %c0_i32 = arith.constant 0 : i32
    %c0_i32_0 = arith.constant 0 : i32
    %c0_i32_1 = arith.constant 0 : i32
    return %c0_i32, %c0_i32_0 : i32, i32
  }
  func.func @transform_4(%arg0: i32) -> (i32, i32) {
    %c0_i32 = arith.constant 0 : i32
    %c0_i32_0 = arith.constant 0 : i32
    %c0_i32_1 = arith.constant 0 : i32
    return %c0_i32, %c0_i32_0 : i32, i32
  }
  func.func @transform_5(%arg0: i32) -> (i32, i32) {
    %c0_i32 = arith.constant 0 : i32
    %c0_i32_0 = arith.constant 0 : i32
    %c0_i32_1 = arith.constant 0 : i32
    return %c0_i32, %c0_i32_0 : i32, i32
  }
  func.func @transform_6(%arg0: i32) -> (i32, i32) {
    %c0_i32 = arith.constant 0 : i32
    %c0_i32_0 = arith.constant 0 : i32
    %c0_i32_1 = arith.constant 0 : i32
    return %c0_i32, %c0_i32_0 : i32, i32
  }
  func.func @transform_7(%arg0: i32) -> (i32, i32) {
    %c0_i32 = arith.constant 0 : i32
    %c0_i32_0 = arith.constant 0 : i32
    %c0_i32_1 = arith.constant 0 : i32
    return %c0_i32, %c0_i32_0 : i32, i32
  }
  func.func @transform_8(%arg0: i32) -> (i32, i32) {
    %c0_i32 = arith.constant 0 : i32
    %c0_i32_0 = arith.constant 0 : i32
    %c0_i32_1 = arith.constant 0 : i32
    return %c0_i32, %c0_i32_0 : i32, i32
  }
  func.func @transform_9(%arg0: i32) -> (i32, i32) {
    %c0_i32 = arith.constant 0 : i32
    %c0_i32_0 = arith.constant 0 : i32
    %c0_i32_1 = arith.constant 0 : i32
    return %c0_i32, %c0_i32_0 : i32, i32
  }
  func.func @transform_10(%arg0: i32) -> (i32, i32) {
    %c0_i32 = arith.constant 0 : i32
    %c0_i32_0 = arith.constant 0 : i32
    %c0_i32_1 = arith.constant 0 : i32
    return %c0_i32, %c0_i32_0 : i32, i32
  }
  func.func @transform_11(%arg0: i32) -> (i32, i32) {
    %c0_i32 = arith.constant 0 : i32
    %c0_i32_0 = arith.constant 0 : i32
    %c0_i32_1 = arith.constant 0 : i32
    return %c0_i32, %c0_i32_0 : i32, i32
  }
  func.func @transform_12(%arg0: i32) -> (i32, i32) {
    %c0_i32 = arith.constant 0 : i32
    %c0_i32_0 = arith.constant 0 : i32
    %c0_i32_1 = arith.constant 0 : i32
    return %c0_i32, %c0_i32_0 : i32, i32
  }
  func.func @transform_13(%arg0: i32) -> (i32, i32) {
    %c0_i32 = arith.constant 0 : i32
    %c0_i32_0 = arith.constant 0 : i32
    return %arg0, %c0_i32 : i32, i32
  }
  func.func @transform_14(%arg0: i32) -> (i32, i32) {
    %c0_i32 = arith.constant 0 : i32
    %c0_i32_0 = arith.constant 0 : i32
    return %arg0, %c0_i32 : i32, i32
  }
}

module attributes {stable_mosaic.version = 14 : i64} {
  func.func @_tc_layer2_body(%arg0: i32, %arg1: memref<2048x128xf32, #tpu.memory_space<vmem>>, %arg2: memref<2048x128xf32, #tpu.memory_space<vmem>>, %arg3: memref<2048x128xf32, #tpu.memory_space<vmem>>, %arg4: memref<2x2048x128xf32, #tpu.memory_space<vmem>>, %arg5: memref<2x2048x128xf32, #tpu.memory_space<vmem>>, %arg6: memref<256x256xf32, #tpu.memory_space<vmem>>, %arg7: memref<1x256xf32, #tpu.memory_space<vmem>>, %arg8: memref<1x256xf32, #tpu.memory_space<vmem>>, %arg9: memref<1x256xf32, #tpu.memory_space<vmem>>, %arg10: memref<256x256xf32, #tpu.memory_space<vmem>>, %arg11: memref<1x256xf32, #tpu.memory_space<vmem>>, %arg12: memref<256x128xf32, #tpu.memory_space<vmem>>, %arg13: memref<1x128xf32, #tpu.memory_space<vmem>>, %arg14: memref<384x128xf32, #tpu.memory_space<vmem>>, %arg15: memref<1x128xf32, #tpu.memory_space<vmem>>, %arg16: memref<2048x128xf32, #tpu.memory_space<vmem>>) attributes {dimension_semantics = [#tpu.dimension_semantics<arbitrary>], iteration_bounds = array<i64: 5>, scalar_prefetch = 0 : i64, scratch_operands = 0 : i64, tpu.core_type = #tpu.core_type<tc>, window_params = [{transform_indices = @transform_0, window_bounds = array<i64: 2048, 128>}, {transform_indices = @transform_1, window_bounds = array<i64: 2048, 128>}, {transform_indices = @transform_2, window_bounds = array<i64: 2048, 128>}, {transform_indices = @transform_3, window_bounds = array<i64: 2, 2048, 128>}, {transform_indices = @transform_4, window_bounds = array<i64: 2, 2048, 128>}, {pipeline_mode = #tpu.pipeline_mode<synchronous>, transform_indices = @transform_5, window_bounds = array<i64: 256, 256>}, {pipeline_mode = #tpu.pipeline_mode<synchronous>, transform_indices = @transform_6, window_bounds = array<i64: 1, 256>}, {pipeline_mode = #tpu.pipeline_mode<synchronous>, transform_indices = @transform_7, window_bounds = array<i64: 1, 256>}, {pipeline_mode = #tpu.pipeline_mode<synchronous>, transform_indices = @transform_8, window_bounds = array<i64: 1, 256>}, {pipeline_mode = #tpu.pipeline_mode<synchronous>, transform_indices = @transform_9, window_bounds = array<i64: 256, 256>}, {pipeline_mode = #tpu.pipeline_mode<synchronous>, transform_indices = @transform_10, window_bounds = array<i64: 1, 256>}, {pipeline_mode = #tpu.pipeline_mode<synchronous>, transform_indices = @transform_11, window_bounds = array<i64: 256, 128>}, {pipeline_mode = #tpu.pipeline_mode<synchronous>, transform_indices = @transform_12, window_bounds = array<i64: 1, 128>}, {pipeline_mode = #tpu.pipeline_mode<synchronous>, transform_indices = @transform_13, window_bounds = array<i64: 384, 128>}, {pipeline_mode = #tpu.pipeline_mode<synchronous>, transform_indices = @transform_14, window_bounds = array<i64: 1, 128>}, {transform_indices = @transform_15, window_bounds = array<i64: 2048, 128>}]} {
    %get3A = arith.constant 0 : index
    %get3A_0 = arith.constant 0 : index
    %get3A_1 = vector.load %arg1[%get3A, %get3A_0] : memref<2048x128xf32, #tpu.memory_space<vmem>>, vector<2048x128xf32>
    %get3A_2 = arith.constant 0 : index
    %get3A_3 = arith.constant 0 : index
    %get3A_4 = vector.load %arg2[%get3A_2, %get3A_3] : memref<2048x128xf32, #tpu.memory_space<vmem>>, vector<2048x128xf32>
    %get3A_5 = arith.constant 0 : index
    %get3A_6 = arith.constant 0 : index
    %get3A_7 = vector.load %arg3[%get3A_5, %get3A_6] : memref<2048x128xf32, #tpu.memory_space<vmem>>, vector<2048x128xf32>
    %get3A_8 = arith.constant 0 : index
    %get3A_9 = arith.constant 0 : index
    %get3A_10 = arith.constant 0 : index
    %get3A_11 = vector.load %arg4[%get3A_8, %get3A_9, %get3A_10] : memref<2x2048x128xf32, #tpu.memory_space<vmem>>, vector<1x2048x128xf32>
    %get3A_12 = vector.shape_cast %get3A_11 : vector<1x2048x128xf32> to vector<2048x128xf32>
    %get3A_13 = arith.constant 1 : index
    %get3A_14 = arith.constant 0 : index
    %get3A_15 = arith.constant 0 : index
    %get3A_16 = vector.load %arg4[%get3A_13, %get3A_14, %get3A_15] : memref<2x2048x128xf32, #tpu.memory_space<vmem>>, vector<1x2048x128xf32>
    %get3A_17 = vector.shape_cast %get3A_16 : vector<1x2048x128xf32> to vector<2048x128xf32>
    %add3A = arith.addf %get3A_12, %get3A_17 : vector<2048x128xf32>
    %get3A_18 = arith.constant 0 : index
    %get3A_19 = arith.constant 0 : index
    %get3A_20 = arith.constant 0 : index
    %get3A_21 = vector.load %arg5[%get3A_18, %get3A_19, %get3A_20] : memref<2x2048x128xf32, #tpu.memory_space<vmem>>, vector<1x2048x128xf32>
    %get3A_22 = vector.shape_cast %get3A_21 : vector<1x2048x128xf32> to vector<2048x128xf32>
    %get3A_23 = arith.constant 1 : index
    %get3A_24 = arith.constant 0 : index
    %get3A_25 = arith.constant 0 : index
    %get3A_26 = vector.load %arg5[%get3A_23, %get3A_24, %get3A_25] : memref<2x2048x128xf32, #tpu.memory_space<vmem>>, vector<1x2048x128xf32>
    %get3A_27 = vector.shape_cast %get3A_26 : vector<1x2048x128xf32> to vector<2048x128xf32>
    %add3A_28 = arith.addf %get3A_22, %get3A_27 : vector<2048x128xf32>
    %add3A_29 = arith.addf %get3A_1, %add3A : vector<2048x128xf32>
    %add3A_30 = arith.addf %get3A_7, %add3A_28 : vector<2048x128xf32>
    %get3A_31 = arith.constant 0 : index
    %get3A_32 = arith.constant 0 : index
    %get3A_33 = vector.load %arg6[%get3A_31, %get3A_32] : memref<256x256xf32, #tpu.memory_space<vmem>>, vector<256x256xf32>
    %get3A_34 = arith.constant 0 : index
    %get3A_35 = arith.constant 0 : index
    %get3A_36 = vector.load %arg7[%get3A_34, %get3A_35] : memref<1x256xf32, #tpu.memory_space<vmem>>, vector<1x256xf32>
    %get3A_37 = arith.constant 0 : index
    %get3A_38 = arith.constant 0 : index
    %get3A_39 = vector.load %arg8[%get3A_37, %get3A_38] : memref<1x256xf32, #tpu.memory_space<vmem>>, vector<1x256xf32>
    %get3A_40 = arith.constant 0 : index
    %get3A_41 = arith.constant 0 : index
    %get3A_42 = vector.load %arg9[%get3A_40, %get3A_41] : memref<1x256xf32, #tpu.memory_space<vmem>>, vector<1x256xf32>
    %get3A_43 = arith.constant 0 : index
    %get3A_44 = arith.constant 0 : index
    %get3A_45 = vector.load %arg10[%get3A_43, %get3A_44] : memref<256x256xf32, #tpu.memory_space<vmem>>, vector<256x256xf32>
    %get3A_46 = arith.constant 0 : index
    %get3A_47 = arith.constant 0 : index
    %get3A_48 = vector.load %arg11[%get3A_46, %get3A_47] : memref<1x256xf32, #tpu.memory_space<vmem>>, vector<1x256xf32>
    %get3A_49 = arith.constant 0 : index
    %get3A_50 = arith.constant 0 : index
    %get3A_51 = vector.load %arg12[%get3A_49, %get3A_50] : memref<256x128xf32, #tpu.memory_space<vmem>>, vector<256x128xf32>
    %get3A_52 = arith.constant 0 : index
    %get3A_53 = arith.constant 0 : index
    %get3A_54 = vector.load %arg13[%get3A_52, %get3A_53] : memref<1x128xf32, #tpu.memory_space<vmem>>, vector<1x128xf32>
    %slice3A = vector.extract_strided_slice %get3A_33 {offsets = [0, 0], sizes = [128, 256], strides = [1, 1]} : vector<256x256xf32> to vector<128x256xf32>
    %dot_general3A = arith.constant dense<0.000000e+00> : vector<2048x256xf32>
    %dot_general3A_55 = tpu.matmul %add3A_29, %slice3A, %dot_general3A {dimension_numbers = #tpu.dot_dimension_numbers<[1], [0], [0], [1], [0, 0, 1, 1], [], []>, transpose_lhs_hint = false} : vector<2048x128xf32>, vector<128x256xf32>, vector<2048x256xf32> -> vector<2048x256xf32>
    %slice3A_56 = vector.extract_strided_slice %get3A_33 {offsets = [128, 0], sizes = [128, 256], strides = [1, 1]} : vector<256x256xf32> to vector<128x256xf32>
    %dot_general3A_57 = arith.constant dense<0.000000e+00> : vector<2048x256xf32>
    %dot_general3A_58 = tpu.matmul %add3A_30, %slice3A_56, %dot_general3A_57 {dimension_numbers = #tpu.dot_dimension_numbers<[1], [0], [0], [1], [0, 0, 1, 1], [], []>, transpose_lhs_hint = false} : vector<2048x128xf32>, vector<128x256xf32>, vector<2048x256xf32> -> vector<2048x256xf32>
    %add3A_59 = arith.addf %dot_general3A_55, %dot_general3A_58 : vector<2048x256xf32>
    %add3A_60 = vector.broadcast %get3A_36 : vector<1x256xf32> to vector<2048x256xf32>
    %add3A_61 = arith.addf %add3A_59, %add3A_60 : vector<2048x256xf32>
    %reduce_sum3A = arith.constant dense<0.000000e+00> : vector<2048xf32>
    %reduce_sum3A_62 = vector.multi_reduction <add>, %add3A_61, %reduce_sum3A [1] : vector<2048x256xf32> to vector<2048xf32>
    %broadcast_in_dim3A = vector.shape_cast %reduce_sum3A_62 : vector<2048xf32> to vector<2048x1xf32>
    %div3A = arith.constant 2.560000e+02 : f32
    %div3A_63 = vector.broadcast %div3A : f32 to vector<2048x1xf32>
    %div3A_64 = arith.divf %broadcast_in_dim3A, %div3A_63 : vector<2048x1xf32>
    %sub3A = vector.broadcast %div3A_64 : vector<2048x1xf32> to vector<2048x256xf32>
    %sub3A_65 = arith.subf %add3A_61, %sub3A : vector<2048x256xf32>
    %integer_pow3A = arith.mulf %sub3A_65, %sub3A_65 : vector<2048x256xf32>
    %reduce_sum3A_66 = arith.constant dense<0.000000e+00> : vector<2048xf32>
    %reduce_sum3A_67 = vector.multi_reduction <add>, %integer_pow3A, %reduce_sum3A_66 [1] : vector<2048x256xf32> to vector<2048xf32>
    %broadcast_in_dim3A_68 = vector.shape_cast %reduce_sum3A_67 : vector<2048xf32> to vector<2048x1xf32>
    %div3A_69 = arith.constant 2.560000e+02 : f32
    %div3A_70 = vector.broadcast %div3A_69 : f32 to vector<2048x1xf32>
    %div3A_71 = arith.divf %broadcast_in_dim3A_68, %div3A_70 : vector<2048x1xf32>
    %sub3A_72 = vector.broadcast %div3A_64 : vector<2048x1xf32> to vector<2048x256xf32>
    %sub3A_73 = arith.subf %add3A_61, %sub3A_72 : vector<2048x256xf32>
    %add3A_74 = arith.constant 9.99999974E-6 : f32
    %add3A_75 = vector.broadcast %add3A_74 : f32 to vector<2048x1xf32>
    %add3A_76 = arith.addf %div3A_71, %add3A_75 : vector<2048x1xf32>
    %sqrt3A = math.sqrt %add3A_76 : vector<2048x1xf32>
    %div3A_77 = vector.broadcast %sqrt3A : vector<2048x1xf32> to vector<2048x256xf32>
    %div3A_78 = arith.divf %sub3A_73, %div3A_77 : vector<2048x256xf32>
    %mul3A = vector.broadcast %get3A_39 : vector<1x256xf32> to vector<2048x256xf32>
    %mul3A_79 = arith.mulf %div3A_78, %mul3A : vector<2048x256xf32>
    %add3A_80 = vector.broadcast %get3A_42 : vector<1x256xf32> to vector<2048x256xf32>
    %add3A_81 = arith.addf %mul3A_79, %add3A_80 : vector<2048x256xf32>
    %gt3A = arith.constant 0.000000e+00 : f32
    %gt3A_82 = vector.broadcast %gt3A : f32 to vector<2048x256xf32>
    %gt3A_83 = arith.cmpf ogt, %add3A_81, %gt3A_82 : vector<2048x256xf32>
    %mul3A_84 = arith.constant 1.000000e-01 : f32
    %mul3A_85 = vector.broadcast %mul3A_84 : f32 to vector<2048x256xf32>
    %mul3A_86 = arith.mulf %mul3A_85, %add3A_81 : vector<2048x256xf32>
    %select_n3A = arith.select %gt3A_83, %add3A_81, %mul3A_86 : vector<2048x256xi1>, vector<2048x256xf32>
    %dot_general3A_87 = arith.constant dense<0.000000e+00> : vector<2048x256xf32>
    %dot_general3A_88 = tpu.matmul %select_n3A, %get3A_45, %dot_general3A_87 {dimension_numbers = #tpu.dot_dimension_numbers<[1], [0], [0], [1], [0, 0, 1, 1], [], []>, transpose_lhs_hint = false} : vector<2048x256xf32>, vector<256x256xf32>, vector<2048x256xf32> -> vector<2048x256xf32>
    %add3A_89 = vector.broadcast %get3A_48 : vector<1x256xf32> to vector<2048x256xf32>
    %add3A_90 = arith.addf %dot_general3A_88, %add3A_89 : vector<2048x256xf32>
    %gt3A_91 = arith.constant 0.000000e+00 : f32
    %gt3A_92 = vector.broadcast %gt3A_91 : f32 to vector<2048x256xf32>
    %gt3A_93 = arith.cmpf ogt, %add3A_90, %gt3A_92 : vector<2048x256xf32>
    %mul3A_94 = arith.constant 1.000000e-01 : f32
    %mul3A_95 = vector.broadcast %mul3A_94 : f32 to vector<2048x256xf32>
    %mul3A_96 = arith.mulf %mul3A_95, %add3A_90 : vector<2048x256xf32>
    %select_n3A_97 = arith.select %gt3A_93, %add3A_90, %mul3A_96 : vector<2048x256xi1>, vector<2048x256xf32>
    %dot_general3A_98 = arith.constant dense<0.000000e+00> : vector<2048x128xf32>
    %dot_general3A_99 = tpu.matmul %select_n3A_97, %get3A_51, %dot_general3A_98 {dimension_numbers = #tpu.dot_dimension_numbers<[1], [0], [0], [1], [0, 0, 1, 1], [], []>, transpose_lhs_hint = false} : vector<2048x256xf32>, vector<256x128xf32>, vector<2048x128xf32> -> vector<2048x128xf32>
    %add3A_100 = vector.broadcast %get3A_54 : vector<1x128xf32> to vector<2048x128xf32>
    %add3A_101 = arith.addf %dot_general3A_99, %add3A_100 : vector<2048x128xf32>
    %get3A_102 = arith.constant 0 : index
    %get3A_103 = arith.constant 0 : index
    %get3A_104 = vector.load %arg14[%get3A_102, %get3A_103] : memref<384x128xf32, #tpu.memory_space<vmem>>, vector<384x128xf32>
    %slice3A_105 = vector.extract_strided_slice %get3A_104 {offsets = [0, 0], sizes = [128, 128], strides = [1, 1]} : vector<384x128xf32> to vector<128x128xf32>
    %dot_general3A_106 = arith.constant dense<0.000000e+00> : vector<2048x128xf32>
    %dot_general3A_107 = tpu.matmul %get3A_4, %slice3A_105, %dot_general3A_106 {dimension_numbers = #tpu.dot_dimension_numbers<[1], [0], [0], [1], [0, 0, 1, 1], [], []>, transpose_lhs_hint = false} : vector<2048x128xf32>, vector<128x128xf32>, vector<2048x128xf32> -> vector<2048x128xf32>
    %slice3A_108 = vector.extract_strided_slice %get3A_104 {offsets = [128, 0], sizes = [128, 128], strides = [1, 1]} : vector<384x128xf32> to vector<128x128xf32>
    %dot_general3A_109 = arith.constant dense<0.000000e+00> : vector<2048x128xf32>
    %dot_general3A_110 = tpu.matmul %get3A_7, %slice3A_108, %dot_general3A_109 {dimension_numbers = #tpu.dot_dimension_numbers<[1], [0], [0], [1], [0, 0, 1, 1], [], []>, transpose_lhs_hint = false} : vector<2048x128xf32>, vector<128x128xf32>, vector<2048x128xf32> -> vector<2048x128xf32>
    %add3A_111 = arith.addf %dot_general3A_107, %dot_general3A_110 : vector<2048x128xf32>
    %slice3A_112 = vector.extract_strided_slice %get3A_104 {offsets = [256, 0], sizes = [128, 128], strides = [1, 1]} : vector<384x128xf32> to vector<128x128xf32>
    %dot_general3A_113 = arith.constant dense<0.000000e+00> : vector<2048x128xf32>
    %dot_general3A_114 = tpu.matmul %add3A_101, %slice3A_112, %dot_general3A_113 {dimension_numbers = #tpu.dot_dimension_numbers<[1], [0], [0], [1], [0, 0, 1, 1], [], []>, transpose_lhs_hint = false} : vector<2048x128xf32>, vector<128x128xf32>, vector<2048x128xf32> -> vector<2048x128xf32>
    %add3A_115 = arith.addf %add3A_111, %dot_general3A_114 : vector<2048x128xf32>
    %get3A_116 = arith.constant 0 : index
    %get3A_117 = arith.constant 0 : index
    %get3A_118 = vector.load %arg15[%get3A_116, %get3A_117] : memref<1x128xf32, #tpu.memory_space<vmem>>, vector<1x128xf32>
    %add3A_119 = vector.broadcast %get3A_118 : vector<1x128xf32> to vector<2048x128xf32>
    %add3A_120 = arith.addf %add3A_115, %add3A_119 : vector<2048x128xf32>
    %swap3A = arith.constant 0 : index
    %swap3A_121 = arith.constant 0 : index
    %swap3A_122 = vector.load %arg16[%swap3A, %swap3A_121] : memref<2048x128xf32, #tpu.memory_space<vmem>>, vector<2048x128xf32>
    tpu.vector_store %arg16[%swap3A, %swap3A_121], %add3A_120 {strides = array<i32>} : memref<2048x128xf32, #tpu.memory_space<vmem>>, vector<2048x128xf32>,
    return
  }
  func.func @transform_0(%arg0: i32) -> (i32, i32) {
    %c0_i32 = arith.constant 0 : i32
    %c0_i32_0 = arith.constant 0 : i32
    return %arg0, %c0_i32 : i32, i32
  }
  func.func @transform_1(%arg0: i32) -> (i32, i32) {
    %c0_i32 = arith.constant 0 : i32
    %c0_i32_0 = arith.constant 0 : i32
    return %arg0, %c0_i32 : i32, i32
  }
  func.func @transform_2(%arg0: i32) -> (i32, i32) {
    %c0_i32 = arith.constant 0 : i32
    %c0_i32_0 = arith.constant 0 : i32
    return %arg0, %c0_i32 : i32, i32
  }
  func.func @transform_3(%arg0: i32) -> (i32, i32, i32) {
    %c0_i32 = arith.constant 0 : i32
    %c0_i32_0 = arith.constant 0 : i32
    %c0_i32_1 = arith.constant 0 : i32
    return %c0_i32, %arg0, %c0_i32_0 : i32, i32, i32
  }
  func.func @transform_4(%arg0: i32) -> (i32, i32, i32) {
    %c0_i32 = arith.constant 0 : i32
    %c0_i32_0 = arith.constant 0 : i32
    %c0_i32_1 = arith.constant 0 : i32
    return %c0_i32, %arg0, %c0_i32_0 : i32, i32, i32
  }
  func.func @transform_5(%arg0: i32) -> (i32, i32) {
    %c0_i32 = arith.constant 0 : i32
    %c0_i32_0 = arith.constant 0 : i32
    %c0_i32_1 = arith.constant 0 : i32
    return %c0_i32, %c0_i32_0 : i32, i32
  }
  func.func @transform_6(%arg0: i32) -> (i32, i32) {
    %c0_i32 = arith.constant 0 : i32
    %c0_i32_0 = arith.constant 0 : i32
    %c0_i32_1 = arith.constant 0 : i32
    return %c0_i32, %c0_i32_0 : i32, i32
  }
  func.func @transform_7(%arg0: i32) -> (i32, i32) {
    %c0_i32 = arith.constant 0 : i32
    %c0_i32_0 = arith.constant 0 : i32
    %c0_i32_1 = arith.constant 0 : i32
    return %c0_i32, %c0_i32_0 : i32, i32
  }
  func.func @transform_8(%arg0: i32) -> (i32, i32) {
    %c0_i32 = arith.constant 0 : i32
    %c0_i32_0 = arith.constant 0 : i32
    %c0_i32_1 = arith.constant 0 : i32
    return %c0_i32, %c0_i32_0 : i32, i32
  }
  func.func @transform_9(%arg0: i32) -> (i32, i32) {
    %c0_i32 = arith.constant 0 : i32
    %c0_i32_0 = arith.constant 0 : i32
    %c0_i32_1 = arith.constant 0 : i32
    return %c0_i32, %c0_i32_0 : i32, i32
  }
  func.func @transform_10(%arg0: i32) -> (i32, i32) {
    %c0_i32 = arith.constant 0 : i32
    %c0_i32_0 = arith.constant 0 : i32
    %c0_i32_1 = arith.constant 0 : i32
    return %c0_i32, %c0_i32_0 : i32, i32
  }
  func.func @transform_11(%arg0: i32) -> (i32, i32) {
    %c0_i32 = arith.constant 0 : i32
    %c0_i32_0 = arith.constant 0 : i32
    %c0_i32_1 = arith.constant 0 : i32
    return %c0_i32, %c0_i32_0 : i32, i32
  }
  func.func @transform_12(%arg0: i32) -> (i32, i32) {
    %c0_i32 = arith.constant 0 : i32
    %c0_i32_0 = arith.constant 0 : i32
    %c0_i32_1 = arith.constant 0 : i32
    return %c0_i32, %c0_i32_0 : i32, i32
  }
  func.func @transform_13(%arg0: i32) -> (i32, i32) {
    %c0_i32 = arith.constant 0 : i32
    %c0_i32_0 = arith.constant 0 : i32
    %c0_i32_1 = arith.constant 0 : i32
    return %c0_i32, %c0_i32_0 : i32, i32
  }
  func.func @transform_14(%arg0: i32) -> (i32, i32) {
    %c0_i32 = arith.constant 0 : i32
    %c0_i32_0 = arith.constant 0 : i32
    %c0_i32_1 = arith.constant 0 : i32
    return %c0_i32, %c0_i32_0 : i32, i32
  }
  func.func @transform_15(%arg0: i32) -> (i32, i32) {
    %c0_i32 = arith.constant 0 : i32
    %c0_i32_0 = arith.constant 0 : i32
    return %arg0, %c0_i32 : i32, i32
  }
}

</mosaic_0001>

<sc_bundles>
// kernel: kernel.6.cloned.1.call-start
scs
__scs_entry_jumppad:
0x0: {  	(pc) =	sbr.rel $0x88, $3  }
0x1: {  	(tag) =	ssettag $0x0;
	lr =	simm.s32 $0x1  }
0x2: {  	[smem:$0x3F8B] =	sst lr;
	_ =	strace $0xD0000000  }
0x3: {  	_ = 	snop  }
0x4: {  	_ = 	snop  }
0x5: {  	_ = 	snop  }
0x6: {  	_ = 	snop  }
0x7: {  	_ = 	snop  }
__scs_overlays_trampoline_lowered:
0x8: {  	[smem:$0x3F9A] =	sst s0  }
0x9: {  	[smem:$0x3F9B] =	sst s1  }
0xa: {  	[smem:$0x3F9C] =	sst s2  }
0xb: {  	[smem:$0x3F9D] =	sst s3  }
0xc: {  	[smem:$0x3F9E] =	sst s4  }
0xd: {  	[smem:$0x3F9F] =	sst s5  }
0xe: {  	[smem:$0x3FA0] =	sst s6  }
0xf: {  	[smem:$0x3FA1] =	sst s7  }
0x10: {  	[smem:$0x3FA2] =	sst s8  }
0x11: {  	[smem:$0x3FA3] =	sst s9;
	s0 =	simm.s32 @!p0 $0x0  }
0x12: {  	s1 =	sld [smem:$0x3F89];
	s0 =	simm.s32 @p0 $0x1  }
0x13: {  	[smem:$0x3FA4] =	sst s0;
	s0 =	simm.s32 @!p1 $0x0  }
0x14: {  	s2 =	sld [smem:$0x3F88];
	s0 =	simm.s32 @p1 $0x1  }
0x15: {  	[smem:$0x3FA5] =	sst s0;
	s0 =	simm.s32 @!p2 $0x0  }
0x16: {  	s3 =	sld [smem:$0x3FDB];
	s0 =	simm.s32 @p2 $0x1  }
0x17: {  	s4 =	simm.s32 $0x1BF5;
	[smem:$0x3FA7] =	sst s0  }
0x18: {  	s0 =	sld [smem:$0x3F8A];
	_ =	swait.ge [sflag:s4], $0x0  }
0x19: {  	s7 =	sld [smem:$0x3F8B]  }
0x1a: {  	s8 =	sadd.s32 $0xFFFFE003, lr  }
0x1b: {  	s9 =	sadd.s32 $0xFFFFFEF7, lr;
	s5 =	simm.s32 $0xFFFFFFFF;
	p2 =	slt.u32 s8, $0xFFFFF086  }
0x1c: {  	p1 =	slt.u32 s9, $0xF7A;
	s5 =	simm.s32 @!p2 $0x0  }
0x1d: {  	s5 =	simm.s32 @p1 $0x1;
	p0 =	seq.s32 s7, s2  }
0x1e: {  	s7 =	smul.u32 @!p0 $0xF7A, s2;
	p2 =	seq.s32 @!p0 s5, $0x0  }
0x1f: {  	s9 =	smul.u32 $0xF7A, s1;
	s8 =	simm.s32 @!p0 $0x1BF5;
	p2 =	por !p2, p0  }
0x20: {  	[sflag:s8] =	ssyncset.s32 @!p0 $0xFFFFF086;
	s6 =	sadd.s32 @!p0 s3, s7;
	s7 =	simm.s32 @!p0 $0x108  }
0x21: {  	s3 =	sadd.s32 s3, s9;
	s6 =	sadd.s32 @!p0 $0x88, s6;
	s7 =	simm.s32 @p2 $0x1082  }
0x22: {  	[simem:s7], [sflag:s8] =	dma.local @!p0 [hbm:s6], $0xF7A  }
0x23: {  	s9 =	sor.u32 $0xD0000000, s2;
	s6 =	simm.s32 $0x108;
	_ =	swait.ge @!p0 [sflag:s8], $0x0  }
0x24: {  	s3 =	sadd.s32 $0x88, s3;
	s6 =	simm.s32 @!p1 $0x1082;
	[sflag:s4] =	ssyncset.s32 $0xFFFFF086  }
0x25: {  	[simem:s6], [sflag:s4] =	dma.local [hbm:s3], $0xF7A  }
0x26: {  	[smem:$0x3F8B] =	sst s1;
	(tag) =	ssettag s2;
	_ =	strace s9  }
0x27: {  	s1 =	sld [smem:$0x3F9B]  }
0x28: {  	s2 =	sld [smem:$0x3F9C]  }
0x29: {  	s4 =	sld [smem:$0x3F9E]  }
0x2a: {  	p0 =	seq.s32 s5, $0x0;
	s5 =	sld [smem:$0x3F9F]  }
0x2b: {  	s6 =	sld [smem:$0x3FA0]  }
0x2c: {  	s7 =	sld [smem:$0x3FA1]  }
0x2d: {  	s3 =	simm.s32 $0x108;
	s8 =	sld [smem:$0x3FA2]  }
0x2e: {  	s3 =	simm.s32 @!p0 $0x1082;
	s9 =	sld [smem:$0x3FA3]  }
0x2f: {  	lr =	sadd.s32 s0, s3;
	s0 =	sld [smem:$0x3F9A]  }
0x30: {  	s3 =	sld [smem:$0x3F9D]  }
0x31: {  	[smem:$0x3FA6] =	sst s10  }
0x32: {  	s10 =	sld [smem:$0x3FA4];
	_ =	sdelay $0x3  }
0x33: {  	p0 =	seq.s32 s10, $0x1;
	s10 =	sld [smem:$0x3FA6];
	_ =	sdelay $0x3  }
0x34: {  	[smem:$0x3FA6] =	sst s10  }
0x35: {  	s10 =	sld [smem:$0x3FA5];
	_ =	sdelay $0x3  }
0x36: {  	p1 =	seq.s32 s10, $0x1;
	s10 =	sld [smem:$0x3FA6];
	_ =	sdelay $0x3  }
0x37: {  	[smem:$0x3FA6] =	sst s10  }
0x38: {  	s10 =	sld [smem:$0x3FA7]  }
0x39: {  	_ = 	snop;
	(pc) =	sbr.ind lr, $3  }
0x3a: {  	_ = 	snop  }
0x3b: {  	_ = 	snop  }
0x3c: {  	p2 =	seq.s32 s10, $0x1;
	s10 =	sld [smem:$0x3FA6]  }
0x3d: {  	_ =	shalt  }
0x3e: {  	_ =	shalt  }
0x3f: {  	_ =	shalt  }
0x40: {  	_ =	shalt  }
0x41: {  	_ =	shalt  }
0x42: {  	_ =	shalt  }
0x43: {  	_ =	shalt  }
0x44: {  	_ =	shalt  }
0x45: {  	_ =	shalt  }
0x46: {  	_ =	shalt  }
0x47: {  	_ =	shalt  }
0x48: {  	_ =	shalt  }
0x49: {  	_ =	shalt  }
0x4a: {  	_ =	shalt  }
0x4b: {  	_ =	shalt  }
0x4c: {  	_ =	shalt  }
0x4d: {  	_ =	shalt  }
0x4e: {  	_ =	shalt  }
0x4f: {  	_ =	shalt  }
0x50: {  	_ =	shalt  }
0x51: {  	_ =	shalt  }
0x52: {  	_ =	shalt  }
0x53: {  	_ =	shalt  }
0x54: {  	_ =	shalt  }
0x55: {  	_ =	shalt  }
0x56: {  	_ =	shalt  }
0x57: {  	_ =	shalt  }
0x58: {  	_ =	shalt  }
0x59: {  	_ =	shalt  }
0x5a: {  	_ =	shalt  }
0x5b: {  	_ =	shalt  }
0x5c: {  	_ =	shalt  }
0x5d: {  	_ =	shalt  }
0x5e: {  	_ =	shalt  }
0x5f: {  	_ =	shalt  }
0x60: {  	_ =	shalt  }
0x61: {  	_ =	shalt  }
0x62: {  	_ =	shalt  }
0x63: {  	_ =	shalt  }
0x64: {  	_ =	shalt  }
0x65: {  	_ =	shalt  }
0x66: {  	_ =	shalt  }
0x67: {  	_ =	shalt  }
0x68: {  	_ =	shalt  }
0x69: {  	_ =	shalt  }
0x6a: {  	_ =	shalt  }
0x6b: {  	_ =	shalt  }
0x6c: {  	_ =	shalt  }
0x6d: {  	_ =	shalt  }
0x6e: {  	_ =	shalt  }
0x6f: {  	_ =	shalt  }
0x70: {  	_ =	shalt  }
0x71: {  	_ =	shalt  }
0x72: {  	_ =	shalt  }
0x73: {  	_ =	shalt  }
0x74: {  	_ =	shalt  }
0x75: {  	_ =	shalt  }
0x76: {  	_ =	shalt  }
0x77: {  	_ =	shalt  }
0x78: {  	_ =	shalt  }
0x79: {  	_ =	shalt  }
0x7a: {  	_ =	shalt  }
0x7b: {  	_ =	shalt  }
0x7c: {  	_ =	shalt  }
0x7d: {  	_ =	shalt  }
0x7e: {  	_ =	shalt  }
0x7f: {  	_ =	shalt  }
0x80: {  	_ =	shalt  }
0x81: {  	_ =	shalt  }
0x82: {  	_ =	shalt  }
0x83: {  	_ =	shalt  }
0x84: {  	_ =	shalt  }
0x85: {  	_ =	shalt  }
0x86: {  	_ =	shalt  }
0x87: {  	_ =	shalt  }
.Lfunc_end0:
.L_simem_size_0:
called_computation_lowered:
.L_overlay_start_0:
0x88: {  	s2 =	sld [smem:$0x3FD9]  }
0x89: {  	s3 =	sld [smem:$0x3FFE];
	_ =	sdelay $0x1  }
0x8a: {  	s1 =	srdreg.scid  }
0x8b: {  	s0 =	sand.u32 $0x1, s1  }
0x8c: {  	s17 =	sshll.u32 s0, $0xA;
	s2 =	sadd.s32 s3, s2  }
0x8d: {  	s2 =	sadd.s32 s2, s17  }
0x8e: {  	[smem:$0x3FB2] =	sst s2  }
0x8f: {  	_ = 	snop  }
0x90: {  	s2 =	sld [smem:$0x3FC9]  }
0x91: {  	s18 =	sld [smem:$0x3FD0];
	(tm) =	ssettm $0x1  }
0x92: {  	s4 =	sld [smem:$0x3FFB];
	_ =	sdelay $0x3  }
0x93: {  	_ =	strace s4  }
0x94: {  	s4 =	sld [smem:$0x3FFC];
	_ =	sdelay $0x3  }
0x95: {  	_ =	strace s4  }
0x96: {  	s4 =	sld [smem:$0x3FFD];
	_ =	sdelay $0x3  }
0x97: {  	_ =	strace s4  }
0x98: {  	_ =	strace $0x8FFFFFFF  }
0x99: {  	s19 =	sld [smem:$0x3FDB];
	_ =	sdelay $0x1  }
0x9a: {  	s5 =	simm.s32 $_scs_section_size  }
0x9b: {  	s6 =	simm.s32 $_size__tile_overlayer_lowered;
	s7 =	simm.s32 $_tile_overlayer_lowered  }
0x9c: {  	s22 =	simm.s32 $0x1BFF;
	s21 =	sshll.u32 s7, $0x1;
	s4 =	sadd.s32 s5, s19  }
0x9d: {  	s8 =	simm.s32 $0x0;
	s20 =	sshll.u32 s6, $0x1;
	s6 =	sadd.s32 s21, s4  }
0x9e: {  	[timem:s8], [sflag:s22] =	dma.local [hbm:s6], s20  }
0x9f: {  	_ =	swait.ge [sflag:s22], s20  }
0xa0: {  	s5 =	ssub.s32 $0x0, s20;
	[sflag:s22] =	ssyncset.done $0x0  }
0xa1: {  	[sflag:s22] =	ssyncadd.s32 s5;
	_ =	sdelay $0x1  }
0xa2: {  	s23 =	simm.s32 $0x1B8B  }
0xa3: {  	_ =	swait.ge [sflag:s23], $0x1  }
0xa4: {  	[sflag:s23] =	ssyncset.done $0x0  }
0xa5: {  	s25 =	simm.s32 $0x1B8E;
	s24 =	sld [smem:$0x3FFE];
	[sflag:s23] =	ssyncadd.s32 $0xFFFFFFFF  }
0xa6: {  	s26 =	simm.s32 $execute0_lowered;
	[smem:$0x3FD2] =	sst s25  }
0xa7: {  	s6 =	sshll.u32 s26, $0x1;
	_ =	strace $0x80000046;
	[dreg:$0x1] =	wrdreg $0xFFFFFFFF  }
0xa8: {  	s28 =	simm.s32 $_size_execute0_lowered;
	s4 =	sadd.s32 s4, s6;
	[dreg:$0x0] =	wrdreg $0x0  }
0xa9: {  	s6 =	sshll.u32 s28, $0x1;
	[dreg:$0x2] =	wrdreg s4  }
0xaa: {  	[dreg:$0x3] =	wrdreg s6  }
0xab: {  	[dreg:$0x4] =	wrdreg $0xC0  }
0xac: {  	_ =	task [dreg:s8], $0x5FFFF  }
0xad: {  	[dreg:$0x1] =	wrdreg $0xFFFFFFFF  }
0xae: {  	[dreg:$0x0] =	wrdreg $0x60  }
0xaf: {  	[dreg:$0x2] =	wrdreg s2  }
0xb0: {  	[dreg:$0x3] =	wrdreg s18  }
0xb1: {  	[dreg:$0x4] =	wrdreg s24  }
0xb2: {  	[dreg:$0x5] =	wrdreg $0x90000  }
0xb3: {  	[dreg:$0x6] =	wrdreg $0x9  }
0xb4: {  	_ =	task.clear_ibuf [dreg:s8], $0x7FFFF;
	_ =	strace $0x90000046  }
0xb5: {  	s29 =	simm.s32 $0x9;
	_ =	strace $0x80000048  }
0xb6: {  	_ =	swait.ge [sflag:s29], $0x1  }
0xb7: {  	[sflag:s29] =	ssyncadd.s32 $0xFFFFFFFF  }
0xb8: {  	_ =	strace $0x90000048  }
0xb9: {  	_ =	sfence  }
0xba: {  	s30 =	sld [smem:$0x0];
	_ =	sdelay $0x2  }
0xbb: {  	s31 =	sshll.u32 s1, $0xD;
	s1 =	sshrl.u32 s1, $0x2  }
0xbc: {  	s3 =	sand.u32 $0x4000, s31;
	s1 =	sadd.s32 s1, s30  }
0xbd: {  	s0 =	sor.u32 s3, s0;
	s1 =	sshll.u32 s1, $0x11  }
0xbe: {  	s0 =	sor.u32 s1, s0  }
0xbf: {  	s0 =	sadd.s32 $0x8F2B, s0  }
0xc0: {  	[sflag:s0] =	ssyncadd.remote.s32 $0x1  }
0xc1: {  	_ =	sfence.sel $0xFFFF  }
0xc2: {  	[dreg:$0x0] =	wrdreg $0xFFFFFFFF;
	(pc) =	sbr.abs _section_cstart, $3  }
0xc3: {  	[dreg:$0x1] =	wrdreg $0xFFFFFFFF  }
0xc4: {  	_ =	task.clear_ibuf [dreg:s8], $0x2FFFF;
	_ =	strace $0x9FFFFFFF  }
0xc5: {  	(tm) =	ssettm $0x7FFFFFFF  }
tec
execute0_lowered:
.L_overlay_start_1:
0x0: {  	(tag) =	ssettag $0x1  }
0x1: {  	s0 =	rddreg [dreg:$0x0]  }
0x2: {  	s2 =	rddreg [dreg:$0x1]  }
0x3: {  	s7 =	rddreg [dreg:$0x2];
	s1 =	srdreg.scid  }
0x4: {  	s3 =	rddreg [dreg:$0x3];
	s4 =	stileid.u32  }
0x5: {  	s5 =	simm.s32 $0x0;
	s13 =	simm.s32 $0x100;
	s15 =	simm.s32 $0x880  }
0x6: {  	s17 =	simm.s32 $0x180;
	s20 =	simm.s32 $0x900;
	[smem:$0x7FF] =	sst s5  }
0x7: {  	s1 =	sand.u32 $0x1, s1;
	_ =	strace $0x80000047;
	[dreg:$0x5] =	wrdreg s13  }
0x8: {  	s9 =	smul.u32 $0x13C00, s4;
	s21 =	sshrl.u32 s4, $0x3;
	[dreg:$0x6] =	wrdreg s15  }
0x9: {  	s12 =	sshll.u32 s4, $0x7;
	s24 =	smul.u32 $0x4F000, s4;
	[dreg:$0x7] =	wrdreg s17  }
0xa: {  	s8 =	smul.u32 $0x13C000, s1;
	[dreg:$0x8] =	wrdreg s20;
	s13 =	simm.s32 $0xA00  }
0xb: {  	s10 =	smul.u32 $0x27800, s1;
	s15 =	simm.s32 $0x300;
	[dreg:$0xc] =	wrdreg s13  }
0xc: {  	s11 =	smul.u32 $0x13C00, s21;
	s17 =	simm.s32 $0x380;
	[dreg:$0xd] =	wrdreg s15  }
0xd: {  	s23 =	sand.u32 $0x380, s12;
	s20 =	simm.s32 $0xB00;
	[dreg:$0xf] =	wrdreg s17  }
0xe: {  	[dreg:$0x10] =	wrdreg s20;
	s17 =	simm.s32 $0x680;
	s20 =	simm.s32 $0xE00  }
0xf: {  	s8 =	sadd.s32 s9, s8;
	s22 =	sadd.s32 s10, s11;
	[dreg:$0x19] =	wrdreg s17  }
0x10: {  	s10 =	sshrl.u32 s24, $0x2;
	s24 =	simm.s32 $0x980;
	[dreg:$0x1a] =	wrdreg s20  }
0x11: {  	s9 =	sor.u32 s23, s22;
	s22 =	simm.s32 $0x200;
	[dreg:$0xa] =	wrdreg s24  }
0x12: {  	s24 =	simm.s32 $0x500;
	[dreg:$0x9] =	wrdreg s22  }
0x13: {  	s19 =	sadd.s32 s10, s3;
	[dreg:$0x13] =	wrdreg s24  }
0x14: {  	s28 =	simm.s32 $0x40;
	s12 =	sadd.s32 $0x2000, s19;
	[smem:$0x7FD] =	sst s19  }
0x15: {  	s30 =	simm.s32 $0x3000;
	s14 =	sadd.s32 $0x4000, s19;
	[smem:$0x7EE] =	sst s12  }
0x16: {  	s26 =	ssub.s32 $0x2, s1;
	s16 =	sadd.s32 $0x6000, s19;
	[smem:$0x7EF] =	sst s14  }
0x17: {  	s29 =	sshrl.u32 s26, $0x1;
	s18 =	sadd.s32 $0x8000, s19;
	[smem:$0x7F0] =	sst s16  }
0x18: {  	s8 =	sshrl.u32 s8, $0x3;
	s21 =	sadd.s32 $0xA000, s19;
	[smem:$0x7F1] =	sst s18  }
0x19: {  	s11 =	sadd.s32 s8, s7;
	s23 =	sadd.s32 $0xC000, s19;
	[smem:$0x7F2] =	sst s21  }
0x1a: {  	s8 =	ssub.s32 s26, s29;
	s29 =	sadd.s32 $0x10000, s19;
	[smem:$0x7F3] =	sst s23  }
0x1b: {  	s31 =	simm.s32 $0x1;
	s26 =	simm.s32 $0x280;
	[smem:$0x7F5] =	sst s29  }
0x1c: {  	s5 =	sadd.s32 $0x4800, s7;
	s22 =	simm.s32 $0x480;
	[dreg:$0xb] =	wrdreg s26  }
0x1d: {  	s25 =	sshrl.u32 s9, $0x3;
	s24 =	simm.s32 $0xE80;
	[dreg:$0x12] =	wrdreg s22  }
0x1e: {  	s9 =	sadd.s32 s25, s7;
	s25 =	sadd.s32 $0xE000, s19;
	[dreg:$0x1c] =	wrdreg s24  }
0x1f: {  	s6 =	sadd.s32 $0x4C00, s7;
	s14 =	sadd.s32 $0x12000, s19;
	[smem:$0x7F4] =	sst s25  }
0x20: {  	s17 =	simm.s32 $0xA;
	s16 =	simm.s32 $0xA80;
	[smem:$0x7F6] =	sst s14  }
0x21: {  	s20 =	simm.s32 $0x0;
	s21 =	simm.s32 $0xB80;
	[dreg:$0xe] =	wrdreg s16  }
0x22: {  	s7 =	sshll.u32 s4, $0x1;
	s29 =	sadd.s32 $0xEE00, s11;
	[dreg:$0x11] =	wrdreg s21  }
0x23: {  	s26 =	simm.s32 $0xC80;
	s11 =	simm.s32 $0x580;
	[smem:$0x7F9] =	sst s29  }
0x24: {  	s12 =	simm.s32 $0xD00;
	s22 =	simm.s32 $0x700;
	[dreg:$0x14] =	wrdreg s26  }
0x25: {  	s24 =	simm.s32 $0x1000;
	s10 =	sor.u32 s1, s7;
	[dreg:$0x15] =	wrdreg s11  }
0x26: {  	s25 =	smul.u32 $0x1400, s4;
	[dreg:$0x16] =	wrdreg s12;
	s14 =	simm.s32 $0x600  }
0x27: {  	s15 =	sadd.s32 $0x5000, s9;
	s16 =	simm.s32 $0xD80;
	[dreg:$0x1b] =	wrdreg s22  }
0x28: {  	s26 =	simm.s32 $0xF00;
	s29 =	simm.s32 $0xF80;
	[smem:$0x7FA] =	sst s15  }
0x29: {  	s7 =	simm.s32 $0x80;
	s9 =	simm.s32 $0x7000;
	[dreg:$0x17] =	wrdreg s14  }
0x2a: {  	s11 =	simm.s32 $0x3;
	s13 =	smul.u32 $0xA00, s10;
	[dreg:$0x18] =	wrdreg s16  }
0x2b: {  	s12 =	simm.s32 $0x5;
	s10 =	smul.u32 $0x5000, s10;
	[dreg:$0x1e] =	wrdreg s26  }
0x2c: {  	[dreg:$0x1f] =	wrdreg s29;
	s26 =	simm.s32 $0x800;
	s14 =	simm.s32 $0x6  }
0x2d: {  	s15 =	simm.s32 $0x7;
	s18 =	sadd.s32 s2, s13;
	s13 =	smul.u32 $0xA00, s1  }
0x2e: {  	s16 =	simm.s32 $0x8;
	s10 =	sshrl.u32 s10, $0x3;
	s1 =	smul.u32 $0xA0, s1  }
0x2f: {  	[smem:$0x7F7] =	sst s18;
	s10 =	sadd.s32 s2, s10;
	s2 =	sadd.s32 s25, s2  }
0x30: {  	s18 =	smul.u32 $0x140, s4;
	s25 =	simm.s32 $0x780;
	s23 =	sadd.s32 $0x13880, s10  }
0x31: {  	s21 =	sadd.s32 s13, s2;
	[dreg:$0x1d] =	wrdreg s25;
	s25 =	simm.s32 $0xB  }
0x32: {  	s2 =	simm.s32 $0x5000;
	s10 =	simm.s32 $0xC00;
	s13 =	simm.s32 $0x4  }
0x33: {  	[smem:$0x7F8] =	sst s23;
	s23 =	smax.u32 s8, $0x1;
	s1 =	sadd.s32 s1, s18  }
0x34: {  	s8 =	simm.s32 $0x2;
	[smem:$0x7FB] =	sst s23;
	s1 =	sor.u32 $0x10, s1  }
0x35: {  	v0 =	vimm.f32 $0.0e+00;
	v1 =	vimm.f32 $1.000000000e+00;
	s18 =	simm.s32 $0x400;
	[smem:$0x7FC] =	sst s1;
	s1 =	simm.s32 $0x1CC00  }
.LBB2_1:
0x36: {  	[smem:$0x7ED] =	sst s20;
	s20 =	simm.s32 $0x0;
	s22 =	simm.s32 $0x200  }
.LBB2_2:
0x37: {  	p0 =	sne.s32 s22, $0x7E00;
	[tilespmem:s20+$0x1070] =	vst v0  }
0x38: {  	[tilespmem:s20+$0x1000] =	vst v0  }
0x39: {  	[tilespmem:s20+$0x1010] =	vst v0  }
.Ltmp0:
0x3a: {  	[tilespmem:s20+$0x1020] =	vst v0;
	(pc) =	sbr.rel @p0 .LBB2_2-.Ltmp0, $4  }
0x3b: {  	[tilespmem:s20+$0x1030] =	vst v0  }
0x3c: {  	[tilespmem:s20+$0x1040] =	vst v0  }
0x3d: {  	[tilespmem:s20+$0x1050] =	vst v0  }
0x3e: {  	[tilespmem:s20+$0x1060] =	vst v0;
	s20 =	sshra.s32 s22, $0x2;
	s22 =	sadd.s32 $0x200, s22  }
0x3f: {  	[tilespmem:s20+$0x1070] =	vst v0  }
0x40: {  	[tilespmem:s20+$0x1000] =	vst v0  }
0x41: {  	[tilespmem:s20+$0x1010] =	vst v0  }
0x42: {  	[tilespmem:s20+$0x1020] =	vst v0  }
0x43: {  	[tilespmem:s20+$0x1030] =	vst v0  }
0x44: {  	[tilespmem:s20+$0x1040] =	vst v0  }
0x45: {  	[tilespmem:s20+$0x1050] =	vst v0  }
0x46: {  	[tilespmem:s20+$0x1060] =	vst v0  }
0x47: {  	[spmem:s19] =	stream.linear.scatter [tilespmem:s24], [sflag:$0xB], $0x2000, $0x38;
	[tilespmem:$0x1F380] =	vst v63  }
0x48: {  	_ =	swait.ge [sflag:s25], $0x2000  }
0x49: {  	s4 =	sld [smem:$0x7EE]  }
0x4a: {  	[sflag:s25] =	ssyncset.done $0x0  }
0x4b: {  	[sflag:s25] =	ssyncadd.s32 $0xFFFFE000  }
0x4c: {  	[spmem:s4] =	stream.linear.scatter [tilespmem:s24], [sflag:$0xB], $0x2000, $0x38;
	[tilespmem:$0x1F380] =	vst v63  }
0x4d: {  	_ =	swait.ge [sflag:s25], $0x2000  }
0x4e: {  	s22 =	sld [smem:$0x7EF]  }
0x4f: {  	[sflag:s25] =	ssyncset.done $0x0  }
0x50: {  	[sflag:s25] =	ssyncadd.s32 $0xFFFFE000  }
0x51: {  	[spmem:s22] =	stream.linear.scatter [tilespmem:s24], [sflag:$0xB], $0x2000, $0x38;
	[tilespmem:$0x1F380] =	vst v63  }
0x52: {  	_ =	swait.ge [sflag:s25], $0x2000  }
0x53: {  	s23 =	sld [smem:$0x7F0]  }
0x54: {  	[sflag:s25] =	ssyncset.done $0x0  }
0x55: {  	[sflag:s25] =	ssyncadd.s32 $0xFFFFE000  }
0x56: {  	[spmem:s23] =	stream.linear.scatter [tilespmem:s24], [sflag:$0xB], $0x2000, $0x38;
	[tilespmem:$0x1F380] =	vst v63  }
0x57: {  	_ =	swait.ge [sflag:s25], $0x2000  }
0x58: {  	s29 =	sld [smem:$0x7F1]  }
0x59: {  	[sflag:s25] =	ssyncset.done $0x0  }
0x5a: {  	[sflag:s25] =	ssyncadd.s32 $0xFFFFE000  }
0x5b: {  	[spmem:s29] =	stream.linear.scatter [tilespmem:s24], [sflag:$0xB], $0x2000, $0x38;
	[tilespmem:$0x1F380] =	vst v63  }
0x5c: {  	_ =	swait.ge [sflag:s25], $0x2000  }
0x5d: {  	s19 =	sld [smem:$0x7F2]  }
0x5e: {  	[sflag:s25] =	ssyncset.done $0x0  }
0x5f: {  	[sflag:s25] =	ssyncadd.s32 $0xFFFFE000  }
0x60: {  	[spmem:s19] =	stream.linear.scatter [tilespmem:s24], [sflag:$0xB], $0x2000, $0x38;
	[tilespmem:$0x1F380] =	vst v63  }
0x61: {  	_ =	swait.ge [sflag:s25], $0x2000  }
0x62: {  	s20 =	sld [smem:$0x7F3]  }
0x63: {  	[sflag:s25] =	ssyncset.done $0x0  }
0x64: {  	[sflag:s25] =	ssyncadd.s32 $0xFFFFE000  }
0x65: {  	[spmem:s20] =	stream.linear.scatter [tilespmem:s24], [sflag:$0xB], $0x2000, $0x38;
	[tilespmem:$0x1F380] =	vst v63  }
0x66: {  	_ =	swait.ge [sflag:s25], $0x2000  }
0x67: {  	s22 =	sld [smem:$0x7F4]  }
0x68: {  	[sflag:s25] =	ssyncset.done $0x0  }
0x69: {  	[sflag:s25] =	ssyncadd.s32 $0xFFFFE000  }
0x6a: {  	[spmem:s22] =	stream.linear.scatter [tilespmem:s24], [sflag:$0xB], $0x2000, $0x38;
	[tilespmem:$0x1F380] =	vst v63  }
0x6b: {  	_ =	swait.ge [sflag:s25], $0x2000  }
0x6c: {  	s23 =	sld [smem:$0x7F5]  }
0x6d: {  	[sflag:s25] =	ssyncset.done $0x0  }
0x6e: {  	[sflag:s25] =	ssyncadd.s32 $0xFFFFE000  }
0x6f: {  	[spmem:s23] =	stream.linear.scatter [tilespmem:s24], [sflag:$0xB], $0x2000, $0x38;
	[tilespmem:$0x1F380] =	vst v63  }
0x70: {  	_ =	swait.ge [sflag:s25], $0x2000  }
0x71: {  	s29 =	sld [smem:$0x7F6]  }
0x72: {  	[sflag:s25] =	ssyncset.done $0x0  }
0x73: {  	[sflag:s25] =	ssyncadd.s32 $0xFFFFE000  }
0x74: {  	[spmem:s29] =	stream.linear.scatter [tilespmem:s24], [sflag:$0xB], $0x1C00, $0x38;
	[tilespmem:$0x1F380] =	vst v63  }
0x75: {  	_ =	swait.ge [sflag:s25], $0x1C00  }
0x76: {  	[sflag:s25] =	ssyncset.done $0x0  }
0x77: {  	s20 =	simm.s32 $0x40;
	s22 =	simm.s32 $0x0;
	[sflag:s25] =	ssyncadd.s32 $0xFFFFE400  }
.LBB2_4:
0x78: {  	p0 =	sne.s32 s20, $0x9DC0;
	[tilespmem:s22+$0x1CC00] =	vst v0;
	s22 =	smov.u32 s20;
	s20 =	sadd.s32 $0x40, s20  }
.Ltmp1:
0x79: {  	(pc) =	sbr.rel @p0 .LBB2_4-.Ltmp1, $2  }
0x7a: {  	_ =	sdelay $0x2  }
0x7b: {  	s22 =	sshra.s32 s22, $0x2  }
0x7c: {  	[tilespmem:s22+$0x1CC00] =	vst v0  }
0x7d: {  	[bflag:$0x0] =	sbarrier.arrive $0xFFFF  }
0x7e: {  	s4 =	sld [smem:$0x7F7];
	_ =	sdelay $0x1  }
0x7f: {  	s20 =	simm.s32 $0x0  }
0x80: {  	[tilespmem:s20], [sflag:$0xB] =	stream.linear.gather [hbm4b:s4+s20], $0x400, $0x38;
	[tilespmem:$0x1F380] =	vst v63  }
0x81: {  	_ =	swait.ge [sflag:s25], $0x400  }
0x82: {  	s29 =	sld [smem:$0x7F8]  }
0x83: {  	[sflag:s25] =	ssyncset.done $0x0  }
0x84: {  	[sflag:s25] =	ssyncadd.s32 $0xFFFFFC00  }
0x85: {  	[tilespmem:s26], [sflag:$0xB] =	stream.linear.gather [hbm4b:s29+s20], $0x400, $0x38;
	[tilespmem:$0x1F380] =	vst v63  }
0x86: {  	_ =	swait.ge [sflag:s25], $0x400  }
0x87: {  	[sflag:s25] =	ssyncset.done $0x0  }
0x88: {  	[sflag:s25] =	ssyncadd.s32 $0xFFFFFC00  }
0x89: {  	[tilespmem:s24], [sflag:$0x1] =	stream.indirect.gather [hbm4b:s0+s28], $0x80, s20, s28, $0xb8;
	[tilespmem:$0x1F380] =	vst v63  }
0x8a: {  	s22 =	simm.s32 $0x1;
	s23 =	sld [smem:$0x7FC]  }
0x8b: {  	[tilespmem:s30], [sflag:$0x2] =	stream.indirect.gather [hbm4b:s0+s28], $0x80, s7, s28, $0xb8;
	[tilespmem:$0x1F380] =	vst v63  }
.LBB2_6:
0x8c: {  	_ =	swait.ge [sflag:s31], $0x2000  }
0x8d: {  	[sflag:s31] =	ssyncset.done $0x0  }
0x8e: {  	[sflag:s31] =	ssyncadd.s32 $0xFFFFE000  }
0x8f: {  	[spmem:s3] =	stream.indirect.scatter.add.f32 [tilespmem:s24], [sflag:$0x5], $0x80, s26, s28, $0xb8;
	[tilespmem:$0x1F380] =	vst v63  }
0x90: {  	v2 =	vld [tilespmem:$0x800];
	_ =	sdelay $0x7  }
0x91: {  	[tilespmem:v2+s1+$0x0] =	vst.idx.add.f32.msk $0xffff, v1  }
0x92: {  	v2 =	vld [tilespmem:$0x810];
	_ =	sdelay $0x7  }
0x93: {  	[tilespmem:v2+s1+$0x0] =	vst.idx.add.f32.msk $0xffff, v1  }
0x94: {  	v2 =	vld [tilespmem:$0x820];
	_ =	sdelay $0x7  }
0x95: {  	[tilespmem:v2+s1+$0x0] =	vst.idx.add.f32.msk $0xffff, v1  }
0x96: {  	v2 =	vld [tilespmem:$0x830];
	_ =	sdelay $0x6  }
0x97: {  	p0 =	seq.s32 s20, $0x0  }
0x98: {  	s29 =	simm.s32 @!p0 $0x7;
	[tilespmem:v2+s1+$0x0] =	vst.idx.add.f32.msk $0xffff, v1  }
0x99: {  	_ =	swait.ge @!p0 [sflag:s29], $0x2000  }
0x9a: {  	[sflag:s29] =	ssyncset.done @!p0 $0x0  }
0x9b: {  	s7 =	rddreg [dreg:$0x5];
	[sflag:s29] =	ssyncadd.s32 @!p0 $0xFFFFE000  }
0x9c: {  	[tilespmem:s2], [sflag:$0x3] =	stream.indirect.gather [hbm4b:s0+s28], $0x80, s7, s28, $0xb8;
	[tilespmem:$0x1F380] =	vst v63  }
0x9d: {  	_ =	swait.ge [sflag:s8], $0x2000  }
0x9e: {  	[sflag:s8] =	ssyncset.done $0x0  }
0x9f: {  	s29 =	rddreg [dreg:$0x6];
	[sflag:s8] =	ssyncadd.s32 $0xFFFFE000  }
0xa0: {  	[spmem:s3] =	stream.indirect.scatter.add.f32 [tilespmem:s30], [sflag:$0x6], $0x80, s29, s28, $0xb8;
	[tilespmem:$0x1F380] =	vst v63  }
0xa1: {  	v2 =	vld [tilespmem:$0x880];
	_ =	sdelay $0x7  }
0xa2: {  	[tilespmem:v2+s1+$0x0] =	vst.idx.add.f32.msk $0xffff, v1  }
0xa3: {  	v2 =	vld [tilespmem:$0x890];
	_ =	sdelay $0x7  }
0xa4: {  	[tilespmem:v2+s1+$0x0] =	vst.idx.add.f32.msk $0xffff, v1  }
0xa5: {  	v2 =	vld [tilespmem:$0x8A0];
	_ =	sdelay $0x7  }
0xa6: {  	[tilespmem:v2+s1+$0x0] =	vst.idx.add.f32.msk $0xffff, v1  }
0xa7: {  	v2 =	vld [tilespmem:$0x8B0];
	_ =	sdelay $0x7  }
0xa8: {  	s7 =	simm.s32 @!p0 $0x8;
	[tilespmem:v2+s1+$0x0] =	vst.idx.add.f32.msk $0xffff, v1  }
0xa9: {  	_ =	swait.ge @!p0 [sflag:s7], $0x2000  }
0xaa: {  	s19 =	sadd.s32 $0xFFFFFFF8, s23;
	[sflag:s7] =	ssyncset.done @!p0 $0x0  }
0xab: {  	s4 =	rddreg [dreg:$0x7];
	[sflag:s7] =	ssyncadd.s32 @!p0 $0xFFFFE000;
	p0 =	sgt.u32 s19, $0x1387  }
0xac: {  	[tilespmem:s9], [sflag:$0x4] =	stream.indirect.gather [hbm4b:s0+s28], $0x80, s4, s28, $0xb8;
	[tilespmem:$0x1F380] =	vst v63  }
0xad: {  	s7 =	simm.s32 @p0 $0x0;
	s29 =	simm.s32 @p0 $0x400  }
0xae: {  	[tilespmem:s29], [sflag:$0xA] =	stream.linear.gather @p0 [hbm4b:s5+s7], $0x400, $0x38;
	[tilespmem:$0x1F380] =	vst v63  }
0xaf: {  	s7 =	sadd.s32 @!p0 s20, s21  }
0xb0: {  	s19 =	simm.s32 @!p0 $0x0;
	s4 =	simm.s32 @!p0 $0x400;
	s29 =	sadd.s32 @!p0 $0x80, s7  }
0xb1: {  	[tilespmem:s4], [sflag:$0xA] =	stream.linear.gather @!p0 [hbm4b:s29+s19], $0x400, $0x38;
	[tilespmem:$0x1F380] =	vst v63  }
0xb2: {  	s4 =	sadd.s32 @!p0 $0x13900, s7  }
0xb3: {  	s29 =	simm.s32 $0x0;
	s4 =	smov.u32 @p0 s6  }
0xb4: {  	[tilespmem:s10], [sflag:$0xA] =	stream.linear.gather [hbm4b:s4+s29], $0x400, $0x38;
	[tilespmem:$0x1F380] =	vst v63  }
0xb5: {  	_ =	swait.ge [sflag:s11], $0x2000  }
0xb6: {  	[sflag:s11] =	ssyncset.done $0x0  }
0xb7: {  	s7 =	rddreg [dreg:$0x8];
	[sflag:s11] =	ssyncadd.s32 $0xFFFFE000  }
0xb8: {  	[spmem:s3] =	stream.indirect.scatter.add.f32 [tilespmem:s2], [sflag:$0x7], $0x80, s7, s28, $0xb8;
	[tilespmem:$0x1F380] =	vst v63  }
0xb9: {  	v2 =	vld [tilespmem:$0x900];
	_ =	sdelay $0x7  }
0xba: {  	[tilespmem:v2+s1+$0x0] =	vst.idx.add.f32.msk $0xffff, v1  }
0xbb: {  	v2 =	vld [tilespmem:$0x910];
	_ =	sdelay $0x7  }
0xbc: {  	[tilespmem:v2+s1+$0x0] =	vst.idx.add.f32.msk $0xffff, v1  }
0xbd: {  	v2 =	vld [tilespmem:$0x920];
	_ =	sdelay $0x7  }
0xbe: {  	[tilespmem:v2+s1+$0x0] =	vst.idx.add.f32.msk $0xffff, v1  }
0xbf: {  	v2 =	vld [tilespmem:$0x930];
	_ =	sdelay $0x7  }
0xc0: {  	[tilespmem:v2+s1+$0x0] =	vst.idx.add.f32.msk $0xffff, v1  }
0xc1: {  	_ =	swait.ge [sflag:s12], $0x2000  }
0xc2: {  	[sflag:s12] =	ssyncset.done $0x0  }
0xc3: {  	s19 =	rddreg [dreg:$0x9];
	[sflag:s12] =	ssyncadd.s32 $0xFFFFE000  }
0xc4: {  	[tilespmem:s24], [sflag:$0x1] =	stream.indirect.gather [hbm4b:s0+s28], $0x80, s19, s28, $0xb8;
	[tilespmem:$0x1F380] =	vst v63  }
0xc5: {  	_ =	swait.ge [sflag:s13], $0x2000  }
0xc6: {  	[sflag:s13] =	ssyncset.done $0x0  }
0xc7: {  	s29 =	rddreg [dreg:$0xa];
	[sflag:s13] =	ssyncadd.s32 $0xFFFFE000  }
0xc8: {  	[spmem:s3] =	stream.indirect.scatter.add.f32 [tilespmem:s9], [sflag:$0x8], $0x80, s29, s28, $0xb8;
	[tilespmem:$0x1F380] =	vst v63  }
0xc9: {  	v2 =	vld [tilespmem:$0x980];
	_ =	sdelay $0x7  }
0xca: {  	[tilespmem:v2+s1+$0x0] =	vst.idx.add.f32.msk $0xffff, v1  }
0xcb: {  	v2 =	vld [tilespmem:$0x990];
	_ =	sdelay $0x7  }
0xcc: {  	[tilespmem:v2+s1+$0x0] =	vst.idx.add.f32.msk $0xffff, v1  }
0xcd: {  	v2 =	vld [tilespmem:$0x9A0];
	_ =	sdelay $0x7  }
0xce: {  	[tilespmem:v2+s1+$0x0] =	vst.idx.add.f32.msk $0xffff, v1  }
0xcf: {  	v2 =	vld [tilespmem:$0x9B0];
	_ =	sdelay $0x7  }
0xd0: {  	[tilespmem:v2+s1+$0x0] =	vst.idx.add.f32.msk $0xffff, v1  }
0xd1: {  	_ =	swait.ge [sflag:s14], $0x2000  }
0xd2: {  	[sflag:s14] =	ssyncset.done $0x0  }
0xd3: {  	s7 =	rddreg [dreg:$0xb];
	[sflag:s14] =	ssyncadd.s32 $0xFFFFE000  }
0xd4: {  	[tilespmem:s30], [sflag:$0x2] =	stream.indirect.gather [hbm4b:s0+s28], $0x80, s7, s28, $0xb8;
	[tilespmem:$0x1F380] =	vst v63  }
0xd5: {  	_ =	swait.ge [sflag:s31], $0x2000  }
0xd6: {  	[sflag:s31] =	ssyncset.done $0x0  }
0xd7: {  	s19 =	rddreg [dreg:$0xc];
	[sflag:s31] =	ssyncadd.s32 $0xFFFFE000  }
0xd8: {  	[spmem:s3] =	stream.indirect.scatter.add.f32 [tilespmem:s24], [sflag:$0x5], $0x80, s19, s28, $0xb8;
	[tilespmem:$0x1F380] =	vst v63  }
0xd9: {  	v2 =	vld [tilespmem:$0xA00];
	_ =	sdelay $0x7  }
0xda: {  	[tilespmem:v2+s1+$0x0] =	vst.idx.add.f32.msk $0xffff, v1  }
0xdb: {  	v2 =	vld [tilespmem:$0xA10];
	_ =	sdelay $0x7  }
0xdc: {  	[tilespmem:v2+s1+$0x0] =	vst.idx.add.f32.msk $0xffff, v1  }
0xdd: {  	v2 =	vld [tilespmem:$0xA20];
	_ =	sdelay $0x7  }
0xde: {  	[tilespmem:v2+s1+$0x0] =	vst.idx.add.f32.msk $0xffff, v1  }
0xdf: {  	v2 =	vld [tilespmem:$0xA30];
	_ =	sdelay $0x7  }
0xe0: {  	[tilespmem:v2+s1+$0x0] =	vst.idx.add.f32.msk $0xffff, v1  }
0xe1: {  	_ =	swait.ge [sflag:s15], $0x2000  }
0xe2: {  	[sflag:s15] =	ssyncset.done $0x0  }
0xe3: {  	s29 =	rddreg [dreg:$0xd];
	[sflag:s15] =	ssyncadd.s32 $0xFFFFE000  }
0xe4: {  	[tilespmem:s2], [sflag:$0x3] =	stream.indirect.gather [hbm4b:s0+s28], $0x80, s29, s28, $0xb8;
	[tilespmem:$0x1F380] =	vst v63  }
0xe5: {  	_ =	swait.ge [sflag:s8], $0x2000  }
0xe6: {  	[sflag:s8] =	ssyncset.done $0x0  }
0xe7: {  	s7 =	rddreg [dreg:$0xe];
	[sflag:s8] =	ssyncadd.s32 $0xFFFFE000  }
0xe8: {  	[spmem:s3] =	stream.indirect.scatter.add.f32 [tilespmem:s30], [sflag:$0x6], $0x80, s7, s28, $0xb8;
	[tilespmem:$0x1F380] =	vst v63  }
0xe9: {  	v2 =	vld [tilespmem:$0xA80];
	_ =	sdelay $0x7  }
0xea: {  	[tilespmem:v2+s1+$0x0] =	vst.idx.add.f32.msk $0xffff, v1  }
0xeb: {  	v2 =	vld [tilespmem:$0xA90];
	_ =	sdelay $0x7  }
0xec: {  	[tilespmem:v2+s1+$0x0] =	vst.idx.add.f32.msk $0xffff, v1  }
0xed: {  	v2 =	vld [tilespmem:$0xAA0];
	_ =	sdelay $0x7  }
0xee: {  	[tilespmem:v2+s1+$0x0] =	vst.idx.add.f32.msk $0xffff, v1  }
0xef: {  	v2 =	vld [tilespmem:$0xAB0];
	_ =	sdelay $0x7  }
0xf0: {  	[tilespmem:v2+s1+$0x0] =	vst.idx.add.f32.msk $0xffff, v1  }
0xf1: {  	_ =	swait.ge [sflag:s16], $0x2000  }
0xf2: {  	[sflag:s16] =	ssyncset.done $0x0  }
0xf3: {  	s19 =	rddreg [dreg:$0xf];
	[sflag:s16] =	ssyncadd.s32 $0xFFFFE000  }
0xf4: {  	[tilespmem:s9], [sflag:$0x4] =	stream.indirect.gather [hbm4b:s0+s28], $0x80, s19, s28, $0xb8;
	[tilespmem:$0x1F380] =	vst v63  }
0xf5: {  	_ =	swait.ge [sflag:s11], $0x2000  }
0xf6: {  	[sflag:s11] =	ssyncset.done $0x0  }
0xf7: {  	s29 =	rddreg [dreg:$0x10];
	[sflag:s11] =	ssyncadd.s32 $0xFFFFE000  }
0xf8: {  	[spmem:s3] =	stream.indirect.scatter.add.f32 [tilespmem:s2], [sflag:$0x7], $0x80, s29, s28, $0xb8;
	[tilespmem:$0x1F380] =	vst v63  }
0xf9: {  	v2 =	vld [tilespmem:$0xB00];
	_ =	sdelay $0x7  }
0xfa: {  	[tilespmem:v2+s1+$0x0] =	vst.idx.add.f32.msk $0xffff, v1  }
0xfb: {  	v2 =	vld [tilespmem:$0xB10];
	_ =	sdelay $0x7  }
0xfc: {  	[tilespmem:v2+s1+$0x0] =	vst.idx.add.f32.msk $0xffff, v1  }
0xfd: {  	v2 =	vld [tilespmem:$0xB20];
	_ =	sdelay $0x7  }
0xfe: {  	[tilespmem:v2+s1+$0x0] =	vst.idx.add.f32.msk $0xffff, v1  }
0xff: {  	v2 =	vld [tilespmem:$0xB30];
	_ =	sdelay $0x7  }
0x100: {  	[tilespmem:v2+s1+$0x0] =	vst.idx.add.f32.msk $0xffff, v1  }
0x101: {  	_ =	swait.ge [sflag:s12], $0x2000  }
0x102: {  	[sflag:s12] =	ssyncset.done $0x0  }
0x103: {  	[sflag:s12] =	ssyncadd.s32 $0xFFFFE000  }
0x104: {  	_ =	swait.ge [sflag:s17], $0x400  }
0x105: {  	[sflag:s17] =	ssyncset.done $0x0  }
0x106: {  	[sflag:s17] =	ssyncadd.s32 $0xFFFFFC00  }
0x107: {  	_ =	swait.ge [sflag:s17], $0x400  }
0x108: {  	[sflag:s17] =	ssyncset.done $0x0  }
0x109: {  	[sflag:s17] =	ssyncadd.s32 $0xFFFFFC00  }
0x10a: {  	[tilespmem:s24], [sflag:$0x1] =	stream.indirect.gather [hbm4b:s0+s28], $0x80, s18, s28, $0xb8;
	[tilespmem:$0x1F380] =	vst v63  }
0x10b: {  	_ =	swait.ge [sflag:s13], $0x2000  }
0x10c: {  	[sflag:s13] =	ssyncset.done $0x0  }
0x10d: {  	s7 =	rddreg [dreg:$0x11];
	[sflag:s13] =	ssyncadd.s32 $0xFFFFE000  }
0x10e: {  	[spmem:s3] =	stream.indirect.scatter.add.f32 [tilespmem:s9], [sflag:$0x8], $0x80, s7, s28, $0xb8;
	[tilespmem:$0x1F380] =	vst v63  }
0x10f: {  	v2 =	vld [tilespmem:$0xB80];
	_ =	sdelay $0x7  }
0x110: {  	[tilespmem:v2+s1+$0x0] =	vst.idx.add.f32.msk $0xffff, v1  }
0x111: {  	v2 =	vld [tilespmem:$0xB90];
	_ =	sdelay $0x7  }
0x112: {  	[tilespmem:v2+s1+$0x0] =	vst.idx.add.f32.msk $0xffff, v1  }
0x113: {  	v2 =	vld [tilespmem:$0xBA0];
	_ =	sdelay $0x7  }
0x114: {  	[tilespmem:v2+s1+$0x0] =	vst.idx.add.f32.msk $0xffff, v1  }
0x115: {  	v2 =	vld [tilespmem:$0xBB0];
	_ =	sdelay $0x7  }
0x116: {  	[tilespmem:v2+s1+$0x0] =	vst.idx.add.f32.msk $0xffff, v1  }
0x117: {  	_ =	swait.ge [sflag:s14], $0x2000  }
0x118: {  	[sflag:s14] =	ssyncset.done $0x0  }
0x119: {  	s19 =	rddreg [dreg:$0x12];
	[sflag:s14] =	ssyncadd.s32 $0xFFFFE000  }
0x11a: {  	[tilespmem:s30], [sflag:$0x2] =	stream.indirect.gather [hbm4b:s0+s28], $0x80, s19, s28, $0xb8;
	[tilespmem:$0x1F380] =	vst v63  }
0x11b: {  	_ =	swait.ge [sflag:s31], $0x2000  }
0x11c: {  	[sflag:s31] =	ssyncset.done $0x0  }
0x11d: {  	[sflag:s31] =	ssyncadd.s32 $0xFFFFE000  }
0x11e: {  	[spmem:s3] =	stream.indirect.scatter.add.f32 [tilespmem:s24], [sflag:$0x5], $0x80, s10, s28, $0xb8;
	[tilespmem:$0x1F380] =	vst v63  }
0x11f: {  	v2 =	vld [tilespmem:$0xC00];
	_ =	sdelay $0x7  }
0x120: {  	[tilespmem:v2+s1+$0x0] =	vst.idx.add.f32.msk $0xffff, v1  }
0x121: {  	v2 =	vld [tilespmem:$0xC10];
	_ =	sdelay $0x7  }
0x122: {  	[tilespmem:v2+s1+$0x0] =	vst.idx.add.f32.msk $0xffff, v1  }
0x123: {  	v2 =	vld [tilespmem:$0xC20];
	_ =	sdelay $0x7  }
0x124: {  	[tilespmem:v2+s1+$0x0] =	vst.idx.add.f32.msk $0xffff, v1  }
0x125: {  	v2 =	vld [tilespmem:$0xC30];
	_ =	sdelay $0x7  }
0x126: {  	[tilespmem:v2+s1+$0x0] =	vst.idx.add.f32.msk $0xffff, v1  }
0x127: {  	_ =	swait.ge [sflag:s15], $0x2000  }
0x128: {  	[sflag:s15] =	ssyncset.done $0x0  }
0x129: {  	s29 =	rddreg [dreg:$0x13];
	[sflag:s15] =	ssyncadd.s32 $0xFFFFE000  }
0x12a: {  	[tilespmem:s2], [sflag:$0x3] =	stream.indirect.gather [hbm4b:s0+s28], $0x80, s29, s28, $0xb8;
	[tilespmem:$0x1F380] =	vst v63  }
0x12b: {  	_ =	swait.ge [sflag:s8], $0x2000  }
0x12c: {  	[sflag:s8] =	ssyncset.done $0x0  }
0x12d: {  	s7 =	rddreg [dreg:$0x14];
	[sflag:s8] =	ssyncadd.s32 $0xFFFFE000  }
0x12e: {  	[spmem:s3] =	stream.indirect.scatter.add.f32 [tilespmem:s30], [sflag:$0x6], $0x80, s7, s28, $0xb8;
	[tilespmem:$0x1F380] =	vst v63  }
0x12f: {  	v2 =	vld [tilespmem:$0xC80];
	_ =	sdelay $0x7  }
0x130: {  	[tilespmem:v2+s1+$0x0] =	vst.idx.add.f32.msk $0xffff, v1  }
0x131: {  	v2 =	vld [tilespmem:$0xC90];
	_ =	sdelay $0x7  }
0x132: {  	[tilespmem:v2+s1+$0x0] =	vst.idx.add.f32.msk $0xffff, v1  }
0x133: {  	v2 =	vld [tilespmem:$0xCA0];
	_ =	sdelay $0x7  }
0x134: {  	[tilespmem:v2+s1+$0x0] =	vst.idx.add.f32.msk $0xffff, v1  }
0x135: {  	v2 =	vld [tilespmem:$0xCB0];
	_ =	sdelay $0x7  }
0x136: {  	[tilespmem:v2+s1+$0x0] =	vst.idx.add.f32.msk $0xffff, v1  }
0x137: {  	p0 =	seq.s32 s20, $0x900;
	_ =	swait.ge [sflag:s16], $0x2000  }
0x138: {  	p1 =	sgt.u32 @!p0 s23, $0x1387;
	[sflag:s16] =	ssyncset.done $0x0  }
0x139: {  	p2 =	por !p1, p0;
	s19 =	rddreg [dreg:$0x15];
	[sflag:s16] =	ssyncadd.s32 $0xFFFFE000  }
0x13a: {  	[tilespmem:s9], [sflag:$0x4] =	stream.indirect.gather [hbm4b:s0+s28], $0x80, s19, s28, $0xb8;
	[tilespmem:$0x1F380] =	vst v63  }
0x13b: {  	p1 =	por p1, p0;
	s4 =	simm.s32 @!p2 $0x0  }
0x13c: {  	[tilespmem:s4], [sflag:$0x9] =	stream.linear.gather @!p2 [hbm4b:s5+s4], $0x400, $0x38;
	[tilespmem:$0x1F380] =	vst v63  }
0x13d: {  	s4 =	sadd.s32 @!p1 s20, s21  }
0x13e: {  	s19 =	simm.s32 @!p1 $0x0;
	s7 =	sadd.s32 @!p1 $0x100, s4  }
0x13f: {  	[tilespmem:s19], [sflag:$0x9] =	stream.linear.gather @!p1 [hbm4b:s7+s19], $0x400, $0x38;
	[tilespmem:$0x1F380] =	vst v63  }
0x140: {  	s4 =	sadd.s32 @!p1 $0x13980, s4;
	s7 =	smov.u32 s6  }
0x141: {  	s19 =	simm.s32 @!p0 $0x800;
	s7 =	smov.u32 @p2 s4;
	s4 =	simm.s32 @!p0 $0x0  }
0x142: {  	[tilespmem:s19], [sflag:$0x9] =	stream.linear.gather @!p0 [hbm4b:s7+s4], $0x400, $0x38;
	[tilespmem:$0x1F380] =	vst v63  }
0x143: {  	_ =	swait.ge [sflag:s11], $0x2000  }
0x144: {  	[sflag:s11] =	ssyncset.done $0x0  }
0x145: {  	s29 =	rddreg [dreg:$0x16];
	[sflag:s11] =	ssyncadd.s32 $0xFFFFE000  }
0x146: {  	[spmem:s3] =	stream.indirect.scatter.add.f32 [tilespmem:s2], [sflag:$0x7], $0x80, s29, s28, $0xb8;
	[tilespmem:$0x1F380] =	vst v63  }
0x147: {  	v2 =	vld [tilespmem:$0xD00];
	_ =	sdelay $0x7  }
0x148: {  	[tilespmem:v2+s1+$0x0] =	vst.idx.add.f32.msk $0xffff, v1  }
0x149: {  	v2 =	vld [tilespmem:$0xD10];
	_ =	sdelay $0x7  }
0x14a: {  	[tilespmem:v2+s1+$0x0] =	vst.idx.add.f32.msk $0xffff, v1  }
0x14b: {  	v2 =	vld [tilespmem:$0xD20];
	_ =	sdelay $0x7  }
0x14c: {  	[tilespmem:v2+s1+$0x0] =	vst.idx.add.f32.msk $0xffff, v1  }
0x14d: {  	v2 =	vld [tilespmem:$0xD30];
	_ =	sdelay $0x7  }
0x14e: {  	[tilespmem:v2+s1+$0x0] =	vst.idx.add.f32.msk $0xffff, v1  }
0x14f: {  	_ =	swait.ge [sflag:s12], $0x2000  }
0x150: {  	[sflag:s12] =	ssyncset.done $0x0  }
0x151: {  	s7 =	rddreg [dreg:$0x17];
	[sflag:s12] =	ssyncadd.s32 $0xFFFFE000  }
0x152: {  	[tilespmem:s24], [sflag:$0x1] =	stream.indirect.gather [hbm4b:s0+s28], $0x80, s7, s28, $0xb8;
	[tilespmem:$0x1F380] =	vst v63  }
0x153: {  	_ =	swait.ge [sflag:s13], $0x2000  }
0x154: {  	[sflag:s13] =	ssyncset.done $0x0  }
0x155: {  	s19 =	rddreg [dreg:$0x18];
	[sflag:s13] =	ssyncadd.s32 $0xFFFFE000  }
0x156: {  	[spmem:s3] =	stream.indirect.scatter.add.f32 [tilespmem:s9], [sflag:$0x8], $0x80, s19, s28, $0xb8;
	[tilespmem:$0x1F380] =	vst v63  }
0x157: {  	v2 =	vld [tilespmem:$0xD80];
	_ =	sdelay $0x7  }
0x158: {  	[tilespmem:v2+s1+$0x0] =	vst.idx.add.f32.msk $0xffff, v1  }
0x159: {  	v2 =	vld [tilespmem:$0xD90];
	_ =	sdelay $0x7  }
0x15a: {  	[tilespmem:v2+s1+$0x0] =	vst.idx.add.f32.msk $0xffff, v1  }
0x15b: {  	v2 =	vld [tilespmem:$0xDA0];
	_ =	sdelay $0x7  }
0x15c: {  	[tilespmem:v2+s1+$0x0] =	vst.idx.add.f32.msk $0xffff, v1  }
0x15d: {  	v2 =	vld [tilespmem:$0xDB0];
	_ =	sdelay $0x7  }
0x15e: {  	[tilespmem:v2+s1+$0x0] =	vst.idx.add.f32.msk $0xffff, v1  }
0x15f: {  	_ =	swait.ge [sflag:s14], $0x2000  }
0x160: {  	[sflag:s14] =	ssyncset.done $0x0  }
0x161: {  	s29 =	rddreg [dreg:$0x19];
	[sflag:s14] =	ssyncadd.s32 $0xFFFFE000  }
0x162: {  	[tilespmem:s30], [sflag:$0x2] =	stream.indirect.gather [hbm4b:s0+s28], $0x80, s29, s28, $0xb8;
	[tilespmem:$0x1F380] =	vst v63  }
0x163: {  	_ =	swait.ge [sflag:s31], $0x2000  }
0x164: {  	[sflag:s31] =	ssyncset.done $0x0  }
0x165: {  	s7 =	rddreg [dreg:$0x1a];
	[sflag:s31] =	ssyncadd.s32 $0xFFFFE000  }
0x166: {  	[spmem:s3] =	stream.indirect.scatter.add.f32 [tilespmem:s24], [sflag:$0x5], $0x80, s7, s28, $0xb8;
	[tilespmem:$0x1F380] =	vst v63  }
0x167: {  	v2 =	vld [tilespmem:$0xE00];
	_ =	sdelay $0x7  }
0x168: {  	[tilespmem:v2+s1+$0x0] =	vst.idx.add.f32.msk $0xffff, v1  }
0x169: {  	v2 =	vld [tilespmem:$0xE10];
	_ =	sdelay $0x7  }
0x16a: {  	[tilespmem:v2+s1+$0x0] =	vst.idx.add.f32.msk $0xffff, v1  }
0x16b: {  	v2 =	vld [tilespmem:$0xE20];
	_ =	sdelay $0x7  }
0x16c: {  	[tilespmem:v2+s1+$0x0] =	vst.idx.add.f32.msk $0xffff, v1  }
0x16d: {  	v2 =	vld [tilespmem:$0xE30];
	_ =	sdelay $0x7  }
0x16e: {  	[tilespmem:v2+s1+$0x0] =	vst.idx.add.f32.msk $0xffff, v1  }
0x16f: {  	_ =	swait.ge [sflag:s15], $0x2000  }
0x170: {  	[sflag:s15] =	ssyncset.done $0x0  }
0x171: {  	s19 =	rddreg [dreg:$0x1b];
	[sflag:s15] =	ssyncadd.s32 $0xFFFFE000  }
0x172: {  	[tilespmem:s2], [sflag:$0x3] =	stream.indirect.gather [hbm4b:s0+s28], $0x80, s19, s28, $0xb8;
	[tilespmem:$0x1F380] =	vst v63  }
0x173: {  	_ =	swait.ge [sflag:s8], $0x2000  }
0x174: {  	[sflag:s8] =	ssyncset.done $0x0  }
0x175: {  	s29 =	rddreg [dreg:$0x1c];
	[sflag:s8] =	ssyncadd.s32 $0xFFFFE000  }
0x176: {  	[spmem:s3] =	stream.indirect.scatter.add.f32 [tilespmem:s30], [sflag:$0x6], $0x80, s29, s28, $0xb8;
	[tilespmem:$0x1F380] =	vst v63  }
0x177: {  	v2 =	vld [tilespmem:$0xE80];
	_ =	sdelay $0x7  }
0x178: {  	[tilespmem:v2+s1+$0x0] =	vst.idx.add.f32.msk $0xffff, v1  }
0x179: {  	v2 =	vld [tilespmem:$0xE90];
	_ =	sdelay $0x7  }
0x17a: {  	[tilespmem:v2+s1+$0x0] =	vst.idx.add.f32.msk $0xffff, v1  }
0x17b: {  	v2 =	vld [tilespmem:$0xEA0];
	_ =	sdelay $0x7  }
0x17c: {  	[tilespmem:v2+s1+$0x0] =	vst.idx.add.f32.msk $0xffff, v1  }
0x17d: {  	v2 =	vld [tilespmem:$0xEB0];
	_ =	sdelay $0x7  }
0x17e: {  	[tilespmem:v2+s1+$0x0] =	vst.idx.add.f32.msk $0xffff, v1  }
0x17f: {  	_ =	swait.ge [sflag:s16], $0x2000  }
0x180: {  	[sflag:s16] =	ssyncset.done $0x0  }
0x181: {  	s7 =	rddreg [dreg:$0x1d];
	[sflag:s16] =	ssyncadd.s32 $0xFFFFE000  }
0x182: {  	[tilespmem:s9], [sflag:$0x4] =	stream.indirect.gather [hbm4b:s0+s28], $0x80, s7, s28, $0xb8;
	[tilespmem:$0x1F380] =	vst v63  }
0x183: {  	_ =	swait.ge [sflag:s11], $0x2000  }
0x184: {  	[sflag:s11] =	ssyncset.done $0x0  }
0x185: {  	s19 =	rddreg [dreg:$0x1e];
	[sflag:s11] =	ssyncadd.s32 $0xFFFFE000  }
0x186: {  	[spmem:s3] =	stream.indirect.scatter.add.f32 [tilespmem:s2], [sflag:$0x7], $0x80, s19, s28, $0xb8;
	[tilespmem:$0x1F380] =	vst v63  }
0x187: {  	v2 =	vld [tilespmem:$0xF00];
	_ =	sdelay $0x7  }
0x188: {  	[tilespmem:v2+s1+$0x0] =	vst.idx.add.f32.msk $0xffff, v1  }
0x189: {  	v2 =	vld [tilespmem:$0xF10];
	_ =	sdelay $0x7  }
0x18a: {  	[tilespmem:v2+s1+$0x0] =	vst.idx.add.f32.msk $0xffff, v1  }
0x18b: {  	v2 =	vld [tilespmem:$0xF20];
	_ =	sdelay $0x7  }
0x18c: {  	[tilespmem:v2+s1+$0x0] =	vst.idx.add.f32.msk $0xffff, v1  }
0x18d: {  	v2 =	vld [tilespmem:$0xF30];
	_ =	sdelay $0x6  }
0x18e: {  	p0 =	sgt.u32 s22, $0x12  }
0x18f: {  	s4 =	simm.s32 @!p0 $0x5;
	[tilespmem:v2+s1+$0x0] =	vst.idx.add.f32.msk $0xffff, v1  }
0x190: {  	_ =	swait.ge @!p0 [sflag:s4], $0x2000  }
0x191: {  	[sflag:s4] =	ssyncset.done @!p0 $0x0  }
0x192: {  	[sflag:s4] =	ssyncadd.s32 @!p0 $0xFFFFE000;
	s4 =	simm.s32 @!p0 $0x9  }
0x193: {  	_ =	swait.ge @!p0 [sflag:s4], $0x400  }
0x194: {  	[sflag:s4] =	ssyncset.done @!p0 $0x0  }
0x195: {  	[sflag:s4] =	ssyncadd.s32 @!p0 $0xFFFFFC00  }
0x196: {  	_ =	swait.ge @!p0 [sflag:s4], $0x400  }
0x197: {  	s7 =	simm.s32 @!p0 $0x0;
	[sflag:s4] =	ssyncset.done @!p0 $0x0  }
0x198: {  	s19 =	simm.s32 @!p0 $0x1000;
	[sflag:s4] =	ssyncadd.s32 @!p0 $0xFFFFFC00;
	s4 =	simm.s32 @!p0 $0x40  }
0x199: {  	[tilespmem:s19], [sflag:$0x1] =	stream.indirect.gather @!p0 [hbm4b:s0+s4], $0x80, s7, s4, $0xb8;
	[tilespmem:$0x1F380] =	vst v63  }
0x19a: {  	_ =	swait.ge [sflag:s13], $0x2000  }
0x19b: {  	[sflag:s13] =	ssyncset.done $0x0  }
0x19c: {  	s29 =	rddreg [dreg:$0x1f];
	[sflag:s13] =	ssyncadd.s32 $0xFFFFE000  }
0x19d: {  	[spmem:s3] =	stream.indirect.scatter.add.f32 [tilespmem:s9], [sflag:$0x8], $0x80, s29, s28, $0xb8;
	[tilespmem:$0x1F380] =	vst v63  }
0x19e: {  	v2 =	vld [tilespmem:$0xF80];
	_ =	sdelay $0x7  }
0x19f: {  	[tilespmem:v2+s1+$0x0] =	vst.idx.add.f32.msk $0xffff, v1  }
0x1a0: {  	v2 =	vld [tilespmem:$0xF90];
	_ =	sdelay $0x7  }
0x1a1: {  	[tilespmem:v2+s1+$0x0] =	vst.idx.add.f32.msk $0xffff, v1  }
0x1a2: {  	v2 =	vld [tilespmem:$0xFA0];
	_ =	sdelay $0x7  }
0x1a3: {  	[tilespmem:v2+s1+$0x0] =	vst.idx.add.f32.msk $0xffff, v1  }
0x1a4: {  	v2 =	vld [tilespmem:$0xFB0];
	_ =	sdelay $0x7  }
0x1a5: {  	s7 =	simm.s32 @!p0 $0x6;
	[tilespmem:v2+s1+$0x0] =	vst.idx.add.f32.msk $0xffff, v1  }
0x1a6: {  	_ =	swait.ge @!p0 [sflag:s7], $0x2000  }
0x1a7: {  	s20 =	sadd.s32 $0x100, s20;
	[sflag:s7] =	ssyncset.done @!p0 $0x0  }
0x1a8: {  	s19 =	simm.s32 @!p0 $0x3000;
	[sflag:s7] =	ssyncadd.s32 @!p0 $0xFFFFE000;
	s7 =	simm.s32 @!p0 $0x80  }
0x1a9: {  	[tilespmem:s19], [sflag:$0x2] =	stream.indirect.gather @!p0 [hbm4b:s0+s4], $0x80, s7, s4, $0xb8;
	[tilespmem:$0x1F380] =	vst v63  }
0x1aa: {  	p0 =	sne.s32 s20, $0xA00  }
.Ltmp2:
0x1ab: {  	_ = 	snop;
	(pc) =	sbr.rel @p0 .LBB2_6-.Ltmp2, $2  }
0x1ac: {  	_ =	sdelay $0x2  }
0x1ad: {  	s23 =	sadd.s32 $0x10, s23;
	s22 =	sadd.s32 $0x2, s22  }
0x1ae: {  	_ =	swait.ge [sflag:s12], $0x2000  }
0x1af: {  	[sflag:s12] =	ssyncset.done $0x0  }
0x1b0: {  	[sflag:s12] =	ssyncadd.s32 $0xFFFFE000  }
0x1b1: {  	_ =	swait.ge [sflag:s14], $0x2000  }
0x1b2: {  	[sflag:s14] =	ssyncset.done $0x0  }
0x1b3: {  	[sflag:s14] =	ssyncadd.s32 $0xFFFFE000  }
0x1b4: {  	_ =	swait.ge [sflag:s15], $0x2000  }
0x1b5: {  	[sflag:s15] =	ssyncset.done $0x0  }
0x1b6: {  	[sflag:s15] =	ssyncadd.s32 $0xFFFFE000  }
0x1b7: {  	_ =	swait.ge [sflag:s16], $0x2000  }
0x1b8: {  	[sflag:s16] =	ssyncset.done $0x0  }
0x1b9: {  	[sflag:s16] =	ssyncadd.s32 $0xFFFFE000  }
0x1ba: {  	[bflag:$0x0] =	sbarrier.arrive $0xFFFF  }
0x1bb: {  	s19 =	sld [smem:$0x7FD]  }
0x1bc: {  	s4 =	stileid.u32;
	s20 =	sld [smem:$0x7F9]  }
0x1bd: {  	s4 =	sshll.u32 s4, $0x6  }
0x1be: {  	s4 =	sor.u32 $0x1C0B, s4;
	s7 =	sshrl.u32 s19, $0x3  }
0x1bf: {  	[hbm:s20], [sflag:s4] =	dma.local [spmem:s7], $0x2780  }
0x1c0: {  	_ =	swait.ge [sflag:s25], $0x2780  }
0x1c1: {  	s22 =	sld [smem:$0x7FA]  }
0x1c2: {  	[sflag:s25] =	ssyncset.done $0x0  }
0x1c3: {  	s7 =	simm.s32 $0x80;
	[sflag:s25] =	ssyncadd.s32 $0xFFFFD880  }
0x1c4: {  	[hbm4b:s22+s7] =	stream.strided.scatter [tilespmem:s1], [sflag:$0xB], $0x2780, s18, s7, $0x38;
	[tilespmem:$0x1F380] =	vst v63  }
0x1c5: {  	_ =	swait.ge [sflag:s25], $0x2780  }
0x1c6: {  	s23 =	sld [smem:$0x7ED]  }
0x1c7: {  	s29 =	sld [smem:$0x7FB];
	_ =	sdelay $0x1  }
0x1c8: {  	s20 =	sadd.s32 $0x1, s23  }
0x1c9: {  	p0 =	sne.s32 s20, s29  }
.Ltmp3:
0x1ca: {  	_ = 	snop;
	(pc) =	sbr.rel @p0 .LBB2_1-.Ltmp3, $3  }
0x1cb: {  	_ =	sdelay $0x1  }
0x1cc: {  	[sflag:s25] =	ssyncset.done $0x0  }
0x1cd: {  	[sflag:s25] =	ssyncadd.s32 $0xFFFFD880  }
0x1ce: {  	_ =	sfence.sel $0x180000  }
0x1cf: {  	[bflag:$0x0] =	sbarrier.arrive $0xFFFF  }
0x1d0: {  	_ =	strace $0x90000047  }
0x1d1: {  	s0 =	stileid.u32;
	[bflag:$0x2] =	sbarrier.arrive $0xFFFF  }
0x1d2: {  	p0 =	sne.s32 s0, $0x0;
	s0 =	rddreg [dreg:$0x4]  }
0x1d3: {  	s0 =	sadd.s32 @!p0 $0x100000, s0  }
0x1d4: {  	[sflag:s0] =	ssyncadd.tile.s32 @!p0 $0x1;
	_ =	shalt  }
.Lfunc_end2:
_tile_overlayer_lowered:
.L_overlay_start_2:
0x1d5: {  	(tag) =	ssettag $0x2  }
0x1d6: {  	s0 =	rddreg [dreg:$0x0];
	s2 =	stileid.u32  }
0x1d7: {  	s1 =	rddreg [dreg:$0x1];
	p0 =	sne.s32 s2, $0x0  }
0x1d8: {  	s3 =	rddreg [dreg:$0x2];
	[bflag:$0x3] =	sbarrier.arrive $0xFFFF;
	s2 =	simm.s32 @!p0 $0x1C0B  }
0x1d9: {  	[timem:s3], [sflag:s2] =	dma.local @!p0 [hbm:s0], s1  }
0x1da: {  	s0 =	simm.s32 @!p0 $0xB  }
0x1db: {  	_ =	swait.ge @!p0 [sflag:s0], s1  }
0x1dc: {  	s1 =	ssub.s32 @!p0 $0x0, s1;
	[sflag:s0] =	ssyncset.done @!p0 $0x0  }
0x1dd: {  	[sflag:s0] =	ssyncadd.s32 @!p0 s1  }
0x1de: {  	[bflag:$0x3] =	sbarrier.arrive $0xFFFF  }
0x1df: {  	_ =	shalt  }

// kernel: kernel.9.cloned.1.call-start
scs
__scs_entry_jumppad:
0x0: {  	(pc) =	sbr.rel $0x88, $3  }
0x1: {  	(tag) =	ssettag $0x0;
	lr =	simm.s32 $0x1  }
0x2: {  	[smem:$0x3F8B] =	sst lr;
	_ =	strace $0xD0000000  }
0x3: {  	_ = 	snop  }
0x4: {  	_ = 	snop  }
0x5: {  	_ = 	snop  }
0x6: {  	_ = 	snop  }
0x7: {  	_ = 	snop  }
__scs_overlays_trampoline_lowered:
0x8: {  	[smem:$0x3F9A] =	sst s0  }
0x9: {  	[smem:$0x3F9B] =	sst s1  }
0xa: {  	[smem:$0x3F9C] =	sst s2  }
0xb: {  	[smem:$0x3F9D] =	sst s3  }
0xc: {  	[smem:$0x3F9E] =	sst s4  }
0xd: {  	[smem:$0x3F9F] =	sst s5  }
0xe: {  	[smem:$0x3FA0] =	sst s6  }
0xf: {  	[smem:$0x3FA1] =	sst s7  }
0x10: {  	[smem:$0x3FA2] =	sst s8  }
0x11: {  	[smem:$0x3FA3] =	sst s9;
	s0 =	simm.s32 @!p0 $0x0  }
0x12: {  	s1 =	sld [smem:$0x3F89];
	s0 =	simm.s32 @p0 $0x1  }
0x13: {  	[smem:$0x3FA4] =	sst s0;
	s0 =	simm.s32 @!p1 $0x0  }
0x14: {  	s2 =	sld [smem:$0x3F88];
	s0 =	simm.s32 @p1 $0x1  }
0x15: {  	[smem:$0x3FA5] =	sst s0;
	s0 =	simm.s32 @!p2 $0x0  }
0x16: {  	s3 =	sld [smem:$0x3FDB];
	s0 =	simm.s32 @p2 $0x1  }
0x17: {  	s4 =	simm.s32 $0x1BF5;
	[smem:$0x3FA7] =	sst s0  }
0x18: {  	s0 =	sld [smem:$0x3F8A];
	_ =	swait.ge [sflag:s4], $0x0  }
0x19: {  	s7 =	sld [smem:$0x3F8B]  }
0x1a: {  	s8 =	sadd.s32 $0xFFFFE003, lr  }
0x1b: {  	s9 =	sadd.s32 $0xFFFFFEF7, lr;
	s5 =	simm.s32 $0xFFFFFFFF;
	p2 =	slt.u32 s8, $0xFFFFF086  }
0x1c: {  	p1 =	slt.u32 s9, $0xF7A;
	s5 =	simm.s32 @!p2 $0x0  }
0x1d: {  	s5 =	simm.s32 @p1 $0x1;
	p0 =	seq.s32 s7, s2  }
0x1e: {  	s7 =	smul.u32 @!p0 $0xF7A, s2;
	p2 =	seq.s32 @!p0 s5, $0x0  }
0x1f: {  	s9 =	smul.u32 $0xF7A, s1;
	s8 =	simm.s32 @!p0 $0x1BF5;
	p2 =	por !p2, p0  }
0x20: {  	[sflag:s8] =	ssyncset.s32 @!p0 $0xFFFFF086;
	s6 =	sadd.s32 @!p0 s3, s7;
	s7 =	simm.s32 @!p0 $0x108  }
0x21: {  	s3 =	sadd.s32 s3, s9;
	s6 =	sadd.s32 @!p0 $0x88, s6;
	s7 =	simm.s32 @p2 $0x1082  }
0x22: {  	[simem:s7], [sflag:s8] =	dma.local @!p0 [hbm:s6], $0xF7A  }
0x23: {  	s9 =	sor.u32 $0xD0000000, s2;
	s6 =	simm.s32 $0x108;
	_ =	swait.ge @!p0 [sflag:s8], $0x0  }
0x24: {  	s3 =	sadd.s32 $0x88, s3;
	s6 =	simm.s32 @!p1 $0x1082;
	[sflag:s4] =	ssyncset.s32 $0xFFFFF086  }
0x25: {  	[simem:s6], [sflag:s4] =	dma.local [hbm:s3], $0xF7A  }
0x26: {  	[smem:$0x3F8B] =	sst s1;
	(tag) =	ssettag s2;
	_ =	strace s9  }
0x27: {  	s1 =	sld [smem:$0x3F9B]  }
0x28: {  	s2 =	sld [smem:$0x3F9C]  }
0x29: {  	s4 =	sld [smem:$0x3F9E]  }
0x2a: {  	p0 =	seq.s32 s5, $0x0;
	s5 =	sld [smem:$0x3F9F]  }
0x2b: {  	s6 =	sld [smem:$0x3FA0]  }
0x2c: {  	s7 =	sld [smem:$0x3FA1]  }
0x2d: {  	s3 =	simm.s32 $0x108;
	s8 =	sld [smem:$0x3FA2]  }
0x2e: {  	s3 =	simm.s32 @!p0 $0x1082;
	s9 =	sld [smem:$0x3FA3]  }
0x2f: {  	lr =	sadd.s32 s0, s3;
	s0 =	sld [smem:$0x3F9A]  }
0x30: {  	s3 =	sld [smem:$0x3F9D]  }
0x31: {  	[smem:$0x3FA6] =	sst s10  }
0x32: {  	s10 =	sld [smem:$0x3FA4];
	_ =	sdelay $0x3  }
0x33: {  	p0 =	seq.s32 s10, $0x1;
	s10 =	sld [smem:$0x3FA6];
	_ =	sdelay $0x3  }
0x34: {  	[smem:$0x3FA6] =	sst s10  }
0x35: {  	s10 =	sld [smem:$0x3FA5];
	_ =	sdelay $0x3  }
0x36: {  	p1 =	seq.s32 s10, $0x1;
	s10 =	sld [smem:$0x3FA6];
	_ =	sdelay $0x3  }
0x37: {  	[smem:$0x3FA6] =	sst s10  }
0x38: {  	s10 =	sld [smem:$0x3FA7]  }
0x39: {  	_ = 	snop;
	(pc) =	sbr.ind lr, $3  }
0x3a: {  	_ = 	snop  }
0x3b: {  	_ = 	snop  }
0x3c: {  	p2 =	seq.s32 s10, $0x1;
	s10 =	sld [smem:$0x3FA6]  }
0x3d: {  	_ =	shalt  }
0x3e: {  	_ =	shalt  }
0x3f: {  	_ =	shalt  }
0x40: {  	_ =	shalt  }
0x41: {  	_ =	shalt  }
0x42: {  	_ =	shalt  }
0x43: {  	_ =	shalt  }
0x44: {  	_ =	shalt  }
0x45: {  	_ =	shalt  }
0x46: {  	_ =	shalt  }
0x47: {  	_ =	shalt  }
0x48: {  	_ =	shalt  }
0x49: {  	_ =	shalt  }
0x4a: {  	_ =	shalt  }
0x4b: {  	_ =	shalt  }
0x4c: {  	_ =	shalt  }
0x4d: {  	_ =	shalt  }
0x4e: {  	_ =	shalt  }
0x4f: {  	_ =	shalt  }
0x50: {  	_ =	shalt  }
0x51: {  	_ =	shalt  }
0x52: {  	_ =	shalt  }
0x53: {  	_ =	shalt  }
0x54: {  	_ =	shalt  }
0x55: {  	_ =	shalt  }
0x56: {  	_ =	shalt  }
0x57: {  	_ =	shalt  }
0x58: {  	_ =	shalt  }
0x59: {  	_ =	shalt  }
0x5a: {  	_ =	shalt  }
0x5b: {  	_ =	shalt  }
0x5c: {  	_ =	shalt  }
0x5d: {  	_ =	shalt  }
0x5e: {  	_ =	shalt  }
0x5f: {  	_ =	shalt  }
0x60: {  	_ =	shalt  }
0x61: {  	_ =	shalt  }
0x62: {  	_ =	shalt  }
0x63: {  	_ =	shalt  }
0x64: {  	_ =	shalt  }
0x65: {  	_ =	shalt  }
0x66: {  	_ =	shalt  }
0x67: {  	_ =	shalt  }
0x68: {  	_ =	shalt  }
0x69: {  	_ =	shalt  }
0x6a: {  	_ =	shalt  }
0x6b: {  	_ =	shalt  }
0x6c: {  	_ =	shalt  }
0x6d: {  	_ =	shalt  }
0x6e: {  	_ =	shalt  }
0x6f: {  	_ =	shalt  }
0x70: {  	_ =	shalt  }
0x71: {  	_ =	shalt  }
0x72: {  	_ =	shalt  }
0x73: {  	_ =	shalt  }
0x74: {  	_ =	shalt  }
0x75: {  	_ =	shalt  }
0x76: {  	_ =	shalt  }
0x77: {  	_ =	shalt  }
0x78: {  	_ =	shalt  }
0x79: {  	_ =	shalt  }
0x7a: {  	_ =	shalt  }
0x7b: {  	_ =	shalt  }
0x7c: {  	_ =	shalt  }
0x7d: {  	_ =	shalt  }
0x7e: {  	_ =	shalt  }
0x7f: {  	_ =	shalt  }
0x80: {  	_ =	shalt  }
0x81: {  	_ =	shalt  }
0x82: {  	_ =	shalt  }
0x83: {  	_ =	shalt  }
0x84: {  	_ =	shalt  }
0x85: {  	_ =	shalt  }
0x86: {  	_ =	shalt  }
0x87: {  	_ =	shalt  }
.Lfunc_end0:
.L_simem_size_0:
called_computation.1_lowered:
.L_overlay_start_0:
0x88: {  	s2 =	sld [smem:$0x3FD9]  }
0x89: {  	s3 =	sld [smem:$0x3FFE];
	_ =	sdelay $0x1  }
0x8a: {  	s1 =	srdreg.scid  }
0x8b: {  	s0 =	sand.u32 $0x1, s1  }
0x8c: {  	s17 =	sshll.u32 s0, $0xA;
	s2 =	sadd.s32 s3, s2  }
0x8d: {  	s2 =	sadd.s32 s2, s17  }
0x8e: {  	[smem:$0x3FB2] =	sst s2  }
0x8f: {  	_ = 	snop  }
0x90: {  	s2 =	sld [smem:$0x3FD0];
	(tm) =	ssettm $0x1  }
0x91: {  	s18 =	sld [smem:$0x3FFB];
	_ =	sdelay $0x3  }
0x92: {  	_ =	strace s18  }
0x93: {  	s3 =	sld [smem:$0x3FFC];
	_ =	sdelay $0x3  }
0x94: {  	_ =	strace s3  }
0x95: {  	s3 =	sld [smem:$0x3FFD];
	_ =	sdelay $0x3  }
0x96: {  	_ =	strace s3  }
0x97: {  	_ =	strace $0x8FFFFFFF  }
0x98: {  	s19 =	sld [smem:$0x3FDB];
	_ =	sdelay $0x1  }
0x99: {  	s4 =	simm.s32 $_scs_section_size  }
0x9a: {  	s5 =	simm.s32 $_size__tile_overlayer_lowered;
	s6 =	simm.s32 $_tile_overlayer_lowered  }
0x9b: {  	s22 =	simm.s32 $0x1BFF;
	s21 =	sshll.u32 s6, $0x1;
	s3 =	sadd.s32 s4, s19  }
0x9c: {  	s7 =	simm.s32 $0x0;
	s20 =	sshll.u32 s5, $0x1;
	s5 =	sadd.s32 s21, s3  }
0x9d: {  	[timem:s7], [sflag:s22] =	dma.local [hbm:s5], s20  }
0x9e: {  	_ =	swait.ge [sflag:s22], s20  }
0x9f: {  	s4 =	ssub.s32 $0x0, s20;
	[sflag:s22] =	ssyncset.done $0x0  }
0xa0: {  	[sflag:s22] =	ssyncadd.s32 s4;
	_ =	sdelay $0x1  }
0xa1: {  	s23 =	simm.s32 $0x1B8B  }
0xa2: {  	_ =	swait.ge [sflag:s23], $0x1  }
0xa3: {  	[sflag:s23] =	ssyncset.done $0x0  }
0xa4: {  	s25 =	simm.s32 $0x1B8E;
	s24 =	sld [smem:$0x3FFE];
	[sflag:s23] =	ssyncadd.s32 $0xFFFFFFFF  }
0xa5: {  	s26 =	simm.s32 $execute0_lowered;
	[smem:$0x3FD2] =	sst s25  }
0xa6: {  	s5 =	sshll.u32 s26, $0x1;
	_ =	strace $0x80000049;
	[dreg:$0x1] =	wrdreg $0xFFFFFFFF  }
0xa7: {  	s28 =	simm.s32 $_size_execute0_lowered;
	s3 =	sadd.s32 s3, s5;
	[dreg:$0x0] =	wrdreg $0x0  }
0xa8: {  	s5 =	sshll.u32 s28, $0x1;
	[dreg:$0x2] =	wrdreg s3  }
0xa9: {  	[dreg:$0x3] =	wrdreg s5  }
0xaa: {  	[dreg:$0x4] =	wrdreg $0xC0  }
0xab: {  	_ =	task [dreg:s7], $0x5FFFF  }
0xac: {  	[dreg:$0x1] =	wrdreg $0xFFFFFFFF  }
0xad: {  	[dreg:$0x0] =	wrdreg $0x60  }
0xae: {  	[dreg:$0x2] =	wrdreg s24  }
0xaf: {  	[dreg:$0x3] =	wrdreg s2  }
0xb0: {  	[dreg:$0x4] =	wrdreg $0x90000  }
0xb1: {  	[dreg:$0x5] =	wrdreg $0x9  }
0xb2: {  	_ =	task.clear_ibuf [dreg:s7], $0x6FFFF;
	_ =	strace $0x90000049  }
0xb3: {  	s29 =	simm.s32 $0x9;
	_ =	strace $0x8000004B  }
0xb4: {  	_ =	swait.ge [sflag:s29], $0x1  }
0xb5: {  	[sflag:s29] =	ssyncadd.s32 $0xFFFFFFFF  }
0xb6: {  	_ =	strace $0x9000004B  }
0xb7: {  	_ =	sfence  }
0xb8: {  	s30 =	sld [smem:$0x0];
	_ =	sdelay $0x2  }
0xb9: {  	s31 =	sshll.u32 s1, $0xD;
	s1 =	sshrl.u32 s1, $0x2  }
0xba: {  	s3 =	sand.u32 $0x4000, s31;
	s1 =	sadd.s32 s1, s30  }
0xbb: {  	s0 =	sor.u32 s3, s0;
	s1 =	sshll.u32 s1, $0x11  }
0xbc: {  	s0 =	sor.u32 s1, s0  }
0xbd: {  	s0 =	sadd.s32 $0x8F2B, s0  }
0xbe: {  	[sflag:s0] =	ssyncadd.remote.s32 $0x1  }
0xbf: {  	_ =	sfence.sel $0xFFFF  }
0xc0: {  	[dreg:$0x0] =	wrdreg $0xFFFFFFFF;
	(pc) =	sbr.abs _section_cstart, $3  }
0xc1: {  	[dreg:$0x1] =	wrdreg $0xFFFFFFFF  }
0xc2: {  	_ =	task.clear_ibuf [dreg:s7], $0x2FFFF;
	_ =	strace $0x9FFFFFFF  }
0xc3: {  	(tm) =	ssettm $0x7FFFFFFF  }
tec
execute0_lowered:
.L_overlay_start_1:
0x0: {  	(tag) =	ssettag $0x1  }
0x1: {  	s7 =	rddreg [dreg:$0x0]  }
0x2: {  	s2 =	rddreg [dreg:$0x1]  }
0x3: {  	s1 =	rddreg [dreg:$0x2];
	s0 =	srdreg.scid  }
0x4: {  	s3 =	simm.s32 $0x0;
	s12 =	stileid.u32;
	s20 =	simm.s32 $0x180  }
0x5: {  	s22 =	simm.s32 $0x900;
	s24 =	simm.s32 $0x200;
	[smem:$0x7FF] =	sst s3  }
0x6: {  	s26 =	simm.s32 $0x980;
	_ =	strace $0x8000004A;
	[dreg:$0x4] =	wrdreg s20  }
0x7: {  	s14 =	simm.s32 $0x280;
	s29 =	simm.s32 $0x3000;
	[dreg:$0x5] =	wrdreg s22  }
0x8: {  	s30 =	simm.s32 $0x1;
	s31 =	simm.s32 $0x7000;
	[dreg:$0x6] =	wrdreg s24  }
0x9: {  	s28 =	simm.s32 $0x3;
	s0 =	sand.u32 $0x1, s0;
	[dreg:$0x7] =	wrdreg s26  }
0xa: {  	s6 =	smul.u32 $0x13C00, s12;
	[dreg:$0x8] =	wrdreg s14;
	s22 =	simm.s32 $0x380  }
0xb: {  	s4 =	sadd.s32 $0x5DE00, s7;
	s24 =	simm.s32 $0x400;
	[dreg:$0xc] =	wrdreg s22  }
0xc: {  	s9 =	smul.u32 $0x4F000, s12;
	s26 =	simm.s32 $0x480;
	[dreg:$0xe] =	wrdreg s24  }
0xd: {  	s11 =	sshll.u32 s12, $0x1;
	s14 =	simm.s32 $0xD00;
	[dreg:$0x10] =	wrdreg s26  }
0xe: {  	s5 =	smul.u32 $0x13C000, s0;
	[dreg:$0x14] =	wrdreg s14;
	s22 =	simm.s32 $0xE00  }
0xf: {  	s15 =	ssub.s32 $0x2, s0;
	s24 =	simm.s32 $0xE80;
	[dreg:$0x18] =	wrdreg s22  }
0x10: {  	s9 =	sshrl.u32 s9, $0x2;
	s26 =	simm.s32 $0xF00;
	[dreg:$0x1a] =	wrdreg s24  }
0x11: {  	s10 =	sshrl.u32 s15, $0x1;
	s16 =	sadd.s32 s9, s1;
	[dreg:$0x1c] =	wrdreg s26  }
0x12: {  	s14 =	simm.s32 $0xA;
	s17 =	sadd.s32 $0x2000, s16;
	[dreg:$0x1d] =	wrdreg s16  }
0x13: {  	s8 =	sadd.s32 s6, s5;
	s18 =	sadd.s32 $0x4000, s16;
	[dreg:$0x1e] =	wrdreg s17  }
0x14: {  	s5 =	sadd.s32 $0x4A00, s7;
	s19 =	sadd.s32 $0x6000, s16;
	[dreg:$0x1f] =	wrdreg s18  }
0x15: {  	s6 =	sadd.s32 $0x4E00, s7;
	s21 =	sadd.s32 $0x8000, s16;
	[smem:$0x7F2] =	sst s19  }
0x16: {  	s9 =	sor.u32 s0, s11;
	s23 =	sadd.s32 $0xA000, s16;
	[smem:$0x7F3] =	sst s21  }
0x17: {  	s8 =	sshrl.u32 s8, $0x3;
	s25 =	sadd.s32 $0xC000, s16;
	[smem:$0x7F4] =	sst s23  }
0x18: {  	s13 =	sadd.s32 $0xE000, s16;
	s7 =	sadd.s32 s8, s7;
	[smem:$0x7F5] =	sst s25  }
0x19: {  	s8 =	ssub.s32 s15, s10;
	[smem:$0x7F6] =	sst s13;
	s15 =	sadd.s32 $0x10000, s16  }
0x1a: {  	s26 =	simm.s32 $0x40;
	s18 =	sadd.s32 $0x12000, s16;
	[smem:$0x7F7] =	sst s15  }
0x1b: {  	s20 =	smul.u32 $0xA00, s9;
	s17 =	simm.s32 $0xA00;
	[smem:$0x7F8] =	sst s18  }
0x1c: {  	s9 =	smul.u32 $0x5000, s9;
	s19 =	simm.s32 $0x300;
	[dreg:$0x9] =	wrdreg s17  }
0x1d: {  	s21 =	simm.s32 $0xA80;
	s23 =	simm.s32 $0xB00;
	[dreg:$0xa] =	wrdreg s19  }
0x1e: {  	s25 =	simm.s32 $0xB80;
	s10 =	smul.u32 $0x1400, s12;
	[dreg:$0xb] =	wrdreg s21  }
0x1f: {  	s13 =	simm.s32 $0x580;
	s11 =	sadd.s32 s2, s20;
	[dreg:$0xd] =	wrdreg s23  }
0x20: {  	s9 =	sshrl.u32 s9, $0x3;
	[dreg:$0xf] =	wrdreg s25;
	s7 =	sadd.s32 $0x85000, s7  }
0x21: {  	s8 =	smax.u32 s8, $0x1;
	[dreg:$0x13] =	wrdreg s13;
	s15 =	smul.u32 $0xA00, s0  }
0x22: {  	s17 =	simm.s32 $0x600;
	s18 =	smul.u32 $0x140, s12;
	[smem:$0x7F9] =	sst s11  }
0x23: {  	s19 =	simm.s32 $0xD80;
	s0 =	smul.u32 $0xA0, s0;
	[smem:$0x7FB] =	sst s7  }
0x24: {  	s20 =	simm.s32 $0x680;
	s23 =	simm.s32 $0x700;
	[smem:$0x7FC] =	sst s8  }
0x25: {  	s25 =	simm.s32 $0x780;
	s12 =	simm.s32 $0x2;
	[dreg:$0x15] =	wrdreg s17  }
0x26: {  	s13 =	simm.s32 $0x8;
	s9 =	sadd.s32 s2, s9;
	[dreg:$0x16] =	wrdreg s19  }
0x27: {  	s11 =	simm.s32 $0xC80;
	s2 =	sadd.s32 s10, s2;
	[dreg:$0x17] =	wrdreg s20  }
0x28: {  	[dreg:$0x19] =	wrdreg s23;
	s23 =	simm.s32 $0x1000;
	s17 =	simm.s32 $0xB  }
0x29: {  	[dreg:$0x1b] =	wrdreg s25;
	s25 =	simm.s32 $0x800;
	s8 =	simm.s32 $0x5  }
0x2a: {  	s10 =	simm.s32 $0x6;
	s9 =	sadd.s32 $0x13880, s9;
	[dreg:$0x12] =	wrdreg s11  }
0x2b: {  	s21 =	sadd.s32 s15, s2;
	s0 =	sadd.s32 s0, s18;
	s2 =	simm.s32 $0x5000  }
0x2c: {  	s11 =	simm.s32 $0x7;
	[smem:$0x7FA] =	sst s9;
	s9 =	simm.s32 $0x500  }
0x2d: {  	s15 =	simm.s32 $0x0;
	s0 =	sor.u32 $0x10, s0;
	[dreg:$0x11] =	wrdreg s9  }
0x2e: {  	v0 =	vimm.f32 $0.0e+00;
	[smem:$0x7FD] =	sst s0;
	s0 =	simm.s32 $0xC00;
	s9 =	simm.s32 $0x4  }
.LBB2_1:
0x2f: {  	[smem:$0x7F1] =	sst s15;
	s7 =	simm.s32 $0x0;
	s15 =	simm.s32 $0x200  }
.LBB2_2:
0x30: {  	p0 =	sne.s32 s15, $0x7E00;
	[tilespmem:s7+$0x1070] =	vst v0  }
0x31: {  	[tilespmem:s7+$0x1000] =	vst v0  }
0x32: {  	[tilespmem:s7+$0x1010] =	vst v0  }
.Ltmp0:
0x33: {  	[tilespmem:s7+$0x1020] =	vst v0;
	(pc) =	sbr.rel @p0 .LBB2_2-.Ltmp0, $4  }
0x34: {  	[tilespmem:s7+$0x1030] =	vst v0  }
0x35: {  	[tilespmem:s7+$0x1040] =	vst v0  }
0x36: {  	[tilespmem:s7+$0x1050] =	vst v0  }
0x37: {  	[tilespmem:s7+$0x1060] =	vst v0;
	s7 =	sshra.s32 s15, $0x2;
	s15 =	sadd.s32 $0x200, s15  }
0x38: {  	[tilespmem:s7+$0x1070] =	vst v0  }
0x39: {  	[tilespmem:s7+$0x1000] =	vst v0  }
0x3a: {  	[tilespmem:s7+$0x1010] =	vst v0  }
0x3b: {  	[tilespmem:s7+$0x1020] =	vst v0  }
0x3c: {  	[tilespmem:s7+$0x1030] =	vst v0  }
0x3d: {  	[tilespmem:s7+$0x1040] =	vst v0  }
0x3e: {  	[tilespmem:s7+$0x1050] =	vst v0  }
0x3f: {  	[tilespmem:s7+$0x1060] =	vst v0  }
0x40: {  	[spmem:s16] =	stream.linear.scatter [tilespmem:s23], [sflag:$0xB], $0x2000, $0x38;
	[tilespmem:$0x1CC00] =	vst v63  }
0x41: {  	_ =	swait.ge [sflag:s17], $0x2000  }
0x42: {  	[sflag:s17] =	ssyncset.done $0x0  }
0x43: {  	s19 =	rddreg [dreg:$0x1e];
	[sflag:s17] =	ssyncadd.s32 $0xFFFFE000  }
0x44: {  	[spmem:s19] =	stream.linear.scatter [tilespmem:s23], [sflag:$0xB], $0x2000, $0x38;
	[tilespmem:$0x1CC00] =	vst v63  }
0x45: {  	_ =	swait.ge [sflag:s17], $0x2000  }
0x46: {  	[sflag:s17] =	ssyncset.done $0x0  }
0x47: {  	s20 =	rddreg [dreg:$0x1f];
	[sflag:s17] =	ssyncadd.s32 $0xFFFFE000  }
0x48: {  	[spmem:s20] =	stream.linear.scatter [tilespmem:s23], [sflag:$0xB], $0x2000, $0x38;
	[tilespmem:$0x1CC00] =	vst v63  }
0x49: {  	_ =	swait.ge [sflag:s17], $0x2000  }
0x4a: {  	s22 =	sld [smem:$0x7F2]  }
0x4b: {  	[sflag:s17] =	ssyncset.done $0x0  }
0x4c: {  	[sflag:s17] =	ssyncadd.s32 $0xFFFFE000  }
0x4d: {  	[spmem:s22] =	stream.linear.scatter [tilespmem:s23], [sflag:$0xB], $0x2000, $0x38;
	[tilespmem:$0x1CC00] =	vst v63  }
0x4e: {  	_ =	swait.ge [sflag:s17], $0x2000  }
0x4f: {  	s24 =	sld [smem:$0x7F3]  }
0x50: {  	[sflag:s17] =	ssyncset.done $0x0  }
0x51: {  	[sflag:s17] =	ssyncadd.s32 $0xFFFFE000  }
0x52: {  	[spmem:s24] =	stream.linear.scatter [tilespmem:s23], [sflag:$0xB], $0x2000, $0x38;
	[tilespmem:$0x1CC00] =	vst v63  }
0x53: {  	_ =	swait.ge [sflag:s17], $0x2000  }
0x54: {  	s15 =	sld [smem:$0x7F4]  }
0x55: {  	[sflag:s17] =	ssyncset.done $0x0  }
0x56: {  	[sflag:s17] =	ssyncadd.s32 $0xFFFFE000  }
0x57: {  	[spmem:s15] =	stream.linear.scatter [tilespmem:s23], [sflag:$0xB], $0x2000, $0x38;
	[tilespmem:$0x1CC00] =	vst v63  }
0x58: {  	_ =	swait.ge [sflag:s17], $0x2000  }
0x59: {  	s16 =	sld [smem:$0x7F5]  }
0x5a: {  	[sflag:s17] =	ssyncset.done $0x0  }
0x5b: {  	[sflag:s17] =	ssyncadd.s32 $0xFFFFE000  }
0x5c: {  	[spmem:s16] =	stream.linear.scatter [tilespmem:s23], [sflag:$0xB], $0x2000, $0x38;
	[tilespmem:$0x1CC00] =	vst v63  }
0x5d: {  	_ =	swait.ge [sflag:s17], $0x2000  }
0x5e: {  	s18 =	sld [smem:$0x7F6]  }
0x5f: {  	[sflag:s17] =	ssyncset.done $0x0  }
0x60: {  	[sflag:s17] =	ssyncadd.s32 $0xFFFFE000  }
0x61: {  	[spmem:s18] =	stream.linear.scatter [tilespmem:s23], [sflag:$0xB], $0x2000, $0x38;
	[tilespmem:$0x1CC00] =	vst v63  }
0x62: {  	_ =	swait.ge [sflag:s17], $0x2000  }
0x63: {  	s19 =	sld [smem:$0x7F7]  }
0x64: {  	[sflag:s17] =	ssyncset.done $0x0  }
0x65: {  	[sflag:s17] =	ssyncadd.s32 $0xFFFFE000  }
0x66: {  	[spmem:s19] =	stream.linear.scatter [tilespmem:s23], [sflag:$0xB], $0x2000, $0x38;
	[tilespmem:$0x1CC00] =	vst v63  }
0x67: {  	_ =	swait.ge [sflag:s17], $0x2000  }
0x68: {  	s20 =	sld [smem:$0x7F8]  }
0x69: {  	[sflag:s17] =	ssyncset.done $0x0  }
0x6a: {  	[sflag:s17] =	ssyncadd.s32 $0xFFFFE000  }
0x6b: {  	[spmem:s20] =	stream.linear.scatter [tilespmem:s23], [sflag:$0xB], $0x1C00, $0x38;
	[tilespmem:$0x1CC00] =	vst v63  }
0x6c: {  	_ =	swait.ge [sflag:s17], $0x1C00  }
0x6d: {  	[sflag:s17] =	ssyncset.done $0x0  }
0x6e: {  	[sflag:s17] =	ssyncadd.s32 $0xFFFFE400  }
0x6f: {  	[bflag:$0x0] =	sbarrier.arrive $0xFFFF  }
0x70: {  	s15 =	sld [smem:$0x7F9];
	_ =	sdelay $0x1  }
0x71: {  	s22 =	simm.s32 $0x0  }
0x72: {  	[tilespmem:s22], [sflag:$0xB] =	stream.linear.gather [hbm4b:s15+s22], $0x400, $0x38;
	[tilespmem:$0x1CC00] =	vst v63  }
0x73: {  	_ =	swait.ge [sflag:s17], $0x400  }
0x74: {  	s24 =	sld [smem:$0x7FA]  }
0x75: {  	[sflag:s17] =	ssyncset.done $0x0  }
0x76: {  	[sflag:s17] =	ssyncadd.s32 $0xFFFFFC00  }
0x77: {  	[tilespmem:s25], [sflag:$0xB] =	stream.linear.gather [hbm4b:s24+s22], $0x400, $0x38;
	[tilespmem:$0x1CC00] =	vst v63  }
0x78: {  	_ =	swait.ge [sflag:s17], $0x400  }
0x79: {  	[sflag:s17] =	ssyncset.done $0x0  }
0x7a: {  	[sflag:s17] =	ssyncadd.s32 $0xFFFFFC00  }
0x7b: {  	[tilespmem:s23], [sflag:$0x1] =	stream.indirect.gather [hbm4b:s4+s26], $0x80, s22, s26, $0xb8;
	[tilespmem:$0x1CC00] =	vst v63  }
0x7c: {  	s15 =	simm.s32 $0x80  }
0x7d: {  	[tilespmem:s29], [sflag:$0x2] =	stream.indirect.gather [hbm4b:s4+s26], $0x80, s15, s26, $0xb8;
	[tilespmem:$0x1CC00] =	vst v63  }
0x7e: {  	_ =	swait.ge [sflag:s30], $0x2000  }
0x7f: {  	p0 =	por $0x1, $0x1;
	[sflag:s30] =	ssyncset.done $0x0  }
0x80: {  	s7 =	simm.s32 @p0 $0x100;
	[sflag:s30] =	ssyncadd.s32 $0xFFFFE000  }
0x81: {  	[spmem:s1] =	stream.indirect.scatter.add.f32 [tilespmem:s23], [sflag:$0x5], $0x80, s25, s26, $0xb8;
	[tilespmem:$0x1CC00] =	vst v63  }
0x82: {  	s16 =	simm.s32 @p0 $0x40;
	s17 =	simm.s32 @p0 $0x2;
	s15 =	simm.s32 @p0 $0x5000  }
0x83: {  	[tilespmem:s15], [sflag:$0x3] =	stream.indirect.gather @p0 [hbm4b:s4+s16], $0x80, s7, s16, $0xb8;
	[tilespmem:$0x1CC00] =	vst v63  }
0x84: {  	_ =	swait.ge @p0 [sflag:s17], $0x2000  }
0x85: {  	s18 =	simm.s32 @!p0 $0x7;
	[sflag:s17] =	ssyncset.done @p0 $0x0  }
0x86: {  	s7 =	simm.s32 @p0 $0x880;
	s15 =	simm.s32 @p0 $0x3000;
	[sflag:s17] =	ssyncadd.s32 @p0 $0xFFFFE000  }
0x87: {  	[spmem:s1] =	stream.indirect.scatter.add.f32 @p0 [tilespmem:s15], [sflag:$0x6], $0x80, s7, s16, $0xb8;
	[tilespmem:$0x1CC00] =	vst v63  }
0x88: {  	_ =	swait.ge @!p0 [sflag:s18], $0x2000  }
0x89: {  	s17 =	simm.s32 @!p0 $0x5000;
	s7 =	simm.s32 @!p0 $0x40;
	[sflag:s18] =	ssyncset.done @!p0 $0x0  }
0x8a: {  	s15 =	simm.s32 @!p0 $0x100;
	s16 =	simm.s32 @!p0 $0x2;
	[sflag:s18] =	ssyncadd.s32 @!p0 $0xFFFFE000  }
0x8b: {  	[tilespmem:s17], [sflag:$0x3] =	stream.indirect.gather @!p0 [hbm4b:s4+s7], $0x80, s15, s7, $0xb8;
	[tilespmem:$0x1CC00] =	vst v63  }
0x8c: {  	_ =	swait.ge @!p0 [sflag:s16], $0x2000  }
0x8d: {  	s18 =	simm.s32 @!p0 $0x8;
	[sflag:s16] =	ssyncset.done @!p0 $0x0  }
0x8e: {  	s15 =	simm.s32 @!p0 $0x880;
	s17 =	simm.s32 @!p0 $0x3000;
	[sflag:s16] =	ssyncadd.s32 @!p0 $0xFFFFE000  }
0x8f: {  	[spmem:s1] =	stream.indirect.scatter.add.f32 @!p0 [tilespmem:s17], [sflag:$0x6], $0x80, s15, s7, $0xb8;
	[tilespmem:$0x1CC00] =	vst v63  }
0x90: {  	_ =	swait.ge @!p0 [sflag:s18], $0x2000  }
0x91: {  	s22 =	sld [smem:$0x7FD];
	[sflag:s18] =	ssyncset.done @!p0 $0x0  }
0x92: {  	s16 =	rddreg [dreg:$0x4];
	[sflag:s18] =	ssyncadd.s32 @!p0 $0xFFFFE000  }
0x93: {  	[tilespmem:s31], [sflag:$0x4] =	stream.indirect.gather [hbm4b:s4+s26], $0x80, s16, s26, $0xb8;
	[tilespmem:$0x1CC00] =	vst v63  }
0x94: {  	s17 =	sadd.s32 $0xFFFFFFF8, s22  }
0x95: {  	p1 =	sgt.u32 s17, $0x1387  }
0x96: {  	s15 =	simm.s32 @p1 $0x0  }
0x97: {  	s7 =	simm.s32 @p1 $0x400;
	s16 =	sadd.s32 @!p1 $0x0, s21;
	s17 =	simm.s32 @!p1 $0x400  }
0x98: {  	[tilespmem:s7], [sflag:$0xA] =	stream.linear.gather @p1 [hbm4b:s5+s15], $0x400, $0x38;
	[tilespmem:$0x1CC00] =	vst v63  }
0x99: {  	s7 =	sadd.s32 @!p1 $0x80, s16;
	s15 =	simm.s32 @!p1 $0x0;
	s16 =	sadd.s32 @!p1 $0x13900, s16  }
0x9a: {  	[tilespmem:s17], [sflag:$0xA] =	stream.linear.gather @!p1 [hbm4b:s7+s15], $0x400, $0x38;
	[tilespmem:$0x1CC00] =	vst v63  }
0x9b: {  	s16 =	smov.u32 @p1 s6  }
0x9c: {  	[tilespmem:s0], [sflag:$0xA] =	stream.linear.gather [hbm4b:s16+s3], $0x400, $0x38;
	[tilespmem:$0x1CC00] =	vst v63  }
0x9d: {  	_ =	swait.ge [sflag:s28], $0x2000  }
0x9e: {  	[sflag:s28] =	ssyncset.done $0x0  }
0x9f: {  	s19 =	rddreg [dreg:$0x5];
	[sflag:s28] =	ssyncadd.s32 $0xFFFFE000  }
0xa0: {  	[spmem:s1] =	stream.indirect.scatter.add.f32 [tilespmem:s2], [sflag:$0x7], $0x80, s19, s26, $0xb8;
	[tilespmem:$0x1CC00] =	vst v63  }
0xa1: {  	_ =	swait.ge [sflag:s8], $0x2000  }
0xa2: {  	[sflag:s8] =	ssyncset.done $0x0  }
0xa3: {  	s20 =	rddreg [dreg:$0x6];
	[sflag:s8] =	ssyncadd.s32 $0xFFFFE000  }
0xa4: {  	[tilespmem:s23], [sflag:$0x1] =	stream.indirect.gather [hbm4b:s4+s26], $0x80, s20, s26, $0xb8;
	[tilespmem:$0x1CC00] =	vst v63  }
0xa5: {  	_ =	swait.ge [sflag:s9], $0x2000  }
0xa6: {  	[sflag:s9] =	ssyncset.done $0x0  }
0xa7: {  	s24 =	rddreg [dreg:$0x7];
	[sflag:s9] =	ssyncadd.s32 $0xFFFFE000  }
0xa8: {  	[spmem:s1] =	stream.indirect.scatter.add.f32 [tilespmem:s31], [sflag:$0x8], $0x80, s24, s26, $0xb8;
	[tilespmem:$0x1CC00] =	vst v63  }
0xa9: {  	_ =	swait.ge [sflag:s10], $0x2000  }
0xaa: {  	[sflag:s10] =	ssyncset.done $0x0  }
0xab: {  	s15 =	rddreg [dreg:$0x8];
	[sflag:s10] =	ssyncadd.s32 $0xFFFFE000  }
0xac: {  	[tilespmem:s29], [sflag:$0x2] =	stream.indirect.gather [hbm4b:s4+s26], $0x80, s15, s26, $0xb8;
	[tilespmem:$0x1CC00] =	vst v63  }
0xad: {  	_ =	swait.ge [sflag:s30], $0x2000  }
0xae: {  	[sflag:s30] =	ssyncset.done $0x0  }
0xaf: {  	s16 =	rddreg [dreg:$0x9];
	[sflag:s30] =	ssyncadd.s32 $0xFFFFE000  }
0xb0: {  	[spmem:s1] =	stream.indirect.scatter.add.f32 [tilespmem:s23], [sflag:$0x5], $0x80, s16, s26, $0xb8;
	[tilespmem:$0x1CC00] =	vst v63  }
0xb1: {  	_ =	swait.ge [sflag:s11], $0x2000  }
0xb2: {  	[sflag:s11] =	ssyncset.done $0x0  }
0xb3: {  	s17 =	rddreg [dreg:$0xa];
	[sflag:s11] =	ssyncadd.s32 $0xFFFFE000  }
0xb4: {  	[tilespmem:s2], [sflag:$0x3] =	stream.indirect.gather [hbm4b:s4+s26], $0x80, s17, s26, $0xb8;
	[tilespmem:$0x1CC00] =	vst v63  }
0xb5: {  	_ =	swait.ge [sflag:s12], $0x2000  }
0xb6: {  	[sflag:s12] =	ssyncset.done $0x0  }
0xb7: {  	s18 =	rddreg [dreg:$0xb];
	[sflag:s12] =	ssyncadd.s32 $0xFFFFE000  }
0xb8: {  	[spmem:s1] =	stream.indirect.scatter.add.f32 [tilespmem:s29], [sflag:$0x6], $0x80, s18, s26, $0xb8;
	[tilespmem:$0x1CC00] =	vst v63  }
0xb9: {  	_ =	swait.ge [sflag:s13], $0x2000  }
0xba: {  	[sflag:s13] =	ssyncset.done $0x0  }
0xbb: {  	s19 =	rddreg [dreg:$0xc];
	[sflag:s13] =	ssyncadd.s32 $0xFFFFE000  }
0xbc: {  	[tilespmem:s31], [sflag:$0x4] =	stream.indirect.gather [hbm4b:s4+s26], $0x80, s19, s26, $0xb8;
	[tilespmem:$0x1CC00] =	vst v63  }
0xbd: {  	_ =	swait.ge [sflag:s28], $0x2000  }
0xbe: {  	[sflag:s28] =	ssyncset.done $0x0  }
0xbf: {  	s20 =	rddreg [dreg:$0xd];
	[sflag:s28] =	ssyncadd.s32 $0xFFFFE000  }
0xc0: {  	[spmem:s1] =	stream.indirect.scatter.add.f32 [tilespmem:s2], [sflag:$0x7], $0x80, s20, s26, $0xb8;
	[tilespmem:$0x1CC00] =	vst v63  }
0xc1: {  	_ =	swait.ge [sflag:s8], $0x2000  }
0xc2: {  	[sflag:s8] =	ssyncset.done $0x0  }
0xc3: {  	[sflag:s8] =	ssyncadd.s32 $0xFFFFE000  }
0xc4: {  	_ =	swait.ge [sflag:s14], $0x400  }
0xc5: {  	[sflag:s14] =	ssyncset.done $0x0  }
0xc6: {  	[sflag:s14] =	ssyncadd.s32 $0xFFFFFC00  }
0xc7: {  	_ =	swait.ge [sflag:s14], $0x400  }
0xc8: {  	[sflag:s14] =	ssyncset.done $0x0  }
0xc9: {  	s24 =	rddreg [dreg:$0xe];
	[sflag:s14] =	ssyncadd.s32 $0xFFFFFC00  }
0xca: {  	[tilespmem:s23], [sflag:$0x1] =	stream.indirect.gather [hbm4b:s4+s26], $0x80, s24, s26, $0xb8;
	[tilespmem:$0x1CC00] =	vst v63  }
0xcb: {  	_ =	swait.ge [sflag:s9], $0x2000  }
0xcc: {  	[sflag:s9] =	ssyncset.done $0x0  }
0xcd: {  	s15 =	rddreg [dreg:$0xf];
	[sflag:s9] =	ssyncadd.s32 $0xFFFFE000  }
0xce: {  	[spmem:s1] =	stream.indirect.scatter.add.f32 [tilespmem:s31], [sflag:$0x8], $0x80, s15, s26, $0xb8;
	[tilespmem:$0x1CC00] =	vst v63  }
0xcf: {  	_ =	swait.ge [sflag:s10], $0x2000  }
0xd0: {  	[sflag:s10] =	ssyncset.done $0x0  }
0xd1: {  	s16 =	rddreg [dreg:$0x10];
	[sflag:s10] =	ssyncadd.s32 $0xFFFFE000  }
0xd2: {  	[tilespmem:s29], [sflag:$0x2] =	stream.indirect.gather [hbm4b:s4+s26], $0x80, s16, s26, $0xb8;
	[tilespmem:$0x1CC00] =	vst v63  }
0xd3: {  	_ =	swait.ge [sflag:s30], $0x2000  }
0xd4: {  	[sflag:s30] =	ssyncset.done $0x0  }
0xd5: {  	[sflag:s30] =	ssyncadd.s32 $0xFFFFE000  }
0xd6: {  	[spmem:s1] =	stream.indirect.scatter.add.f32 [tilespmem:s23], [sflag:$0x5], $0x80, s0, s26, $0xb8;
	[tilespmem:$0x1CC00] =	vst v63  }
0xd7: {  	_ =	swait.ge [sflag:s11], $0x2000  }
0xd8: {  	[sflag:s11] =	ssyncset.done $0x0  }
0xd9: {  	s17 =	rddreg [dreg:$0x11];
	[sflag:s11] =	ssyncadd.s32 $0xFFFFE000  }
0xda: {  	[tilespmem:s2], [sflag:$0x3] =	stream.indirect.gather [hbm4b:s4+s26], $0x80, s17, s26, $0xb8;
	[tilespmem:$0x1CC00] =	vst v63  }
0xdb: {  	_ =	swait.ge [sflag:s12], $0x2000  }
0xdc: {  	[sflag:s12] =	ssyncset.done $0x0  }
0xdd: {  	p0 =	por $0x0, $0x0;
	s18 =	rddreg [dreg:$0x12];
	[sflag:s12] =	ssyncadd.s32 $0xFFFFE000  }
0xde: {  	[spmem:s1] =	stream.indirect.scatter.add.f32 [tilespmem:s29], [sflag:$0x6], $0x80, s18, s26, $0xb8;
	[tilespmem:$0x1CC00] =	vst v63  }
0xdf: {  	p1 =	sgt.u32 @!p0 s22, $0x1387;
	_ =	swait.ge [sflag:s13], $0x2000  }
0xe0: {  	p2 =	por !p1, p0;
	[sflag:s13] =	ssyncset.done $0x0  }
0xe1: {  	p1 =	por p1, p0;
	s19 =	rddreg [dreg:$0x13];
	[sflag:s13] =	ssyncadd.s32 $0xFFFFE000  }
0xe2: {  	[tilespmem:s31], [sflag:$0x4] =	stream.indirect.gather [hbm4b:s4+s26], $0x80, s19, s26, $0xb8;
	[tilespmem:$0x1CC00] =	vst v63  }
0xe3: {  	s7 =	simm.s32 @!p2 $0x0;
	s15 =	sadd.s32 @!p1 $0x0, s21  }
0xe4: {  	[tilespmem:s7], [sflag:$0x9] =	stream.linear.gather @!p2 [hbm4b:s5+s7], $0x400, $0x38;
	[tilespmem:$0x1CC00] =	vst v63  }
0xe5: {  	s16 =	simm.s32 @!p1 $0x0;
	s7 =	sadd.s32 @!p1 $0x100, s15  }
0xe6: {  	[tilespmem:s16], [sflag:$0x9] =	stream.linear.gather @!p1 [hbm4b:s7+s16], $0x400, $0x38;
	[tilespmem:$0x1CC00] =	vst v63  }
0xe7: {  	s15 =	sadd.s32 @!p1 $0x13980, s15;
	s7 =	smov.u32 s6  }
0xe8: {  	s17 =	simm.s32 @!p0 $0x0;
	s16 =	simm.s32 @!p0 $0x800;
	s7 =	smov.u32 @p2 s15  }
0xe9: {  	[tilespmem:s16], [sflag:$0x9] =	stream.linear.gather @!p0 [hbm4b:s7+s17], $0x400, $0x38;
	[tilespmem:$0x1CC00] =	vst v63  }
0xea: {  	_ =	swait.ge [sflag:s28], $0x2000  }
0xeb: {  	[sflag:s28] =	ssyncset.done $0x0  }
0xec: {  	s20 =	rddreg [dreg:$0x14];
	[sflag:s28] =	ssyncadd.s32 $0xFFFFE000  }
0xed: {  	[spmem:s1] =	stream.indirect.scatter.add.f32 [tilespmem:s2], [sflag:$0x7], $0x80, s20, s26, $0xb8;
	[tilespmem:$0x1CC00] =	vst v63  }
0xee: {  	_ =	swait.ge [sflag:s8], $0x2000  }
0xef: {  	[sflag:s8] =	ssyncset.done $0x0  }
0xf0: {  	s24 =	rddreg [dreg:$0x15];
	[sflag:s8] =	ssyncadd.s32 $0xFFFFE000  }
0xf1: {  	[tilespmem:s23], [sflag:$0x1] =	stream.indirect.gather [hbm4b:s4+s26], $0x80, s24, s26, $0xb8;
	[tilespmem:$0x1CC00] =	vst v63  }
0xf2: {  	_ =	swait.ge [sflag:s9], $0x2000  }
0xf3: {  	[sflag:s9] =	ssyncset.done $0x0  }
0xf4: {  	s15 =	rddreg [dreg:$0x16];
	[sflag:s9] =	ssyncadd.s32 $0xFFFFE000  }
0xf5: {  	[spmem:s1] =	stream.indirect.scatter.add.f32 [tilespmem:s31], [sflag:$0x8], $0x80, s15, s26, $0xb8;
	[tilespmem:$0x1CC00] =	vst v63  }
0xf6: {  	_ =	swait.ge [sflag:s10], $0x2000  }
0xf7: {  	[sflag:s10] =	ssyncset.done $0x0  }
0xf8: {  	s16 =	rddreg [dreg:$0x17];
	[sflag:s10] =	ssyncadd.s32 $0xFFFFE000  }
0xf9: {  	[tilespmem:s29], [sflag:$0x2] =	stream.indirect.gather [hbm4b:s4+s26], $0x80, s16, s26, $0xb8;
	[tilespmem:$0x1CC00] =	vst v63  }
0xfa: {  	_ =	swait.ge [sflag:s30], $0x2000  }
0xfb: {  	[sflag:s30] =	ssyncset.done $0x0  }
0xfc: {  	s17 =	rddreg [dreg:$0x18];
	[sflag:s30] =	ssyncadd.s32 $0xFFFFE000  }
0xfd: {  	[spmem:s1] =	stream.indirect.scatter.add.f32 [tilespmem:s23], [sflag:$0x5], $0x80, s17, s26, $0xb8;
	[tilespmem:$0x1CC00] =	vst v63  }
0xfe: {  	_ =	swait.ge [sflag:s11], $0x2000  }
0xff: {  	[sflag:s11] =	ssyncset.done $0x0  }
0x100: {  	s18 =	rddreg [dreg:$0x19];
	[sflag:s11] =	ssyncadd.s32 $0xFFFFE000  }
0x101: {  	[tilespmem:s2], [sflag:$0x3] =	stream.indirect.gather [hbm4b:s4+s26], $0x80, s18, s26, $0xb8;
	[tilespmem:$0x1CC00] =	vst v63  }
0x102: {  	_ =	swait.ge [sflag:s12], $0x2000  }
0x103: {  	[sflag:s12] =	ssyncset.done $0x0  }
0x104: {  	s19 =	rddreg [dreg:$0x1a];
	[sflag:s12] =	ssyncadd.s32 $0xFFFFE000  }
0x105: {  	[spmem:s1] =	stream.indirect.scatter.add.f32 [tilespmem:s29], [sflag:$0x6], $0x80, s19, s26, $0xb8;
	[tilespmem:$0x1CC00] =	vst v63  }
0x106: {  	_ =	swait.ge [sflag:s13], $0x2000  }
0x107: {  	[sflag:s13] =	ssyncset.done $0x0  }
0x108: {  	s20 =	rddreg [dreg:$0x1b];
	[sflag:s13] =	ssyncadd.s32 $0xFFFFE000  }
0x109: {  	[tilespmem:s31], [sflag:$0x4] =	stream.indirect.gather [hbm4b:s4+s26], $0x80, s20, s26, $0xb8;
	[tilespmem:$0x1CC00] =	vst v63  }
0x10a: {  	_ =	swait.ge [sflag:s28], $0x2000  }
0x10b: {  	p1 =	por $0x0, $0x0;
	[sflag:s28] =	ssyncset.done $0x0  }
0x10c: {  	s15 =	simm.s32 @p1 $0x4;
	s24 =	rddreg [dreg:$0x1c];
	[sflag:s28] =	ssyncadd.s32 $0xFFFFE000  }
0x10d: {  	[spmem:s1] =	stream.indirect.scatter.add.f32 [tilespmem:s2], [sflag:$0x7], $0x80, s24, s26, $0xb8;
	[tilespmem:$0x1CC00] =	vst v63  }
0x10e: {  	_ =	swait.ge @p1 [sflag:s15], $0x2000  }
0x10f: {  	s7 =	simm.s32 @p1 $0x7000;
	s16 =	simm.s32 @p1 $0x40;
	[sflag:s15] =	ssyncset.done @p1 $0x0  }
0x110: {  	s17 =	simm.s32 @p1 $0xF80;
	[sflag:s15] =	ssyncadd.s32 @p1 $0xFFFFE000;
	s15 =	simm.s32 @!p1 $0x5  }
0x111: {  	[spmem:s1] =	stream.indirect.scatter.add.f32 @p1 [tilespmem:s7], [sflag:$0x8], $0x80, s17, s16, $0xb8;
	[tilespmem:$0x1CC00] =	vst v63  }
0x112: {  	_ =	swait.ge @!p1 [sflag:s15], $0x2000  }
0x113: {  	[sflag:s15] =	ssyncset.done @!p1 $0x0  }
0x114: {  	s7 =	simm.s32 @!p1 $0x9;
	[sflag:s15] =	ssyncadd.s32 @!p1 $0xFFFFE000  }
0x115: {  	_ =	swait.ge @!p1 [sflag:s7], $0x400  }
0x116: {  	[sflag:s7] =	ssyncset.done @!p1 $0x0  }
0x117: {  	[sflag:s7] =	ssyncadd.s32 @!p1 $0xFFFFFC00  }
0x118: {  	_ =	swait.ge @!p1 [sflag:s7], $0x400  }
0x119: {  	s18 =	simm.s32 @!p1 $0x40;
	s16 =	simm.s32 @!p1 $0x0;
	[sflag:s7] =	ssyncset.done @!p1 $0x0  }
0x11a: {  	s15 =	simm.s32 @!p1 $0x1000;
	[sflag:s7] =	ssyncadd.s32 @!p1 $0xFFFFFC00;
	s7 =	simm.s32 @!p1 $0x4  }
0x11b: {  	[tilespmem:s15], [sflag:$0x1] =	stream.indirect.gather @!p1 [hbm4b:s4+s18], $0x80, s16, s18, $0xb8;
	[tilespmem:$0x1CC00] =	vst v63  }
0x11c: {  	_ =	swait.ge @!p1 [sflag:s7], $0x2000  }
0x11d: {  	[sflag:s7] =	ssyncset.done @!p1 $0x0  }
0x11e: {  	s15 =	simm.s32 @!p1 $0xF80;
	s16 =	simm.s32 @!p1 $0x7000;
	[sflag:s7] =	ssyncadd.s32 @!p1 $0xFFFFE000  }
0x11f: {  	[spmem:s1] =	stream.indirect.scatter.add.f32 @!p1 [tilespmem:s16], [sflag:$0x8], $0x80, s15, s18, $0xb8;
	[tilespmem:$0x1CC00] =	vst v63  }
0x120: {  	s20 =	simm.s32 @!p1 $0x80;
	s17 =	simm.s32 $0x3;
	s15 =	simm.s32 @!p1 $0x6  }
0x121: {  	s7 =	simm.s32 @!p1 $0x3000;
	s16 =	simm.s32 $0x100;
	_ =	swait.ge @!p1 [sflag:s15], $0x2000  }
.LBB2_4:
0x122: {  	[sflag:s15] =	ssyncset.done @!p1 $0x0  }
0x123: {  	[sflag:s15] =	ssyncadd.s32 @!p1 $0xFFFFE000  }
0x124: {  	[tilespmem:s7], [sflag:$0x2] =	stream.indirect.gather @!p1 [hbm4b:s4+s18], $0x80, s20, s18, $0xb8;
	[tilespmem:$0x1CC00] =	vst v63  }
0x125: {  	s19 =	smov.u32 s16;
	_ =	swait.ge [sflag:s30], $0x2000  }
0x126: {  	p1 =	seq.s32 s19, $0x0;
	[sflag:s30] =	ssyncset.done $0x0  }
0x127: {  	s7 =	simm.s32 @p1 $0x100;
	[sflag:s30] =	ssyncadd.s32 $0xFFFFE000  }
0x128: {  	[spmem:s1] =	stream.indirect.scatter.add.f32 [tilespmem:s23], [sflag:$0x5], $0x80, s25, s26, $0xb8;
	[tilespmem:$0x1CC00] =	vst v63  }
0x129: {  	s15 =	simm.s32 @p1 $0x5000;
	s18 =	simm.s32 @p1 $0x40;
	s20 =	simm.s32 @p1 $0x2  }
0x12a: {  	[tilespmem:s15], [sflag:$0x3] =	stream.indirect.gather @p1 [hbm4b:s4+s18], $0x80, s7, s18, $0xb8;
	[tilespmem:$0x1CC00] =	vst v63  }
0x12b: {  	_ =	swait.ge @p1 [sflag:s20], $0x2000  }
0x12c: {  	s24 =	simm.s32 @!p1 $0x7;
	[sflag:s20] =	ssyncset.done @p1 $0x0  }
0x12d: {  	s7 =	simm.s32 @p1 $0x880;
	s15 =	simm.s32 @p1 $0x3000;
	[sflag:s20] =	ssyncadd.s32 @p1 $0xFFFFE000  }
0x12e: {  	[spmem:s1] =	stream.indirect.scatter.add.f32 @p1 [tilespmem:s15], [sflag:$0x6], $0x80, s7, s18, $0xb8;
	[tilespmem:$0x1CC00] =	vst v63  }
0x12f: {  	_ =	swait.ge @!p1 [sflag:s24], $0x2000  }
0x130: {  	s20 =	simm.s32 @!p1 $0x5000;
	s7 =	simm.s32 @!p1 $0x40;
	[sflag:s24] =	ssyncset.done @!p1 $0x0  }
0x131: {  	s15 =	simm.s32 @!p1 $0x100;
	s18 =	simm.s32 @!p1 $0x2;
	[sflag:s24] =	ssyncadd.s32 @!p1 $0xFFFFE000  }
0x132: {  	[tilespmem:s20], [sflag:$0x3] =	stream.indirect.gather @!p1 [hbm4b:s4+s7], $0x80, s15, s7, $0xb8;
	[tilespmem:$0x1CC00] =	vst v63  }
0x133: {  	_ =	swait.ge @!p1 [sflag:s18], $0x2000  }
0x134: {  	s22 =	sadd.s32 $0x10, s22;
	s24 =	simm.s32 @!p1 $0x8;
	[sflag:s18] =	ssyncset.done @!p1 $0x0  }
0x135: {  	s15 =	simm.s32 @!p1 $0x880;
	s20 =	simm.s32 @!p1 $0x3000;
	[sflag:s18] =	ssyncadd.s32 @!p1 $0xFFFFE000  }
0x136: {  	[spmem:s1] =	stream.indirect.scatter.add.f32 @!p1 [tilespmem:s20], [sflag:$0x6], $0x80, s15, s7, $0xb8;
	[tilespmem:$0x1CC00] =	vst v63  }
0x137: {  	s20 =	sadd.s32 $0xFFFFFFF8, s22;
	_ =	swait.ge @!p1 [sflag:s24], $0x2000  }
0x138: {  	p2 =	sgt.u32 s20, $0x1387;
	[sflag:s24] =	ssyncset.done @!p1 $0x0  }
0x139: {  	s7 =	rddreg [dreg:$0x4];
	s15 =	simm.s32 @p2 $0x0;
	[sflag:s24] =	ssyncadd.s32 @!p1 $0xFFFFE000  }
0x13a: {  	[tilespmem:s31], [sflag:$0x4] =	stream.indirect.gather [hbm4b:s4+s26], $0x80, s7, s26, $0xb8;
	[tilespmem:$0x1CC00] =	vst v63  }
0x13b: {  	s18 =	simm.s32 @p2 $0x400;
	s20 =	simm.s32 @!p2 $0x400;
	s7 =	sadd.s32 @!p2 s19, s21  }
0x13c: {  	[tilespmem:s18], [sflag:$0xA] =	stream.linear.gather @p2 [hbm4b:s5+s15], $0x400, $0x38;
	[tilespmem:$0x1CC00] =	vst v63  }
0x13d: {  	s15 =	sadd.s32 @!p2 $0x80, s7;
	s18 =	simm.s32 @!p2 $0x0;
	s7 =	sadd.s32 @!p2 $0x13900, s7  }
0x13e: {  	[tilespmem:s20], [sflag:$0xA] =	stream.linear.gather @!p2 [hbm4b:s15+s18], $0x400, $0x38;
	[tilespmem:$0x1CC00] =	vst v63  }
0x13f: {  	s7 =	smov.u32 @p2 s6  }
0x140: {  	[tilespmem:s0], [sflag:$0xA] =	stream.linear.gather [hbm4b:s7+s3], $0x400, $0x38;
	[tilespmem:$0x1CC00] =	vst v63  }
0x141: {  	_ =	swait.ge [sflag:s28], $0x2000  }
0x142: {  	[sflag:s28] =	ssyncset.done $0x0  }
0x143: {  	s18 =	rddreg [dreg:$0x5];
	[sflag:s28] =	ssyncadd.s32 $0xFFFFE000  }
0x144: {  	[spmem:s1] =	stream.indirect.scatter.add.f32 [tilespmem:s2], [sflag:$0x7], $0x80, s18, s26, $0xb8;
	[tilespmem:$0x1CC00] =	vst v63  }
0x145: {  	_ =	swait.ge [sflag:s8], $0x2000  }
0x146: {  	[sflag:s8] =	ssyncset.done $0x0  }
0x147: {  	s20 =	rddreg [dreg:$0x6];
	[sflag:s8] =	ssyncadd.s32 $0xFFFFE000  }
0x148: {  	[tilespmem:s23], [sflag:$0x1] =	stream.indirect.gather [hbm4b:s4+s26], $0x80, s20, s26, $0xb8;
	[tilespmem:$0x1CC00] =	vst v63  }
0x149: {  	_ =	swait.ge [sflag:s9], $0x2000  }
0x14a: {  	[sflag:s9] =	ssyncset.done $0x0  }
0x14b: {  	s24 =	rddreg [dreg:$0x7];
	[sflag:s9] =	ssyncadd.s32 $0xFFFFE000  }
0x14c: {  	[spmem:s1] =	stream.indirect.scatter.add.f32 [tilespmem:s31], [sflag:$0x8], $0x80, s24, s26, $0xb8;
	[tilespmem:$0x1CC00] =	vst v63  }
0x14d: {  	_ =	swait.ge [sflag:s10], $0x2000  }
0x14e: {  	[sflag:s10] =	ssyncset.done $0x0  }
0x14f: {  	s15 =	rddreg [dreg:$0x8];
	[sflag:s10] =	ssyncadd.s32 $0xFFFFE000  }
0x150: {  	[tilespmem:s29], [sflag:$0x2] =	stream.indirect.gather [hbm4b:s4+s26], $0x80, s15, s26, $0xb8;
	[tilespmem:$0x1CC00] =	vst v63  }
0x151: {  	_ =	swait.ge [sflag:s30], $0x2000  }
0x152: {  	[sflag:s30] =	ssyncset.done $0x0  }
0x153: {  	s18 =	rddreg [dreg:$0x9];
	[sflag:s30] =	ssyncadd.s32 $0xFFFFE000  }
0x154: {  	[spmem:s1] =	stream.indirect.scatter.add.f32 [tilespmem:s23], [sflag:$0x5], $0x80, s18, s26, $0xb8;
	[tilespmem:$0x1CC00] =	vst v63  }
0x155: {  	_ =	swait.ge [sflag:s11], $0x2000  }
0x156: {  	[sflag:s11] =	ssyncset.done $0x0  }
0x157: {  	s20 =	rddreg [dreg:$0xa];
	[sflag:s11] =	ssyncadd.s32 $0xFFFFE000  }
0x158: {  	[tilespmem:s2], [sflag:$0x3] =	stream.indirect.gather [hbm4b:s4+s26], $0x80, s20, s26, $0xb8;
	[tilespmem:$0x1CC00] =	vst v63  }
0x159: {  	_ =	swait.ge [sflag:s12], $0x2000  }
0x15a: {  	[sflag:s12] =	ssyncset.done $0x0  }
0x15b: {  	s24 =	rddreg [dreg:$0xb];
	[sflag:s12] =	ssyncadd.s32 $0xFFFFE000  }
0x15c: {  	[spmem:s1] =	stream.indirect.scatter.add.f32 [tilespmem:s29], [sflag:$0x6], $0x80, s24, s26, $0xb8;
	[tilespmem:$0x1CC00] =	vst v63  }
0x15d: {  	_ =	swait.ge [sflag:s13], $0x2000  }
0x15e: {  	[sflag:s13] =	ssyncset.done $0x0  }
0x15f: {  	s15 =	rddreg [dreg:$0xc];
	[sflag:s13] =	ssyncadd.s32 $0xFFFFE000  }
0x160: {  	[tilespmem:s31], [sflag:$0x4] =	stream.indirect.gather [hbm4b:s4+s26], $0x80, s15, s26, $0xb8;
	[tilespmem:$0x1CC00] =	vst v63  }
0x161: {  	_ =	swait.ge [sflag:s28], $0x2000  }
0x162: {  	[sflag:s28] =	ssyncset.done $0x0  }
0x163: {  	s18 =	rddreg [dreg:$0xd];
	[sflag:s28] =	ssyncadd.s32 $0xFFFFE000  }
0x164: {  	[spmem:s1] =	stream.indirect.scatter.add.f32 [tilespmem:s2], [sflag:$0x7], $0x80, s18, s26, $0xb8;
	[tilespmem:$0x1CC00] =	vst v63  }
0x165: {  	_ =	swait.ge [sflag:s8], $0x2000  }
0x166: {  	[sflag:s8] =	ssyncset.done $0x0  }
0x167: {  	[sflag:s8] =	ssyncadd.s32 $0xFFFFE000  }
0x168: {  	_ =	swait.ge [sflag:s14], $0x400  }
0x169: {  	[sflag:s14] =	ssyncset.done $0x0  }
0x16a: {  	[sflag:s14] =	ssyncadd.s32 $0xFFFFFC00  }
0x16b: {  	_ =	swait.ge [sflag:s14], $0x400  }
0x16c: {  	[sflag:s14] =	ssyncset.done $0x0  }
0x16d: {  	s20 =	rddreg [dreg:$0xe];
	[sflag:s14] =	ssyncadd.s32 $0xFFFFFC00  }
0x16e: {  	[tilespmem:s23], [sflag:$0x1] =	stream.indirect.gather [hbm4b:s4+s26], $0x80, s20, s26, $0xb8;
	[tilespmem:$0x1CC00] =	vst v63  }
0x16f: {  	_ =	swait.ge [sflag:s9], $0x2000  }
0x170: {  	[sflag:s9] =	ssyncset.done $0x0  }
0x171: {  	s24 =	rddreg [dreg:$0xf];
	[sflag:s9] =	ssyncadd.s32 $0xFFFFE000  }
0x172: {  	[spmem:s1] =	stream.indirect.scatter.add.f32 [tilespmem:s31], [sflag:$0x8], $0x80, s24, s26, $0xb8;
	[tilespmem:$0x1CC00] =	vst v63  }
0x173: {  	_ =	swait.ge [sflag:s10], $0x2000  }
0x174: {  	[sflag:s10] =	ssyncset.done $0x0  }
0x175: {  	s15 =	rddreg [dreg:$0x10];
	[sflag:s10] =	ssyncadd.s32 $0xFFFFE000  }
0x176: {  	[tilespmem:s29], [sflag:$0x2] =	stream.indirect.gather [hbm4b:s4+s26], $0x80, s15, s26, $0xb8;
	[tilespmem:$0x1CC00] =	vst v63  }
0x177: {  	_ =	swait.ge [sflag:s30], $0x2000  }
0x178: {  	[sflag:s30] =	ssyncset.done $0x0  }
0x179: {  	[sflag:s30] =	ssyncadd.s32 $0xFFFFE000  }
0x17a: {  	[spmem:s1] =	stream.indirect.scatter.add.f32 [tilespmem:s23], [sflag:$0x5], $0x80, s0, s26, $0xb8;
	[tilespmem:$0x1CC00] =	vst v63  }
0x17b: {  	_ =	swait.ge [sflag:s11], $0x2000  }
0x17c: {  	[sflag:s11] =	ssyncset.done $0x0  }
0x17d: {  	s18 =	rddreg [dreg:$0x11];
	[sflag:s11] =	ssyncadd.s32 $0xFFFFE000  }
0x17e: {  	[tilespmem:s2], [sflag:$0x3] =	stream.indirect.gather [hbm4b:s4+s26], $0x80, s18, s26, $0xb8;
	[tilespmem:$0x1CC00] =	vst v63  }
0x17f: {  	_ =	swait.ge [sflag:s12], $0x2000  }
0x180: {  	[sflag:s12] =	ssyncset.done $0x0  }
0x181: {  	p1 =	seq.s32 s19, $0x900;
	s20 =	rddreg [dreg:$0x12];
	[sflag:s12] =	ssyncadd.s32 $0xFFFFE000  }
0x182: {  	[spmem:s1] =	stream.indirect.scatter.add.f32 [tilespmem:s29], [sflag:$0x6], $0x80, s20, s26, $0xb8;
	[tilespmem:$0x1CC00] =	vst v63  }
0x183: {  	p3 =	sgt.u32 @!p1 s22, $0x1387;
	_ =	swait.ge [sflag:s13], $0x2000  }
0x184: {  	p2 =	por !p3, p1;
	[sflag:s13] =	ssyncset.done $0x0  }
0x185: {  	p3 =	por p3, p1;
	s24 =	rddreg [dreg:$0x13];
	[sflag:s13] =	ssyncadd.s32 $0xFFFFE000  }
0x186: {  	[tilespmem:s31], [sflag:$0x4] =	stream.indirect.gather [hbm4b:s4+s26], $0x80, s24, s26, $0xb8;
	[tilespmem:$0x1CC00] =	vst v63  }
0x187: {  	s7 =	simm.s32 @!p2 $0x0;
	s18 =	sadd.s32 @!p3 s19, s21  }
0x188: {  	[tilespmem:s7], [sflag:$0x9] =	stream.linear.gather @!p2 [hbm4b:s5+s7], $0x400, $0x38;
	[tilespmem:$0x1CC00] =	vst v63  }
0x189: {  	s20 =	simm.s32 @!p3 $0x0;
	s7 =	sadd.s32 @!p3 $0x100, s18  }
0x18a: {  	[tilespmem:s20], [sflag:$0x9] =	stream.linear.gather @!p3 [hbm4b:s7+s20], $0x400, $0x38;
	[tilespmem:$0x1CC00] =	vst v63  }
0x18b: {  	s18 =	sadd.s32 @!p3 $0x13980, s18;
	s7 =	smov.u32 s6  }
0x18c: {  	s15 =	simm.s32 @!p1 $0x800;
	s19 =	simm.s32 @!p1 $0x0;
	s7 =	smov.u32 @p2 s18  }
0x18d: {  	[tilespmem:s15], [sflag:$0x9] =	stream.linear.gather @!p1 [hbm4b:s7+s19], $0x400, $0x38;
	[tilespmem:$0x1CC00] =	vst v63  }
0x18e: {  	_ =	swait.ge [sflag:s28], $0x2000  }
0x18f: {  	[sflag:s28] =	ssyncset.done $0x0  }
0x190: {  	s18 =	rddreg [dreg:$0x14];
	[sflag:s28] =	ssyncadd.s32 $0xFFFFE000  }
0x191: {  	[spmem:s1] =	stream.indirect.scatter.add.f32 [tilespmem:s2], [sflag:$0x7], $0x80, s18, s26, $0xb8;
	[tilespmem:$0x1CC00] =	vst v63  }
0x192: {  	_ =	swait.ge [sflag:s8], $0x2000  }
0x193: {  	[sflag:s8] =	ssyncset.done $0x0  }
0x194: {  	s19 =	rddreg [dreg:$0x15];
	[sflag:s8] =	ssyncadd.s32 $0xFFFFE000  }
0x195: {  	[tilespmem:s23], [sflag:$0x1] =	stream.indirect.gather [hbm4b:s4+s26], $0x80, s19, s26, $0xb8;
	[tilespmem:$0x1CC00] =	vst v63  }
0x196: {  	_ =	swait.ge [sflag:s9], $0x2000  }
0x197: {  	[sflag:s9] =	ssyncset.done $0x0  }
0x198: {  	s20 =	rddreg [dreg:$0x16];
	[sflag:s9] =	ssyncadd.s32 $0xFFFFE000  }
0x199: {  	[spmem:s1] =	stream.indirect.scatter.add.f32 [tilespmem:s31], [sflag:$0x8], $0x80, s20, s26, $0xb8;
	[tilespmem:$0x1CC00] =	vst v63  }
0x19a: {  	_ =	swait.ge [sflag:s10], $0x2000  }
0x19b: {  	[sflag:s10] =	ssyncset.done $0x0  }
0x19c: {  	s24 =	rddreg [dreg:$0x17];
	[sflag:s10] =	ssyncadd.s32 $0xFFFFE000  }
0x19d: {  	[tilespmem:s29], [sflag:$0x2] =	stream.indirect.gather [hbm4b:s4+s26], $0x80, s24, s26, $0xb8;
	[tilespmem:$0x1CC00] =	vst v63  }
0x19e: {  	_ =	swait.ge [sflag:s30], $0x2000  }
0x19f: {  	[sflag:s30] =	ssyncset.done $0x0  }
0x1a0: {  	s15 =	rddreg [dreg:$0x18];
	[sflag:s30] =	ssyncadd.s32 $0xFFFFE000  }
0x1a1: {  	[spmem:s1] =	stream.indirect.scatter.add.f32 [tilespmem:s23], [sflag:$0x5], $0x80, s15, s26, $0xb8;
	[tilespmem:$0x1CC00] =	vst v63  }
0x1a2: {  	_ =	swait.ge [sflag:s11], $0x2000  }
0x1a3: {  	[sflag:s11] =	ssyncset.done $0x0  }
0x1a4: {  	s18 =	rddreg [dreg:$0x19];
	[sflag:s11] =	ssyncadd.s32 $0xFFFFE000  }
0x1a5: {  	[tilespmem:s2], [sflag:$0x3] =	stream.indirect.gather [hbm4b:s4+s26], $0x80, s18, s26, $0xb8;
	[tilespmem:$0x1CC00] =	vst v63  }
0x1a6: {  	_ =	swait.ge [sflag:s12], $0x2000  }
0x1a7: {  	[sflag:s12] =	ssyncset.done $0x0  }
0x1a8: {  	s19 =	rddreg [dreg:$0x1a];
	[sflag:s12] =	ssyncadd.s32 $0xFFFFE000  }
0x1a9: {  	[spmem:s1] =	stream.indirect.scatter.add.f32 [tilespmem:s29], [sflag:$0x6], $0x80, s19, s26, $0xb8;
	[tilespmem:$0x1CC00] =	vst v63  }
0x1aa: {  	_ =	swait.ge [sflag:s13], $0x2000  }
0x1ab: {  	[sflag:s13] =	ssyncset.done $0x0  }
0x1ac: {  	s20 =	rddreg [dreg:$0x1b];
	[sflag:s13] =	ssyncadd.s32 $0xFFFFE000  }
0x1ad: {  	[tilespmem:s31], [sflag:$0x4] =	stream.indirect.gather [hbm4b:s4+s26], $0x80, s20, s26, $0xb8;
	[tilespmem:$0x1CC00] =	vst v63  }
0x1ae: {  	_ =	swait.ge [sflag:s28], $0x2000  }
0x1af: {  	p1 =	sgt.u32 s17, $0x12;
	[sflag:s28] =	ssyncset.done $0x0  }
0x1b0: {  	s18 =	simm.s32 @p1 $0x4;
	s24 =	rddreg [dreg:$0x1c];
	[sflag:s28] =	ssyncadd.s32 $0xFFFFE000  }
0x1b1: {  	[spmem:s1] =	stream.indirect.scatter.add.f32 [tilespmem:s2], [sflag:$0x7], $0x80, s24, s26, $0xb8;
	[tilespmem:$0x1CC00] =	vst v63  }
0x1b2: {  	_ =	swait.ge @p1 [sflag:s18], $0x2000  }
0x1b3: {  	s15 =	simm.s32 @p1 $0x7000;
	s19 =	simm.s32 @p1 $0x40;
	[sflag:s18] =	ssyncset.done @p1 $0x0  }
0x1b4: {  	s24 =	simm.s32 @p1 $0xF80;
	[sflag:s18] =	ssyncadd.s32 @p1 $0xFFFFE000;
	s18 =	simm.s32 @!p1 $0x5  }
0x1b5: {  	[spmem:s1] =	stream.indirect.scatter.add.f32 @p1 [tilespmem:s15], [sflag:$0x8], $0x80, s24, s19, $0xb8;
	[tilespmem:$0x1CC00] =	vst v63  }
0x1b6: {  	_ =	swait.ge @!p1 [sflag:s18], $0x2000  }
0x1b7: {  	[sflag:s18] =	ssyncset.done @!p1 $0x0  }
0x1b8: {  	s15 =	simm.s32 @!p1 $0x9;
	[sflag:s18] =	ssyncadd.s32 @!p1 $0xFFFFE000  }
0x1b9: {  	_ =	swait.ge @!p1 [sflag:s15], $0x400  }
0x1ba: {  	[sflag:s15] =	ssyncset.done @!p1 $0x0  }
0x1bb: {  	s16 =	sadd.s32 $0x100, s16;
	[sflag:s15] =	ssyncadd.s32 @!p1 $0xFFFFFC00  }
0x1bc: {  	p0 =	sne.s32 s16, $0xA00;
	_ =	swait.ge @!p1 [sflag:s15], $0x400  }
0x1bd: {  	s19 =	simm.s32 @!p1 $0x1000;
	s24 =	simm.s32 @!p1 $0x0;
	[sflag:s15] =	ssyncset.done @!p1 $0x0  }
0x1be: {  	s18 =	simm.s32 @!p1 $0x40;
	[sflag:s15] =	ssyncadd.s32 @!p1 $0xFFFFFC00;
	s15 =	simm.s32 @!p1 $0x4  }
0x1bf: {  	[tilespmem:s19], [sflag:$0x1] =	stream.indirect.gather @!p1 [hbm4b:s4+s18], $0x80, s24, s18, $0xb8;
	[tilespmem:$0x1CC00] =	vst v63  }
.Ltmp1:
0x1c0: {  	_ =	swait.ge @!p1 [sflag:s15], $0x2000;
	(pc) =	sbr.rel @p0 .LBB2_4-.Ltmp1, $4  }
0x1c1: {  	s17 =	sadd.s32 $0x2, s17;
	s19 =	simm.s32 @!p1 $0xF80;
	[sflag:s15] =	ssyncset.done @!p1 $0x0  }
0x1c2: {  	s24 =	simm.s32 @!p1 $0x7000;
	[sflag:s15] =	ssyncadd.s32 @!p1 $0xFFFFE000;
	s15 =	simm.s32 @!p1 $0x6  }
0x1c3: {  	[spmem:s1] =	stream.indirect.scatter.add.f32 @!p1 [tilespmem:s24], [sflag:$0x8], $0x80, s19, s18, $0xb8;
	[tilespmem:$0x1CC00] =	vst v63  }
0x1c4: {  	s7 =	simm.s32 @!p1 $0x3000;
	s20 =	simm.s32 @!p1 $0x80;
	_ =	swait.ge @!p1 [sflag:s15], $0x2000  }
0x1c5: {  	[sflag:s15] =	ssyncset.done @!p1 $0x0  }
0x1c6: {  	[sflag:s15] =	ssyncadd.s32 @!p1 $0xFFFFE000  }
0x1c7: {  	[tilespmem:s7], [sflag:$0x2] =	stream.indirect.gather @!p1 [hbm4b:s4+s18], $0x80, s20, s18, $0xb8;
	[tilespmem:$0x1CC00] =	vst v63  }
0x1c8: {  	_ =	swait.ge [sflag:s8], $0x2000  }
0x1c9: {  	[sflag:s8] =	ssyncset.done $0x0  }
0x1ca: {  	[sflag:s8] =	ssyncadd.s32 $0xFFFFE000  }
0x1cb: {  	_ =	swait.ge [sflag:s10], $0x2000  }
0x1cc: {  	[sflag:s10] =	ssyncset.done $0x0  }
0x1cd: {  	[sflag:s10] =	ssyncadd.s32 $0xFFFFE000  }
0x1ce: {  	_ =	swait.ge [sflag:s11], $0x2000  }
0x1cf: {  	[sflag:s11] =	ssyncset.done $0x0  }
0x1d0: {  	[sflag:s11] =	ssyncadd.s32 $0xFFFFE000  }
0x1d1: {  	_ =	swait.ge [sflag:s13], $0x2000  }
0x1d2: {  	[sflag:s13] =	ssyncset.done $0x0  }
0x1d3: {  	[sflag:s13] =	ssyncadd.s32 $0xFFFFE000  }
0x1d4: {  	[bflag:$0x0] =	sbarrier.arrive $0xFFFF  }
0x1d5: {  	s19 =	stileid.u32;
	s17 =	sld [smem:$0x7FB]  }
0x1d6: {  	s7 =	sshll.u32 s19, $0x6;
	s16 =	rddreg [dreg:$0x1d]  }
0x1d7: {  	s7 =	sor.u32 $0x1C0B, s7;
	s20 =	sshrl.u32 s16, $0x3  }
0x1d8: {  	[hbm:s17], [sflag:s7] =	dma.local [spmem:s20], $0x2780  }
0x1d9: {  	s17 =	simm.s32 $0xB  }
0x1da: {  	_ =	swait.ge [sflag:s17], $0x2780  }
0x1db: {  	s22 =	sld [smem:$0x7F1]  }
0x1dc: {  	s24 =	sld [smem:$0x7FC];
	_ =	sdelay $0x1  }
0x1dd: {  	s15 =	sadd.s32 $0x1, s22  }
0x1de: {  	p0 =	sne.s32 s15, s24  }
.Ltmp2:
0x1df: {  	_ = 	snop;
	(pc) =	sbr.rel @p0 .LBB2_1-.Ltmp2, $3  }
0x1e0: {  	_ =	sdelay $0x1  }
0x1e1: {  	[sflag:s17] =	ssyncset.done $0x0  }
0x1e2: {  	[sflag:s17] =	ssyncadd.s32 $0xFFFFD880  }
0x1e3: {  	_ =	sfence.sel $0x180000  }
0x1e4: {  	[bflag:$0x0] =	sbarrier.arrive $0xFFFF  }
0x1e5: {  	_ =	strace $0x9000004A  }
0x1e6: {  	s0 =	stileid.u32;
	[bflag:$0x2] =	sbarrier.arrive $0xFFFF  }
0x1e7: {  	p0 =	sne.s32 s0, $0x0;
	s0 =	rddreg [dreg:$0x3]  }
0x1e8: {  	s0 =	sadd.s32 @!p0 $0x100000, s0  }
0x1e9: {  	[sflag:s0] =	ssyncadd.tile.s32 @!p0 $0x1;
	_ =	shalt  }
.Lfunc_end2:
_tile_overlayer_lowered:
.L_overlay_start_2:
0x1ea: {  	(tag) =	ssettag $0x2  }
0x1eb: {  	s0 =	rddreg [dreg:$0x0];
	s2 =	stileid.u32  }
0x1ec: {  	s1 =	rddreg [dreg:$0x1];
	p0 =	sne.s32 s2, $0x0  }
0x1ed: {  	s3 =	rddreg [dreg:$0x2];
	[bflag:$0x3] =	sbarrier.arrive $0xFFFF;
	s2 =	simm.s32 @!p0 $0x1C0B  }
0x1ee: {  	[timem:s3], [sflag:s2] =	dma.local @!p0 [hbm:s0], s1  }
0x1ef: {  	s0 =	simm.s32 @!p0 $0xB  }
0x1f0: {  	_ =	swait.ge @!p0 [sflag:s0], s1  }
0x1f1: {  	s1 =	ssub.s32 @!p0 $0x0, s1;
	[sflag:s0] =	ssyncset.done @!p0 $0x0  }
0x1f2: {  	[sflag:s0] =	ssyncadd.s32 @!p0 s1  }
0x1f3: {  	[bflag:$0x3] =	sbarrier.arrive $0xFFFF  }
0x1f4: {  	_ =	shalt  }

</sc_bundles>
